<compile_context>
chip_gen: v7x
topology: tpu7x:2x2x1
jax: 0.10.2.dev20260603
libtpu: 0.0.44.dev20260713+nightly
codegen_flags: <defaults>
</compile_context>

<pallas_src>
import functools

import jax
import jax.numpy as jnp
import numpy as np
from jax import lax
from jax.experimental import pallas as pl
from jax.experimental.pallas import tpu as pltpu
from jax.experimental.pallas import tpu_sc as plsc

N = 10000
E = 160000
D = 128

NC = 2
NS = 16
NW = NC * NS

E_PAD = 163840
GTOT = (2 * E_PAD) // 128
GC0 = 80
GC1 = GTOT // NS - GC0
PW = 16
TCHUNKS = E_PAD // (NS * 128)
ROWS_PER_TILE = 640
N_ACC = NS * ROWS_PER_TILE

EB = 2048
NB = 1000

_SR3 = float(np.sqrt(3.0))
_PERM = np.concatenate([np.arange(0, 128, 2), np.arange(1, 128, 2)])

@functools.lru_cache(maxsize=1)
def _sc_kernels():
    mesh = plsc.VectorSubcoreMesh(core_axis_name="c", subcore_axis_name="s")

    @functools.partial(
        pl.kernel,
        out_type=jax.ShapeDtypeStruct((2 * E_PAD, D), jnp.float32),
        mesh=mesh,
        scratch_types=[
            pltpu.VMEM((GC0, 128), jnp.int32),
            pltpu.VMEM((128, D), jnp.float32),
            pltpu.VMEM((128, D), jnp.float32),
            pltpu.VMEM((128, D), jnp.float32),
            pltpu.VMEM((128, D), jnp.float32),
            pltpu.SemaphoreType.DMA,
            pltpu.SemaphoreType.DMA,
            pltpu.SemaphoreType.DMA,
            pltpu.SemaphoreType.DMA,
            pltpu.SemaphoreType.DMA,
            pltpu.SemaphoreType.DMA,
            pltpu.SemaphoreType.DMA,
            pltpu.SemaphoreType.DMA,
        ],
    )
    def _sc_gather(nodes_hbm, idx_hbm, out_hbm, idx_v,
                   b0, b1, b2, b3, s0, s1, s2, s3, w0, w1, w2, w3):
        bufs = (b0, b1, b2, b3)
        sems = (s0, s1, s2, s3)
        wsems = (w0, w1, w2, w3)
        nbuf = 4
        cid = lax.axis_index("c")
        sid = lax.axis_index("s")

        def run(chunk0, nchunks):
            base = chunk0 * 128
            pltpu.sync_copy(idx_hbm.at[pl.ds(chunk0, nchunks)],
                            idx_v.at[pl.ds(0, nchunks)])
            for b in range(nbuf - 1):
                pltpu.async_copy(nodes_hbm.at[idx_v.at[b]], bufs[b], sems[b])

            def outer(g, _):
                for b in range(nbuf):
                    j = g * nbuf + b
                    pb = (b + 3) % nbuf
                    pj = j + 3

                    @pl.when(pj < nchunks)
                    def _():
                        @pl.when(j >= 1)
                        def _():
                            pltpu.make_async_copy(
                                nodes_hbm.at[pl.ds(0, 128)],
                                bufs[pb], wsems[pb]).wait()

                        pltpu.async_copy(
                            nodes_hbm.at[idx_v.at[pj]], bufs[pb], sems[pb])

                    pltpu.make_async_copy(
                        nodes_hbm.at[pl.ds(0, 128)], bufs[b], sems[b]).wait()
                    pltpu.async_copy(bufs[b],
                                     out_hbm.at[pl.ds(base + j * 128, 128)],
                                     wsems[b])

                return 0

            lax.fori_loop(0, nchunks // nbuf, outer, 0)
            for b in range(nbuf):
                pltpu.make_async_copy(
                    nodes_hbm.at[pl.ds(0, 128)], bufs[b], wsems[b]).wait()

        @pl.when(cid == 0)
        def _():
            run(sid * GC0, GC0)

        @pl.when(cid == 1)
        def _():
            run(NS * GC0 + sid * GC1, GC1)

    @functools.partial(
        pl.kernel,
        out_type=(jax.ShapeDtypeStruct((N_ACC, D), jnp.float32),
                  jax.ShapeDtypeStruct((N_ACC, D), jnp.float32)),
        mesh=mesh,
        scratch_types=[
            pltpu.VMEM((TCHUNKS, 128), jnp.int32),
            pltpu.VMEM((128, D), jnp.float32),
            pltpu.VMEM((128, D), jnp.float32),
            pltpu.VMEM_SHARED((N_ACC, D), jnp.float32),
            pltpu.SemaphoreType.DMA,
            pltpu.SemaphoreType.DMA,
        ],
    )
    def _sc_scatter(em_hbm, ea_hbm, sidx_hbm, z_hbm,
                    outm_hbm, outa_hbm, sidx_v, mbuf, mbuf2, acc, sem, sem2):
        cid = lax.axis_index("c")
        sid = lax.axis_index("s")
        row0 = sid * ROWS_PER_TILE

        pltpu.sync_copy(z_hbm, mbuf)

        def zbody(t, _):
            pltpu.sync_copy(mbuf, acc.at[pl.ds(row0 + t * 128, 128)])
            return 0

        lax.fori_loop(0, ROWS_PER_TILE // 128, zbody, 0)
        pltpu.sync_copy(sidx_hbm.at[sid], sidx_v)
        plsc.subcore_barrier()

        base = sid * (TCHUNKS * 128)

        def scatter_all(data_hbm):
            pltpu.async_copy(data_hbm.at[pl.ds(base, 128)], mbuf, sem)

            def body(g, _):
                for b in range(2):
                    j = 2 * g + b
                    buf, sm = (mbuf, sem) if b == 0 else (mbuf2, sem2)
                    nbuf, nsm = (mbuf2, sem2) if b == 0 else (mbuf, sem)
                    pltpu.make_async_copy(
                        data_hbm.at[pl.ds(0, 128)], buf, sm).wait()

                    @pl.when(j + 1 < TCHUNKS)
                    def _():
                        pltpu.async_copy(
                            data_hbm.at[pl.ds(base + (j + 1) * 128, 128)],
                            nbuf, nsm)

                    pltpu.sync_copy(buf, acc.at[sidx_v.at[j]], add=True)
                return 0

            lax.fori_loop(0, TCHUNKS // 2, body, 0)

        @pl.when(cid == 0)
        def _():
            scatter_all(em_hbm)

        @pl.when(cid == 1)
        def _():
            scatter_all(ea_hbm)

        plsc.subcore_barrier()

        def copy_out(out_hbm):
            def obody(t, _):
                pltpu.sync_copy(acc.at[pl.ds(row0 + t * 128, 128)], mbuf)
                pltpu.sync_copy(mbuf, out_hbm.at[pl.ds(row0 + t * 128, 128)])
                return 0
            lax.fori_loop(0, ROWS_PER_TILE // 128, obody, 0)

        @pl.when(cid == 0)
        def _():
            copy_out(outm_hbm)

        @pl.when(cid == 1)
        def _():
            copy_out(outa_hbm)

    return _sc_gather, _sc_scatter


def _edge_body(xs_ref, xr_ref, w1s, w1r, w1ps, w1pr, w1a,
               wy1s, wy1r, w2m, w2p, w2a, wy2, outm_ref, outa_ref):
    f32 = jnp.float32
    xs = xs_ref[...]
    xr = xr_ref[...]
    r = xs[:, :3] - xr[:, :3]
    d = jnp.sqrt(jnp.sum(r * r, axis=-1, keepdims=True))
    rh = (r / (d + 1e-8)) * _SR3
    a1, a2, a3 = rh[:, 0:1], rh[:, 1:2], rh[:, 2:3]

    def dot(x, w):
        return jax.lax.dot_general(x.astype(jnp.bfloat16), w[...],
                                   (((1,), (0,)), ((), ())),
                                   preferred_element_type=f32)

    y1s = wy1s[0:1] + a1 * wy1s[1:2] + a2 * wy1s[2:3] + a3 * wy1s[3:4]
    y1r = wy1r[0:1] + a1 * wy1r[1:2] + a2 * wy1r[2:3] + a3 * wy1r[3:4]
    pre = (dot(xs, w1s) + dot(xr, w1r) + dot(xs * y1s, w1ps) + dot(xr * y1r, w1pr)
           + w1a[0:1] + a1 * w1a[1:2] + a2 * w1a[2:3] + a3 * w1a[3:4])
    m = pre[:, 128:] * jax.nn.sigmoid(pre[:, :128])
    y2 = wy2[0:1] + a1 * wy2[1:2] + a2 * wy2[2:3] + a3 * wy2[3:4]
    pre2 = (dot(m, w2m) + dot(m * y2, w2p)
            + w2a[0:1] + a1 * w2a[1:2] + a2 * w2a[2:3] + a3 * w2a[3:4])
    m2 = pre2[:, 128:] * jax.nn.sigmoid(pre2[:, :128])
    ones = jnp.ones_like(a1)
    zeros = jnp.zeros((xs.shape[0], D - 4), f32)
    outm_ref[...] = m2
    outa_ref[...] = jnp.concatenate([a1, a2, a3, ones, zeros], axis=-1)


def _edge_call(gathered, w):
    nblk = E_PAD // EB
    full = lambda arr: pl.BlockSpec(arr.shape, lambda i: (0,) * arr.ndim)
    return pl.pallas_call(
        _edge_body,
        grid=(nblk,),
        in_specs=[pl.BlockSpec((EB, D), lambda i: (i, 0)),
                  pl.BlockSpec((EB, D), lambda i: (i + nblk, 0))]
                 + [full(a) for a in w],
        out_specs=[pl.BlockSpec((EB, D), lambda i: (i, 0)),
                   pl.BlockSpec((EB, D), lambda i: (i, 0))],
        out_shape=[jax.ShapeDtypeStruct((E_PAD, D), jnp.float32),
                   jax.ShapeDtypeStruct((E_PAD, D), jnp.float32)],
    )(gathered, gathered, *w)


def _node_body(x_ref, pm_ref, pa_ref,
               wy1m, wy1a, wn1x, wn1m, wn1p, wn1a, b1,
               wy2m, wy2a, wn2x, wn2m, wn2p, wn2a, b2,
               wlin, blin, out_ref):
    f32 = jnp.float32
    x = x_ref[...]
    msum = pm_ref[...]
    asum = pa_ref[...]
    deg = asum[:, 3:4]
    inv = 1.0 / jnp.maximum(deg, 1.0)
    m_i = msum * inv
    ai0 = deg * inv
    ai1 = asum[:, 0:1] * inv
    ai2 = asum[:, 1:2] * inv
    ai3 = asum[:, 2:3] * inv

    def dot(a, w):
        return jax.lax.dot_general(a.astype(jnp.bfloat16), w[...],
                                   (((1,), (0,)), ((), ())),
                                   preferred_element_type=f32)

    def apart(wa):
        return (ai0 * wa[0:1] + ai1 * wa[1:2] + ai2 * wa[2:3] + ai3 * wa[3:4])

    y1 = dot(m_i, wy1m) + apart(wy1a)
    p1_ = (dot(x, wn1x) + dot(m_i, wn1m) + dot(x * y1, wn1p)
           + apart(wn1a) + b1[0:1])
    x1 = p1_[:, 128:] * jax.nn.sigmoid(p1_[:, :128])
    y2 = dot(m_i, wy2m) + apart(wy2a)
    p2_ = (dot(x1, wn2x) + dot(m_i, wn2m) + dot(x1 * y2, wn2p)
           + apart(wn2a) + b2[0:1])
    x2 = p2_[:, 128:] * jax.nn.sigmoid(p2_[:, :128])
    out_ref[...] = dot(x2, wlin) + blin[0:1]


def _node_call(nodes, parts_m, parts_a, w):
    nblk = N // NB
    full = lambda arr: pl.BlockSpec(arr.shape, lambda i: (0,) * arr.ndim)
    return pl.pallas_call(
        _node_body,
        grid=(nblk,),
        in_specs=[pl.BlockSpec((NB, D), lambda i: (i, 0)),
                  pl.BlockSpec((NB, D), lambda i: (i, 0)),
                  pl.BlockSpec((NB, D), lambda i: (i, 0))]
                 + [full(a) for a in w],
        out_specs=pl.BlockSpec((NB, D), lambda i: (i, 0)),
        out_shape=jax.ShapeDtypeStruct((N, D), jnp.float32),
    )(nodes, parts_m, parts_a, *w)


def _pad8(w):
    return jnp.concatenate([w, jnp.zeros((8 - w.shape[0],) + w.shape[1:], w.dtype)])


def kernel(x, edge_index, Wy_e1, W_e1, b_e1, Wy_e2, W_e2, b_e2,
           Wy_n1, W_n1, b_n1, Wy_n2, W_n2, b_n2, W_lin, b_lin):
    senders = edge_index[0].astype(jnp.int32)
    receivers = edge_index[1].astype(jnp.int32)
    pad = E_PAD - E
    spad = jnp.concatenate([senders, jnp.zeros((pad,), jnp.int32)])
    rpad = jnp.concatenate([receivers, jnp.zeros((pad,), jnp.int32)])
    gidx = jnp.concatenate([spad, rpad]).reshape(GTOT, 128)
    sidx = jnp.concatenate(
        [receivers, jnp.full((pad,), N, jnp.int32)]).reshape(NS, TCHUNKS, 128)
    zeros_m = jnp.zeros((128, D), jnp.float32)

    nodes = x
    bf16 = jnp.bfloat16
    for s in range(2):
        W1 = W_e1[s]
        w1a = _pad8(W1[256:260].at[0].add(b_e1[s]))
        W2 = W_e2[s]
        w2a = _pad8(W2[128:132].at[0].add(b_e2[s]))
        w_edge = (W1[:128].astype(bf16), W1[128:256].astype(bf16),
                  W1[260:388].astype(bf16), W1[388:516].astype(bf16), w1a,
                  _pad8(Wy_e1[s][:, :128]), _pad8(Wy_e1[s][:, 128:]),
                  W2[:128].astype(bf16), W2[132:260].astype(bf16), w2a,
                  _pad8(Wy_e2[s]))
        w_node = (Wy_n1[s][:128].astype(bf16), _pad8(Wy_n1[s][128:132]),
                  W_n1[s][:128].astype(bf16), W_n1[s][128:256].astype(bf16),
                  W_n1[s][260:388].astype(bf16),
                  _pad8(W_n1[s][256:260]), b_n1[s][None, :],
                  Wy_n2[s][:128].astype(bf16), _pad8(Wy_n2[s][128:132]),
                  W_n2[s][:128].astype(bf16), W_n2[s][128:256].astype(bf16),
                  W_n2[s][260:388].astype(bf16),
                  _pad8(W_n2[s][256:260]), b_n2[s][None, :],
                  W_lin[s].astype(bf16), b_lin[s][None, :])

        sc_gather, sc_scatter = _sc_kernels()
        gathered = sc_gather(nodes, gidx)
        edata_m, edata_a = _edge_call(gathered, w_edge)
        parts_m, parts_a = sc_scatter(edata_m, edata_a, sidx, zeros_m)
        nodes = _node_call(nodes, parts_m, parts_a, w_node)
    return nodes

# --- scband reference (transcript-rebuilt; emitter-appended) ---
"""Pipeline reference for scband-segnn-55525337203318 (READ-ONLY COPY).

The authoritative reference and input builder live on the scoring server;
editing this copy changes nothing except your own understanding.
"""

import jax, jax.numpy as jnp
import numpy as np

N, E, D, DH, DSH, S = 10000, 160000, 128, 128, 4, 2


def _w(key, shape):
    fan_in = shape[-2]
    return (jax.random.normal(key, shape, jnp.float32) / np.sqrt(fan_in)).astype(jnp.float32)


def setup_inputs(seed: int = 0):
    key = jax.random.key(seed)
    ks = jax.random.split(key, 18)
    x = jax.random.normal(ks[0], (N, D), jnp.float32)
    edge_index = jax.random.randint(ks[1], (2, E), 0, N).astype(jnp.int64)
    inp = {"x": x, "edge_index": edge_index}
    inp["Wy_e1"] = _w(ks[2], (S, DSH, 2 * D))
    inp["W_e1"] = _w(ks[3], (S, 2 * (2 * D) + DSH, 2 * DH))
    inp["b_e1"] = jnp.zeros((S, 2 * DH), jnp.float32)
    inp["Wy_e2"] = _w(ks[4], (S, DSH, DH))
    inp["W_e2"] = _w(ks[5], (S, 2 * DH + DSH, 2 * DH))
    inp["b_e2"] = jnp.zeros((S, 2 * DH), jnp.float32)
    inp["Wy_n1"] = _w(ks[6], (S, DH + DSH, D))
    inp["W_n1"] = _w(ks[7], (S, 2 * D + DH + DSH, 2 * D))
    inp["b_n1"] = jnp.zeros((S, 2 * D), jnp.float32)
    inp["Wy_n2"] = _w(ks[8], (S, DH + DSH, D))
    inp["W_n2"] = _w(ks[9], (S, 2 * D + DH + DSH, 2 * D))
    inp["b_n2"] = jnp.zeros((S, 2 * D), jnp.float32)
    inp["W_lin"] = _w(ks[10], (S, D, D))
    inp["b_lin"] = jnp.zeros((S, D), jnp.float32)
    return inp


def _tplg(x, y, Wy, W, b):
    # TensorProductLinearGate: structured tensor product (x (x) y approximated by
    # [x, y, x * proj(y)]) followed by Linear and e3nn-style gate (feat * sigmoid(gate)).
    y_proj = y @ Wy
    tp = jnp.concatenate([x, y, x * y_proj], axis=-1)
    pre = tp @ W + b
    gate, feat = jnp.split(pre, 2, axis=-1)
    return feat * jax.nn.sigmoid(gate)


def _forward(nodes, edge_index, Wy_e1, W_e1, b_e1, Wy_e2, W_e2, b_e2, Wy_n1, W_n1, b_n1, Wy_n2, W_n2, b_n2, W_lin, b_lin):
    senders = edge_index[0]
    receivers = edge_index[1]
    n = nodes.shape[0]
    for s in range(W_lin.shape[0]):
        # edge update (get_edge_mlp_updates)
        x_s = nodes[senders]
        x_r = nodes[receivers]
        r = x_s[:, :3] - x_r[:, :3]  # slice_by_mul[:1] -> leading 1o (positions)
        d = jnp.linalg.norm(r, axis=-1, keepdims=True)
        r_hat = r / (d + 1e-8)
        # spherical harmonics 1x0e+1x1o, component normalization: Y0=1, Y1=sqrt(3)*r_hat
        a = jnp.concatenate([jnp.ones_like(d), jnp.sqrt(3.0) * r_hat], axis=-1)
        m = jnp.concatenate([x_s, x_r], axis=-1)
        m = _tplg(m, a, Wy_e1[s], W_e1[s], b_e1[s])
        m = _tplg(m, a, Wy_e2[s], W_e2[s], b_e2[s])
        # segment_mean aggregation of (m_ij, a_ij) onto receivers
        deg = jax.ops.segment_sum(jnp.ones((m.shape[0],), nodes.dtype), receivers, num_segments=n)
        denom = jnp.maximum(deg, 1.0)[:, None]
        m_i = jax.ops.segment_sum(m, receivers, num_segments=n) / denom
        a_i = jax.ops.segment_sum(a, receivers, num_segments=n) / denom
        mi = jnp.concatenate([m_i, a_i], axis=-1)
        # node update (get_node_mlp_updates), normalize_messages=False
        nodes = _tplg(nodes, mi, Wy_n1[s], W_n1[s], b_n1[s])
        nodes = _tplg(nodes, mi, Wy_n2[s], W_n2[s], b_n2[s])
        # per-step Linear(irreps_in)
        nodes = nodes @ W_lin[s] + b_lin[s]
    return nodes


def reference(x, edge_index, Wy_e1, W_e1, b_e1, Wy_e2, W_e2, b_e2, Wy_n1, W_n1, b_n1, Wy_n2, W_n2, b_n2, W_lin, b_lin):
    return _forward(x, edge_index, Wy_e1, W_e1, b_e1, Wy_e2, W_e2, b_e2, Wy_n1, W_n1, b_n1, Wy_n2, W_n2, b_n2, W_lin, b_lin)

if __name__ == "__main__":
    import jax
    _d = setup_inputs()
    print(jax.jit(kernel)(*tuple(_d.values())))

</pallas_src>

<mosaic_0001>
#map = affine_map<(d0, d1) -> (0, 0)>
module attributes {stable_mosaic.version = 14 : i64} {
  func.func @_sc_gather(%arg0: i32, %arg1: i32, %arg2: memref<10000x128xf32, #tpu.memory_space<hbm>>, %arg3: memref<2560x128xi32, #tpu.memory_space<hbm>>, %arg4: memref<327680x128xf32, #tpu.memory_space<hbm>>, %arg5: memref<80x128xi32, #tpu.memory_space<vmem>>, %arg6: memref<128x128xf32, #tpu.memory_space<vmem>>, %arg7: memref<128x128xf32, #tpu.memory_space<vmem>>, %arg8: memref<128x128xf32, #tpu.memory_space<vmem>>, %arg9: memref<128x128xf32, #tpu.memory_space<vmem>>, %arg10: memref<!tpu.dma_semaphore, #tpu.memory_space<semaphore_mem>>, %arg11: memref<!tpu.dma_semaphore, #tpu.memory_space<semaphore_mem>>, %arg12: memref<!tpu.dma_semaphore, #tpu.memory_space<semaphore_mem>>, %arg13: memref<!tpu.dma_semaphore, #tpu.memory_space<semaphore_mem>>, %arg14: memref<!tpu.dma_semaphore, #tpu.memory_space<semaphore_mem>>, %arg15: memref<!tpu.dma_semaphore, #tpu.memory_space<semaphore_mem>>, %arg16: memref<!tpu.dma_semaphore, #tpu.memory_space<semaphore_mem>>, %arg17: memref<!tpu.dma_semaphore, #tpu.memory_space<semaphore_mem>>) attributes {dimension_semantics = [#tpu.dimension_semantics<core_parallel>, #tpu.dimension_semantics<subcore_parallel>], iteration_bounds = array<i64: 2, 16>, scalar_prefetch = 0 : i64, scratch_operands = 13 : i64, tpu.core_type = #tpu.core_type<sc_vector_subcore>, window_params = [{transform_indices = #map}, {transform_indices = #map}, {transform_indices = #map}]} {
    %eq3A = arith.constant 0 : i32
    %eq3A_0 = arith.cmpi eq, %arg0, %eq3A : i32
    %convert_element_type3A = arith.extui %eq3A_0 : i1 to i32
    %cond3A = arith.constant 0 : i32
    %cond3A_1 = arith.cmpi ne, %convert_element_type3A, %cond3A : i32
    scf.if %cond3A_1 {
      %mul3A = arith.constant 80 : i32
      %mul3A_7 = arith.muli %arg1, %mul3A : i32
      %mul3A_8 = arith.constant 128 : i32
      %mul3A_9 = arith.muli %mul3A_7, %mul3A_8 : i32
      "tpu.region"() ({
        %run_scoped3A = tpu.sem_alloc : memref<!tpu.dma_semaphore, #tpu.memory_space<semaphore_mem>>
        %dma_start3A_59 = arith.constant 0 : i32
        %dma_start3A_60 = arith.constant 0 : i32
        %dma_start3A_61 = tpu.memref_slice %arg5[%dma_start3A_59, %dma_start3A_60] : memref<80x128xi32, #tpu.memory_space<vmem>> -> memref<80x128xi32, #tpu.memory_space<vmem>>
        %dma_start3A_62 = arith.constant 0 : i32
        %dma_start3A_63 = tpu.memref_slice %arg3[%mul3A_7, %dma_start3A_62] : memref<2560x128xi32, #tpu.memory_space<hbm>> -> memref<80x128xi32, #tpu.memory_space<hbm>>
        %dma_start3A_64 = arith.constant 0 : i32
        %dma_start3A_65 = arith.constant 0 : i32
        %dma_start3A_66 = tpu.memref_slice %arg5[%dma_start3A_64, %dma_start3A_65] : memref<80x128xi32, #tpu.memory_space<vmem>> -> memref<80x128xi32, #tpu.memory_space<vmem>>
        %dma_start3A_67 = arith.constant 0 : i32
        %dma_start3A_68 = tpu.memref_slice %arg3[%mul3A_7, %dma_start3A_67] : memref<2560x128xi32, #tpu.memory_space<hbm>> -> memref<80x128xi32, #tpu.memory_space<hbm>>
        tpu.enqueue_dma source(%dma_start3A_68 : memref<80x128xi32, #tpu.memory_space<hbm>>) target(%dma_start3A_66 : memref<80x128xi32, #tpu.memory_space<vmem>>) target_semaphore(%run_scoped3A : memref<!tpu.dma_semaphore, #tpu.memory_space<semaphore_mem>>)
        %dma_wait3A_69 = arith.constant 0 : i32
        %dma_wait3A_70 = arith.constant 0 : i32
        %dma_wait3A_71 = tpu.memref_slice %arg5[%dma_wait3A_69, %dma_wait3A_70] : memref<80x128xi32, #tpu.memory_space<vmem>> -> memref<80x128xi32, #tpu.memory_space<vmem>>
        %dma_wait3A_72 = arith.constant 0 : i32
        %dma_wait3A_73 = tpu.memref_slice %arg3[%mul3A_7, %dma_wait3A_72] : memref<2560x128xi32, #tpu.memory_space<hbm>> -> memref<80x128xi32, #tpu.memory_space<hbm>>
        %dma_wait3A_74 = arith.constant 0 : i32
        %dma_wait3A_75 = arith.constant 0 : i32
        %dma_wait3A_76 = tpu.memref_slice %arg5[%dma_wait3A_74, %dma_wait3A_75] : memref<80x128xi32, #tpu.memory_space<vmem>> -> memref<80x128xi32, #tpu.memory_space<vmem>>
        %dma_wait3A_77 = arith.constant 0 : i32
        %dma_wait3A_78 = tpu.memref_slice %arg3[%mul3A_7, %dma_wait3A_77] : memref<2560x128xi32, #tpu.memory_space<hbm>> -> memref<80x128xi32, #tpu.memory_space<hbm>>
        tpu.wait_dma2 semaphore(%run_scoped3A : memref<!tpu.dma_semaphore, #tpu.memory_space<semaphore_mem>>) src(%dma_wait3A_78 : memref<80x128xi32, #tpu.memory_space<hbm>>) dst(%dma_wait3A_76 : memref<80x128xi32, #tpu.memory_space<vmem>>)
        tpu.yield
      }) : () -> ()
      %dma_start3A = arith.constant 0 : i32
      %dma_start3A_10 = arith.constant 0 : i32
      %dma_start3A_11 = tpu.memref_slice %arg5[%dma_start3A, %dma_start3A_10] : memref<80x128xi32, #tpu.memory_space<vmem>> -> memref<1x128xi32, #tpu.memory_space<vmem>>
      %dma_start3A_12 = tpu.memref_squeeze %dma_start3A_11 : memref<1x128xi32, #tpu.memory_space<vmem>> -> memref<128xi32, #tpu.memory_space<vmem>>
      %dma_start3A_13 = arith.constant 0 : i32
      %dma_start3A_14 = arith.constant 0 : i32
      %dma_start3A_15 = tpu.memref_slice %arg2[%dma_start3A_13, %dma_start3A_14] : memref<10000x128xf32, #tpu.memory_space<hbm>> -> memref<10000x128xf32, #tpu.memory_space<hbm>>
      tpu.enqueue_indirect_dma source(%dma_start3A_15 : memref<10000x128xf32, #tpu.memory_space<hbm>>) target(%arg6 : memref<128x128xf32, #tpu.memory_space<vmem>>) offsets(%dma_start3A_12 : memref<128xi32, #tpu.memory_space<vmem>>) semaphore(%arg10 : memref<!tpu.dma_semaphore, #tpu.memory_space<semaphore_mem>>)
      %dma_start3A_16 = arith.constant 1 : i32
      %dma_start3A_17 = arith.constant 0 : i32
      %dma_start3A_18 = tpu.memref_slice %arg5[%dma_start3A_16, %dma_start3A_17] : memref<80x128xi32, #tpu.memory_space<vmem>> -> memref<1x128xi32, #tpu.memory_space<vmem>>
      %dma_start3A_19 = tpu.memref_squeeze %dma_start3A_18 : memref<1x128xi32, #tpu.memory_space<vmem>> -> memref<128xi32, #tpu.memory_space<vmem>>
      %dma_start3A_20 = arith.constant 0 : i32
      %dma_start3A_21 = arith.constant 0 : i32
      %dma_start3A_22 = tpu.memref_slice %arg2[%dma_start3A_20, %dma_start3A_21] : memref<10000x128xf32, #tpu.memory_space<hbm>> -> memref<10000x128xf32, #tpu.memory_space<hbm>>
      tpu.enqueue_indirect_dma source(%dma_start3A_22 : memref<10000x128xf32, #tpu.memory_space<hbm>>) target(%arg7 : memref<128x128xf32, #tpu.memory_space<vmem>>) offsets(%dma_start3A_19 : memref<128xi32, #tpu.memory_space<vmem>>) semaphore(%arg11 : memref<!tpu.dma_semaphore, #tpu.memory_space<semaphore_mem>>)
      %dma_start3A_23 = arith.constant 2 : i32
      %dma_start3A_24 = arith.constant 0 : i32
      %dma_start3A_25 = tpu.memref_slice %arg5[%dma_start3A_23, %dma_start3A_24] : memref<80x128xi32, #tpu.memory_space<vmem>> -> memref<1x128xi32, #tpu.memory_space<vmem>>
      %dma_start3A_26 = tpu.memref_squeeze %dma_start3A_25 : memref<1x128xi32, #tpu.memory_space<vmem>> -> memref<128xi32, #tpu.memory_space<vmem>>
      %dma_start3A_27 = arith.constant 0 : i32
      %dma_start3A_28 = arith.constant 0 : i32
      %dma_start3A_29 = tpu.memref_slice %arg2[%dma_start3A_27, %dma_start3A_28] : memref<10000x128xf32, #tpu.memory_space<hbm>> -> memref<10000x128xf32, #tpu.memory_space<hbm>>
      tpu.enqueue_indirect_dma source(%dma_start3A_29 : memref<10000x128xf32, #tpu.memory_space<hbm>>) target(%arg8 : memref<128x128xf32, #tpu.memory_space<vmem>>) offsets(%dma_start3A_26 : memref<128xi32, #tpu.memory_space<vmem>>) semaphore(%arg12 : memref<!tpu.dma_semaphore, #tpu.memory_space<semaphore_mem>>)
      %scan3A = arith.constant 0 : i32
      %scan3A_30 = arith.constant 0 : i32
      %scan3A_31 = arith.constant 20 : i32
      %scan3A_32 = arith.addi %scan3A_30, %scan3A_31 : i32
      %scan3A_33 = arith.constant 1 : i32
      %scan3A_34 = scf.for %scan3A_59 = %scan3A_30 to %scan3A_32 step %scan3A_33 iter_args(%scan3A_60 = %scan3A) -> (i32)  : i32 {
        %mul3A_61 = arith.constant 4 : i32
        %mul3A_62 = arith.muli %scan3A_59, %mul3A_61 : i32
        %add3A = arith.constant 0 : i32
        %add3A_63 = arith.addi %mul3A_62, %add3A : i32
        %add3A_64 = arith.constant 3 : i32
        %add3A_65 = arith.addi %add3A_63, %add3A_64 : i32
        %lt3A = arith.constant 80 : i32
        %lt3A_66 = arith.cmpi slt, %add3A_65, %lt3A : i32
        %convert_element_type3A_67 = arith.extui %lt3A_66 : i1 to i32
        %cond3A_68 = arith.constant 0 : i32
        %cond3A_69 = arith.cmpi ne, %convert_element_type3A_67, %cond3A_68 : i32
        scf.if %cond3A_69 {
          %ge3A = arith.constant 1 : i32
          %ge3A_156 = arith.cmpi sge, %add3A_63, %ge3A : i32
          %convert_element_type3A_157 = arith.extui %ge3A_156 : i1 to i32
          %cond3A_158 = arith.constant 0 : i32
          %cond3A_159 = arith.cmpi ne, %convert_element_type3A_157, %cond3A_158 : i32
          scf.if %cond3A_159 {
            %dma_wait3A_166 = arith.constant 0 : i32
            %dma_wait3A_167 = arith.constant 0 : i32
            %dma_wait3A_168 = tpu.memref_slice %arg2[%dma_wait3A_166, %dma_wait3A_167] : memref<10000x128xf32, #tpu.memory_space<hbm>> -> memref<128x128xf32, #tpu.memory_space<hbm>>
            %dma_wait3A_169 = arith.constant 0 : i32
            %dma_wait3A_170 = arith.constant 0 : i32
            %dma_wait3A_171 = tpu.memref_slice %arg2[%dma_wait3A_169, %dma_wait3A_170] : memref<10000x128xf32, #tpu.memory_space<hbm>> -> memref<128x128xf32, #tpu.memory_space<hbm>>
            tpu.wait_dma2 semaphore(%arg17 : memref<!tpu.dma_semaphore, #tpu.memory_space<semaphore_mem>>) src(%dma_wait3A_171 : memref<128x128xf32, #tpu.memory_space<hbm>>) dst(%arg9 : memref<128x128xf32, #tpu.memory_space<vmem>>)
          } else {
          }
          %dma_start3A_160 = arith.constant 0 : i32
          %dma_start3A_161 = tpu.memref_slice %arg5[%add3A_65, %dma_start3A_160] : memref<80x128xi32, #tpu.memory_space<vmem>> -> memref<1x128xi32, #tpu.memory_space<vmem>>
          %dma_start3A_162 = tpu.memref_squeeze %dma_start3A_161 : memref<1x128xi32, #tpu.memory_space<vmem>> -> memref<128xi32, #tpu.memory_space<vmem>>
          %dma_start3A_163 = arith.constant 0 : i32
          %dma_start3A_164 = arith.constant 0 : i32
          %dma_start3A_165 = tpu.memref_slice %arg2[%dma_start3A_163, %dma_start3A_164] : memref<10000x128xf32, #tpu.memory_space<hbm>> -> memref<10000x128xf32, #tpu.memory_space<hbm>>
          tpu.enqueue_indirect_dma source(%dma_start3A_165 : memref<10000x128xf32, #tpu.memory_space<hbm>>) target(%arg9 : memref<128x128xf32, #tpu.memory_space<vmem>>) offsets(%dma_start3A_162 : memref<128xi32, #tpu.memory_space<vmem>>) semaphore(%arg13 : memref<!tpu.dma_semaphore, #tpu.memory_space<semaphore_mem>>)
        } else {
        }
        %dma_wait3A_70 = arith.constant 0 : i32
        %dma_wait3A_71 = arith.constant 0 : i32
        %dma_wait3A_72 = tpu.memref_slice %arg2[%dma_wait3A_70, %dma_wait3A_71] : memref<10000x128xf32, #tpu.memory_space<hbm>> -> memref<128x128xf32, #tpu.memory_space<hbm>>
        %dma_wait3A_73 = arith.constant 0 : i32
        %dma_wait3A_74 = arith.constant 0 : i32
        %dma_wait3A_75 = tpu.memref_slice %arg2[%dma_wait3A_73, %dma_wait3A_74] : memref<10000x128xf32, #tpu.memory_space<hbm>> -> memref<128x128xf32, #tpu.memory_space<hbm>>
        tpu.wait_dma2 semaphore(%arg10 : memref<!tpu.dma_semaphore, #tpu.memory_space<semaphore_mem>>) src(%dma_wait3A_75 : memref<128x128xf32, #tpu.memory_space<hbm>>) dst(%arg6 : memref<128x128xf32, #tpu.memory_space<vmem>>)
        %mul3A_76 = arith.constant 128 : i32
        %mul3A_77 = arith.muli %add3A_63, %mul3A_76 : i32
        %add3A_78 = arith.addi %mul3A_9, %mul3A_77 : i32
        %dma_start3A_79 = arith.constant 0 : i32
        %dma_start3A_80 = tpu.memref_slice %arg4[%add3A_78, %dma_start3A_79] : memref<327680x128xf32, #tpu.memory_space<hbm>> -> memref<128x128xf32, #tpu.memory_space<hbm>>
        %dma_start3A_81 = arith.constant 0 : i32
        %dma_start3A_82 = tpu.memref_slice %arg4[%add3A_78, %dma_start3A_81] : memref<327680x128xf32, #tpu.memory_space<hbm>> -> memref<128x128xf32, #tpu.memory_space<hbm>>
        tpu.enqueue_dma source(%arg6 : memref<128x128xf32, #tpu.memory_space<vmem>>) target(%dma_start3A_82 : memref<128x128xf32, #tpu.memory_space<hbm>>) target_semaphore(%arg14 : memref<!tpu.dma_semaphore, #tpu.memory_space<semaphore_mem>>)
        %mul3A_83 = arith.constant 4 : i32
        %mul3A_84 = arith.muli %scan3A_59, %mul3A_83 : i32
        %add3A_85 = arith.constant 1 : i32
        %add3A_86 = arith.addi %mul3A_84, %add3A_85 : i32
        %add3A_87 = arith.constant 3 : i32
        %add3A_88 = arith.addi %add3A_86, %add3A_87 : i32
        %lt3A_89 = arith.constant 80 : i32
        %lt3A_90 = arith.cmpi slt, %add3A_88, %lt3A_89 : i32
        %convert_element_type3A_91 = arith.extui %lt3A_90 : i1 to i32
        %cond3A_92 = arith.constant 0 : i32
        %cond3A_93 = arith.cmpi ne, %convert_element_type3A_91, %cond3A_92 : i32
        scf.if %cond3A_93 {
          %ge3A = arith.constant 1 : i32
          %ge3A_156 = arith.cmpi sge, %add3A_86, %ge3A : i32
          %convert_element_type3A_157 = arith.extui %ge3A_156 : i1 to i32
          %cond3A_158 = arith.constant 0 : i32
          %cond3A_159 = arith.cmpi ne, %convert_element_type3A_157, %cond3A_158 : i32
          scf.if %cond3A_159 {
            %dma_wait3A_166 = arith.constant 0 : i32
            %dma_wait3A_167 = arith.constant 0 : i32
            %dma_wait3A_168 = tpu.memref_slice %arg2[%dma_wait3A_166, %dma_wait3A_167] : memref<10000x128xf32, #tpu.memory_space<hbm>> -> memref<128x128xf32, #tpu.memory_space<hbm>>
            %dma_wait3A_169 = arith.constant 0 : i32
            %dma_wait3A_170 = arith.constant 0 : i32
            %dma_wait3A_171 = tpu.memref_slice %arg2[%dma_wait3A_169, %dma_wait3A_170] : memref<10000x128xf32, #tpu.memory_space<hbm>> -> memref<128x128xf32, #tpu.memory_space<hbm>>
            tpu.wait_dma2 semaphore(%arg14 : memref<!tpu.dma_semaphore, #tpu.memory_space<semaphore_mem>>) src(%dma_wait3A_171 : memref<128x128xf32, #tpu.memory_space<hbm>>) dst(%arg6 : memref<128x128xf32, #tpu.memory_space<vmem>>)
          } else {
          }
          %dma_start3A_160 = arith.constant 0 : i32
          %dma_start3A_161 = tpu.memref_slice %arg5[%add3A_88, %dma_start3A_160] : memref<80x128xi32, #tpu.memory_space<vmem>> -> memref<1x128xi32, #tpu.memory_space<vmem>>
          %dma_start3A_162 = tpu.memref_squeeze %dma_start3A_161 : memref<1x128xi32, #tpu.memory_space<vmem>> -> memref<128xi32, #tpu.memory_space<vmem>>
          %dma_start3A_163 = arith.constant 0 : i32
          %dma_start3A_164 = arith.constant 0 : i32
          %dma_start3A_165 = tpu.memref_slice %arg2[%dma_start3A_163, %dma_start3A_164] : memref<10000x128xf32, #tpu.memory_space<hbm>> -> memref<10000x128xf32, #tpu.memory_space<hbm>>
          tpu.enqueue_indirect_dma source(%dma_start3A_165 : memref<10000x128xf32, #tpu.memory_space<hbm>>) target(%arg6 : memref<128x128xf32, #tpu.memory_space<vmem>>) offsets(%dma_start3A_162 : memref<128xi32, #tpu.memory_space<vmem>>) semaphore(%arg10 : memref<!tpu.dma_semaphore, #tpu.memory_space<semaphore_mem>>)
        } else {
        }
        %dma_wait3A_94 = arith.constant 0 : i32
        %dma_wait3A_95 = arith.constant 0 : i32
        %dma_wait3A_96 = tpu.memref_slice %arg2[%dma_wait3A_94, %dma_wait3A_95] : memref<10000x128xf32, #tpu.memory_space<hbm>> -> memref<128x128xf32, #tpu.memory_space<hbm>>
        %dma_wait3A_97 = arith.constant 0 : i32
        %dma_wait3A_98 = arith.constant 0 : i32
        %dma_wait3A_99 = tpu.memref_slice %arg2[%dma_wait3A_97, %dma_wait3A_98] : memref<10000x128xf32, #tpu.memory_space<hbm>> -> memref<128x128xf32, #tpu.memory_space<hbm>>
        tpu.wait_dma2 semaphore(%arg11 : memref<!tpu.dma_semaphore, #tpu.memory_space<semaphore_mem>>) src(%dma_wait3A_99 : memref<128x128xf32, #tpu.memory_space<hbm>>) dst(%arg7 : memref<128x128xf32, #tpu.memory_space<vmem>>)
        %mul3A_100 = arith.constant 128 : i32
        %mul3A_101 = arith.muli %add3A_86, %mul3A_100 : i32
        %add3A_102 = arith.addi %mul3A_9, %mul3A_101 : i32
        %dma_start3A_103 = arith.constant 0 : i32
        %dma_start3A_104 = tpu.memref_slice %arg4[%add3A_102, %dma_start3A_103] : memref<327680x128xf32, #tpu.memory_space<hbm>> -> memref<128x128xf32, #tpu.memory_space<hbm>>
        %dma_start3A_105 = arith.constant 0 : i32
        %dma_start3A_106 = tpu.memref_slice %arg4[%add3A_102, %dma_start3A_105] : memref<327680x128xf32, #tpu.memory_space<hbm>> -> memref<128x128xf32, #tpu.memory_space<hbm>>
        tpu.enqueue_dma source(%arg7 : memref<128x128xf32, #tpu.memory_space<vmem>>) target(%dma_start3A_106 : memref<128x128xf32, #tpu.memory_space<hbm>>) target_semaphore(%arg15 : memref<!tpu.dma_semaphore, #tpu.memory_space<semaphore_mem>>)
        %mul3A_107 = arith.constant 4 : i32
        %mul3A_108 = arith.muli %scan3A_59, %mul3A_107 : i32
        %add3A_109 = arith.constant 2 : i32
        %add3A_110 = arith.addi %mul3A_108, %add3A_109 : i32
        %add3A_111 = arith.constant 3 : i32
        %add3A_112 = arith.addi %add3A_110, %add3A_111 : i32
        %lt3A_113 = arith.constant 80 : i32
        %lt3A_114 = arith.cmpi slt, %add3A_112, %lt3A_113 : i32
        %convert_element_type3A_115 = arith.extui %lt3A_114 : i1 to i32
        %cond3A_116 = arith.constant 0 : i32
        %cond3A_117 = arith.cmpi ne, %convert_element_type3A_115, %cond3A_116 : i32
        scf.if %cond3A_117 {
          %ge3A = arith.constant 1 : i32
          %ge3A_156 = arith.cmpi sge, %add3A_110, %ge3A : i32
          %convert_element_type3A_157 = arith.extui %ge3A_156 : i1 to i32
          %cond3A_158 = arith.constant 0 : i32
          %cond3A_159 = arith.cmpi ne, %convert_element_type3A_157, %cond3A_158 : i32
          scf.if %cond3A_159 {
            %dma_wait3A_166 = arith.constant 0 : i32
            %dma_wait3A_167 = arith.constant 0 : i32
            %dma_wait3A_168 = tpu.memref_slice %arg2[%dma_wait3A_166, %dma_wait3A_167] : memref<10000x128xf32, #tpu.memory_space<hbm>> -> memref<128x128xf32, #tpu.memory_space<hbm>>
            %dma_wait3A_169 = arith.constant 0 : i32
            %dma_wait3A_170 = arith.constant 0 : i32
            %dma_wait3A_171 = tpu.memref_slice %arg2[%dma_wait3A_169, %dma_wait3A_170] : memref<10000x128xf32, #tpu.memory_space<hbm>> -> memref<128x128xf32, #tpu.memory_space<hbm>>
            tpu.wait_dma2 semaphore(%arg15 : memref<!tpu.dma_semaphore, #tpu.memory_space<semaphore_mem>>) src(%dma_wait3A_171 : memref<128x128xf32, #tpu.memory_space<hbm>>) dst(%arg7 : memref<128x128xf32, #tpu.memory_space<vmem>>)
          } else {
          }
          %dma_start3A_160 = arith.constant 0 : i32
          %dma_start3A_161 = tpu.memref_slice %arg5[%add3A_112, %dma_start3A_160] : memref<80x128xi32, #tpu.memory_space<vmem>> -> memref<1x128xi32, #tpu.memory_space<vmem>>
          %dma_start3A_162 = tpu.memref_squeeze %dma_start3A_161 : memref<1x128xi32, #tpu.memory_space<vmem>> -> memref<128xi32, #tpu.memory_space<vmem>>
          %dma_start3A_163 = arith.constant 0 : i32
          %dma_start3A_164 = arith.constant 0 : i32
          %dma_start3A_165 = tpu.memref_slice %arg2[%dma_start3A_163, %dma_start3A_164] : memref<10000x128xf32, #tpu.memory_space<hbm>> -> memref<10000x128xf32, #tpu.memory_space<hbm>>
          tpu.enqueue_indirect_dma source(%dma_start3A_165 : memref<10000x128xf32, #tpu.memory_space<hbm>>) target(%arg7 : memref<128x128xf32, #tpu.memory_space<vmem>>) offsets(%dma_start3A_162 : memref<128xi32, #tpu.memory_space<vmem>>) semaphore(%arg11 : memref<!tpu.dma_semaphore, #tpu.memory_space<semaphore_mem>>)
        } else {
        }
        %dma_wait3A_118 = arith.constant 0 : i32
        %dma_wait3A_119 = arith.constant 0 : i32
        %dma_wait3A_120 = tpu.memref_slice %arg2[%dma_wait3A_118, %dma_wait3A_119] : memref<10000x128xf32, #tpu.memory_space<hbm>> -> memref<128x128xf32, #tpu.memory_space<hbm>>
        %dma_wait3A_121 = arith.constant 0 : i32
        %dma_wait3A_122 = arith.constant 0 : i32
        %dma_wait3A_123 = tpu.memref_slice %arg2[%dma_wait3A_121, %dma_wait3A_122] : memref<10000x128xf32, #tpu.memory_space<hbm>> -> memref<128x128xf32, #tpu.memory_space<hbm>>
        tpu.wait_dma2 semaphore(%arg12 : memref<!tpu.dma_semaphore, #tpu.memory_space<semaphore_mem>>) src(%dma_wait3A_123 : memref<128x128xf32, #tpu.memory_space<hbm>>) dst(%arg8 : memref<128x128xf32, #tpu.memory_space<vmem>>)
        %mul3A_124 = arith.constant 128 : i32
        %mul3A_125 = arith.muli %add3A_110, %mul3A_124 : i32
        %add3A_126 = arith.addi %mul3A_9, %mul3A_125 : i32
        %dma_start3A_127 = arith.constant 0 : i32
        %dma_start3A_128 = tpu.memref_slice %arg4[%add3A_126, %dma_start3A_127] : memref<327680x128xf32, #tpu.memory_space<hbm>> -> memref<128x128xf32, #tpu.memory_space<hbm>>
        %dma_start3A_129 = arith.constant 0 : i32
        %dma_start3A_130 = tpu.memref_slice %arg4[%add3A_126, %dma_start3A_129] : memref<327680x128xf32, #tpu.memory_space<hbm>> -> memref<128x128xf32, #tpu.memory_space<hbm>>
        tpu.enqueue_dma source(%arg8 : memref<128x128xf32, #tpu.memory_space<vmem>>) target(%dma_start3A_130 : memref<128x128xf32, #tpu.memory_space<hbm>>) target_semaphore(%arg16 : memref<!tpu.dma_semaphore, #tpu.memory_space<semaphore_mem>>)
        %mul3A_131 = arith.constant 4 : i32
        %mul3A_132 = arith.muli %scan3A_59, %mul3A_131 : i32
        %add3A_133 = arith.constant 3 : i32
        %add3A_134 = arith.addi %mul3A_132, %add3A_133 : i32
        %add3A_135 = arith.constant 3 : i32
        %add3A_136 = arith.addi %add3A_134, %add3A_135 : i32
        %lt3A_137 = arith.constant 80 : i32
        %lt3A_138 = arith.cmpi slt, %add3A_136, %lt3A_137 : i32
        %convert_element_type3A_139 = arith.extui %lt3A_138 : i1 to i32
        %cond3A_140 = arith.constant 0 : i32
        %cond3A_141 = arith.cmpi ne, %convert_element_type3A_139, %cond3A_140 : i32
        scf.if %cond3A_141 {
          %ge3A = arith.constant 1 : i32
          %ge3A_156 = arith.cmpi sge, %add3A_134, %ge3A : i32
          %convert_element_type3A_157 = arith.extui %ge3A_156 : i1 to i32
          %cond3A_158 = arith.constant 0 : i32
          %cond3A_159 = arith.cmpi ne, %convert_element_type3A_157, %cond3A_158 : i32
          scf.if %cond3A_159 {
            %dma_wait3A_166 = arith.constant 0 : i32
            %dma_wait3A_167 = arith.constant 0 : i32
            %dma_wait3A_168 = tpu.memref_slice %arg2[%dma_wait3A_166, %dma_wait3A_167] : memref<10000x128xf32, #tpu.memory_space<hbm>> -> memref<128x128xf32, #tpu.memory_space<hbm>>
            %dma_wait3A_169 = arith.constant 0 : i32
            %dma_wait3A_170 = arith.constant 0 : i32
            %dma_wait3A_171 = tpu.memref_slice %arg2[%dma_wait3A_169, %dma_wait3A_170] : memref<10000x128xf32, #tpu.memory_space<hbm>> -> memref<128x128xf32, #tpu.memory_space<hbm>>
            tpu.wait_dma2 semaphore(%arg16 : memref<!tpu.dma_semaphore, #tpu.memory_space<semaphore_mem>>) src(%dma_wait3A_171 : memref<128x128xf32, #tpu.memory_space<hbm>>) dst(%arg8 : memref<128x128xf32, #tpu.memory_space<vmem>>)
          } else {
          }
          %dma_start3A_160 = arith.constant 0 : i32
          %dma_start3A_161 = tpu.memref_slice %arg5[%add3A_136, %dma_start3A_160] : memref<80x128xi32, #tpu.memory_space<vmem>> -> memref<1x128xi32, #tpu.memory_space<vmem>>
          %dma_start3A_162 = tpu.memref_squeeze %dma_start3A_161 : memref<1x128xi32, #tpu.memory_space<vmem>> -> memref<128xi32, #tpu.memory_space<vmem>>
          %dma_start3A_163 = arith.constant 0 : i32
          %dma_start3A_164 = arith.constant 0 : i32
          %dma_start3A_165 = tpu.memref_slice %arg2[%dma_start3A_163, %dma_start3A_164] : memref<10000x128xf32, #tpu.memory_space<hbm>> -> memref<10000x128xf32, #tpu.memory_space<hbm>>
          tpu.enqueue_indirect_dma source(%dma_start3A_165 : memref<10000x128xf32, #tpu.memory_space<hbm>>) target(%arg8 : memref<128x128xf32, #tpu.memory_space<vmem>>) offsets(%dma_start3A_162 : memref<128xi32, #tpu.memory_space<vmem>>) semaphore(%arg12 : memref<!tpu.dma_semaphore, #tpu.memory_space<semaphore_mem>>)
        } else {
        }
        %dma_wait3A_142 = arith.constant 0 : i32
        %dma_wait3A_143 = arith.constant 0 : i32
        %dma_wait3A_144 = tpu.memref_slice %arg2[%dma_wait3A_142, %dma_wait3A_143] : memref<10000x128xf32, #tpu.memory_space<hbm>> -> memref<128x128xf32, #tpu.memory_space<hbm>>
        %dma_wait3A_145 = arith.constant 0 : i32
        %dma_wait3A_146 = arith.constant 0 : i32
        %dma_wait3A_147 = tpu.memref_slice %arg2[%dma_wait3A_145, %dma_wait3A_146] : memref<10000x128xf32, #tpu.memory_space<hbm>> -> memref<128x128xf32, #tpu.memory_space<hbm>>
        tpu.wait_dma2 semaphore(%arg13 : memref<!tpu.dma_semaphore, #tpu.memory_space<semaphore_mem>>) src(%dma_wait3A_147 : memref<128x128xf32, #tpu.memory_space<hbm>>) dst(%arg9 : memref<128x128xf32, #tpu.memory_space<vmem>>)
        %mul3A_148 = arith.constant 128 : i32
        %mul3A_149 = arith.muli %add3A_134, %mul3A_148 : i32
        %add3A_150 = arith.addi %mul3A_9, %mul3A_149 : i32
        %dma_start3A_151 = arith.constant 0 : i32
        %dma_start3A_152 = tpu.memref_slice %arg4[%add3A_150, %dma_start3A_151] : memref<327680x128xf32, #tpu.memory_space<hbm>> -> memref<128x128xf32, #tpu.memory_space<hbm>>
        %dma_start3A_153 = arith.constant 0 : i32
        %dma_start3A_154 = tpu.memref_slice %arg4[%add3A_150, %dma_start3A_153] : memref<327680x128xf32, #tpu.memory_space<hbm>> -> memref<128x128xf32, #tpu.memory_space<hbm>>
        tpu.enqueue_dma source(%arg9 : memref<128x128xf32, #tpu.memory_space<vmem>>) target(%dma_start3A_154 : memref<128x128xf32, #tpu.memory_space<hbm>>) target_semaphore(%arg17 : memref<!tpu.dma_semaphore, #tpu.memory_space<semaphore_mem>>)
        %scan3A_155 = arith.constant 0 : i32
        scf.yield %scan3A_155 : i32
      }
      %scan3A_35 = arith.constant 20 : i32
      %dma_wait3A = arith.constant 0 : i32
      %dma_wait3A_36 = arith.constant 0 : i32
      %dma_wait3A_37 = tpu.memref_slice %arg2[%dma_wait3A, %dma_wait3A_36] : memref<10000x128xf32, #tpu.memory_space<hbm>> -> memref<128x128xf32, #tpu.memory_space<hbm>>
      %dma_wait3A_38 = arith.constant 0 : i32
      %dma_wait3A_39 = arith.constant 0 : i32
      %dma_wait3A_40 = tpu.memref_slice %arg2[%dma_wait3A_38, %dma_wait3A_39] : memref<10000x128xf32, #tpu.memory_space<hbm>> -> memref<128x128xf32, #tpu.memory_space<hbm>>
      tpu.wait_dma2 semaphore(%arg14 : memref<!tpu.dma_semaphore, #tpu.memory_space<semaphore_mem>>) src(%dma_wait3A_40 : memref<128x128xf32, #tpu.memory_space<hbm>>) dst(%arg6 : memref<128x128xf32, #tpu.memory_space<vmem>>)
      %dma_wait3A_41 = arith.constant 0 : i32
      %dma_wait3A_42 = arith.constant 0 : i32
      %dma_wait3A_43 = tpu.memref_slice %arg2[%dma_wait3A_41, %dma_wait3A_42] : memref<10000x128xf32, #tpu.memory_space<hbm>> -> memref<128x128xf32, #tpu.memory_space<hbm>>
      %dma_wait3A_44 = arith.constant 0 : i32
      %dma_wait3A_45 = arith.constant 0 : i32
      %dma_wait3A_46 = tpu.memref_slice %arg2[%dma_wait3A_44, %dma_wait3A_45] : memref<10000x128xf32, #tpu.memory_space<hbm>> -> memref<128x128xf32, #tpu.memory_space<hbm>>
      tpu.wait_dma2 semaphore(%arg15 : memref<!tpu.dma_semaphore, #tpu.memory_space<semaphore_mem>>) src(%dma_wait3A_46 : memref<128x128xf32, #tpu.memory_space<hbm>>) dst(%arg7 : memref<128x128xf32, #tpu.memory_space<vmem>>)
      %dma_wait3A_47 = arith.constant 0 : i32
      %dma_wait3A_48 = arith.constant 0 : i32
      %dma_wait3A_49 = tpu.memref_slice %arg2[%dma_wait3A_47, %dma_wait3A_48] : memref<10000x128xf32, #tpu.memory_space<hbm>> -> memref<128x128xf32, #tpu.memory_space<hbm>>
      %dma_wait3A_50 = arith.constant 0 : i32
      %dma_wait3A_51 = arith.constant 0 : i32
      %dma_wait3A_52 = tpu.memref_slice %arg2[%dma_wait3A_50, %dma_wait3A_51] : memref<10000x128xf32, #tpu.memory_space<hbm>> -> memref<128x128xf32, #tpu.memory_space<hbm>>
      tpu.wait_dma2 semaphore(%arg16 : memref<!tpu.dma_semaphore, #tpu.memory_space<semaphore_mem>>) src(%dma_wait3A_52 : memref<128x128xf32, #tpu.memory_space<hbm>>) dst(%arg8 : memref<128x128xf32, #tpu.memory_space<vmem>>)
      %dma_wait3A_53 = arith.constant 0 : i32
      %dma_wait3A_54 = arith.constant 0 : i32
      %dma_wait3A_55 = tpu.memref_slice %arg2[%dma_wait3A_53, %dma_wait3A_54] : memref<10000x128xf32, #tpu.memory_space<hbm>> -> memref<128x128xf32, #tpu.memory_space<hbm>>
      %dma_wait3A_56 = arith.constant 0 : i32
      %dma_wait3A_57 = arith.constant 0 : i32
      %dma_wait3A_58 = tpu.memref_slice %arg2[%dma_wait3A_56, %dma_wait3A_57] : memref<10000x128xf32, #tpu.memory_space<hbm>> -> memref<128x128xf32, #tpu.memory_space<hbm>>
      tpu.wait_dma2 semaphore(%arg17 : memref<!tpu.dma_semaphore, #tpu.memory_space<semaphore_mem>>) src(%dma_wait3A_58 : memref<128x128xf32, #tpu.memory_space<hbm>>) dst(%arg9 : memref<128x128xf32, #tpu.memory_space<vmem>>)
    } else {
    }
    %eq3A_2 = arith.constant 1 : i32
    %eq3A_3 = arith.cmpi eq, %arg0, %eq3A_2 : i32
    %convert_element_type3A_4 = arith.extui %eq3A_3 : i1 to i32
    %cond3A_5 = arith.constant 0 : i32
    %cond3A_6 = arith.cmpi ne, %convert_element_type3A_4, %cond3A_5 : i32
    scf.if %cond3A_6 {
      %mul3A = arith.constant 80 : i32
      %mul3A_7 = arith.muli %arg1, %mul3A : i32
      %add3A = arith.constant 1280 : i32
      %add3A_8 = arith.addi %add3A, %mul3A_7 : i32
      %mul3A_9 = arith.constant 128 : i32
      %mul3A_10 = arith.muli %add3A_8, %mul3A_9 : i32
      "tpu.region"() ({
        %run_scoped3A = tpu.sem_alloc : memref<!tpu.dma_semaphore, #tpu.memory_space<semaphore_mem>>
        %dma_start3A_60 = arith.constant 0 : i32
        %dma_start3A_61 = arith.constant 0 : i32
        %dma_start3A_62 = tpu.memref_slice %arg5[%dma_start3A_60, %dma_start3A_61] : memref<80x128xi32, #tpu.memory_space<vmem>> -> memref<80x128xi32, #tpu.memory_space<vmem>>
        %dma_start3A_63 = arith.constant 0 : i32
        %dma_start3A_64 = tpu.memref_slice %arg3[%add3A_8, %dma_start3A_63] : memref<2560x128xi32, #tpu.memory_space<hbm>> -> memref<80x128xi32, #tpu.memory_space<hbm>>
        %dma_start3A_65 = arith.constant 0 : i32
        %dma_start3A_66 = arith.constant 0 : i32
        %dma_start3A_67 = tpu.memref_slice %arg5[%dma_start3A_65, %dma_start3A_66] : memref<80x128xi32, #tpu.memory_space<vmem>> -> memref<80x128xi32, #tpu.memory_space<vmem>>
        %dma_start3A_68 = arith.constant 0 : i32
        %dma_start3A_69 = tpu.memref_slice %arg3[%add3A_8, %dma_start3A_68] : memref<2560x128xi32, #tpu.memory_space<hbm>> -> memref<80x128xi32, #tpu.memory_space<hbm>>
        tpu.enqueue_dma source(%dma_start3A_69 : memref<80x128xi32, #tpu.memory_space<hbm>>) target(%dma_start3A_67 : memref<80x128xi32, #tpu.memory_space<vmem>>) target_semaphore(%run_scoped3A : memref<!tpu.dma_semaphore, #tpu.memory_space<semaphore_mem>>)
        %dma_wait3A_70 = arith.constant 0 : i32
        %dma_wait3A_71 = arith.constant 0 : i32
        %dma_wait3A_72 = tpu.memref_slice %arg5[%dma_wait3A_70, %dma_wait3A_71] : memref<80x128xi32, #tpu.memory_space<vmem>> -> memref<80x128xi32, #tpu.memory_space<vmem>>
        %dma_wait3A_73 = arith.constant 0 : i32
        %dma_wait3A_74 = tpu.memref_slice %arg3[%add3A_8, %dma_wait3A_73] : memref<2560x128xi32, #tpu.memory_space<hbm>> -> memref<80x128xi32, #tpu.memory_space<hbm>>
        %dma_wait3A_75 = arith.constant 0 : i32
        %dma_wait3A_76 = arith.constant 0 : i32
        %dma_wait3A_77 = tpu.memref_slice %arg5[%dma_wait3A_75, %dma_wait3A_76] : memref<80x128xi32, #tpu.memory_space<vmem>> -> memref<80x128xi32, #tpu.memory_space<vmem>>
        %dma_wait3A_78 = arith.constant 0 : i32
        %dma_wait3A_79 = tpu.memref_slice %arg3[%add3A_8, %dma_wait3A_78] : memref<2560x128xi32, #tpu.memory_space<hbm>> -> memref<80x128xi32, #tpu.memory_space<hbm>>
        tpu.wait_dma2 semaphore(%run_scoped3A : memref<!tpu.dma_semaphore, #tpu.memory_space<semaphore_mem>>) src(%dma_wait3A_79 : memref<80x128xi32, #tpu.memory_space<hbm>>) dst(%dma_wait3A_77 : memref<80x128xi32, #tpu.memory_space<vmem>>)
        tpu.yield
      }) : () -> ()
      %dma_start3A = arith.constant 0 : i32
      %dma_start3A_11 = arith.constant 0 : i32
      %dma_start3A_12 = tpu.memref_slice %arg5[%dma_start3A, %dma_start3A_11] : memref<80x128xi32, #tpu.memory_space<vmem>> -> memref<1x128xi32, #tpu.memory_space<vmem>>
      %dma_start3A_13 = tpu.memref_squeeze %dma_start3A_12 : memref<1x128xi32, #tpu.memory_space<vmem>> -> memref<128xi32, #tpu.memory_space<vmem>>
      %dma_start3A_14 = arith.constant 0 : i32
      %dma_start3A_15 = arith.constant 0 : i32
      %dma_start3A_16 = tpu.memref_slice %arg2[%dma_start3A_14, %dma_start3A_15] : memref<10000x128xf32, #tpu.memory_space<hbm>> -> memref<10000x128xf32, #tpu.memory_space<hbm>>
      tpu.enqueue_indirect_dma source(%dma_start3A_16 : memref<10000x128xf32, #tpu.memory_space<hbm>>) target(%arg6 : memref<128x128xf32, #tpu.memory_space<vmem>>) offsets(%dma_start3A_13 : memref<128xi32, #tpu.memory_space<vmem>>) semaphore(%arg10 : memref<!tpu.dma_semaphore, #tpu.memory_space<semaphore_mem>>)
      %dma_start3A_17 = arith.constant 1 : i32
      %dma_start3A_18 = arith.constant 0 : i32
      %dma_start3A_19 = tpu.memref_slice %arg5[%dma_start3A_17, %dma_start3A_18] : memref<80x128xi32, #tpu.memory_space<vmem>> -> memref<1x128xi32, #tpu.memory_space<vmem>>
      %dma_start3A_20 = tpu.memref_squeeze %dma_start3A_19 : memref<1x128xi32, #tpu.memory_space<vmem>> -> memref<128xi32, #tpu.memory_space<vmem>>
      %dma_start3A_21 = arith.constant 0 : i32
      %dma_start3A_22 = arith.constant 0 : i32
      %dma_start3A_23 = tpu.memref_slice %arg2[%dma_start3A_21, %dma_start3A_22] : memref<10000x128xf32, #tpu.memory_space<hbm>> -> memref<10000x128xf32, #tpu.memory_space<hbm>>
      tpu.enqueue_indirect_dma source(%dma_start3A_23 : memref<10000x128xf32, #tpu.memory_space<hbm>>) target(%arg7 : memref<128x128xf32, #tpu.memory_space<vmem>>) offsets(%dma_start3A_20 : memref<128xi32, #tpu.memory_space<vmem>>) semaphore(%arg11 : memref<!tpu.dma_semaphore, #tpu.memory_space<semaphore_mem>>)
      %dma_start3A_24 = arith.constant 2 : i32
      %dma_start3A_25 = arith.constant 0 : i32
      %dma_start3A_26 = tpu.memref_slice %arg5[%dma_start3A_24, %dma_start3A_25] : memref<80x128xi32, #tpu.memory_space<vmem>> -> memref<1x128xi32, #tpu.memory_space<vmem>>
      %dma_start3A_27 = tpu.memref_squeeze %dma_start3A_26 : memref<1x128xi32, #tpu.memory_space<vmem>> -> memref<128xi32, #tpu.memory_space<vmem>>
      %dma_start3A_28 = arith.constant 0 : i32
      %dma_start3A_29 = arith.constant 0 : i32
      %dma_start3A_30 = tpu.memref_slice %arg2[%dma_start3A_28, %dma_start3A_29] : memref<10000x128xf32, #tpu.memory_space<hbm>> -> memref<10000x128xf32, #tpu.memory_space<hbm>>
      tpu.enqueue_indirect_dma source(%dma_start3A_30 : memref<10000x128xf32, #tpu.memory_space<hbm>>) target(%arg8 : memref<128x128xf32, #tpu.memory_space<vmem>>) offsets(%dma_start3A_27 : memref<128xi32, #tpu.memory_space<vmem>>) semaphore(%arg12 : memref<!tpu.dma_semaphore, #tpu.memory_space<semaphore_mem>>)
      %scan3A = arith.constant 0 : i32
      %scan3A_31 = arith.constant 0 : i32
      %scan3A_32 = arith.constant 20 : i32
      %scan3A_33 = arith.addi %scan3A_31, %scan3A_32 : i32
      %scan3A_34 = arith.constant 1 : i32
      %scan3A_35 = scf.for %scan3A_60 = %scan3A_31 to %scan3A_33 step %scan3A_34 iter_args(%scan3A_61 = %scan3A) -> (i32)  : i32 {
        %mul3A_62 = arith.constant 4 : i32
        %mul3A_63 = arith.muli %scan3A_60, %mul3A_62 : i32
        %add3A_64 = arith.constant 0 : i32
        %add3A_65 = arith.addi %mul3A_63, %add3A_64 : i32
        %add3A_66 = arith.constant 3 : i32
        %add3A_67 = arith.addi %add3A_65, %add3A_66 : i32
        %lt3A = arith.constant 80 : i32
        %lt3A_68 = arith.cmpi slt, %add3A_67, %lt3A : i32
        %convert_element_type3A_69 = arith.extui %lt3A_68 : i1 to i32
        %cond3A_70 = arith.constant 0 : i32
        %cond3A_71 = arith.cmpi ne, %convert_element_type3A_69, %cond3A_70 : i32
        scf.if %cond3A_71 {
          %ge3A = arith.constant 1 : i32
          %ge3A_158 = arith.cmpi sge, %add3A_65, %ge3A : i32
          %convert_element_type3A_159 = arith.extui %ge3A_158 : i1 to i32
          %cond3A_160 = arith.constant 0 : i32
          %cond3A_161 = arith.cmpi ne, %convert_element_type3A_159, %cond3A_160 : i32
          scf.if %cond3A_161 {
            %dma_wait3A_168 = arith.constant 0 : i32
            %dma_wait3A_169 = arith.constant 0 : i32
            %dma_wait3A_170 = tpu.memref_slice %arg2[%dma_wait3A_168, %dma_wait3A_169] : memref<10000x128xf32, #tpu.memory_space<hbm>> -> memref<128x128xf32, #tpu.memory_space<hbm>>
            %dma_wait3A_171 = arith.constant 0 : i32
            %dma_wait3A_172 = arith.constant 0 : i32
            %dma_wait3A_173 = tpu.memref_slice %arg2[%dma_wait3A_171, %dma_wait3A_172] : memref<10000x128xf32, #tpu.memory_space<hbm>> -> memref<128x128xf32, #tpu.memory_space<hbm>>
            tpu.wait_dma2 semaphore(%arg17 : memref<!tpu.dma_semaphore, #tpu.memory_space<semaphore_mem>>) src(%dma_wait3A_173 : memref<128x128xf32, #tpu.memory_space<hbm>>) dst(%arg9 : memref<128x128xf32, #tpu.memory_space<vmem>>)
          } else {
          }
          %dma_start3A_162 = arith.constant 0 : i32
          %dma_start3A_163 = tpu.memref_slice %arg5[%add3A_67, %dma_start3A_162] : memref<80x128xi32, #tpu.memory_space<vmem>> -> memref<1x128xi32, #tpu.memory_space<vmem>>
          %dma_start3A_164 = tpu.memref_squeeze %dma_start3A_163 : memref<1x128xi32, #tpu.memory_space<vmem>> -> memref<128xi32, #tpu.memory_space<vmem>>
          %dma_start3A_165 = arith.constant 0 : i32
          %dma_start3A_166 = arith.constant 0 : i32
          %dma_start3A_167 = tpu.memref_slice %arg2[%dma_start3A_165, %dma_start3A_166] : memref<10000x128xf32, #tpu.memory_space<hbm>> -> memref<10000x128xf32, #tpu.memory_space<hbm>>
          tpu.enqueue_indirect_dma source(%dma_start3A_167 : memref<10000x128xf32, #tpu.memory_space<hbm>>) target(%arg9 : memref<128x128xf32, #tpu.memory_space<vmem>>) offsets(%dma_start3A_164 : memref<128xi32, #tpu.memory_space<vmem>>) semaphore(%arg13 : memref<!tpu.dma_semaphore, #tpu.memory_space<semaphore_mem>>)
        } else {
        }
        %dma_wait3A_72 = arith.constant 0 : i32
        %dma_wait3A_73 = arith.constant 0 : i32
        %dma_wait3A_74 = tpu.memref_slice %arg2[%dma_wait3A_72, %dma_wait3A_73] : memref<10000x128xf32, #tpu.memory_space<hbm>> -> memref<128x128xf32, #tpu.memory_space<hbm>>
        %dma_wait3A_75 = arith.constant 0 : i32
        %dma_wait3A_76 = arith.constant 0 : i32
        %dma_wait3A_77 = tpu.memref_slice %arg2[%dma_wait3A_75, %dma_wait3A_76] : memref<10000x128xf32, #tpu.memory_space<hbm>> -> memref<128x128xf32, #tpu.memory_space<hbm>>
        tpu.wait_dma2 semaphore(%arg10 : memref<!tpu.dma_semaphore, #tpu.memory_space<semaphore_mem>>) src(%dma_wait3A_77 : memref<128x128xf32, #tpu.memory_space<hbm>>) dst(%arg6 : memref<128x128xf32, #tpu.memory_space<vmem>>)
        %mul3A_78 = arith.constant 128 : i32
        %mul3A_79 = arith.muli %add3A_65, %mul3A_78 : i32
        %add3A_80 = arith.addi %mul3A_10, %mul3A_79 : i32
        %dma_start3A_81 = arith.constant 0 : i32
        %dma_start3A_82 = tpu.memref_slice %arg4[%add3A_80, %dma_start3A_81] : memref<327680x128xf32, #tpu.memory_space<hbm>> -> memref<128x128xf32, #tpu.memory_space<hbm>>
        %dma_start3A_83 = arith.constant 0 : i32
        %dma_start3A_84 = tpu.memref_slice %arg4[%add3A_80, %dma_start3A_83] : memref<327680x128xf32, #tpu.memory_space<hbm>> -> memref<128x128xf32, #tpu.memory_space<hbm>>
        tpu.enqueue_dma source(%arg6 : memref<128x128xf32, #tpu.memory_space<vmem>>) target(%dma_start3A_84 : memref<128x128xf32, #tpu.memory_space<hbm>>) target_semaphore(%arg14 : memref<!tpu.dma_semaphore, #tpu.memory_space<semaphore_mem>>)
        %mul3A_85 = arith.constant 4 : i32
        %mul3A_86 = arith.muli %scan3A_60, %mul3A_85 : i32
        %add3A_87 = arith.constant 1 : i32
        %add3A_88 = arith.addi %mul3A_86, %add3A_87 : i32
        %add3A_89 = arith.constant 3 : i32
        %add3A_90 = arith.addi %add3A_88, %add3A_89 : i32
        %lt3A_91 = arith.constant 80 : i32
        %lt3A_92 = arith.cmpi slt, %add3A_90, %lt3A_91 : i32
        %convert_element_type3A_93 = arith.extui %lt3A_92 : i1 to i32
        %cond3A_94 = arith.constant 0 : i32
        %cond3A_95 = arith.cmpi ne, %convert_element_type3A_93, %cond3A_94 : i32
        scf.if %cond3A_95 {
          %ge3A = arith.constant 1 : i32
          %ge3A_158 = arith.cmpi sge, %add3A_88, %ge3A : i32
          %convert_element_type3A_159 = arith.extui %ge3A_158 : i1 to i32
          %cond3A_160 = arith.constant 0 : i32
          %cond3A_161 = arith.cmpi ne, %convert_element_type3A_159, %cond3A_160 : i32
          scf.if %cond3A_161 {
            %dma_wait3A_168 = arith.constant 0 : i32
            %dma_wait3A_169 = arith.constant 0 : i32
            %dma_wait3A_170 = tpu.memref_slice %arg2[%dma_wait3A_168, %dma_wait3A_169] : memref<10000x128xf32, #tpu.memory_space<hbm>> -> memref<128x128xf32, #tpu.memory_space<hbm>>
            %dma_wait3A_171 = arith.constant 0 : i32
            %dma_wait3A_172 = arith.constant 0 : i32
            %dma_wait3A_173 = tpu.memref_slice %arg2[%dma_wait3A_171, %dma_wait3A_172] : memref<10000x128xf32, #tpu.memory_space<hbm>> -> memref<128x128xf32, #tpu.memory_space<hbm>>
            tpu.wait_dma2 semaphore(%arg14 : memref<!tpu.dma_semaphore, #tpu.memory_space<semaphore_mem>>) src(%dma_wait3A_173 : memref<128x128xf32, #tpu.memory_space<hbm>>) dst(%arg6 : memref<128x128xf32, #tpu.memory_space<vmem>>)
          } else {
          }
          %dma_start3A_162 = arith.constant 0 : i32
          %dma_start3A_163 = tpu.memref_slice %arg5[%add3A_90, %dma_start3A_162] : memref<80x128xi32, #tpu.memory_space<vmem>> -> memref<1x128xi32, #tpu.memory_space<vmem>>
          %dma_start3A_164 = tpu.memref_squeeze %dma_start3A_163 : memref<1x128xi32, #tpu.memory_space<vmem>> -> memref<128xi32, #tpu.memory_space<vmem>>
          %dma_start3A_165 = arith.constant 0 : i32
          %dma_start3A_166 = arith.constant 0 : i32
          %dma_start3A_167 = tpu.memref_slice %arg2[%dma_start3A_165, %dma_start3A_166] : memref<10000x128xf32, #tpu.memory_space<hbm>> -> memref<10000x128xf32, #tpu.memory_space<hbm>>
          tpu.enqueue_indirect_dma source(%dma_start3A_167 : memref<10000x128xf32, #tpu.memory_space<hbm>>) target(%arg6 : memref<128x128xf32, #tpu.memory_space<vmem>>) offsets(%dma_start3A_164 : memref<128xi32, #tpu.memory_space<vmem>>) semaphore(%arg10 : memref<!tpu.dma_semaphore, #tpu.memory_space<semaphore_mem>>)
        } else {
        }
        %dma_wait3A_96 = arith.constant 0 : i32
        %dma_wait3A_97 = arith.constant 0 : i32
        %dma_wait3A_98 = tpu.memref_slice %arg2[%dma_wait3A_96, %dma_wait3A_97] : memref<10000x128xf32, #tpu.memory_space<hbm>> -> memref<128x128xf32, #tpu.memory_space<hbm>>
        %dma_wait3A_99 = arith.constant 0 : i32
        %dma_wait3A_100 = arith.constant 0 : i32
        %dma_wait3A_101 = tpu.memref_slice %arg2[%dma_wait3A_99, %dma_wait3A_100] : memref<10000x128xf32, #tpu.memory_space<hbm>> -> memref<128x128xf32, #tpu.memory_space<hbm>>
        tpu.wait_dma2 semaphore(%arg11 : memref<!tpu.dma_semaphore, #tpu.memory_space<semaphore_mem>>) src(%dma_wait3A_101 : memref<128x128xf32, #tpu.memory_space<hbm>>) dst(%arg7 : memref<128x128xf32, #tpu.memory_space<vmem>>)
        %mul3A_102 = arith.constant 128 : i32
        %mul3A_103 = arith.muli %add3A_88, %mul3A_102 : i32
        %add3A_104 = arith.addi %mul3A_10, %mul3A_103 : i32
        %dma_start3A_105 = arith.constant 0 : i32
        %dma_start3A_106 = tpu.memref_slice %arg4[%add3A_104, %dma_start3A_105] : memref<327680x128xf32, #tpu.memory_space<hbm>> -> memref<128x128xf32, #tpu.memory_space<hbm>>
        %dma_start3A_107 = arith.constant 0 : i32
        %dma_start3A_108 = tpu.memref_slice %arg4[%add3A_104, %dma_start3A_107] : memref<327680x128xf32, #tpu.memory_space<hbm>> -> memref<128x128xf32, #tpu.memory_space<hbm>>
        tpu.enqueue_dma source(%arg7 : memref<128x128xf32, #tpu.memory_space<vmem>>) target(%dma_start3A_108 : memref<128x128xf32, #tpu.memory_space<hbm>>) target_semaphore(%arg15 : memref<!tpu.dma_semaphore, #tpu.memory_space<semaphore_mem>>)
        %mul3A_109 = arith.constant 4 : i32
        %mul3A_110 = arith.muli %scan3A_60, %mul3A_109 : i32
        %add3A_111 = arith.constant 2 : i32
        %add3A_112 = arith.addi %mul3A_110, %add3A_111 : i32
        %add3A_113 = arith.constant 3 : i32
        %add3A_114 = arith.addi %add3A_112, %add3A_113 : i32
        %lt3A_115 = arith.constant 80 : i32
        %lt3A_116 = arith.cmpi slt, %add3A_114, %lt3A_115 : i32
        %convert_element_type3A_117 = arith.extui %lt3A_116 : i1 to i32
        %cond3A_118 = arith.constant 0 : i32
        %cond3A_119 = arith.cmpi ne, %convert_element_type3A_117, %cond3A_118 : i32
        scf.if %cond3A_119 {
          %ge3A = arith.constant 1 : i32
          %ge3A_158 = arith.cmpi sge, %add3A_112, %ge3A : i32
          %convert_element_type3A_159 = arith.extui %ge3A_158 : i1 to i32
          %cond3A_160 = arith.constant 0 : i32
          %cond3A_161 = arith.cmpi ne, %convert_element_type3A_159, %cond3A_160 : i32
          scf.if %cond3A_161 {
            %dma_wait3A_168 = arith.constant 0 : i32
            %dma_wait3A_169 = arith.constant 0 : i32
            %dma_wait3A_170 = tpu.memref_slice %arg2[%dma_wait3A_168, %dma_wait3A_169] : memref<10000x128xf32, #tpu.memory_space<hbm>> -> memref<128x128xf32, #tpu.memory_space<hbm>>
            %dma_wait3A_171 = arith.constant 0 : i32
            %dma_wait3A_172 = arith.constant 0 : i32
            %dma_wait3A_173 = tpu.memref_slice %arg2[%dma_wait3A_171, %dma_wait3A_172] : memref<10000x128xf32, #tpu.memory_space<hbm>> -> memref<128x128xf32, #tpu.memory_space<hbm>>
            tpu.wait_dma2 semaphore(%arg15 : memref<!tpu.dma_semaphore, #tpu.memory_space<semaphore_mem>>) src(%dma_wait3A_173 : memref<128x128xf32, #tpu.memory_space<hbm>>) dst(%arg7 : memref<128x128xf32, #tpu.memory_space<vmem>>)
          } else {
          }
          %dma_start3A_162 = arith.constant 0 : i32
          %dma_start3A_163 = tpu.memref_slice %arg5[%add3A_114, %dma_start3A_162] : memref<80x128xi32, #tpu.memory_space<vmem>> -> memref<1x128xi32, #tpu.memory_space<vmem>>
          %dma_start3A_164 = tpu.memref_squeeze %dma_start3A_163 : memref<1x128xi32, #tpu.memory_space<vmem>> -> memref<128xi32, #tpu.memory_space<vmem>>
          %dma_start3A_165 = arith.constant 0 : i32
          %dma_start3A_166 = arith.constant 0 : i32
          %dma_start3A_167 = tpu.memref_slice %arg2[%dma_start3A_165, %dma_start3A_166] : memref<10000x128xf32, #tpu.memory_space<hbm>> -> memref<10000x128xf32, #tpu.memory_space<hbm>>
          tpu.enqueue_indirect_dma source(%dma_start3A_167 : memref<10000x128xf32, #tpu.memory_space<hbm>>) target(%arg7 : memref<128x128xf32, #tpu.memory_space<vmem>>) offsets(%dma_start3A_164 : memref<128xi32, #tpu.memory_space<vmem>>) semaphore(%arg11 : memref<!tpu.dma_semaphore, #tpu.memory_space<semaphore_mem>>)
        } else {
        }
        %dma_wait3A_120 = arith.constant 0 : i32
        %dma_wait3A_121 = arith.constant 0 : i32
        %dma_wait3A_122 = tpu.memref_slice %arg2[%dma_wait3A_120, %dma_wait3A_121] : memref<10000x128xf32, #tpu.memory_space<hbm>> -> memref<128x128xf32, #tpu.memory_space<hbm>>
        %dma_wait3A_123 = arith.constant 0 : i32
        %dma_wait3A_124 = arith.constant 0 : i32
        %dma_wait3A_125 = tpu.memref_slice %arg2[%dma_wait3A_123, %dma_wait3A_124] : memref<10000x128xf32, #tpu.memory_space<hbm>> -> memref<128x128xf32, #tpu.memory_space<hbm>>
        tpu.wait_dma2 semaphore(%arg12 : memref<!tpu.dma_semaphore, #tpu.memory_space<semaphore_mem>>) src(%dma_wait3A_125 : memref<128x128xf32, #tpu.memory_space<hbm>>) dst(%arg8 : memref<128x128xf32, #tpu.memory_space<vmem>>)
        %mul3A_126 = arith.constant 128 : i32
        %mul3A_127 = arith.muli %add3A_112, %mul3A_126 : i32
        %add3A_128 = arith.addi %mul3A_10, %mul3A_127 : i32
        %dma_start3A_129 = arith.constant 0 : i32
        %dma_start3A_130 = tpu.memref_slice %arg4[%add3A_128, %dma_start3A_129] : memref<327680x128xf32, #tpu.memory_space<hbm>> -> memref<128x128xf32, #tpu.memory_space<hbm>>
        %dma_start3A_131 = arith.constant 0 : i32
        %dma_start3A_132 = tpu.memref_slice %arg4[%add3A_128, %dma_start3A_131] : memref<327680x128xf32, #tpu.memory_space<hbm>> -> memref<128x128xf32, #tpu.memory_space<hbm>>
        tpu.enqueue_dma source(%arg8 : memref<128x128xf32, #tpu.memory_space<vmem>>) target(%dma_start3A_132 : memref<128x128xf32, #tpu.memory_space<hbm>>) target_semaphore(%arg16 : memref<!tpu.dma_semaphore, #tpu.memory_space<semaphore_mem>>)
        %mul3A_133 = arith.constant 4 : i32
        %mul3A_134 = arith.muli %scan3A_60, %mul3A_133 : i32
        %add3A_135 = arith.constant 3 : i32
        %add3A_136 = arith.addi %mul3A_134, %add3A_135 : i32
        %add3A_137 = arith.constant 3 : i32
        %add3A_138 = arith.addi %add3A_136, %add3A_137 : i32
        %lt3A_139 = arith.constant 80 : i32
        %lt3A_140 = arith.cmpi slt, %add3A_138, %lt3A_139 : i32
        %convert_element_type3A_141 = arith.extui %lt3A_140 : i1 to i32
        %cond3A_142 = arith.constant 0 : i32
        %cond3A_143 = arith.cmpi ne, %convert_element_type3A_141, %cond3A_142 : i32
        scf.if %cond3A_143 {
          %ge3A = arith.constant 1 : i32
          %ge3A_158 = arith.cmpi sge, %add3A_136, %ge3A : i32
          %convert_element_type3A_159 = arith.extui %ge3A_158 : i1 to i32
          %cond3A_160 = arith.constant 0 : i32
          %cond3A_161 = arith.cmpi ne, %convert_element_type3A_159, %cond3A_160 : i32
          scf.if %cond3A_161 {
            %dma_wait3A_168 = arith.constant 0 : i32
            %dma_wait3A_169 = arith.constant 0 : i32
            %dma_wait3A_170 = tpu.memref_slice %arg2[%dma_wait3A_168, %dma_wait3A_169] : memref<10000x128xf32, #tpu.memory_space<hbm>> -> memref<128x128xf32, #tpu.memory_space<hbm>>
            %dma_wait3A_171 = arith.constant 0 : i32
            %dma_wait3A_172 = arith.constant 0 : i32
            %dma_wait3A_173 = tpu.memref_slice %arg2[%dma_wait3A_171, %dma_wait3A_172] : memref<10000x128xf32, #tpu.memory_space<hbm>> -> memref<128x128xf32, #tpu.memory_space<hbm>>
            tpu.wait_dma2 semaphore(%arg16 : memref<!tpu.dma_semaphore, #tpu.memory_space<semaphore_mem>>) src(%dma_wait3A_173 : memref<128x128xf32, #tpu.memory_space<hbm>>) dst(%arg8 : memref<128x128xf32, #tpu.memory_space<vmem>>)
          } else {
          }
          %dma_start3A_162 = arith.constant 0 : i32
          %dma_start3A_163 = tpu.memref_slice %arg5[%add3A_138, %dma_start3A_162] : memref<80x128xi32, #tpu.memory_space<vmem>> -> memref<1x128xi32, #tpu.memory_space<vmem>>
          %dma_start3A_164 = tpu.memref_squeeze %dma_start3A_163 : memref<1x128xi32, #tpu.memory_space<vmem>> -> memref<128xi32, #tpu.memory_space<vmem>>
          %dma_start3A_165 = arith.constant 0 : i32
          %dma_start3A_166 = arith.constant 0 : i32
          %dma_start3A_167 = tpu.memref_slice %arg2[%dma_start3A_165, %dma_start3A_166] : memref<10000x128xf32, #tpu.memory_space<hbm>> -> memref<10000x128xf32, #tpu.memory_space<hbm>>
          tpu.enqueue_indirect_dma source(%dma_start3A_167 : memref<10000x128xf32, #tpu.memory_space<hbm>>) target(%arg8 : memref<128x128xf32, #tpu.memory_space<vmem>>) offsets(%dma_start3A_164 : memref<128xi32, #tpu.memory_space<vmem>>) semaphore(%arg12 : memref<!tpu.dma_semaphore, #tpu.memory_space<semaphore_mem>>)
        } else {
        }
        %dma_wait3A_144 = arith.constant 0 : i32
        %dma_wait3A_145 = arith.constant 0 : i32
        %dma_wait3A_146 = tpu.memref_slice %arg2[%dma_wait3A_144, %dma_wait3A_145] : memref<10000x128xf32, #tpu.memory_space<hbm>> -> memref<128x128xf32, #tpu.memory_space<hbm>>
        %dma_wait3A_147 = arith.constant 0 : i32
        %dma_wait3A_148 = arith.constant 0 : i32
        %dma_wait3A_149 = tpu.memref_slice %arg2[%dma_wait3A_147, %dma_wait3A_148] : memref<10000x128xf32, #tpu.memory_space<hbm>> -> memref<128x128xf32, #tpu.memory_space<hbm>>
        tpu.wait_dma2 semaphore(%arg13 : memref<!tpu.dma_semaphore, #tpu.memory_space<semaphore_mem>>) src(%dma_wait3A_149 : memref<128x128xf32, #tpu.memory_space<hbm>>) dst(%arg9 : memref<128x128xf32, #tpu.memory_space<vmem>>)
        %mul3A_150 = arith.constant 128 : i32
        %mul3A_151 = arith.muli %add3A_136, %mul3A_150 : i32
        %add3A_152 = arith.addi %mul3A_10, %mul3A_151 : i32
        %dma_start3A_153 = arith.constant 0 : i32
        %dma_start3A_154 = tpu.memref_slice %arg4[%add3A_152, %dma_start3A_153] : memref<327680x128xf32, #tpu.memory_space<hbm>> -> memref<128x128xf32, #tpu.memory_space<hbm>>
        %dma_start3A_155 = arith.constant 0 : i32
        %dma_start3A_156 = tpu.memref_slice %arg4[%add3A_152, %dma_start3A_155] : memref<327680x128xf32, #tpu.memory_space<hbm>> -> memref<128x128xf32, #tpu.memory_space<hbm>>
        tpu.enqueue_dma source(%arg9 : memref<128x128xf32, #tpu.memory_space<vmem>>) target(%dma_start3A_156 : memref<128x128xf32, #tpu.memory_space<hbm>>) target_semaphore(%arg17 : memref<!tpu.dma_semaphore, #tpu.memory_space<semaphore_mem>>)
        %scan3A_157 = arith.constant 0 : i32
        scf.yield %scan3A_157 : i32
      }
      %scan3A_36 = arith.constant 20 : i32
      %dma_wait3A = arith.constant 0 : i32
      %dma_wait3A_37 = arith.constant 0 : i32
      %dma_wait3A_38 = tpu.memref_slice %arg2[%dma_wait3A, %dma_wait3A_37] : memref<10000x128xf32, #tpu.memory_space<hbm>> -> memref<128x128xf32, #tpu.memory_space<hbm>>
      %dma_wait3A_39 = arith.constant 0 : i32
      %dma_wait3A_40 = arith.constant 0 : i32
      %dma_wait3A_41 = tpu.memref_slice %arg2[%dma_wait3A_39, %dma_wait3A_40] : memref<10000x128xf32, #tpu.memory_space<hbm>> -> memref<128x128xf32, #tpu.memory_space<hbm>>
      tpu.wait_dma2 semaphore(%arg14 : memref<!tpu.dma_semaphore, #tpu.memory_space<semaphore_mem>>) src(%dma_wait3A_41 : memref<128x128xf32, #tpu.memory_space<hbm>>) dst(%arg6 : memref<128x128xf32, #tpu.memory_space<vmem>>)
      %dma_wait3A_42 = arith.constant 0 : i32
      %dma_wait3A_43 = arith.constant 0 : i32
      %dma_wait3A_44 = tpu.memref_slice %arg2[%dma_wait3A_42, %dma_wait3A_43] : memref<10000x128xf32, #tpu.memory_space<hbm>> -> memref<128x128xf32, #tpu.memory_space<hbm>>
      %dma_wait3A_45 = arith.constant 0 : i32
      %dma_wait3A_46 = arith.constant 0 : i32
      %dma_wait3A_47 = tpu.memref_slice %arg2[%dma_wait3A_45, %dma_wait3A_46] : memref<10000x128xf32, #tpu.memory_space<hbm>> -> memref<128x128xf32, #tpu.memory_space<hbm>>
      tpu.wait_dma2 semaphore(%arg15 : memref<!tpu.dma_semaphore, #tpu.memory_space<semaphore_mem>>) src(%dma_wait3A_47 : memref<128x128xf32, #tpu.memory_space<hbm>>) dst(%arg7 : memref<128x128xf32, #tpu.memory_space<vmem>>)
      %dma_wait3A_48 = arith.constant 0 : i32
      %dma_wait3A_49 = arith.constant 0 : i32
      %dma_wait3A_50 = tpu.memref_slice %arg2[%dma_wait3A_48, %dma_wait3A_49] : memref<10000x128xf32, #tpu.memory_space<hbm>> -> memref<128x128xf32, #tpu.memory_space<hbm>>
      %dma_wait3A_51 = arith.constant 0 : i32
      %dma_wait3A_52 = arith.constant 0 : i32
      %dma_wait3A_53 = tpu.memref_slice %arg2[%dma_wait3A_51, %dma_wait3A_52] : memref<10000x128xf32, #tpu.memory_space<hbm>> -> memref<128x128xf32, #tpu.memory_space<hbm>>
      tpu.wait_dma2 semaphore(%arg16 : memref<!tpu.dma_semaphore, #tpu.memory_space<semaphore_mem>>) src(%dma_wait3A_53 : memref<128x128xf32, #tpu.memory_space<hbm>>) dst(%arg8 : memref<128x128xf32, #tpu.memory_space<vmem>>)
      %dma_wait3A_54 = arith.constant 0 : i32
      %dma_wait3A_55 = arith.constant 0 : i32
      %dma_wait3A_56 = tpu.memref_slice %arg2[%dma_wait3A_54, %dma_wait3A_55] : memref<10000x128xf32, #tpu.memory_space<hbm>> -> memref<128x128xf32, #tpu.memory_space<hbm>>
      %dma_wait3A_57 = arith.constant 0 : i32
      %dma_wait3A_58 = arith.constant 0 : i32
      %dma_wait3A_59 = tpu.memref_slice %arg2[%dma_wait3A_57, %dma_wait3A_58] : memref<10000x128xf32, #tpu.memory_space<hbm>> -> memref<128x128xf32, #tpu.memory_space<hbm>>
      tpu.wait_dma2 semaphore(%arg17 : memref<!tpu.dma_semaphore, #tpu.memory_space<semaphore_mem>>) src(%dma_wait3A_59 : memref<128x128xf32, #tpu.memory_space<hbm>>) dst(%arg9 : memref<128x128xf32, #tpu.memory_space<vmem>>)
    } else {
    }
    return
  }
}

#map = affine_map<(d0, d1) -> (0, 0)>
#map1 = affine_map<(d0, d1) -> (0, 0, 0)>
module attributes {stable_mosaic.version = 14 : i64} {
  func.func @_sc_scatter(%arg0: i32, %arg1: i32, %arg2: memref<163840x128xf32, #tpu.memory_space<hbm>>, %arg3: memref<163840x128xf32, #tpu.memory_space<hbm>>, %arg4: memref<16x80x128xi32, #tpu.memory_space<hbm>>, %arg5: memref<128x128xf32, #tpu.memory_space<hbm>>, %arg6: memref<10240x128xf32, #tpu.memory_space<hbm>>, %arg7: memref<10240x128xf32, #tpu.memory_space<hbm>>, %arg8: memref<80x128xi32, #tpu.memory_space<vmem>>, %arg9: memref<128x128xf32, #tpu.memory_space<vmem>>, %arg10: memref<128x128xf32, #tpu.memory_space<vmem>>, %arg11: memref<10240x128xf32, #tpu.memory_space<vmem_shared>>, %arg12: memref<!tpu.dma_semaphore, #tpu.memory_space<semaphore_mem>>, %arg13: memref<!tpu.dma_semaphore, #tpu.memory_space<semaphore_mem>>) attributes {dimension_semantics = [#tpu.dimension_semantics<core_parallel>, #tpu.dimension_semantics<subcore_parallel>], iteration_bounds = array<i64: 2, 16>, scalar_prefetch = 0 : i64, scratch_operands = 6 : i64, tpu.core_type = #tpu.core_type<sc_vector_subcore>, window_params = [{transform_indices = #map}, {transform_indices = #map}, {transform_indices = #map1}, {transform_indices = #map}, {transform_indices = #map}, {transform_indices = #map}]} {
    %mul3A = arith.constant 640 : i32
    %mul3A_0 = arith.muli %arg1, %mul3A : i32
    "tpu.region"() ({
      %run_scoped3A = tpu.sem_alloc : memref<!tpu.dma_semaphore, #tpu.memory_space<semaphore_mem>>
      tpu.enqueue_dma source(%arg5 : memref<128x128xf32, #tpu.memory_space<hbm>>) target(%arg9 : memref<128x128xf32, #tpu.memory_space<vmem>>) target_semaphore(%run_scoped3A : memref<!tpu.dma_semaphore, #tpu.memory_space<semaphore_mem>>)
      tpu.wait_dma2 semaphore(%run_scoped3A : memref<!tpu.dma_semaphore, #tpu.memory_space<semaphore_mem>>) src(%arg5 : memref<128x128xf32, #tpu.memory_space<hbm>>) dst(%arg9 : memref<128x128xf32, #tpu.memory_space<vmem>>)
      tpu.yield
    }) : () -> ()
    %scan3A = arith.constant 0 : i32
    %scan3A_1 = arith.constant 0 : i32
    %scan3A_2 = arith.constant 5 : i32
    %scan3A_3 = arith.addi %scan3A_1, %scan3A_2 : i32
    %scan3A_4 = arith.constant 1 : i32
    %scan3A_5 = scf.for %scan3A_27 = %scan3A_1 to %scan3A_3 step %scan3A_4 iter_args(%scan3A_28 = %scan3A) -> (i32)  : i32 {
      %mul3A_29 = arith.constant 128 : i32
      %mul3A_30 = arith.muli %scan3A_27, %mul3A_29 : i32
      %add3A = arith.addi %mul3A_0, %mul3A_30 : i32
      "tpu.region"() ({
        %run_scoped3A = tpu.sem_alloc : memref<!tpu.dma_semaphore, #tpu.memory_space<semaphore_mem>>
        %dma_start3A = arith.constant 0 : i32
        %dma_start3A_32 = tpu.memref_slice %arg11[%add3A, %dma_start3A] : memref<10240x128xf32, #tpu.memory_space<vmem_shared>> -> memref<128x128xf32, #tpu.memory_space<vmem_shared>>
        %dma_start3A_33 = arith.constant 0 : i32
        %dma_start3A_34 = tpu.memref_slice %arg11[%add3A, %dma_start3A_33] : memref<10240x128xf32, #tpu.memory_space<vmem_shared>> -> memref<128x128xf32, #tpu.memory_space<vmem_shared>>
        tpu.enqueue_dma source(%arg9 : memref<128x128xf32, #tpu.memory_space<vmem>>) target(%dma_start3A_34 : memref<128x128xf32, #tpu.memory_space<vmem_shared>>) target_semaphore(%run_scoped3A : memref<!tpu.dma_semaphore, #tpu.memory_space<semaphore_mem>>)
        %dma_wait3A = arith.constant 0 : i32
        %dma_wait3A_35 = tpu.memref_slice %arg11[%add3A, %dma_wait3A] : memref<10240x128xf32, #tpu.memory_space<vmem_shared>> -> memref<128x128xf32, #tpu.memory_space<vmem_shared>>
        %dma_wait3A_36 = arith.constant 0 : i32
        %dma_wait3A_37 = tpu.memref_slice %arg11[%add3A, %dma_wait3A_36] : memref<10240x128xf32, #tpu.memory_space<vmem_shared>> -> memref<128x128xf32, #tpu.memory_space<vmem_shared>>
        tpu.wait_dma2 semaphore(%run_scoped3A : memref<!tpu.dma_semaphore, #tpu.memory_space<semaphore_mem>>) src(%arg9 : memref<128x128xf32, #tpu.memory_space<vmem>>) dst(%dma_wait3A_37 : memref<128x128xf32, #tpu.memory_space<vmem_shared>>)
        tpu.yield
      }) : () -> ()
      %scan3A_31 = arith.constant 0 : i32
      scf.yield %scan3A_31 : i32
    }
    %scan3A_6 = arith.constant 5 : i32
    "tpu.region"() ({
      %run_scoped3A = tpu.sem_alloc : memref<!tpu.dma_semaphore, #tpu.memory_space<semaphore_mem>>
      %dma_start3A = arith.constant 0 : i32
      %dma_start3A_27 = arith.constant 0 : i32
      %dma_start3A_28 = tpu.memref_slice %arg4[%arg1, %dma_start3A, %dma_start3A_27] : memref<16x80x128xi32, #tpu.memory_space<hbm>> -> memref<1x80x128xi32, #tpu.memory_space<hbm>>
      %dma_start3A_29 = tpu.memref_squeeze %dma_start3A_28 : memref<1x80x128xi32, #tpu.memory_space<hbm>> -> memref<80x128xi32, #tpu.memory_space<hbm>>
      %dma_start3A_30 = arith.constant 0 : i32
      %dma_start3A_31 = arith.constant 0 : i32
      %dma_start3A_32 = tpu.memref_slice %arg4[%arg1, %dma_start3A_30, %dma_start3A_31] : memref<16x80x128xi32, #tpu.memory_space<hbm>> -> memref<1x80x128xi32, #tpu.memory_space<hbm>>
      %dma_start3A_33 = tpu.memref_squeeze %dma_start3A_32 : memref<1x80x128xi32, #tpu.memory_space<hbm>> -> memref<80x128xi32, #tpu.memory_space<hbm>>
      tpu.enqueue_dma source(%dma_start3A_33 : memref<80x128xi32, #tpu.memory_space<hbm>>) target(%arg8 : memref<80x128xi32, #tpu.memory_space<vmem>>) target_semaphore(%run_scoped3A : memref<!tpu.dma_semaphore, #tpu.memory_space<semaphore_mem>>)
      %dma_wait3A = arith.constant 0 : i32
      %dma_wait3A_34 = arith.constant 0 : i32
      %dma_wait3A_35 = tpu.memref_slice %arg4[%arg1, %dma_wait3A, %dma_wait3A_34] : memref<16x80x128xi32, #tpu.memory_space<hbm>> -> memref<1x80x128xi32, #tpu.memory_space<hbm>>
      %dma_wait3A_36 = tpu.memref_squeeze %dma_wait3A_35 : memref<1x80x128xi32, #tpu.memory_space<hbm>> -> memref<80x128xi32, #tpu.memory_space<hbm>>
      %dma_wait3A_37 = arith.constant 0 : i32
      %dma_wait3A_38 = arith.constant 0 : i32
      %dma_wait3A_39 = tpu.memref_slice %arg4[%arg1, %dma_wait3A_37, %dma_wait3A_38] : memref<16x80x128xi32, #tpu.memory_space<hbm>> -> memref<1x80x128xi32, #tpu.memory_space<hbm>>
      %dma_wait3A_40 = tpu.memref_squeeze %dma_wait3A_39 : memref<1x80x128xi32, #tpu.memory_space<hbm>> -> memref<80x128xi32, #tpu.memory_space<hbm>>
      tpu.wait_dma2 semaphore(%run_scoped3A : memref<!tpu.dma_semaphore, #tpu.memory_space<semaphore_mem>>) src(%dma_wait3A_40 : memref<80x128xi32, #tpu.memory_space<hbm>>) dst(%arg8 : memref<80x128xi32, #tpu.memory_space<vmem>>)
      tpu.yield
    }) : () -> ()
    %barrier3A = arith.constant 0 : index
    tpu.barrier barrier_id(%barrier3A)
    %mul3A_7 = arith.constant 10240 : i32
    %mul3A_8 = arith.muli %arg1, %mul3A_7 : i32
    %eq3A = arith.constant 0 : i32
    %eq3A_9 = arith.cmpi eq, %arg0, %eq3A : i32
    %convert_element_type3A = arith.extui %eq3A_9 : i1 to i32
    %cond3A = arith.constant 0 : i32
    %cond3A_10 = arith.cmpi ne, %convert_element_type3A, %cond3A : i32
    scf.if %cond3A_10 {
      %dma_start3A = arith.constant 0 : i32
      %dma_start3A_27 = tpu.memref_slice %arg2[%mul3A_8, %dma_start3A] : memref<163840x128xf32, #tpu.memory_space<hbm>> -> memref<128x128xf32, #tpu.memory_space<hbm>>
      %dma_start3A_28 = arith.constant 0 : i32
      %dma_start3A_29 = tpu.memref_slice %arg2[%mul3A_8, %dma_start3A_28] : memref<163840x128xf32, #tpu.memory_space<hbm>> -> memref<128x128xf32, #tpu.memory_space<hbm>>
      tpu.enqueue_dma source(%dma_start3A_29 : memref<128x128xf32, #tpu.memory_space<hbm>>) target(%arg9 : memref<128x128xf32, #tpu.memory_space<vmem>>) target_semaphore(%arg12 : memref<!tpu.dma_semaphore, #tpu.memory_space<semaphore_mem>>)
      %scan3A_30 = arith.constant 0 : i32
      %scan3A_31 = arith.constant 0 : i32
      %scan3A_32 = arith.constant 40 : i32
      %scan3A_33 = arith.addi %scan3A_31, %scan3A_32 : i32
      %scan3A_34 = arith.constant 1 : i32
      %scan3A_35 = scf.for %scan3A_37 = %scan3A_31 to %scan3A_33 step %scan3A_34 iter_args(%scan3A_38 = %scan3A_30) -> (i32)  : i32 {
        %mul3A_39 = arith.constant 2 : i32
        %mul3A_40 = arith.muli %mul3A_39, %scan3A_37 : i32
        %add3A = arith.constant 0 : i32
        %add3A_41 = arith.addi %mul3A_40, %add3A : i32
        %dma_wait3A = arith.constant 0 : i32
        %dma_wait3A_42 = arith.constant 0 : i32
        %dma_wait3A_43 = tpu.memref_slice %arg2[%dma_wait3A, %dma_wait3A_42] : memref<163840x128xf32, #tpu.memory_space<hbm>> -> memref<128x128xf32, #tpu.memory_space<hbm>>
        %dma_wait3A_44 = arith.constant 0 : i32
        %dma_wait3A_45 = arith.constant 0 : i32
        %dma_wait3A_46 = tpu.memref_slice %arg2[%dma_wait3A_44, %dma_wait3A_45] : memref<163840x128xf32, #tpu.memory_space<hbm>> -> memref<128x128xf32, #tpu.memory_space<hbm>>
        tpu.wait_dma2 semaphore(%arg12 : memref<!tpu.dma_semaphore, #tpu.memory_space<semaphore_mem>>) src(%dma_wait3A_46 : memref<128x128xf32, #tpu.memory_space<hbm>>) dst(%arg9 : memref<128x128xf32, #tpu.memory_space<vmem>>)
        %add3A_47 = arith.constant 1 : i32
        %add3A_48 = arith.addi %add3A_41, %add3A_47 : i32
        %lt3A = arith.constant 80 : i32
        %lt3A_49 = arith.cmpi slt, %add3A_48, %lt3A : i32
        %convert_element_type3A_50 = arith.extui %lt3A_49 : i1 to i32
        %cond3A_51 = arith.constant 0 : i32
        %cond3A_52 = arith.cmpi ne, %convert_element_type3A_50, %cond3A_51 : i32
        scf.if %cond3A_52 {
          %add3A_71 = arith.constant 1 : i32
          %add3A_72 = arith.addi %add3A_41, %add3A_71 : i32
          %mul3A_73 = arith.constant 128 : i32
          %mul3A_74 = arith.muli %add3A_72, %mul3A_73 : i32
          %add3A_75 = arith.addi %mul3A_8, %mul3A_74 : i32
          %dma_start3A_76 = arith.constant 0 : i32
          %dma_start3A_77 = tpu.memref_slice %arg2[%add3A_75, %dma_start3A_76] : memref<163840x128xf32, #tpu.memory_space<hbm>> -> memref<128x128xf32, #tpu.memory_space<hbm>>
          %dma_start3A_78 = arith.constant 0 : i32
          %dma_start3A_79 = tpu.memref_slice %arg2[%add3A_75, %dma_start3A_78] : memref<163840x128xf32, #tpu.memory_space<hbm>> -> memref<128x128xf32, #tpu.memory_space<hbm>>
          tpu.enqueue_dma source(%dma_start3A_79 : memref<128x128xf32, #tpu.memory_space<hbm>>) target(%arg10 : memref<128x128xf32, #tpu.memory_space<vmem>>) target_semaphore(%arg13 : memref<!tpu.dma_semaphore, #tpu.memory_space<semaphore_mem>>)
        } else {
        }
        "tpu.region"() ({
          %run_scoped3A = tpu.sem_alloc : memref<!tpu.dma_semaphore, #tpu.memory_space<semaphore_mem>>
          %dma_start3A_71 = arith.constant 0 : i32
          %dma_start3A_72 = tpu.memref_slice %arg8[%add3A_41, %dma_start3A_71] : memref<80x128xi32, #tpu.memory_space<vmem>> -> memref<1x128xi32, #tpu.memory_space<vmem>>
          %dma_start3A_73 = tpu.memref_squeeze %dma_start3A_72 : memref<1x128xi32, #tpu.memory_space<vmem>> -> memref<128xi32, #tpu.memory_space<vmem>>
          %dma_start3A_74 = arith.constant 0 : i32
          %dma_start3A_75 = arith.constant 0 : i32
          %dma_start3A_76 = tpu.memref_slice %arg11[%dma_start3A_74, %dma_start3A_75] : memref<10240x128xf32, #tpu.memory_space<vmem_shared>> -> memref<10240x128xf32, #tpu.memory_space<vmem_shared>>
          tpu.enqueue_indirect_dma source(%arg9 : memref<128x128xf32, #tpu.memory_space<vmem>>) target(%dma_start3A_76 : memref<10240x128xf32, #tpu.memory_space<vmem_shared>>) offsets(%dma_start3A_73 : memref<128xi32, #tpu.memory_space<vmem>>) semaphore(%run_scoped3A : memref<!tpu.dma_semaphore, #tpu.memory_space<semaphore_mem>>) {add = true}
          %dma_wait3A_77 = arith.constant 0 : i32
          %dma_wait3A_78 = tpu.memref_slice %arg8[%add3A_41, %dma_wait3A_77] : memref<80x128xi32, #tpu.memory_space<vmem>> -> memref<1x128xi32, #tpu.memory_space<vmem>>
          %dma_wait3A_79 = tpu.memref_squeeze %dma_wait3A_78 : memref<1x128xi32, #tpu.memory_space<vmem>> -> memref<128xi32, #tpu.memory_space<vmem>>
          %dma_wait3A_80 = arith.constant 0 : i32
          %dma_wait3A_81 = arith.constant 0 : i32
          %dma_wait3A_82 = tpu.memref_slice %arg11[%dma_wait3A_80, %dma_wait3A_81] : memref<10240x128xf32, #tpu.memory_space<vmem_shared>> -> memref<10240x128xf32, #tpu.memory_space<vmem_shared>>
          tpu.wait_indirect_dma semaphore(%run_scoped3A : memref<!tpu.dma_semaphore, #tpu.memory_space<semaphore_mem>>) src(%arg9 : memref<128x128xf32, #tpu.memory_space<vmem>>) dst(%dma_wait3A_82 : memref<10240x128xf32, #tpu.memory_space<vmem_shared>>)
          tpu.yield
        }) : () -> ()
        %mul3A_53 = arith.constant 2 : i32
        %mul3A_54 = arith.muli %mul3A_53, %scan3A_37 : i32
        %add3A_55 = arith.constant 1 : i32
        %add3A_56 = arith.addi %mul3A_54, %add3A_55 : i32
        %dma_wait3A_57 = arith.constant 0 : i32
        %dma_wait3A_58 = arith.constant 0 : i32
        %dma_wait3A_59 = tpu.memref_slice %arg2[%dma_wait3A_57, %dma_wait3A_58] : memref<163840x128xf32, #tpu.memory_space<hbm>> -> memref<128x128xf32, #tpu.memory_space<hbm>>
        %dma_wait3A_60 = arith.constant 0 : i32
        %dma_wait3A_61 = arith.constant 0 : i32
        %dma_wait3A_62 = tpu.memref_slice %arg2[%dma_wait3A_60, %dma_wait3A_61] : memref<163840x128xf32, #tpu.memory_space<hbm>> -> memref<128x128xf32, #tpu.memory_space<hbm>>
        tpu.wait_dma2 semaphore(%arg13 : memref<!tpu.dma_semaphore, #tpu.memory_space<semaphore_mem>>) src(%dma_wait3A_62 : memref<128x128xf32, #tpu.memory_space<hbm>>) dst(%arg10 : memref<128x128xf32, #tpu.memory_space<vmem>>)
        %add3A_63 = arith.constant 1 : i32
        %add3A_64 = arith.addi %add3A_56, %add3A_63 : i32
        %lt3A_65 = arith.constant 80 : i32
        %lt3A_66 = arith.cmpi slt, %add3A_64, %lt3A_65 : i32
        %convert_element_type3A_67 = arith.extui %lt3A_66 : i1 to i32
        %cond3A_68 = arith.constant 0 : i32
        %cond3A_69 = arith.cmpi ne, %convert_element_type3A_67, %cond3A_68 : i32
        scf.if %cond3A_69 {
          %add3A_71 = arith.constant 1 : i32
          %add3A_72 = arith.addi %add3A_56, %add3A_71 : i32
          %mul3A_73 = arith.constant 128 : i32
          %mul3A_74 = arith.muli %add3A_72, %mul3A_73 : i32
          %add3A_75 = arith.addi %mul3A_8, %mul3A_74 : i32
          %dma_start3A_76 = arith.constant 0 : i32
          %dma_start3A_77 = tpu.memref_slice %arg2[%add3A_75, %dma_start3A_76] : memref<163840x128xf32, #tpu.memory_space<hbm>> -> memref<128x128xf32, #tpu.memory_space<hbm>>
          %dma_start3A_78 = arith.constant 0 : i32
          %dma_start3A_79 = tpu.memref_slice %arg2[%add3A_75, %dma_start3A_78] : memref<163840x128xf32, #tpu.memory_space<hbm>> -> memref<128x128xf32, #tpu.memory_space<hbm>>
          tpu.enqueue_dma source(%dma_start3A_79 : memref<128x128xf32, #tpu.memory_space<hbm>>) target(%arg9 : memref<128x128xf32, #tpu.memory_space<vmem>>) target_semaphore(%arg12 : memref<!tpu.dma_semaphore, #tpu.memory_space<semaphore_mem>>)
        } else {
        }
        "tpu.region"() ({
          %run_scoped3A = tpu.sem_alloc : memref<!tpu.dma_semaphore, #tpu.memory_space<semaphore_mem>>
          %dma_start3A_71 = arith.constant 0 : i32
          %dma_start3A_72 = tpu.memref_slice %arg8[%add3A_56, %dma_start3A_71] : memref<80x128xi32, #tpu.memory_space<vmem>> -> memref<1x128xi32, #tpu.memory_space<vmem>>
          %dma_start3A_73 = tpu.memref_squeeze %dma_start3A_72 : memref<1x128xi32, #tpu.memory_space<vmem>> -> memref<128xi32, #tpu.memory_space<vmem>>
          %dma_start3A_74 = arith.constant 0 : i32
          %dma_start3A_75 = arith.constant 0 : i32
          %dma_start3A_76 = tpu.memref_slice %arg11[%dma_start3A_74, %dma_start3A_75] : memref<10240x128xf32, #tpu.memory_space<vmem_shared>> -> memref<10240x128xf32, #tpu.memory_space<vmem_shared>>
          tpu.enqueue_indirect_dma source(%arg10 : memref<128x128xf32, #tpu.memory_space<vmem>>) target(%dma_start3A_76 : memref<10240x128xf32, #tpu.memory_space<vmem_shared>>) offsets(%dma_start3A_73 : memref<128xi32, #tpu.memory_space<vmem>>) semaphore(%run_scoped3A : memref<!tpu.dma_semaphore, #tpu.memory_space<semaphore_mem>>) {add = true}
          %dma_wait3A_77 = arith.constant 0 : i32
          %dma_wait3A_78 = tpu.memref_slice %arg8[%add3A_56, %dma_wait3A_77] : memref<80x128xi32, #tpu.memory_space<vmem>> -> memref<1x128xi32, #tpu.memory_space<vmem>>
          %dma_wait3A_79 = tpu.memref_squeeze %dma_wait3A_78 : memref<1x128xi32, #tpu.memory_space<vmem>> -> memref<128xi32, #tpu.memory_space<vmem>>
          %dma_wait3A_80 = arith.constant 0 : i32
          %dma_wait3A_81 = arith.constant 0 : i32
          %dma_wait3A_82 = tpu.memref_slice %arg11[%dma_wait3A_80, %dma_wait3A_81] : memref<10240x128xf32, #tpu.memory_space<vmem_shared>> -> memref<10240x128xf32, #tpu.memory_space<vmem_shared>>
          tpu.wait_indirect_dma semaphore(%run_scoped3A : memref<!tpu.dma_semaphore, #tpu.memory_space<semaphore_mem>>) src(%arg10 : memref<128x128xf32, #tpu.memory_space<vmem>>) dst(%dma_wait3A_82 : memref<10240x128xf32, #tpu.memory_space<vmem_shared>>)
          tpu.yield
        }) : () -> ()
        %scan3A_70 = arith.constant 0 : i32
        scf.yield %scan3A_70 : i32
      }
      %scan3A_36 = arith.constant 40 : i32
    } else {
    }
    %eq3A_11 = arith.constant 1 : i32
    %eq3A_12 = arith.cmpi eq, %arg0, %eq3A_11 : i32
    %convert_element_type3A_13 = arith.extui %eq3A_12 : i1 to i32
    %cond3A_14 = arith.constant 0 : i32
    %cond3A_15 = arith.cmpi ne, %convert_element_type3A_13, %cond3A_14 : i32
    scf.if %cond3A_15 {
      %dma_start3A = arith.constant 0 : i32
      %dma_start3A_27 = tpu.memref_slice %arg3[%mul3A_8, %dma_start3A] : memref<163840x128xf32, #tpu.memory_space<hbm>> -> memref<128x128xf32, #tpu.memory_space<hbm>>
      %dma_start3A_28 = arith.constant 0 : i32
      %dma_start3A_29 = tpu.memref_slice %arg3[%mul3A_8, %dma_start3A_28] : memref<163840x128xf32, #tpu.memory_space<hbm>> -> memref<128x128xf32, #tpu.memory_space<hbm>>
      tpu.enqueue_dma source(%dma_start3A_29 : memref<128x128xf32, #tpu.memory_space<hbm>>) target(%arg9 : memref<128x128xf32, #tpu.memory_space<vmem>>) target_semaphore(%arg12 : memref<!tpu.dma_semaphore, #tpu.memory_space<semaphore_mem>>)
      %scan3A_30 = arith.constant 0 : i32
      %scan3A_31 = arith.constant 0 : i32
      %scan3A_32 = arith.constant 40 : i32
      %scan3A_33 = arith.addi %scan3A_31, %scan3A_32 : i32
      %scan3A_34 = arith.constant 1 : i32
      %scan3A_35 = scf.for %scan3A_37 = %scan3A_31 to %scan3A_33 step %scan3A_34 iter_args(%scan3A_38 = %scan3A_30) -> (i32)  : i32 {
        %mul3A_39 = arith.constant 2 : i32
        %mul3A_40 = arith.muli %mul3A_39, %scan3A_37 : i32
        %add3A = arith.constant 0 : i32
        %add3A_41 = arith.addi %mul3A_40, %add3A : i32
        %dma_wait3A = arith.constant 0 : i32
        %dma_wait3A_42 = arith.constant 0 : i32
        %dma_wait3A_43 = tpu.memref_slice %arg3[%dma_wait3A, %dma_wait3A_42] : memref<163840x128xf32, #tpu.memory_space<hbm>> -> memref<128x128xf32, #tpu.memory_space<hbm>>
        %dma_wait3A_44 = arith.constant 0 : i32
        %dma_wait3A_45 = arith.constant 0 : i32
        %dma_wait3A_46 = tpu.memref_slice %arg3[%dma_wait3A_44, %dma_wait3A_45] : memref<163840x128xf32, #tpu.memory_space<hbm>> -> memref<128x128xf32, #tpu.memory_space<hbm>>
        tpu.wait_dma2 semaphore(%arg12 : memref<!tpu.dma_semaphore, #tpu.memory_space<semaphore_mem>>) src(%dma_wait3A_46 : memref<128x128xf32, #tpu.memory_space<hbm>>) dst(%arg9 : memref<128x128xf32, #tpu.memory_space<vmem>>)
        %add3A_47 = arith.constant 1 : i32
        %add3A_48 = arith.addi %add3A_41, %add3A_47 : i32
        %lt3A = arith.constant 80 : i32
        %lt3A_49 = arith.cmpi slt, %add3A_48, %lt3A : i32
        %convert_element_type3A_50 = arith.extui %lt3A_49 : i1 to i32
        %cond3A_51 = arith.constant 0 : i32
        %cond3A_52 = arith.cmpi ne, %convert_element_type3A_50, %cond3A_51 : i32
        scf.if %cond3A_52 {
          %add3A_71 = arith.constant 1 : i32
          %add3A_72 = arith.addi %add3A_41, %add3A_71 : i32
          %mul3A_73 = arith.constant 128 : i32
          %mul3A_74 = arith.muli %add3A_72, %mul3A_73 : i32
          %add3A_75 = arith.addi %mul3A_8, %mul3A_74 : i32
          %dma_start3A_76 = arith.constant 0 : i32
          %dma_start3A_77 = tpu.memref_slice %arg3[%add3A_75, %dma_start3A_76] : memref<163840x128xf32, #tpu.memory_space<hbm>> -> memref<128x128xf32, #tpu.memory_space<hbm>>
          %dma_start3A_78 = arith.constant 0 : i32
          %dma_start3A_79 = tpu.memref_slice %arg3[%add3A_75, %dma_start3A_78] : memref<163840x128xf32, #tpu.memory_space<hbm>> -> memref<128x128xf32, #tpu.memory_space<hbm>>
          tpu.enqueue_dma source(%dma_start3A_79 : memref<128x128xf32, #tpu.memory_space<hbm>>) target(%arg10 : memref<128x128xf32, #tpu.memory_space<vmem>>) target_semaphore(%arg13 : memref<!tpu.dma_semaphore, #tpu.memory_space<semaphore_mem>>)
        } else {
        }
        "tpu.region"() ({
          %run_scoped3A = tpu.sem_alloc : memref<!tpu.dma_semaphore, #tpu.memory_space<semaphore_mem>>
          %dma_start3A_71 = arith.constant 0 : i32
          %dma_start3A_72 = tpu.memref_slice %arg8[%add3A_41, %dma_start3A_71] : memref<80x128xi32, #tpu.memory_space<vmem>> -> memref<1x128xi32, #tpu.memory_space<vmem>>
          %dma_start3A_73 = tpu.memref_squeeze %dma_start3A_72 : memref<1x128xi32, #tpu.memory_space<vmem>> -> memref<128xi32, #tpu.memory_space<vmem>>
          %dma_start3A_74 = arith.constant 0 : i32
          %dma_start3A_75 = arith.constant 0 : i32
          %dma_start3A_76 = tpu.memref_slice %arg11[%dma_start3A_74, %dma_start3A_75] : memref<10240x128xf32, #tpu.memory_space<vmem_shared>> -> memref<10240x128xf32, #tpu.memory_space<vmem_shared>>
          tpu.enqueue_indirect_dma source(%arg9 : memref<128x128xf32, #tpu.memory_space<vmem>>) target(%dma_start3A_76 : memref<10240x128xf32, #tpu.memory_space<vmem_shared>>) offsets(%dma_start3A_73 : memref<128xi32, #tpu.memory_space<vmem>>) semaphore(%run_scoped3A : memref<!tpu.dma_semaphore, #tpu.memory_space<semaphore_mem>>) {add = true}
          %dma_wait3A_77 = arith.constant 0 : i32
          %dma_wait3A_78 = tpu.memref_slice %arg8[%add3A_41, %dma_wait3A_77] : memref<80x128xi32, #tpu.memory_space<vmem>> -> memref<1x128xi32, #tpu.memory_space<vmem>>
          %dma_wait3A_79 = tpu.memref_squeeze %dma_wait3A_78 : memref<1x128xi32, #tpu.memory_space<vmem>> -> memref<128xi32, #tpu.memory_space<vmem>>
          %dma_wait3A_80 = arith.constant 0 : i32
          %dma_wait3A_81 = arith.constant 0 : i32
          %dma_wait3A_82 = tpu.memref_slice %arg11[%dma_wait3A_80, %dma_wait3A_81] : memref<10240x128xf32, #tpu.memory_space<vmem_shared>> -> memref<10240x128xf32, #tpu.memory_space<vmem_shared>>
          tpu.wait_indirect_dma semaphore(%run_scoped3A : memref<!tpu.dma_semaphore, #tpu.memory_space<semaphore_mem>>) src(%arg9 : memref<128x128xf32, #tpu.memory_space<vmem>>) dst(%dma_wait3A_82 : memref<10240x128xf32, #tpu.memory_space<vmem_shared>>)
          tpu.yield
        }) : () -> ()
        %mul3A_53 = arith.constant 2 : i32
        %mul3A_54 = arith.muli %mul3A_53, %scan3A_37 : i32
        %add3A_55 = arith.constant 1 : i32
        %add3A_56 = arith.addi %mul3A_54, %add3A_55 : i32
        %dma_wait3A_57 = arith.constant 0 : i32
        %dma_wait3A_58 = arith.constant 0 : i32
        %dma_wait3A_59 = tpu.memref_slice %arg3[%dma_wait3A_57, %dma_wait3A_58] : memref<163840x128xf32, #tpu.memory_space<hbm>> -> memref<128x128xf32, #tpu.memory_space<hbm>>
        %dma_wait3A_60 = arith.constant 0 : i32
        %dma_wait3A_61 = arith.constant 0 : i32
        %dma_wait3A_62 = tpu.memref_slice %arg3[%dma_wait3A_60, %dma_wait3A_61] : memref<163840x128xf32, #tpu.memory_space<hbm>> -> memref<128x128xf32, #tpu.memory_space<hbm>>
        tpu.wait_dma2 semaphore(%arg13 : memref<!tpu.dma_semaphore, #tpu.memory_space<semaphore_mem>>) src(%dma_wait3A_62 : memref<128x128xf32, #tpu.memory_space<hbm>>) dst(%arg10 : memref<128x128xf32, #tpu.memory_space<vmem>>)
        %add3A_63 = arith.constant 1 : i32
        %add3A_64 = arith.addi %add3A_56, %add3A_63 : i32
        %lt3A_65 = arith.constant 80 : i32
        %lt3A_66 = arith.cmpi slt, %add3A_64, %lt3A_65 : i32
        %convert_element_type3A_67 = arith.extui %lt3A_66 : i1 to i32
        %cond3A_68 = arith.constant 0 : i32
        %cond3A_69 = arith.cmpi ne, %convert_element_type3A_67, %cond3A_68 : i32
        scf.if %cond3A_69 {
          %add3A_71 = arith.constant 1 : i32
          %add3A_72 = arith.addi %add3A_56, %add3A_71 : i32
          %mul3A_73 = arith.constant 128 : i32
          %mul3A_74 = arith.muli %add3A_72, %mul3A_73 : i32
          %add3A_75 = arith.addi %mul3A_8, %mul3A_74 : i32
          %dma_start3A_76 = arith.constant 0 : i32
          %dma_start3A_77 = tpu.memref_slice %arg3[%add3A_75, %dma_start3A_76] : memref<163840x128xf32, #tpu.memory_space<hbm>> -> memref<128x128xf32, #tpu.memory_space<hbm>>
          %dma_start3A_78 = arith.constant 0 : i32
          %dma_start3A_79 = tpu.memref_slice %arg3[%add3A_75, %dma_start3A_78] : memref<163840x128xf32, #tpu.memory_space<hbm>> -> memref<128x128xf32, #tpu.memory_space<hbm>>
          tpu.enqueue_dma source(%dma_start3A_79 : memref<128x128xf32, #tpu.memory_space<hbm>>) target(%arg9 : memref<128x128xf32, #tpu.memory_space<vmem>>) target_semaphore(%arg12 : memref<!tpu.dma_semaphore, #tpu.memory_space<semaphore_mem>>)
        } else {
        }
        "tpu.region"() ({
          %run_scoped3A = tpu.sem_alloc : memref<!tpu.dma_semaphore, #tpu.memory_space<semaphore_mem>>
          %dma_start3A_71 = arith.constant 0 : i32
          %dma_start3A_72 = tpu.memref_slice %arg8[%add3A_56, %dma_start3A_71] : memref<80x128xi32, #tpu.memory_space<vmem>> -> memref<1x128xi32, #tpu.memory_space<vmem>>
          %dma_start3A_73 = tpu.memref_squeeze %dma_start3A_72 : memref<1x128xi32, #tpu.memory_space<vmem>> -> memref<128xi32, #tpu.memory_space<vmem>>
          %dma_start3A_74 = arith.constant 0 : i32
          %dma_start3A_75 = arith.constant 0 : i32
          %dma_start3A_76 = tpu.memref_slice %arg11[%dma_start3A_74, %dma_start3A_75] : memref<10240x128xf32, #tpu.memory_space<vmem_shared>> -> memref<10240x128xf32, #tpu.memory_space<vmem_shared>>
          tpu.enqueue_indirect_dma source(%arg10 : memref<128x128xf32, #tpu.memory_space<vmem>>) target(%dma_start3A_76 : memref<10240x128xf32, #tpu.memory_space<vmem_shared>>) offsets(%dma_start3A_73 : memref<128xi32, #tpu.memory_space<vmem>>) semaphore(%run_scoped3A : memref<!tpu.dma_semaphore, #tpu.memory_space<semaphore_mem>>) {add = true}
          %dma_wait3A_77 = arith.constant 0 : i32
          %dma_wait3A_78 = tpu.memref_slice %arg8[%add3A_56, %dma_wait3A_77] : memref<80x128xi32, #tpu.memory_space<vmem>> -> memref<1x128xi32, #tpu.memory_space<vmem>>
          %dma_wait3A_79 = tpu.memref_squeeze %dma_wait3A_78 : memref<1x128xi32, #tpu.memory_space<vmem>> -> memref<128xi32, #tpu.memory_space<vmem>>
          %dma_wait3A_80 = arith.constant 0 : i32
          %dma_wait3A_81 = arith.constant 0 : i32
          %dma_wait3A_82 = tpu.memref_slice %arg11[%dma_wait3A_80, %dma_wait3A_81] : memref<10240x128xf32, #tpu.memory_space<vmem_shared>> -> memref<10240x128xf32, #tpu.memory_space<vmem_shared>>
          tpu.wait_indirect_dma semaphore(%run_scoped3A : memref<!tpu.dma_semaphore, #tpu.memory_space<semaphore_mem>>) src(%arg10 : memref<128x128xf32, #tpu.memory_space<vmem>>) dst(%dma_wait3A_82 : memref<10240x128xf32, #tpu.memory_space<vmem_shared>>)
          tpu.yield
        }) : () -> ()
        %scan3A_70 = arith.constant 0 : i32
        scf.yield %scan3A_70 : i32
      }
      %scan3A_36 = arith.constant 40 : i32
    } else {
    }
    %barrier3A_16 = arith.constant 0 : index
    tpu.barrier barrier_id(%barrier3A_16)
    %eq3A_17 = arith.constant 0 : i32
    %eq3A_18 = arith.cmpi eq, %arg0, %eq3A_17 : i32
    %convert_element_type3A_19 = arith.extui %eq3A_18 : i1 to i32
    %cond3A_20 = arith.constant 0 : i32
    %cond3A_21 = arith.cmpi ne, %convert_element_type3A_19, %cond3A_20 : i32
    scf.if %cond3A_21 {
      %scan3A_27 = arith.constant 0 : i32
      %scan3A_28 = arith.constant 0 : i32
      %scan3A_29 = arith.constant 5 : i32
      %scan3A_30 = arith.addi %scan3A_28, %scan3A_29 : i32
      %scan3A_31 = arith.constant 1 : i32
      %scan3A_32 = scf.for %scan3A_34 = %scan3A_28 to %scan3A_30 step %scan3A_31 iter_args(%scan3A_35 = %scan3A_27) -> (i32)  : i32 {
        %mul3A_36 = arith.constant 128 : i32
        %mul3A_37 = arith.muli %scan3A_34, %mul3A_36 : i32
        %add3A = arith.addi %mul3A_0, %mul3A_37 : i32
        "tpu.region"() ({
          %run_scoped3A = tpu.sem_alloc : memref<!tpu.dma_semaphore, #tpu.memory_space<semaphore_mem>>
          %dma_start3A = arith.constant 0 : i32
          %dma_start3A_42 = tpu.memref_slice %arg11[%add3A, %dma_start3A] : memref<10240x128xf32, #tpu.memory_space<vmem_shared>> -> memref<128x128xf32, #tpu.memory_space<vmem_shared>>
          %dma_start3A_43 = arith.constant 0 : i32
          %dma_start3A_44 = tpu.memref_slice %arg11[%add3A, %dma_start3A_43] : memref<10240x128xf32, #tpu.memory_space<vmem_shared>> -> memref<128x128xf32, #tpu.memory_space<vmem_shared>>
          tpu.enqueue_dma source(%dma_start3A_44 : memref<128x128xf32, #tpu.memory_space<vmem_shared>>) target(%arg9 : memref<128x128xf32, #tpu.memory_space<vmem>>) target_semaphore(%run_scoped3A : memref<!tpu.dma_semaphore, #tpu.memory_space<semaphore_mem>>)
          %dma_wait3A = arith.constant 0 : i32
          %dma_wait3A_45 = tpu.memref_slice %arg11[%add3A, %dma_wait3A] : memref<10240x128xf32, #tpu.memory_space<vmem_shared>> -> memref<128x128xf32, #tpu.memory_space<vmem_shared>>
          %dma_wait3A_46 = arith.constant 0 : i32
          %dma_wait3A_47 = tpu.memref_slice %arg11[%add3A, %dma_wait3A_46] : memref<10240x128xf32, #tpu.memory_space<vmem_shared>> -> memref<128x128xf32, #tpu.memory_space<vmem_shared>>
          tpu.wait_dma2 semaphore(%run_scoped3A : memref<!tpu.dma_semaphore, #tpu.memory_space<semaphore_mem>>) src(%dma_wait3A_47 : memref<128x128xf32, #tpu.memory_space<vmem_shared>>) dst(%arg9 : memref<128x128xf32, #tpu.memory_space<vmem>>)
          tpu.yield
        }) : () -> ()
        %mul3A_38 = arith.constant 128 : i32
        %mul3A_39 = arith.muli %scan3A_34, %mul3A_38 : i32
        %add3A_40 = arith.addi %mul3A_0, %mul3A_39 : i32
        "tpu.region"() ({
          %run_scoped3A = tpu.sem_alloc : memref<!tpu.dma_semaphore, #tpu.memory_space<semaphore_mem>>
          %dma_start3A = arith.constant 0 : i32
          %dma_start3A_42 = tpu.memref_slice %arg6[%add3A_40, %dma_start3A] : memref<10240x128xf32, #tpu.memory_space<hbm>> -> memref<128x128xf32, #tpu.memory_space<hbm>>
          %dma_start3A_43 = arith.constant 0 : i32
          %dma_start3A_44 = tpu.memref_slice %arg6[%add3A_40, %dma_start3A_43] : memref<10240x128xf32, #tpu.memory_space<hbm>> -> memref<128x128xf32, #tpu.memory_space<hbm>>
          tpu.enqueue_dma source(%arg9 : memref<128x128xf32, #tpu.memory_space<vmem>>) target(%dma_start3A_44 : memref<128x128xf32, #tpu.memory_space<hbm>>) target_semaphore(%run_scoped3A : memref<!tpu.dma_semaphore, #tpu.memory_space<semaphore_mem>>)
          %dma_wait3A = arith.constant 0 : i32
          %dma_wait3A_45 = tpu.memref_slice %arg6[%add3A_40, %dma_wait3A] : memref<10240x128xf32, #tpu.memory_space<hbm>> -> memref<128x128xf32, #tpu.memory_space<hbm>>
          %dma_wait3A_46 = arith.constant 0 : i32
          %dma_wait3A_47 = tpu.memref_slice %arg6[%add3A_40, %dma_wait3A_46] : memref<10240x128xf32, #tpu.memory_space<hbm>> -> memref<128x128xf32, #tpu.memory_space<hbm>>
          tpu.wait_dma2 semaphore(%run_scoped3A : memref<!tpu.dma_semaphore, #tpu.memory_space<semaphore_mem>>) src(%arg9 : memref<128x128xf32, #tpu.memory_space<vmem>>) dst(%dma_wait3A_47 : memref<128x128xf32, #tpu.memory_space<hbm>>)
          tpu.yield
        }) : () -> ()
        %scan3A_41 = arith.constant 0 : i32
        scf.yield %scan3A_41 : i32
      }
      %scan3A_33 = arith.constant 5 : i32
    } else {
    }
    %eq3A_22 = arith.constant 1 : i32
    %eq3A_23 = arith.cmpi eq, %arg0, %eq3A_22 : i32
    %convert_element_type3A_24 = arith.extui %eq3A_23 : i1 to i32
    %cond3A_25 = arith.constant 0 : i32
    %cond3A_26 = arith.cmpi ne, %convert_element_type3A_24, %cond3A_25 : i32
    scf.if %cond3A_26 {
      %scan3A_27 = arith.constant 0 : i32
      %scan3A_28 = arith.constant 0 : i32
      %scan3A_29 = arith.constant 5 : i32
      %scan3A_30 = arith.addi %scan3A_28, %scan3A_29 : i32
      %scan3A_31 = arith.constant 1 : i32
      %scan3A_32 = scf.for %scan3A_34 = %scan3A_28 to %scan3A_30 step %scan3A_31 iter_args(%scan3A_35 = %scan3A_27) -> (i32)  : i32 {
        %mul3A_36 = arith.constant 128 : i32
        %mul3A_37 = arith.muli %scan3A_34, %mul3A_36 : i32
        %add3A = arith.addi %mul3A_0, %mul3A_37 : i32
        "tpu.region"() ({
          %run_scoped3A = tpu.sem_alloc : memref<!tpu.dma_semaphore, #tpu.memory_space<semaphore_mem>>
          %dma_start3A = arith.constant 0 : i32
          %dma_start3A_42 = tpu.memref_slice %arg11[%add3A, %dma_start3A] : memref<10240x128xf32, #tpu.memory_space<vmem_shared>> -> memref<128x128xf32, #tpu.memory_space<vmem_shared>>
          %dma_start3A_43 = arith.constant 0 : i32
          %dma_start3A_44 = tpu.memref_slice %arg11[%add3A, %dma_start3A_43] : memref<10240x128xf32, #tpu.memory_space<vmem_shared>> -> memref<128x128xf32, #tpu.memory_space<vmem_shared>>
          tpu.enqueue_dma source(%dma_start3A_44 : memref<128x128xf32, #tpu.memory_space<vmem_shared>>) target(%arg9 : memref<128x128xf32, #tpu.memory_space<vmem>>) target_semaphore(%run_scoped3A : memref<!tpu.dma_semaphore, #tpu.memory_space<semaphore_mem>>)
          %dma_wait3A = arith.constant 0 : i32
          %dma_wait3A_45 = tpu.memref_slice %arg11[%add3A, %dma_wait3A] : memref<10240x128xf32, #tpu.memory_space<vmem_shared>> -> memref<128x128xf32, #tpu.memory_space<vmem_shared>>
          %dma_wait3A_46 = arith.constant 0 : i32
          %dma_wait3A_47 = tpu.memref_slice %arg11[%add3A, %dma_wait3A_46] : memref<10240x128xf32, #tpu.memory_space<vmem_shared>> -> memref<128x128xf32, #tpu.memory_space<vmem_shared>>
          tpu.wait_dma2 semaphore(%run_scoped3A : memref<!tpu.dma_semaphore, #tpu.memory_space<semaphore_mem>>) src(%dma_wait3A_47 : memref<128x128xf32, #tpu.memory_space<vmem_shared>>) dst(%arg9 : memref<128x128xf32, #tpu.memory_space<vmem>>)
          tpu.yield
        }) : () -> ()
        %mul3A_38 = arith.constant 128 : i32
        %mul3A_39 = arith.muli %scan3A_34, %mul3A_38 : i32
        %add3A_40 = arith.addi %mul3A_0, %mul3A_39 : i32
        "tpu.region"() ({
          %run_scoped3A = tpu.sem_alloc : memref<!tpu.dma_semaphore, #tpu.memory_space<semaphore_mem>>
          %dma_start3A = arith.constant 0 : i32
          %dma_start3A_42 = tpu.memref_slice %arg7[%add3A_40, %dma_start3A] : memref<10240x128xf32, #tpu.memory_space<hbm>> -> memref<128x128xf32, #tpu.memory_space<hbm>>
          %dma_start3A_43 = arith.constant 0 : i32
          %dma_start3A_44 = tpu.memref_slice %arg7[%add3A_40, %dma_start3A_43] : memref<10240x128xf32, #tpu.memory_space<hbm>> -> memref<128x128xf32, #tpu.memory_space<hbm>>
          tpu.enqueue_dma source(%arg9 : memref<128x128xf32, #tpu.memory_space<vmem>>) target(%dma_start3A_44 : memref<128x128xf32, #tpu.memory_space<hbm>>) target_semaphore(%run_scoped3A : memref<!tpu.dma_semaphore, #tpu.memory_space<semaphore_mem>>)
          %dma_wait3A = arith.constant 0 : i32
          %dma_wait3A_45 = tpu.memref_slice %arg7[%add3A_40, %dma_wait3A] : memref<10240x128xf32, #tpu.memory_space<hbm>> -> memref<128x128xf32, #tpu.memory_space<hbm>>
          %dma_wait3A_46 = arith.constant 0 : i32
          %dma_wait3A_47 = tpu.memref_slice %arg7[%add3A_40, %dma_wait3A_46] : memref<10240x128xf32, #tpu.memory_space<hbm>> -> memref<128x128xf32, #tpu.memory_space<hbm>>
          tpu.wait_dma2 semaphore(%run_scoped3A : memref<!tpu.dma_semaphore, #tpu.memory_space<semaphore_mem>>) src(%arg9 : memref<128x128xf32, #tpu.memory_space<vmem>>) dst(%dma_wait3A_47 : memref<128x128xf32, #tpu.memory_space<hbm>>)
          tpu.yield
        }) : () -> ()
        %scan3A_41 = arith.constant 0 : i32
        scf.yield %scan3A_41 : i32
      }
      %scan3A_33 = arith.constant 5 : i32
    } else {
    }
    return
  }
}

#map = affine_map<(d0, d1) -> (0, 0)>
#map1 = affine_map<(d0, d1) -> (0, 0, 0)>
module attributes {stable_mosaic.version = 14 : i64} {
  func.func @_sc_scatter(%arg0: i32, %arg1: i32, %arg2: memref<163840x128xf32, #tpu.memory_space<hbm>>, %arg3: memref<163840x128xf32, #tpu.memory_space<hbm>>, %arg4: memref<16x80x128xi32, #tpu.memory_space<hbm>>, %arg5: memref<128x128xf32, #tpu.memory_space<hbm>>, %arg6: memref<10240x128xf32, #tpu.memory_space<hbm>>, %arg7: memref<10240x128xf32, #tpu.memory_space<hbm>>, %arg8: memref<80x128xi32, #tpu.memory_space<vmem>>, %arg9: memref<128x128xf32, #tpu.memory_space<vmem>>, %arg10: memref<128x128xf32, #tpu.memory_space<vmem>>, %arg11: memref<10240x128xf32, #tpu.memory_space<vmem_shared>>, %arg12: memref<!tpu.dma_semaphore, #tpu.memory_space<semaphore_mem>>, %arg13: memref<!tpu.dma_semaphore, #tpu.memory_space<semaphore_mem>>) attributes {dimension_semantics = [#tpu.dimension_semantics<core_parallel>, #tpu.dimension_semantics<subcore_parallel>], iteration_bounds = array<i64: 2, 16>, scalar_prefetch = 0 : i64, scratch_operands = 6 : i64, tpu.core_type = #tpu.core_type<sc_vector_subcore>, window_params = [{transform_indices = #map}, {transform_indices = #map}, {transform_indices = #map1}, {transform_indices = #map}, {transform_indices = #map}, {transform_indices = #map}]} {
    %mul3A = arith.constant 640 : i32
    %mul3A_0 = arith.muli %arg1, %mul3A : i32
    "tpu.region"() ({
      %run_scoped3A = tpu.sem_alloc : memref<!tpu.dma_semaphore, #tpu.memory_space<semaphore_mem>>
      tpu.enqueue_dma source(%arg5 : memref<128x128xf32, #tpu.memory_space<hbm>>) target(%arg9 : memref<128x128xf32, #tpu.memory_space<vmem>>) target_semaphore(%run_scoped3A : memref<!tpu.dma_semaphore, #tpu.memory_space<semaphore_mem>>)
      tpu.wait_dma2 semaphore(%run_scoped3A : memref<!tpu.dma_semaphore, #tpu.memory_space<semaphore_mem>>) src(%arg5 : memref<128x128xf32, #tpu.memory_space<hbm>>) dst(%arg9 : memref<128x128xf32, #tpu.memory_space<vmem>>)
      tpu.yield
    }) : () -> ()
    %scan3A = arith.constant 0 : i32
    %scan3A_1 = arith.constant 0 : i32
    %scan3A_2 = arith.constant 5 : i32
    %scan3A_3 = arith.addi %scan3A_1, %scan3A_2 : i32
    %scan3A_4 = arith.constant 1 : i32
    %scan3A_5 = scf.for %scan3A_27 = %scan3A_1 to %scan3A_3 step %scan3A_4 iter_args(%scan3A_28 = %scan3A) -> (i32)  : i32 {
      %mul3A_29 = arith.constant 128 : i32
      %mul3A_30 = arith.muli %scan3A_27, %mul3A_29 : i32
      %add3A = arith.addi %mul3A_0, %mul3A_30 : i32
      "tpu.region"() ({
        %run_scoped3A = tpu.sem_alloc : memref<!tpu.dma_semaphore, #tpu.memory_space<semaphore_mem>>
        %dma_start3A = arith.constant 0 : i32
        %dma_start3A_32 = tpu.memref_slice %arg11[%add3A, %dma_start3A] : memref<10240x128xf32, #tpu.memory_space<vmem_shared>> -> memref<128x128xf32, #tpu.memory_space<vmem_shared>>
        %dma_start3A_33 = arith.constant 0 : i32
        %dma_start3A_34 = tpu.memref_slice %arg11[%add3A, %dma_start3A_33] : memref<10240x128xf32, #tpu.memory_space<vmem_shared>> -> memref<128x128xf32, #tpu.memory_space<vmem_shared>>
        tpu.enqueue_dma source(%arg9 : memref<128x128xf32, #tpu.memory_space<vmem>>) target(%dma_start3A_34 : memref<128x128xf32, #tpu.memory_space<vmem_shared>>) target_semaphore(%run_scoped3A : memref<!tpu.dma_semaphore, #tpu.memory_space<semaphore_mem>>)
        %dma_wait3A = arith.constant 0 : i32
        %dma_wait3A_35 = tpu.memref_slice %arg11[%add3A, %dma_wait3A] : memref<10240x128xf32, #tpu.memory_space<vmem_shared>> -> memref<128x128xf32, #tpu.memory_space<vmem_shared>>
        %dma_wait3A_36 = arith.constant 0 : i32
        %dma_wait3A_37 = tpu.memref_slice %arg11[%add3A, %dma_wait3A_36] : memref<10240x128xf32, #tpu.memory_space<vmem_shared>> -> memref<128x128xf32, #tpu.memory_space<vmem_shared>>
        tpu.wait_dma2 semaphore(%run_scoped3A : memref<!tpu.dma_semaphore, #tpu.memory_space<semaphore_mem>>) src(%arg9 : memref<128x128xf32, #tpu.memory_space<vmem>>) dst(%dma_wait3A_37 : memref<128x128xf32, #tpu.memory_space<vmem_shared>>)
        tpu.yield
      }) : () -> ()
      %scan3A_31 = arith.constant 0 : i32
      scf.yield %scan3A_31 : i32
    }
    %scan3A_6 = arith.constant 5 : i32
    "tpu.region"() ({
      %run_scoped3A = tpu.sem_alloc : memref<!tpu.dma_semaphore, #tpu.memory_space<semaphore_mem>>
      %dma_start3A = arith.constant 0 : i32
      %dma_start3A_27 = arith.constant 0 : i32
      %dma_start3A_28 = tpu.memref_slice %arg4[%arg1, %dma_start3A, %dma_start3A_27] : memref<16x80x128xi32, #tpu.memory_space<hbm>> -> memref<1x80x128xi32, #tpu.memory_space<hbm>>
      %dma_start3A_29 = tpu.memref_squeeze %dma_start3A_28 : memref<1x80x128xi32, #tpu.memory_space<hbm>> -> memref<80x128xi32, #tpu.memory_space<hbm>>
      %dma_start3A_30 = arith.constant 0 : i32
      %dma_start3A_31 = arith.constant 0 : i32
      %dma_start3A_32 = tpu.memref_slice %arg4[%arg1, %dma_start3A_30, %dma_start3A_31] : memref<16x80x128xi32, #tpu.memory_space<hbm>> -> memref<1x80x128xi32, #tpu.memory_space<hbm>>
      %dma_start3A_33 = tpu.memref_squeeze %dma_start3A_32 : memref<1x80x128xi32, #tpu.memory_space<hbm>> -> memref<80x128xi32, #tpu.memory_space<hbm>>
      tpu.enqueue_dma source(%dma_start3A_33 : memref<80x128xi32, #tpu.memory_space<hbm>>) target(%arg8 : memref<80x128xi32, #tpu.memory_space<vmem>>) target_semaphore(%run_scoped3A : memref<!tpu.dma_semaphore, #tpu.memory_space<semaphore_mem>>)
      %dma_wait3A = arith.constant 0 : i32
      %dma_wait3A_34 = arith.constant 0 : i32
      %dma_wait3A_35 = tpu.memref_slice %arg4[%arg1, %dma_wait3A, %dma_wait3A_34] : memref<16x80x128xi32, #tpu.memory_space<hbm>> -> memref<1x80x128xi32, #tpu.memory_space<hbm>>
      %dma_wait3A_36 = tpu.memref_squeeze %dma_wait3A_35 : memref<1x80x128xi32, #tpu.memory_space<hbm>> -> memref<80x128xi32, #tpu.memory_space<hbm>>
      %dma_wait3A_37 = arith.constant 0 : i32
      %dma_wait3A_38 = arith.constant 0 : i32
      %dma_wait3A_39 = tpu.memref_slice %arg4[%arg1, %dma_wait3A_37, %dma_wait3A_38] : memref<16x80x128xi32, #tpu.memory_space<hbm>> -> memref<1x80x128xi32, #tpu.memory_space<hbm>>
      %dma_wait3A_40 = tpu.memref_squeeze %dma_wait3A_39 : memref<1x80x128xi32, #tpu.memory_space<hbm>> -> memref<80x128xi32, #tpu.memory_space<hbm>>
      tpu.wait_dma2 semaphore(%run_scoped3A : memref<!tpu.dma_semaphore, #tpu.memory_space<semaphore_mem>>) src(%dma_wait3A_40 : memref<80x128xi32, #tpu.memory_space<hbm>>) dst(%arg8 : memref<80x128xi32, #tpu.memory_space<vmem>>)
      tpu.yield
    }) : () -> ()
    %barrier3A = arith.constant 0 : index
    tpu.barrier barrier_id(%barrier3A)
    %mul3A_7 = arith.constant 10240 : i32
    %mul3A_8 = arith.muli %arg1, %mul3A_7 : i32
    %eq3A = arith.constant 0 : i32
    %eq3A_9 = arith.cmpi eq, %arg0, %eq3A : i32
    %convert_element_type3A = arith.extui %eq3A_9 : i1 to i32
    %cond3A = arith.constant 0 : i32
    %cond3A_10 = arith.cmpi ne, %convert_element_type3A, %cond3A : i32
    scf.if %cond3A_10 {
      %dma_start3A = arith.constant 0 : i32
      %dma_start3A_27 = tpu.memref_slice %arg2[%mul3A_8, %dma_start3A] : memref<163840x128xf32, #tpu.memory_space<hbm>> -> memref<128x128xf32, #tpu.memory_space<hbm>>
      %dma_start3A_28 = arith.constant 0 : i32
      %dma_start3A_29 = tpu.memref_slice %arg2[%mul3A_8, %dma_start3A_28] : memref<163840x128xf32, #tpu.memory_space<hbm>> -> memref<128x128xf32, #tpu.memory_space<hbm>>
      tpu.enqueue_dma source(%dma_start3A_29 : memref<128x128xf32, #tpu.memory_space<hbm>>) target(%arg9 : memref<128x128xf32, #tpu.memory_space<vmem>>) target_semaphore(%arg12 : memref<!tpu.dma_semaphore, #tpu.memory_space<semaphore_mem>>)
      %scan3A_30 = arith.constant 0 : i32
      %scan3A_31 = arith.constant 0 : i32
      %scan3A_32 = arith.constant 40 : i32
      %scan3A_33 = arith.addi %scan3A_31, %scan3A_32 : i32
      %scan3A_34 = arith.constant 1 : i32
      %scan3A_35 = scf.for %scan3A_37 = %scan3A_31 to %scan3A_33 step %scan3A_34 iter_args(%scan3A_38 = %scan3A_30) -> (i32)  : i32 {
        %mul3A_39 = arith.constant 2 : i32
        %mul3A_40 = arith.muli %mul3A_39, %scan3A_37 : i32
        %add3A = arith.constant 0 : i32
        %add3A_41 = arith.addi %mul3A_40, %add3A : i32
        %dma_wait3A = arith.constant 0 : i32
        %dma_wait3A_42 = arith.constant 0 : i32
        %dma_wait3A_43 = tpu.memref_slice %arg2[%dma_wait3A, %dma_wait3A_42] : memref<163840x128xf32, #tpu.memory_space<hbm>> -> memref<128x128xf32, #tpu.memory_space<hbm>>
        %dma_wait3A_44 = arith.constant 0 : i32
        %dma_wait3A_45 = arith.constant 0 : i32
        %dma_wait3A_46 = tpu.memref_slice %arg2[%dma_wait3A_44, %dma_wait3A_45] : memref<163840x128xf32, #tpu.memory_space<hbm>> -> memref<128x128xf32, #tpu.memory_space<hbm>>
        tpu.wait_dma2 semaphore(%arg12 : memref<!tpu.dma_semaphore, #tpu.memory_space<semaphore_mem>>) src(%dma_wait3A_46 : memref<128x128xf32, #tpu.memory_space<hbm>>) dst(%arg9 : memref<128x128xf32, #tpu.memory_space<vmem>>)
        %add3A_47 = arith.constant 1 : i32
        %add3A_48 = arith.addi %add3A_41, %add3A_47 : i32
        %lt3A = arith.constant 80 : i32
        %lt3A_49 = arith.cmpi slt, %add3A_48, %lt3A : i32
        %convert_element_type3A_50 = arith.extui %lt3A_49 : i1 to i32
        %cond3A_51 = arith.constant 0 : i32
        %cond3A_52 = arith.cmpi ne, %convert_element_type3A_50, %cond3A_51 : i32
        scf.if %cond3A_52 {
          %add3A_71 = arith.constant 1 : i32
          %add3A_72 = arith.addi %add3A_41, %add3A_71 : i32
          %mul3A_73 = arith.constant 128 : i32
          %mul3A_74 = arith.muli %add3A_72, %mul3A_73 : i32
          %add3A_75 = arith.addi %mul3A_8, %mul3A_74 : i32
          %dma_start3A_76 = arith.constant 0 : i32
          %dma_start3A_77 = tpu.memref_slice %arg2[%add3A_75, %dma_start3A_76] : memref<163840x128xf32, #tpu.memory_space<hbm>> -> memref<128x128xf32, #tpu.memory_space<hbm>>
          %dma_start3A_78 = arith.constant 0 : i32
          %dma_start3A_79 = tpu.memref_slice %arg2[%add3A_75, %dma_start3A_78] : memref<163840x128xf32, #tpu.memory_space<hbm>> -> memref<128x128xf32, #tpu.memory_space<hbm>>
          tpu.enqueue_dma source(%dma_start3A_79 : memref<128x128xf32, #tpu.memory_space<hbm>>) target(%arg10 : memref<128x128xf32, #tpu.memory_space<vmem>>) target_semaphore(%arg13 : memref<!tpu.dma_semaphore, #tpu.memory_space<semaphore_mem>>)
        } else {
        }
        "tpu.region"() ({
          %run_scoped3A = tpu.sem_alloc : memref<!tpu.dma_semaphore, #tpu.memory_space<semaphore_mem>>
          %dma_start3A_71 = arith.constant 0 : i32
          %dma_start3A_72 = tpu.memref_slice %arg8[%add3A_41, %dma_start3A_71] : memref<80x128xi32, #tpu.memory_space<vmem>> -> memref<1x128xi32, #tpu.memory_space<vmem>>
          %dma_start3A_73 = tpu.memref_squeeze %dma_start3A_72 : memref<1x128xi32, #tpu.memory_space<vmem>> -> memref<128xi32, #tpu.memory_space<vmem>>
          %dma_start3A_74 = arith.constant 0 : i32
          %dma_start3A_75 = arith.constant 0 : i32
          %dma_start3A_76 = tpu.memref_slice %arg11[%dma_start3A_74, %dma_start3A_75] : memref<10240x128xf32, #tpu.memory_space<vmem_shared>> -> memref<10240x128xf32, #tpu.memory_space<vmem_shared>>
          tpu.enqueue_indirect_dma source(%arg9 : memref<128x128xf32, #tpu.memory_space<vmem>>) target(%dma_start3A_76 : memref<10240x128xf32, #tpu.memory_space<vmem_shared>>) offsets(%dma_start3A_73 : memref<128xi32, #tpu.memory_space<vmem>>) semaphore(%run_scoped3A : memref<!tpu.dma_semaphore, #tpu.memory_space<semaphore_mem>>) {add = true}
          %dma_wait3A_77 = arith.constant 0 : i32
          %dma_wait3A_78 = tpu.memref_slice %arg8[%add3A_41, %dma_wait3A_77] : memref<80x128xi32, #tpu.memory_space<vmem>> -> memref<1x128xi32, #tpu.memory_space<vmem>>
          %dma_wait3A_79 = tpu.memref_squeeze %dma_wait3A_78 : memref<1x128xi32, #tpu.memory_space<vmem>> -> memref<128xi32, #tpu.memory_space<vmem>>
          %dma_wait3A_80 = arith.constant 0 : i32
          %dma_wait3A_81 = arith.constant 0 : i32
          %dma_wait3A_82 = tpu.memref_slice %arg11[%dma_wait3A_80, %dma_wait3A_81] : memref<10240x128xf32, #tpu.memory_space<vmem_shared>> -> memref<10240x128xf32, #tpu.memory_space<vmem_shared>>
          tpu.wait_indirect_dma semaphore(%run_scoped3A : memref<!tpu.dma_semaphore, #tpu.memory_space<semaphore_mem>>) src(%arg9 : memref<128x128xf32, #tpu.memory_space<vmem>>) dst(%dma_wait3A_82 : memref<10240x128xf32, #tpu.memory_space<vmem_shared>>)
          tpu.yield
        }) : () -> ()
        %mul3A_53 = arith.constant 2 : i32
        %mul3A_54 = arith.muli %mul3A_53, %scan3A_37 : i32
        %add3A_55 = arith.constant 1 : i32
        %add3A_56 = arith.addi %mul3A_54, %add3A_55 : i32
        %dma_wait3A_57 = arith.constant 0 : i32
        %dma_wait3A_58 = arith.constant 0 : i32
        %dma_wait3A_59 = tpu.memref_slice %arg2[%dma_wait3A_57, %dma_wait3A_58] : memref<163840x128xf32, #tpu.memory_space<hbm>> -> memref<128x128xf32, #tpu.memory_space<hbm>>
        %dma_wait3A_60 = arith.constant 0 : i32
        %dma_wait3A_61 = arith.constant 0 : i32
        %dma_wait3A_62 = tpu.memref_slice %arg2[%dma_wait3A_60, %dma_wait3A_61] : memref<163840x128xf32, #tpu.memory_space<hbm>> -> memref<128x128xf32, #tpu.memory_space<hbm>>
        tpu.wait_dma2 semaphore(%arg13 : memref<!tpu.dma_semaphore, #tpu.memory_space<semaphore_mem>>) src(%dma_wait3A_62 : memref<128x128xf32, #tpu.memory_space<hbm>>) dst(%arg10 : memref<128x128xf32, #tpu.memory_space<vmem>>)
        %add3A_63 = arith.constant 1 : i32
        %add3A_64 = arith.addi %add3A_56, %add3A_63 : i32
        %lt3A_65 = arith.constant 80 : i32
        %lt3A_66 = arith.cmpi slt, %add3A_64, %lt3A_65 : i32
        %convert_element_type3A_67 = arith.extui %lt3A_66 : i1 to i32
        %cond3A_68 = arith.constant 0 : i32
        %cond3A_69 = arith.cmpi ne, %convert_element_type3A_67, %cond3A_68 : i32
        scf.if %cond3A_69 {
          %add3A_71 = arith.constant 1 : i32
          %add3A_72 = arith.addi %add3A_56, %add3A_71 : i32
          %mul3A_73 = arith.constant 128 : i32
          %mul3A_74 = arith.muli %add3A_72, %mul3A_73 : i32
          %add3A_75 = arith.addi %mul3A_8, %mul3A_74 : i32
          %dma_start3A_76 = arith.constant 0 : i32
          %dma_start3A_77 = tpu.memref_slice %arg2[%add3A_75, %dma_start3A_76] : memref<163840x128xf32, #tpu.memory_space<hbm>> -> memref<128x128xf32, #tpu.memory_space<hbm>>
          %dma_start3A_78 = arith.constant 0 : i32
          %dma_start3A_79 = tpu.memref_slice %arg2[%add3A_75, %dma_start3A_78] : memref<163840x128xf32, #tpu.memory_space<hbm>> -> memref<128x128xf32, #tpu.memory_space<hbm>>
          tpu.enqueue_dma source(%dma_start3A_79 : memref<128x128xf32, #tpu.memory_space<hbm>>) target(%arg9 : memref<128x128xf32, #tpu.memory_space<vmem>>) target_semaphore(%arg12 : memref<!tpu.dma_semaphore, #tpu.memory_space<semaphore_mem>>)
        } else {
        }
        "tpu.region"() ({
          %run_scoped3A = tpu.sem_alloc : memref<!tpu.dma_semaphore, #tpu.memory_space<semaphore_mem>>
          %dma_start3A_71 = arith.constant 0 : i32
          %dma_start3A_72 = tpu.memref_slice %arg8[%add3A_56, %dma_start3A_71] : memref<80x128xi32, #tpu.memory_space<vmem>> -> memref<1x128xi32, #tpu.memory_space<vmem>>
          %dma_start3A_73 = tpu.memref_squeeze %dma_start3A_72 : memref<1x128xi32, #tpu.memory_space<vmem>> -> memref<128xi32, #tpu.memory_space<vmem>>
          %dma_start3A_74 = arith.constant 0 : i32
          %dma_start3A_75 = arith.constant 0 : i32
          %dma_start3A_76 = tpu.memref_slice %arg11[%dma_start3A_74, %dma_start3A_75] : memref<10240x128xf32, #tpu.memory_space<vmem_shared>> -> memref<10240x128xf32, #tpu.memory_space<vmem_shared>>
          tpu.enqueue_indirect_dma source(%arg10 : memref<128x128xf32, #tpu.memory_space<vmem>>) target(%dma_start3A_76 : memref<10240x128xf32, #tpu.memory_space<vmem_shared>>) offsets(%dma_start3A_73 : memref<128xi32, #tpu.memory_space<vmem>>) semaphore(%run_scoped3A : memref<!tpu.dma_semaphore, #tpu.memory_space<semaphore_mem>>) {add = true}
          %dma_wait3A_77 = arith.constant 0 : i32
          %dma_wait3A_78 = tpu.memref_slice %arg8[%add3A_56, %dma_wait3A_77] : memref<80x128xi32, #tpu.memory_space<vmem>> -> memref<1x128xi32, #tpu.memory_space<vmem>>
          %dma_wait3A_79 = tpu.memref_squeeze %dma_wait3A_78 : memref<1x128xi32, #tpu.memory_space<vmem>> -> memref<128xi32, #tpu.memory_space<vmem>>
          %dma_wait3A_80 = arith.constant 0 : i32
          %dma_wait3A_81 = arith.constant 0 : i32
          %dma_wait3A_82 = tpu.memref_slice %arg11[%dma_wait3A_80, %dma_wait3A_81] : memref<10240x128xf32, #tpu.memory_space<vmem_shared>> -> memref<10240x128xf32, #tpu.memory_space<vmem_shared>>
          tpu.wait_indirect_dma semaphore(%run_scoped3A : memref<!tpu.dma_semaphore, #tpu.memory_space<semaphore_mem>>) src(%arg10 : memref<128x128xf32, #tpu.memory_space<vmem>>) dst(%dma_wait3A_82 : memref<10240x128xf32, #tpu.memory_space<vmem_shared>>)
          tpu.yield
        }) : () -> ()
        %scan3A_70 = arith.constant 0 : i32
        scf.yield %scan3A_70 : i32
      }
      %scan3A_36 = arith.constant 40 : i32
    } else {
    }
    %eq3A_11 = arith.constant 1 : i32
    %eq3A_12 = arith.cmpi eq, %arg0, %eq3A_11 : i32
    %convert_element_type3A_13 = arith.extui %eq3A_12 : i1 to i32
    %cond3A_14 = arith.constant 0 : i32
    %cond3A_15 = arith.cmpi ne, %convert_element_type3A_13, %cond3A_14 : i32
    scf.if %cond3A_15 {
      %dma_start3A = arith.constant 0 : i32
      %dma_start3A_27 = tpu.memref_slice %arg3[%mul3A_8, %dma_start3A] : memref<163840x128xf32, #tpu.memory_space<hbm>> -> memref<128x128xf32, #tpu.memory_space<hbm>>
      %dma_start3A_28 = arith.constant 0 : i32
      %dma_start3A_29 = tpu.memref_slice %arg3[%mul3A_8, %dma_start3A_28] : memref<163840x128xf32, #tpu.memory_space<hbm>> -> memref<128x128xf32, #tpu.memory_space<hbm>>
      tpu.enqueue_dma source(%dma_start3A_29 : memref<128x128xf32, #tpu.memory_space<hbm>>) target(%arg9 : memref<128x128xf32, #tpu.memory_space<vmem>>) target_semaphore(%arg12 : memref<!tpu.dma_semaphore, #tpu.memory_space<semaphore_mem>>)
      %scan3A_30 = arith.constant 0 : i32
      %scan3A_31 = arith.constant 0 : i32
      %scan3A_32 = arith.constant 40 : i32
      %scan3A_33 = arith.addi %scan3A_31, %scan3A_32 : i32
      %scan3A_34 = arith.constant 1 : i32
      %scan3A_35 = scf.for %scan3A_37 = %scan3A_31 to %scan3A_33 step %scan3A_34 iter_args(%scan3A_38 = %scan3A_30) -> (i32)  : i32 {
        %mul3A_39 = arith.constant 2 : i32
        %mul3A_40 = arith.muli %mul3A_39, %scan3A_37 : i32
        %add3A = arith.constant 0 : i32
        %add3A_41 = arith.addi %mul3A_40, %add3A : i32
        %dma_wait3A = arith.constant 0 : i32
        %dma_wait3A_42 = arith.constant 0 : i32
        %dma_wait3A_43 = tpu.memref_slice %arg3[%dma_wait3A, %dma_wait3A_42] : memref<163840x128xf32, #tpu.memory_space<hbm>> -> memref<128x128xf32, #tpu.memory_space<hbm>>
        %dma_wait3A_44 = arith.constant 0 : i32
        %dma_wait3A_45 = arith.constant 0 : i32
        %dma_wait3A_46 = tpu.memref_slice %arg3[%dma_wait3A_44, %dma_wait3A_45] : memref<163840x128xf32, #tpu.memory_space<hbm>> -> memref<128x128xf32, #tpu.memory_space<hbm>>
        tpu.wait_dma2 semaphore(%arg12 : memref<!tpu.dma_semaphore, #tpu.memory_space<semaphore_mem>>) src(%dma_wait3A_46 : memref<128x128xf32, #tpu.memory_space<hbm>>) dst(%arg9 : memref<128x128xf32, #tpu.memory_space<vmem>>)
        %add3A_47 = arith.constant 1 : i32
        %add3A_48 = arith.addi %add3A_41, %add3A_47 : i32
        %lt3A = arith.constant 80 : i32
        %lt3A_49 = arith.cmpi slt, %add3A_48, %lt3A : i32
        %convert_element_type3A_50 = arith.extui %lt3A_49 : i1 to i32
        %cond3A_51 = arith.constant 0 : i32
        %cond3A_52 = arith.cmpi ne, %convert_element_type3A_50, %cond3A_51 : i32
        scf.if %cond3A_52 {
          %add3A_71 = arith.constant 1 : i32
          %add3A_72 = arith.addi %add3A_41, %add3A_71 : i32
          %mul3A_73 = arith.constant 128 : i32
          %mul3A_74 = arith.muli %add3A_72, %mul3A_73 : i32
          %add3A_75 = arith.addi %mul3A_8, %mul3A_74 : i32
          %dma_start3A_76 = arith.constant 0 : i32
          %dma_start3A_77 = tpu.memref_slice %arg3[%add3A_75, %dma_start3A_76] : memref<163840x128xf32, #tpu.memory_space<hbm>> -> memref<128x128xf32, #tpu.memory_space<hbm>>
          %dma_start3A_78 = arith.constant 0 : i32
          %dma_start3A_79 = tpu.memref_slice %arg3[%add3A_75, %dma_start3A_78] : memref<163840x128xf32, #tpu.memory_space<hbm>> -> memref<128x128xf32, #tpu.memory_space<hbm>>
          tpu.enqueue_dma source(%dma_start3A_79 : memref<128x128xf32, #tpu.memory_space<hbm>>) target(%arg10 : memref<128x128xf32, #tpu.memory_space<vmem>>) target_semaphore(%arg13 : memref<!tpu.dma_semaphore, #tpu.memory_space<semaphore_mem>>)
        } else {
        }
        "tpu.region"() ({
          %run_scoped3A = tpu.sem_alloc : memref<!tpu.dma_semaphore, #tpu.memory_space<semaphore_mem>>
          %dma_start3A_71 = arith.constant 0 : i32
          %dma_start3A_72 = tpu.memref_slice %arg8[%add3A_41, %dma_start3A_71] : memref<80x128xi32, #tpu.memory_space<vmem>> -> memref<1x128xi32, #tpu.memory_space<vmem>>
          %dma_start3A_73 = tpu.memref_squeeze %dma_start3A_72 : memref<1x128xi32, #tpu.memory_space<vmem>> -> memref<128xi32, #tpu.memory_space<vmem>>
          %dma_start3A_74 = arith.constant 0 : i32
          %dma_start3A_75 = arith.constant 0 : i32
          %dma_start3A_76 = tpu.memref_slice %arg11[%dma_start3A_74, %dma_start3A_75] : memref<10240x128xf32, #tpu.memory_space<vmem_shared>> -> memref<10240x128xf32, #tpu.memory_space<vmem_shared>>
          tpu.enqueue_indirect_dma source(%arg9 : memref<128x128xf32, #tpu.memory_space<vmem>>) target(%dma_start3A_76 : memref<10240x128xf32, #tpu.memory_space<vmem_shared>>) offsets(%dma_start3A_73 : memref<128xi32, #tpu.memory_space<vmem>>) semaphore(%run_scoped3A : memref<!tpu.dma_semaphore, #tpu.memory_space<semaphore_mem>>) {add = true}
          %dma_wait3A_77 = arith.constant 0 : i32
          %dma_wait3A_78 = tpu.memref_slice %arg8[%add3A_41, %dma_wait3A_77] : memref<80x128xi32, #tpu.memory_space<vmem>> -> memref<1x128xi32, #tpu.memory_space<vmem>>
          %dma_wait3A_79 = tpu.memref_squeeze %dma_wait3A_78 : memref<1x128xi32, #tpu.memory_space<vmem>> -> memref<128xi32, #tpu.memory_space<vmem>>
          %dma_wait3A_80 = arith.constant 0 : i32
          %dma_wait3A_81 = arith.constant 0 : i32
          %dma_wait3A_82 = tpu.memref_slice %arg11[%dma_wait3A_80, %dma_wait3A_81] : memref<10240x128xf32, #tpu.memory_space<vmem_shared>> -> memref<10240x128xf32, #tpu.memory_space<vmem_shared>>
          tpu.wait_indirect_dma semaphore(%run_scoped3A : memref<!tpu.dma_semaphore, #tpu.memory_space<semaphore_mem>>) src(%arg9 : memref<128x128xf32, #tpu.memory_space<vmem>>) dst(%dma_wait3A_82 : memref<10240x128xf32, #tpu.memory_space<vmem_shared>>)
          tpu.yield
        }) : () -> ()
        %mul3A_53 = arith.constant 2 : i32
        %mul3A_54 = arith.muli %mul3A_53, %scan3A_37 : i32
        %add3A_55 = arith.constant 1 : i32
        %add3A_56 = arith.addi %mul3A_54, %add3A_55 : i32
        %dma_wait3A_57 = arith.constant 0 : i32
        %dma_wait3A_58 = arith.constant 0 : i32
        %dma_wait3A_59 = tpu.memref_slice %arg3[%dma_wait3A_57, %dma_wait3A_58] : memref<163840x128xf32, #tpu.memory_space<hbm>> -> memref<128x128xf32, #tpu.memory_space<hbm>>
        %dma_wait3A_60 = arith.constant 0 : i32
        %dma_wait3A_61 = arith.constant 0 : i32
        %dma_wait3A_62 = tpu.memref_slice %arg3[%dma_wait3A_60, %dma_wait3A_61] : memref<163840x128xf32, #tpu.memory_space<hbm>> -> memref<128x128xf32, #tpu.memory_space<hbm>>
        tpu.wait_dma2 semaphore(%arg13 : memref<!tpu.dma_semaphore, #tpu.memory_space<semaphore_mem>>) src(%dma_wait3A_62 : memref<128x128xf32, #tpu.memory_space<hbm>>) dst(%arg10 : memref<128x128xf32, #tpu.memory_space<vmem>>)
        %add3A_63 = arith.constant 1 : i32
        %add3A_64 = arith.addi %add3A_56, %add3A_63 : i32
        %lt3A_65 = arith.constant 80 : i32
        %lt3A_66 = arith.cmpi slt, %add3A_64, %lt3A_65 : i32
        %convert_element_type3A_67 = arith.extui %lt3A_66 : i1 to i32
        %cond3A_68 = arith.constant 0 : i32
        %cond3A_69 = arith.cmpi ne, %convert_element_type3A_67, %cond3A_68 : i32
        scf.if %cond3A_69 {
          %add3A_71 = arith.constant 1 : i32
          %add3A_72 = arith.addi %add3A_56, %add3A_71 : i32
          %mul3A_73 = arith.constant 128 : i32
          %mul3A_74 = arith.muli %add3A_72, %mul3A_73 : i32
          %add3A_75 = arith.addi %mul3A_8, %mul3A_74 : i32
          %dma_start3A_76 = arith.constant 0 : i32
          %dma_start3A_77 = tpu.memref_slice %arg3[%add3A_75, %dma_start3A_76] : memref<163840x128xf32, #tpu.memory_space<hbm>> -> memref<128x128xf32, #tpu.memory_space<hbm>>
          %dma_start3A_78 = arith.constant 0 : i32
          %dma_start3A_79 = tpu.memref_slice %arg3[%add3A_75, %dma_start3A_78] : memref<163840x128xf32, #tpu.memory_space<hbm>> -> memref<128x128xf32, #tpu.memory_space<hbm>>
          tpu.enqueue_dma source(%dma_start3A_79 : memref<128x128xf32, #tpu.memory_space<hbm>>) target(%arg9 : memref<128x128xf32, #tpu.memory_space<vmem>>) target_semaphore(%arg12 : memref<!tpu.dma_semaphore, #tpu.memory_space<semaphore_mem>>)
        } else {
        }
        "tpu.region"() ({
          %run_scoped3A = tpu.sem_alloc : memref<!tpu.dma_semaphore, #tpu.memory_space<semaphore_mem>>
          %dma_start3A_71 = arith.constant 0 : i32
          %dma_start3A_72 = tpu.memref_slice %arg8[%add3A_56, %dma_start3A_71] : memref<80x128xi32, #tpu.memory_space<vmem>> -> memref<1x128xi32, #tpu.memory_space<vmem>>
          %dma_start3A_73 = tpu.memref_squeeze %dma_start3A_72 : memref<1x128xi32, #tpu.memory_space<vmem>> -> memref<128xi32, #tpu.memory_space<vmem>>
          %dma_start3A_74 = arith.constant 0 : i32
          %dma_start3A_75 = arith.constant 0 : i32
          %dma_start3A_76 = tpu.memref_slice %arg11[%dma_start3A_74, %dma_start3A_75] : memref<10240x128xf32, #tpu.memory_space<vmem_shared>> -> memref<10240x128xf32, #tpu.memory_space<vmem_shared>>
          tpu.enqueue_indirect_dma source(%arg10 : memref<128x128xf32, #tpu.memory_space<vmem>>) target(%dma_start3A_76 : memref<10240x128xf32, #tpu.memory_space<vmem_shared>>) offsets(%dma_start3A_73 : memref<128xi32, #tpu.memory_space<vmem>>) semaphore(%run_scoped3A : memref<!tpu.dma_semaphore, #tpu.memory_space<semaphore_mem>>) {add = true}
          %dma_wait3A_77 = arith.constant 0 : i32
          %dma_wait3A_78 = tpu.memref_slice %arg8[%add3A_56, %dma_wait3A_77] : memref<80x128xi32, #tpu.memory_space<vmem>> -> memref<1x128xi32, #tpu.memory_space<vmem>>
          %dma_wait3A_79 = tpu.memref_squeeze %dma_wait3A_78 : memref<1x128xi32, #tpu.memory_space<vmem>> -> memref<128xi32, #tpu.memory_space<vmem>>
          %dma_wait3A_80 = arith.constant 0 : i32
          %dma_wait3A_81 = arith.constant 0 : i32
          %dma_wait3A_82 = tpu.memref_slice %arg11[%dma_wait3A_80, %dma_wait3A_81] : memref<10240x128xf32, #tpu.memory_space<vmem_shared>> -> memref<10240x128xf32, #tpu.memory_space<vmem_shared>>
          tpu.wait_indirect_dma semaphore(%run_scoped3A : memref<!tpu.dma_semaphore, #tpu.memory_space<semaphore_mem>>) src(%arg10 : memref<128x128xf32, #tpu.memory_space<vmem>>) dst(%dma_wait3A_82 : memref<10240x128xf32, #tpu.memory_space<vmem_shared>>)
          tpu.yield
        }) : () -> ()
        %scan3A_70 = arith.constant 0 : i32
        scf.yield %scan3A_70 : i32
      }
      %scan3A_36 = arith.constant 40 : i32
    } else {
    }
    %barrier3A_16 = arith.constant 0 : index
    tpu.barrier barrier_id(%barrier3A_16)
    %eq3A_17 = arith.constant 0 : i32
    %eq3A_18 = arith.cmpi eq, %arg0, %eq3A_17 : i32
    %convert_element_type3A_19 = arith.extui %eq3A_18 : i1 to i32
    %cond3A_20 = arith.constant 0 : i32
    %cond3A_21 = arith.cmpi ne, %convert_element_type3A_19, %cond3A_20 : i32
    scf.if %cond3A_21 {
      %scan3A_27 = arith.constant 0 : i32
      %scan3A_28 = arith.constant 0 : i32
      %scan3A_29 = arith.constant 5 : i32
      %scan3A_30 = arith.addi %scan3A_28, %scan3A_29 : i32
      %scan3A_31 = arith.constant 1 : i32
      %scan3A_32 = scf.for %scan3A_34 = %scan3A_28 to %scan3A_30 step %scan3A_31 iter_args(%scan3A_35 = %scan3A_27) -> (i32)  : i32 {
        %mul3A_36 = arith.constant 128 : i32
        %mul3A_37 = arith.muli %scan3A_34, %mul3A_36 : i32
        %add3A = arith.addi %mul3A_0, %mul3A_37 : i32
        "tpu.region"() ({
          %run_scoped3A = tpu.sem_alloc : memref<!tpu.dma_semaphore, #tpu.memory_space<semaphore_mem>>
          %dma_start3A = arith.constant 0 : i32
          %dma_start3A_42 = tpu.memref_slice %arg11[%add3A, %dma_start3A] : memref<10240x128xf32, #tpu.memory_space<vmem_shared>> -> memref<128x128xf32, #tpu.memory_space<vmem_shared>>
          %dma_start3A_43 = arith.constant 0 : i32
          %dma_start3A_44 = tpu.memref_slice %arg11[%add3A, %dma_start3A_43] : memref<10240x128xf32, #tpu.memory_space<vmem_shared>> -> memref<128x128xf32, #tpu.memory_space<vmem_shared>>
          tpu.enqueue_dma source(%dma_start3A_44 : memref<128x128xf32, #tpu.memory_space<vmem_shared>>) target(%arg9 : memref<128x128xf32, #tpu.memory_space<vmem>>) target_semaphore(%run_scoped3A : memref<!tpu.dma_semaphore, #tpu.memory_space<semaphore_mem>>)
          %dma_wait3A = arith.constant 0 : i32
          %dma_wait3A_45 = tpu.memref_slice %arg11[%add3A, %dma_wait3A] : memref<10240x128xf32, #tpu.memory_space<vmem_shared>> -> memref<128x128xf32, #tpu.memory_space<vmem_shared>>
          %dma_wait3A_46 = arith.constant 0 : i32
          %dma_wait3A_47 = tpu.memref_slice %arg11[%add3A, %dma_wait3A_46] : memref<10240x128xf32, #tpu.memory_space<vmem_shared>> -> memref<128x128xf32, #tpu.memory_space<vmem_shared>>
          tpu.wait_dma2 semaphore(%run_scoped3A : memref<!tpu.dma_semaphore, #tpu.memory_space<semaphore_mem>>) src(%dma_wait3A_47 : memref<128x128xf32, #tpu.memory_space<vmem_shared>>) dst(%arg9 : memref<128x128xf32, #tpu.memory_space<vmem>>)
          tpu.yield
        }) : () -> ()
        %mul3A_38 = arith.constant 128 : i32
        %mul3A_39 = arith.muli %scan3A_34, %mul3A_38 : i32
        %add3A_40 = arith.addi %mul3A_0, %mul3A_39 : i32
        "tpu.region"() ({
          %run_scoped3A = tpu.sem_alloc : memref<!tpu.dma_semaphore, #tpu.memory_space<semaphore_mem>>
          %dma_start3A = arith.constant 0 : i32
          %dma_start3A_42 = tpu.memref_slice %arg6[%add3A_40, %dma_start3A] : memref<10240x128xf32, #tpu.memory_space<hbm>> -> memref<128x128xf32, #tpu.memory_space<hbm>>
          %dma_start3A_43 = arith.constant 0 : i32
          %dma_start3A_44 = tpu.memref_slice %arg6[%add3A_40, %dma_start3A_43] : memref<10240x128xf32, #tpu.memory_space<hbm>> -> memref<128x128xf32, #tpu.memory_space<hbm>>
          tpu.enqueue_dma source(%arg9 : memref<128x128xf32, #tpu.memory_space<vmem>>) target(%dma_start3A_44 : memref<128x128xf32, #tpu.memory_space<hbm>>) target_semaphore(%run_scoped3A : memref<!tpu.dma_semaphore, #tpu.memory_space<semaphore_mem>>)
          %dma_wait3A = arith.constant 0 : i32
          %dma_wait3A_45 = tpu.memref_slice %arg6[%add3A_40, %dma_wait3A] : memref<10240x128xf32, #tpu.memory_space<hbm>> -> memref<128x128xf32, #tpu.memory_space<hbm>>
          %dma_wait3A_46 = arith.constant 0 : i32
          %dma_wait3A_47 = tpu.memref_slice %arg6[%add3A_40, %dma_wait3A_46] : memref<10240x128xf32, #tpu.memory_space<hbm>> -> memref<128x128xf32, #tpu.memory_space<hbm>>
          tpu.wait_dma2 semaphore(%run_scoped3A : memref<!tpu.dma_semaphore, #tpu.memory_space<semaphore_mem>>) src(%arg9 : memref<128x128xf32, #tpu.memory_space<vmem>>) dst(%dma_wait3A_47 : memref<128x128xf32, #tpu.memory_space<hbm>>)
          tpu.yield
        }) : () -> ()
        %scan3A_41 = arith.constant 0 : i32
        scf.yield %scan3A_41 : i32
      }
      %scan3A_33 = arith.constant 5 : i32
    } else {
    }
    %eq3A_22 = arith.constant 1 : i32
    %eq3A_23 = arith.cmpi eq, %arg0, %eq3A_22 : i32
    %convert_element_type3A_24 = arith.extui %eq3A_23 : i1 to i32
    %cond3A_25 = arith.constant 0 : i32
    %cond3A_26 = arith.cmpi ne, %convert_element_type3A_24, %cond3A_25 : i32
    scf.if %cond3A_26 {
      %scan3A_27 = arith.constant 0 : i32
      %scan3A_28 = arith.constant 0 : i32
      %scan3A_29 = arith.constant 5 : i32
      %scan3A_30 = arith.addi %scan3A_28, %scan3A_29 : i32
      %scan3A_31 = arith.constant 1 : i32
      %scan3A_32 = scf.for %scan3A_34 = %scan3A_28 to %scan3A_30 step %scan3A_31 iter_args(%scan3A_35 = %scan3A_27) -> (i32)  : i32 {
        %mul3A_36 = arith.constant 128 : i32
        %mul3A_37 = arith.muli %scan3A_34, %mul3A_36 : i32
        %add3A = arith.addi %mul3A_0, %mul3A_37 : i32
        "tpu.region"() ({
          %run_scoped3A = tpu.sem_alloc : memref<!tpu.dma_semaphore, #tpu.memory_space<semaphore_mem>>
          %dma_start3A = arith.constant 0 : i32
          %dma_start3A_42 = tpu.memref_slice %arg11[%add3A, %dma_start3A] : memref<10240x128xf32, #tpu.memory_space<vmem_shared>> -> memref<128x128xf32, #tpu.memory_space<vmem_shared>>
          %dma_start3A_43 = arith.constant 0 : i32
          %dma_start3A_44 = tpu.memref_slice %arg11[%add3A, %dma_start3A_43] : memref<10240x128xf32, #tpu.memory_space<vmem_shared>> -> memref<128x128xf32, #tpu.memory_space<vmem_shared>>
          tpu.enqueue_dma source(%dma_start3A_44 : memref<128x128xf32, #tpu.memory_space<vmem_shared>>) target(%arg9 : memref<128x128xf32, #tpu.memory_space<vmem>>) target_semaphore(%run_scoped3A : memref<!tpu.dma_semaphore, #tpu.memory_space<semaphore_mem>>)
          %dma_wait3A = arith.constant 0 : i32
          %dma_wait3A_45 = tpu.memref_slice %arg11[%add3A, %dma_wait3A] : memref<10240x128xf32, #tpu.memory_space<vmem_shared>> -> memref<128x128xf32, #tpu.memory_space<vmem_shared>>
          %dma_wait3A_46 = arith.constant 0 : i32
          %dma_wait3A_47 = tpu.memref_slice %arg11[%add3A, %dma_wait3A_46] : memref<10240x128xf32, #tpu.memory_space<vmem_shared>> -> memref<128x128xf32, #tpu.memory_space<vmem_shared>>
          tpu.wait_dma2 semaphore(%run_scoped3A : memref<!tpu.dma_semaphore, #tpu.memory_space<semaphore_mem>>) src(%dma_wait3A_47 : memref<128x128xf32, #tpu.memory_space<vmem_shared>>) dst(%arg9 : memref<128x128xf32, #tpu.memory_space<vmem>>)
          tpu.yield
        }) : () -> ()
        %mul3A_38 = arith.constant 128 : i32
        %mul3A_39 = arith.muli %scan3A_34, %mul3A_38 : i32
        %add3A_40 = arith.addi %mul3A_0, %mul3A_39 : i32
        "tpu.region"() ({
          %run_scoped3A = tpu.sem_alloc : memref<!tpu.dma_semaphore, #tpu.memory_space<semaphore_mem>>
          %dma_start3A = arith.constant 0 : i32
          %dma_start3A_42 = tpu.memref_slice %arg7[%add3A_40, %dma_start3A] : memref<10240x128xf32, #tpu.memory_space<hbm>> -> memref<128x128xf32, #tpu.memory_space<hbm>>
          %dma_start3A_43 = arith.constant 0 : i32
          %dma_start3A_44 = tpu.memref_slice %arg7[%add3A_40, %dma_start3A_43] : memref<10240x128xf32, #tpu.memory_space<hbm>> -> memref<128x128xf32, #tpu.memory_space<hbm>>
          tpu.enqueue_dma source(%arg9 : memref<128x128xf32, #tpu.memory_space<vmem>>) target(%dma_start3A_44 : memref<128x128xf32, #tpu.memory_space<hbm>>) target_semaphore(%run_scoped3A : memref<!tpu.dma_semaphore, #tpu.memory_space<semaphore_mem>>)
          %dma_wait3A = arith.constant 0 : i32
          %dma_wait3A_45 = tpu.memref_slice %arg7[%add3A_40, %dma_wait3A] : memref<10240x128xf32, #tpu.memory_space<hbm>> -> memref<128x128xf32, #tpu.memory_space<hbm>>
          %dma_wait3A_46 = arith.constant 0 : i32
          %dma_wait3A_47 = tpu.memref_slice %arg7[%add3A_40, %dma_wait3A_46] : memref<10240x128xf32, #tpu.memory_space<hbm>> -> memref<128x128xf32, #tpu.memory_space<hbm>>
          tpu.wait_dma2 semaphore(%run_scoped3A : memref<!tpu.dma_semaphore, #tpu.memory_space<semaphore_mem>>) src(%arg9 : memref<128x128xf32, #tpu.memory_space<vmem>>) dst(%dma_wait3A_47 : memref<128x128xf32, #tpu.memory_space<hbm>>)
          tpu.yield
        }) : () -> ()
        %scan3A_41 = arith.constant 0 : i32
        scf.yield %scan3A_41 : i32
      }
      %scan3A_33 = arith.constant 5 : i32
    } else {
    }
    return
  }
}

#map = affine_map<(d0, d1) -> (0, 0)>
module attributes {stable_mosaic.version = 14 : i64} {
  func.func @_sc_gather(%arg0: i32, %arg1: i32, %arg2: memref<10000x128xf32, #tpu.memory_space<hbm>>, %arg3: memref<2560x128xi32, #tpu.memory_space<hbm>>, %arg4: memref<327680x128xf32, #tpu.memory_space<hbm>>, %arg5: memref<80x128xi32, #tpu.memory_space<vmem>>, %arg6: memref<128x128xf32, #tpu.memory_space<vmem>>, %arg7: memref<128x128xf32, #tpu.memory_space<vmem>>, %arg8: memref<128x128xf32, #tpu.memory_space<vmem>>, %arg9: memref<128x128xf32, #tpu.memory_space<vmem>>, %arg10: memref<!tpu.dma_semaphore, #tpu.memory_space<semaphore_mem>>, %arg11: memref<!tpu.dma_semaphore, #tpu.memory_space<semaphore_mem>>, %arg12: memref<!tpu.dma_semaphore, #tpu.memory_space<semaphore_mem>>, %arg13: memref<!tpu.dma_semaphore, #tpu.memory_space<semaphore_mem>>, %arg14: memref<!tpu.dma_semaphore, #tpu.memory_space<semaphore_mem>>, %arg15: memref<!tpu.dma_semaphore, #tpu.memory_space<semaphore_mem>>, %arg16: memref<!tpu.dma_semaphore, #tpu.memory_space<semaphore_mem>>, %arg17: memref<!tpu.dma_semaphore, #tpu.memory_space<semaphore_mem>>) attributes {dimension_semantics = [#tpu.dimension_semantics<core_parallel>, #tpu.dimension_semantics<subcore_parallel>], iteration_bounds = array<i64: 2, 16>, scalar_prefetch = 0 : i64, scratch_operands = 13 : i64, tpu.core_type = #tpu.core_type<sc_vector_subcore>, window_params = [{transform_indices = #map}, {transform_indices = #map}, {transform_indices = #map}]} {
    %eq3A = arith.constant 0 : i32
    %eq3A_0 = arith.cmpi eq, %arg0, %eq3A : i32
    %convert_element_type3A = arith.extui %eq3A_0 : i1 to i32
    %cond3A = arith.constant 0 : i32
    %cond3A_1 = arith.cmpi ne, %convert_element_type3A, %cond3A : i32
    scf.if %cond3A_1 {
      %mul3A = arith.constant 80 : i32
      %mul3A_7 = arith.muli %arg1, %mul3A : i32
      %mul3A_8 = arith.constant 128 : i32
      %mul3A_9 = arith.muli %mul3A_7, %mul3A_8 : i32
      "tpu.region"() ({
        %run_scoped3A = tpu.sem_alloc : memref<!tpu.dma_semaphore, #tpu.memory_space<semaphore_mem>>
        %dma_start3A_59 = arith.constant 0 : i32
        %dma_start3A_60 = arith.constant 0 : i32
        %dma_start3A_61 = tpu.memref_slice %arg5[%dma_start3A_59, %dma_start3A_60] : memref<80x128xi32, #tpu.memory_space<vmem>> -> memref<80x128xi32, #tpu.memory_space<vmem>>
        %dma_start3A_62 = arith.constant 0 : i32
        %dma_start3A_63 = tpu.memref_slice %arg3[%mul3A_7, %dma_start3A_62] : memref<2560x128xi32, #tpu.memory_space<hbm>> -> memref<80x128xi32, #tpu.memory_space<hbm>>
        %dma_start3A_64 = arith.constant 0 : i32
        %dma_start3A_65 = arith.constant 0 : i32
        %dma_start3A_66 = tpu.memref_slice %arg5[%dma_start3A_64, %dma_start3A_65] : memref<80x128xi32, #tpu.memory_space<vmem>> -> memref<80x128xi32, #tpu.memory_space<vmem>>
        %dma_start3A_67 = arith.constant 0 : i32
        %dma_start3A_68 = tpu.memref_slice %arg3[%mul3A_7, %dma_start3A_67] : memref<2560x128xi32, #tpu.memory_space<hbm>> -> memref<80x128xi32, #tpu.memory_space<hbm>>
        tpu.enqueue_dma source(%dma_start3A_68 : memref<80x128xi32, #tpu.memory_space<hbm>>) target(%dma_start3A_66 : memref<80x128xi32, #tpu.memory_space<vmem>>) target_semaphore(%run_scoped3A : memref<!tpu.dma_semaphore, #tpu.memory_space<semaphore_mem>>)
        %dma_wait3A_69 = arith.constant 0 : i32
        %dma_wait3A_70 = arith.constant 0 : i32
        %dma_wait3A_71 = tpu.memref_slice %arg5[%dma_wait3A_69, %dma_wait3A_70] : memref<80x128xi32, #tpu.memory_space<vmem>> -> memref<80x128xi32, #tpu.memory_space<vmem>>
        %dma_wait3A_72 = arith.constant 0 : i32
        %dma_wait3A_73 = tpu.memref_slice %arg3[%mul3A_7, %dma_wait3A_72] : memref<2560x128xi32, #tpu.memory_space<hbm>> -> memref<80x128xi32, #tpu.memory_space<hbm>>
        %dma_wait3A_74 = arith.constant 0 : i32
        %dma_wait3A_75 = arith.constant 0 : i32
        %dma_wait3A_76 = tpu.memref_slice %arg5[%dma_wait3A_74, %dma_wait3A_75] : memref<80x128xi32, #tpu.memory_space<vmem>> -> memref<80x128xi32, #tpu.memory_space<vmem>>
        %dma_wait3A_77 = arith.constant 0 : i32
        %dma_wait3A_78 = tpu.memref_slice %arg3[%mul3A_7, %dma_wait3A_77] : memref<2560x128xi32, #tpu.memory_space<hbm>> -> memref<80x128xi32, #tpu.memory_space<hbm>>
        tpu.wait_dma2 semaphore(%run_scoped3A : memref<!tpu.dma_semaphore, #tpu.memory_space<semaphore_mem>>) src(%dma_wait3A_78 : memref<80x128xi32, #tpu.memory_space<hbm>>) dst(%dma_wait3A_76 : memref<80x128xi32, #tpu.memory_space<vmem>>)
        tpu.yield
      }) : () -> ()
      %dma_start3A = arith.constant 0 : i32
      %dma_start3A_10 = arith.constant 0 : i32
      %dma_start3A_11 = tpu.memref_slice %arg5[%dma_start3A, %dma_start3A_10] : memref<80x128xi32, #tpu.memory_space<vmem>> -> memref<1x128xi32, #tpu.memory_space<vmem>>
      %dma_start3A_12 = tpu.memref_squeeze %dma_start3A_11 : memref<1x128xi32, #tpu.memory_space<vmem>> -> memref<128xi32, #tpu.memory_space<vmem>>
      %dma_start3A_13 = arith.constant 0 : i32
      %dma_start3A_14 = arith.constant 0 : i32
      %dma_start3A_15 = tpu.memref_slice %arg2[%dma_start3A_13, %dma_start3A_14] : memref<10000x128xf32, #tpu.memory_space<hbm>> -> memref<10000x128xf32, #tpu.memory_space<hbm>>
      tpu.enqueue_indirect_dma source(%dma_start3A_15 : memref<10000x128xf32, #tpu.memory_space<hbm>>) target(%arg6 : memref<128x128xf32, #tpu.memory_space<vmem>>) offsets(%dma_start3A_12 : memref<128xi32, #tpu.memory_space<vmem>>) semaphore(%arg10 : memref<!tpu.dma_semaphore, #tpu.memory_space<semaphore_mem>>)
      %dma_start3A_16 = arith.constant 1 : i32
      %dma_start3A_17 = arith.constant 0 : i32
      %dma_start3A_18 = tpu.memref_slice %arg5[%dma_start3A_16, %dma_start3A_17] : memref<80x128xi32, #tpu.memory_space<vmem>> -> memref<1x128xi32, #tpu.memory_space<vmem>>
      %dma_start3A_19 = tpu.memref_squeeze %dma_start3A_18 : memref<1x128xi32, #tpu.memory_space<vmem>> -> memref<128xi32, #tpu.memory_space<vmem>>
      %dma_start3A_20 = arith.constant 0 : i32
      %dma_start3A_21 = arith.constant 0 : i32
      %dma_start3A_22 = tpu.memref_slice %arg2[%dma_start3A_20, %dma_start3A_21] : memref<10000x128xf32, #tpu.memory_space<hbm>> -> memref<10000x128xf32, #tpu.memory_space<hbm>>
      tpu.enqueue_indirect_dma source(%dma_start3A_22 : memref<10000x128xf32, #tpu.memory_space<hbm>>) target(%arg7 : memref<128x128xf32, #tpu.memory_space<vmem>>) offsets(%dma_start3A_19 : memref<128xi32, #tpu.memory_space<vmem>>) semaphore(%arg11 : memref<!tpu.dma_semaphore, #tpu.memory_space<semaphore_mem>>)
      %dma_start3A_23 = arith.constant 2 : i32
      %dma_start3A_24 = arith.constant 0 : i32
      %dma_start3A_25 = tpu.memref_slice %arg5[%dma_start3A_23, %dma_start3A_24] : memref<80x128xi32, #tpu.memory_space<vmem>> -> memref<1x128xi32, #tpu.memory_space<vmem>>
      %dma_start3A_26 = tpu.memref_squeeze %dma_start3A_25 : memref<1x128xi32, #tpu.memory_space<vmem>> -> memref<128xi32, #tpu.memory_space<vmem>>
      %dma_start3A_27 = arith.constant 0 : i32
      %dma_start3A_28 = arith.constant 0 : i32
      %dma_start3A_29 = tpu.memref_slice %arg2[%dma_start3A_27, %dma_start3A_28] : memref<10000x128xf32, #tpu.memory_space<hbm>> -> memref<10000x128xf32, #tpu.memory_space<hbm>>
      tpu.enqueue_indirect_dma source(%dma_start3A_29 : memref<10000x128xf32, #tpu.memory_space<hbm>>) target(%arg8 : memref<128x128xf32, #tpu.memory_space<vmem>>) offsets(%dma_start3A_26 : memref<128xi32, #tpu.memory_space<vmem>>) semaphore(%arg12 : memref<!tpu.dma_semaphore, #tpu.memory_space<semaphore_mem>>)
      %scan3A = arith.constant 0 : i32
      %scan3A_30 = arith.constant 0 : i32
      %scan3A_31 = arith.constant 20 : i32
      %scan3A_32 = arith.addi %scan3A_30, %scan3A_31 : i32
      %scan3A_33 = arith.constant 1 : i32
      %scan3A_34 = scf.for %scan3A_59 = %scan3A_30 to %scan3A_32 step %scan3A_33 iter_args(%scan3A_60 = %scan3A) -> (i32)  : i32 {
        %mul3A_61 = arith.constant 4 : i32
        %mul3A_62 = arith.muli %scan3A_59, %mul3A_61 : i32
        %add3A = arith.constant 0 : i32
        %add3A_63 = arith.addi %mul3A_62, %add3A : i32
        %add3A_64 = arith.constant 3 : i32
        %add3A_65 = arith.addi %add3A_63, %add3A_64 : i32
        %lt3A = arith.constant 80 : i32
        %lt3A_66 = arith.cmpi slt, %add3A_65, %lt3A : i32
        %convert_element_type3A_67 = arith.extui %lt3A_66 : i1 to i32
        %cond3A_68 = arith.constant 0 : i32
        %cond3A_69 = arith.cmpi ne, %convert_element_type3A_67, %cond3A_68 : i32
        scf.if %cond3A_69 {
          %ge3A = arith.constant 1 : i32
          %ge3A_156 = arith.cmpi sge, %add3A_63, %ge3A : i32
          %convert_element_type3A_157 = arith.extui %ge3A_156 : i1 to i32
          %cond3A_158 = arith.constant 0 : i32
          %cond3A_159 = arith.cmpi ne, %convert_element_type3A_157, %cond3A_158 : i32
          scf.if %cond3A_159 {
            %dma_wait3A_166 = arith.constant 0 : i32
            %dma_wait3A_167 = arith.constant 0 : i32
            %dma_wait3A_168 = tpu.memref_slice %arg2[%dma_wait3A_166, %dma_wait3A_167] : memref<10000x128xf32, #tpu.memory_space<hbm>> -> memref<128x128xf32, #tpu.memory_space<hbm>>
            %dma_wait3A_169 = arith.constant 0 : i32
            %dma_wait3A_170 = arith.constant 0 : i32
            %dma_wait3A_171 = tpu.memref_slice %arg2[%dma_wait3A_169, %dma_wait3A_170] : memref<10000x128xf32, #tpu.memory_space<hbm>> -> memref<128x128xf32, #tpu.memory_space<hbm>>
            tpu.wait_dma2 semaphore(%arg17 : memref<!tpu.dma_semaphore, #tpu.memory_space<semaphore_mem>>) src(%dma_wait3A_171 : memref<128x128xf32, #tpu.memory_space<hbm>>) dst(%arg9 : memref<128x128xf32, #tpu.memory_space<vmem>>)
          } else {
          }
          %dma_start3A_160 = arith.constant 0 : i32
          %dma_start3A_161 = tpu.memref_slice %arg5[%add3A_65, %dma_start3A_160] : memref<80x128xi32, #tpu.memory_space<vmem>> -> memref<1x128xi32, #tpu.memory_space<vmem>>
          %dma_start3A_162 = tpu.memref_squeeze %dma_start3A_161 : memref<1x128xi32, #tpu.memory_space<vmem>> -> memref<128xi32, #tpu.memory_space<vmem>>
          %dma_start3A_163 = arith.constant 0 : i32
          %dma_start3A_164 = arith.constant 0 : i32
          %dma_start3A_165 = tpu.memref_slice %arg2[%dma_start3A_163, %dma_start3A_164] : memref<10000x128xf32, #tpu.memory_space<hbm>> -> memref<10000x128xf32, #tpu.memory_space<hbm>>
          tpu.enqueue_indirect_dma source(%dma_start3A_165 : memref<10000x128xf32, #tpu.memory_space<hbm>>) target(%arg9 : memref<128x128xf32, #tpu.memory_space<vmem>>) offsets(%dma_start3A_162 : memref<128xi32, #tpu.memory_space<vmem>>) semaphore(%arg13 : memref<!tpu.dma_semaphore, #tpu.memory_space<semaphore_mem>>)
        } else {
        }
        %dma_wait3A_70 = arith.constant 0 : i32
        %dma_wait3A_71 = arith.constant 0 : i32
        %dma_wait3A_72 = tpu.memref_slice %arg2[%dma_wait3A_70, %dma_wait3A_71] : memref<10000x128xf32, #tpu.memory_space<hbm>> -> memref<128x128xf32, #tpu.memory_space<hbm>>
        %dma_wait3A_73 = arith.constant 0 : i32
        %dma_wait3A_74 = arith.constant 0 : i32
        %dma_wait3A_75 = tpu.memref_slice %arg2[%dma_wait3A_73, %dma_wait3A_74] : memref<10000x128xf32, #tpu.memory_space<hbm>> -> memref<128x128xf32, #tpu.memory_space<hbm>>
        tpu.wait_dma2 semaphore(%arg10 : memref<!tpu.dma_semaphore, #tpu.memory_space<semaphore_mem>>) src(%dma_wait3A_75 : memref<128x128xf32, #tpu.memory_space<hbm>>) dst(%arg6 : memref<128x128xf32, #tpu.memory_space<vmem>>)
        %mul3A_76 = arith.constant 128 : i32
        %mul3A_77 = arith.muli %add3A_63, %mul3A_76 : i32
        %add3A_78 = arith.addi %mul3A_9, %mul3A_77 : i32
        %dma_start3A_79 = arith.constant 0 : i32
        %dma_start3A_80 = tpu.memref_slice %arg4[%add3A_78, %dma_start3A_79] : memref<327680x128xf32, #tpu.memory_space<hbm>> -> memref<128x128xf32, #tpu.memory_space<hbm>>
        %dma_start3A_81 = arith.constant 0 : i32
        %dma_start3A_82 = tpu.memref_slice %arg4[%add3A_78, %dma_start3A_81] : memref<327680x128xf32, #tpu.memory_space<hbm>> -> memref<128x128xf32, #tpu.memory_space<hbm>>
        tpu.enqueue_dma source(%arg6 : memref<128x128xf32, #tpu.memory_space<vmem>>) target(%dma_start3A_82 : memref<128x128xf32, #tpu.memory_space<hbm>>) target_semaphore(%arg14 : memref<!tpu.dma_semaphore, #tpu.memory_space<semaphore_mem>>)
        %mul3A_83 = arith.constant 4 : i32
        %mul3A_84 = arith.muli %scan3A_59, %mul3A_83 : i32
        %add3A_85 = arith.constant 1 : i32
        %add3A_86 = arith.addi %mul3A_84, %add3A_85 : i32
        %add3A_87 = arith.constant 3 : i32
        %add3A_88 = arith.addi %add3A_86, %add3A_87 : i32
        %lt3A_89 = arith.constant 80 : i32
        %lt3A_90 = arith.cmpi slt, %add3A_88, %lt3A_89 : i32
        %convert_element_type3A_91 = arith.extui %lt3A_90 : i1 to i32
        %cond3A_92 = arith.constant 0 : i32
        %cond3A_93 = arith.cmpi ne, %convert_element_type3A_91, %cond3A_92 : i32
        scf.if %cond3A_93 {
          %ge3A = arith.constant 1 : i32
          %ge3A_156 = arith.cmpi sge, %add3A_86, %ge3A : i32
          %convert_element_type3A_157 = arith.extui %ge3A_156 : i1 to i32
          %cond3A_158 = arith.constant 0 : i32
          %cond3A_159 = arith.cmpi ne, %convert_element_type3A_157, %cond3A_158 : i32
          scf.if %cond3A_159 {
            %dma_wait3A_166 = arith.constant 0 : i32
            %dma_wait3A_167 = arith.constant 0 : i32
            %dma_wait3A_168 = tpu.memref_slice %arg2[%dma_wait3A_166, %dma_wait3A_167] : memref<10000x128xf32, #tpu.memory_space<hbm>> -> memref<128x128xf32, #tpu.memory_space<hbm>>
            %dma_wait3A_169 = arith.constant 0 : i32
            %dma_wait3A_170 = arith.constant 0 : i32
            %dma_wait3A_171 = tpu.memref_slice %arg2[%dma_wait3A_169, %dma_wait3A_170] : memref<10000x128xf32, #tpu.memory_space<hbm>> -> memref<128x128xf32, #tpu.memory_space<hbm>>
            tpu.wait_dma2 semaphore(%arg14 : memref<!tpu.dma_semaphore, #tpu.memory_space<semaphore_mem>>) src(%dma_wait3A_171 : memref<128x128xf32, #tpu.memory_space<hbm>>) dst(%arg6 : memref<128x128xf32, #tpu.memory_space<vmem>>)
          } else {
          }
          %dma_start3A_160 = arith.constant 0 : i32
          %dma_start3A_161 = tpu.memref_slice %arg5[%add3A_88, %dma_start3A_160] : memref<80x128xi32, #tpu.memory_space<vmem>> -> memref<1x128xi32, #tpu.memory_space<vmem>>
          %dma_start3A_162 = tpu.memref_squeeze %dma_start3A_161 : memref<1x128xi32, #tpu.memory_space<vmem>> -> memref<128xi32, #tpu.memory_space<vmem>>
          %dma_start3A_163 = arith.constant 0 : i32
          %dma_start3A_164 = arith.constant 0 : i32
          %dma_start3A_165 = tpu.memref_slice %arg2[%dma_start3A_163, %dma_start3A_164] : memref<10000x128xf32, #tpu.memory_space<hbm>> -> memref<10000x128xf32, #tpu.memory_space<hbm>>
          tpu.enqueue_indirect_dma source(%dma_start3A_165 : memref<10000x128xf32, #tpu.memory_space<hbm>>) target(%arg6 : memref<128x128xf32, #tpu.memory_space<vmem>>) offsets(%dma_start3A_162 : memref<128xi32, #tpu.memory_space<vmem>>) semaphore(%arg10 : memref<!tpu.dma_semaphore, #tpu.memory_space<semaphore_mem>>)
        } else {
        }
        %dma_wait3A_94 = arith.constant 0 : i32
        %dma_wait3A_95 = arith.constant 0 : i32
        %dma_wait3A_96 = tpu.memref_slice %arg2[%dma_wait3A_94, %dma_wait3A_95] : memref<10000x128xf32, #tpu.memory_space<hbm>> -> memref<128x128xf32, #tpu.memory_space<hbm>>
        %dma_wait3A_97 = arith.constant 0 : i32
        %dma_wait3A_98 = arith.constant 0 : i32
        %dma_wait3A_99 = tpu.memref_slice %arg2[%dma_wait3A_97, %dma_wait3A_98] : memref<10000x128xf32, #tpu.memory_space<hbm>> -> memref<128x128xf32, #tpu.memory_space<hbm>>
        tpu.wait_dma2 semaphore(%arg11 : memref<!tpu.dma_semaphore, #tpu.memory_space<semaphore_mem>>) src(%dma_wait3A_99 : memref<128x128xf32, #tpu.memory_space<hbm>>) dst(%arg7 : memref<128x128xf32, #tpu.memory_space<vmem>>)
        %mul3A_100 = arith.constant 128 : i32
        %mul3A_101 = arith.muli %add3A_86, %mul3A_100 : i32
        %add3A_102 = arith.addi %mul3A_9, %mul3A_101 : i32
        %dma_start3A_103 = arith.constant 0 : i32
        %dma_start3A_104 = tpu.memref_slice %arg4[%add3A_102, %dma_start3A_103] : memref<327680x128xf32, #tpu.memory_space<hbm>> -> memref<128x128xf32, #tpu.memory_space<hbm>>
        %dma_start3A_105 = arith.constant 0 : i32
        %dma_start3A_106 = tpu.memref_slice %arg4[%add3A_102, %dma_start3A_105] : memref<327680x128xf32, #tpu.memory_space<hbm>> -> memref<128x128xf32, #tpu.memory_space<hbm>>
        tpu.enqueue_dma source(%arg7 : memref<128x128xf32, #tpu.memory_space<vmem>>) target(%dma_start3A_106 : memref<128x128xf32, #tpu.memory_space<hbm>>) target_semaphore(%arg15 : memref<!tpu.dma_semaphore, #tpu.memory_space<semaphore_mem>>)
        %mul3A_107 = arith.constant 4 : i32
        %mul3A_108 = arith.muli %scan3A_59, %mul3A_107 : i32
        %add3A_109 = arith.constant 2 : i32
        %add3A_110 = arith.addi %mul3A_108, %add3A_109 : i32
        %add3A_111 = arith.constant 3 : i32
        %add3A_112 = arith.addi %add3A_110, %add3A_111 : i32
        %lt3A_113 = arith.constant 80 : i32
        %lt3A_114 = arith.cmpi slt, %add3A_112, %lt3A_113 : i32
        %convert_element_type3A_115 = arith.extui %lt3A_114 : i1 to i32
        %cond3A_116 = arith.constant 0 : i32
        %cond3A_117 = arith.cmpi ne, %convert_element_type3A_115, %cond3A_116 : i32
        scf.if %cond3A_117 {
          %ge3A = arith.constant 1 : i32
          %ge3A_156 = arith.cmpi sge, %add3A_110, %ge3A : i32
          %convert_element_type3A_157 = arith.extui %ge3A_156 : i1 to i32
          %cond3A_158 = arith.constant 0 : i32
          %cond3A_159 = arith.cmpi ne, %convert_element_type3A_157, %cond3A_158 : i32
          scf.if %cond3A_159 {
            %dma_wait3A_166 = arith.constant 0 : i32
            %dma_wait3A_167 = arith.constant 0 : i32
            %dma_wait3A_168 = tpu.memref_slice %arg2[%dma_wait3A_166, %dma_wait3A_167] : memref<10000x128xf32, #tpu.memory_space<hbm>> -> memref<128x128xf32, #tpu.memory_space<hbm>>
            %dma_wait3A_169 = arith.constant 0 : i32
            %dma_wait3A_170 = arith.constant 0 : i32
            %dma_wait3A_171 = tpu.memref_slice %arg2[%dma_wait3A_169, %dma_wait3A_170] : memref<10000x128xf32, #tpu.memory_space<hbm>> -> memref<128x128xf32, #tpu.memory_space<hbm>>
            tpu.wait_dma2 semaphore(%arg15 : memref<!tpu.dma_semaphore, #tpu.memory_space<semaphore_mem>>) src(%dma_wait3A_171 : memref<128x128xf32, #tpu.memory_space<hbm>>) dst(%arg7 : memref<128x128xf32, #tpu.memory_space<vmem>>)
          } else {
          }
          %dma_start3A_160 = arith.constant 0 : i32
          %dma_start3A_161 = tpu.memref_slice %arg5[%add3A_112, %dma_start3A_160] : memref<80x128xi32, #tpu.memory_space<vmem>> -> memref<1x128xi32, #tpu.memory_space<vmem>>
          %dma_start3A_162 = tpu.memref_squeeze %dma_start3A_161 : memref<1x128xi32, #tpu.memory_space<vmem>> -> memref<128xi32, #tpu.memory_space<vmem>>
          %dma_start3A_163 = arith.constant 0 : i32
          %dma_start3A_164 = arith.constant 0 : i32
          %dma_start3A_165 = tpu.memref_slice %arg2[%dma_start3A_163, %dma_start3A_164] : memref<10000x128xf32, #tpu.memory_space<hbm>> -> memref<10000x128xf32, #tpu.memory_space<hbm>>
          tpu.enqueue_indirect_dma source(%dma_start3A_165 : memref<10000x128xf32, #tpu.memory_space<hbm>>) target(%arg7 : memref<128x128xf32, #tpu.memory_space<vmem>>) offsets(%dma_start3A_162 : memref<128xi32, #tpu.memory_space<vmem>>) semaphore(%arg11 : memref<!tpu.dma_semaphore, #tpu.memory_space<semaphore_mem>>)
        } else {
        }
        %dma_wait3A_118 = arith.constant 0 : i32
        %dma_wait3A_119 = arith.constant 0 : i32
        %dma_wait3A_120 = tpu.memref_slice %arg2[%dma_wait3A_118, %dma_wait3A_119] : memref<10000x128xf32, #tpu.memory_space<hbm>> -> memref<128x128xf32, #tpu.memory_space<hbm>>
        %dma_wait3A_121 = arith.constant 0 : i32
        %dma_wait3A_122 = arith.constant 0 : i32
        %dma_wait3A_123 = tpu.memref_slice %arg2[%dma_wait3A_121, %dma_wait3A_122] : memref<10000x128xf32, #tpu.memory_space<hbm>> -> memref<128x128xf32, #tpu.memory_space<hbm>>
        tpu.wait_dma2 semaphore(%arg12 : memref<!tpu.dma_semaphore, #tpu.memory_space<semaphore_mem>>) src(%dma_wait3A_123 : memref<128x128xf32, #tpu.memory_space<hbm>>) dst(%arg8 : memref<128x128xf32, #tpu.memory_space<vmem>>)
        %mul3A_124 = arith.constant 128 : i32
        %mul3A_125 = arith.muli %add3A_110, %mul3A_124 : i32
        %add3A_126 = arith.addi %mul3A_9, %mul3A_125 : i32
        %dma_start3A_127 = arith.constant 0 : i32
        %dma_start3A_128 = tpu.memref_slice %arg4[%add3A_126, %dma_start3A_127] : memref<327680x128xf32, #tpu.memory_space<hbm>> -> memref<128x128xf32, #tpu.memory_space<hbm>>
        %dma_start3A_129 = arith.constant 0 : i32
        %dma_start3A_130 = tpu.memref_slice %arg4[%add3A_126, %dma_start3A_129] : memref<327680x128xf32, #tpu.memory_space<hbm>> -> memref<128x128xf32, #tpu.memory_space<hbm>>
        tpu.enqueue_dma source(%arg8 : memref<128x128xf32, #tpu.memory_space<vmem>>) target(%dma_start3A_130 : memref<128x128xf32, #tpu.memory_space<hbm>>) target_semaphore(%arg16 : memref<!tpu.dma_semaphore, #tpu.memory_space<semaphore_mem>>)
        %mul3A_131 = arith.constant 4 : i32
        %mul3A_132 = arith.muli %scan3A_59, %mul3A_131 : i32
        %add3A_133 = arith.constant 3 : i32
        %add3A_134 = arith.addi %mul3A_132, %add3A_133 : i32
        %add3A_135 = arith.constant 3 : i32
        %add3A_136 = arith.addi %add3A_134, %add3A_135 : i32
        %lt3A_137 = arith.constant 80 : i32
        %lt3A_138 = arith.cmpi slt, %add3A_136, %lt3A_137 : i32
        %convert_element_type3A_139 = arith.extui %lt3A_138 : i1 to i32
        %cond3A_140 = arith.constant 0 : i32
        %cond3A_141 = arith.cmpi ne, %convert_element_type3A_139, %cond3A_140 : i32
        scf.if %cond3A_141 {
          %ge3A = arith.constant 1 : i32
          %ge3A_156 = arith.cmpi sge, %add3A_134, %ge3A : i32
          %convert_element_type3A_157 = arith.extui %ge3A_156 : i1 to i32
          %cond3A_158 = arith.constant 0 : i32
          %cond3A_159 = arith.cmpi ne, %convert_element_type3A_157, %cond3A_158 : i32
          scf.if %cond3A_159 {
            %dma_wait3A_166 = arith.constant 0 : i32
            %dma_wait3A_167 = arith.constant 0 : i32
            %dma_wait3A_168 = tpu.memref_slice %arg2[%dma_wait3A_166, %dma_wait3A_167] : memref<10000x128xf32, #tpu.memory_space<hbm>> -> memref<128x128xf32, #tpu.memory_space<hbm>>
            %dma_wait3A_169 = arith.constant 0 : i32
            %dma_wait3A_170 = arith.constant 0 : i32
            %dma_wait3A_171 = tpu.memref_slice %arg2[%dma_wait3A_169, %dma_wait3A_170] : memref<10000x128xf32, #tpu.memory_space<hbm>> -> memref<128x128xf32, #tpu.memory_space<hbm>>
            tpu.wait_dma2 semaphore(%arg16 : memref<!tpu.dma_semaphore, #tpu.memory_space<semaphore_mem>>) src(%dma_wait3A_171 : memref<128x128xf32, #tpu.memory_space<hbm>>) dst(%arg8 : memref<128x128xf32, #tpu.memory_space<vmem>>)
          } else {
          }
          %dma_start3A_160 = arith.constant 0 : i32
          %dma_start3A_161 = tpu.memref_slice %arg5[%add3A_136, %dma_start3A_160] : memref<80x128xi32, #tpu.memory_space<vmem>> -> memref<1x128xi32, #tpu.memory_space<vmem>>
          %dma_start3A_162 = tpu.memref_squeeze %dma_start3A_161 : memref<1x128xi32, #tpu.memory_space<vmem>> -> memref<128xi32, #tpu.memory_space<vmem>>
          %dma_start3A_163 = arith.constant 0 : i32
          %dma_start3A_164 = arith.constant 0 : i32
          %dma_start3A_165 = tpu.memref_slice %arg2[%dma_start3A_163, %dma_start3A_164] : memref<10000x128xf32, #tpu.memory_space<hbm>> -> memref<10000x128xf32, #tpu.memory_space<hbm>>
          tpu.enqueue_indirect_dma source(%dma_start3A_165 : memref<10000x128xf32, #tpu.memory_space<hbm>>) target(%arg8 : memref<128x128xf32, #tpu.memory_space<vmem>>) offsets(%dma_start3A_162 : memref<128xi32, #tpu.memory_space<vmem>>) semaphore(%arg12 : memref<!tpu.dma_semaphore, #tpu.memory_space<semaphore_mem>>)
        } else {
        }
        %dma_wait3A_142 = arith.constant 0 : i32
        %dma_wait3A_143 = arith.constant 0 : i32
        %dma_wait3A_144 = tpu.memref_slice %arg2[%dma_wait3A_142, %dma_wait3A_143] : memref<10000x128xf32, #tpu.memory_space<hbm>> -> memref<128x128xf32, #tpu.memory_space<hbm>>
        %dma_wait3A_145 = arith.constant 0 : i32
        %dma_wait3A_146 = arith.constant 0 : i32
        %dma_wait3A_147 = tpu.memref_slice %arg2[%dma_wait3A_145, %dma_wait3A_146] : memref<10000x128xf32, #tpu.memory_space<hbm>> -> memref<128x128xf32, #tpu.memory_space<hbm>>
        tpu.wait_dma2 semaphore(%arg13 : memref<!tpu.dma_semaphore, #tpu.memory_space<semaphore_mem>>) src(%dma_wait3A_147 : memref<128x128xf32, #tpu.memory_space<hbm>>) dst(%arg9 : memref<128x128xf32, #tpu.memory_space<vmem>>)
        %mul3A_148 = arith.constant 128 : i32
        %mul3A_149 = arith.muli %add3A_134, %mul3A_148 : i32
        %add3A_150 = arith.addi %mul3A_9, %mul3A_149 : i32
        %dma_start3A_151 = arith.constant 0 : i32
        %dma_start3A_152 = tpu.memref_slice %arg4[%add3A_150, %dma_start3A_151] : memref<327680x128xf32, #tpu.memory_space<hbm>> -> memref<128x128xf32, #tpu.memory_space<hbm>>
        %dma_start3A_153 = arith.constant 0 : i32
        %dma_start3A_154 = tpu.memref_slice %arg4[%add3A_150, %dma_start3A_153] : memref<327680x128xf32, #tpu.memory_space<hbm>> -> memref<128x128xf32, #tpu.memory_space<hbm>>
        tpu.enqueue_dma source(%arg9 : memref<128x128xf32, #tpu.memory_space<vmem>>) target(%dma_start3A_154 : memref<128x128xf32, #tpu.memory_space<hbm>>) target_semaphore(%arg17 : memref<!tpu.dma_semaphore, #tpu.memory_space<semaphore_mem>>)
        %scan3A_155 = arith.constant 0 : i32
        scf.yield %scan3A_155 : i32
      }
      %scan3A_35 = arith.constant 20 : i32
      %dma_wait3A = arith.constant 0 : i32
      %dma_wait3A_36 = arith.constant 0 : i32
      %dma_wait3A_37 = tpu.memref_slice %arg2[%dma_wait3A, %dma_wait3A_36] : memref<10000x128xf32, #tpu.memory_space<hbm>> -> memref<128x128xf32, #tpu.memory_space<hbm>>
      %dma_wait3A_38 = arith.constant 0 : i32
      %dma_wait3A_39 = arith.constant 0 : i32
      %dma_wait3A_40 = tpu.memref_slice %arg2[%dma_wait3A_38, %dma_wait3A_39] : memref<10000x128xf32, #tpu.memory_space<hbm>> -> memref<128x128xf32, #tpu.memory_space<hbm>>
      tpu.wait_dma2 semaphore(%arg14 : memref<!tpu.dma_semaphore, #tpu.memory_space<semaphore_mem>>) src(%dma_wait3A_40 : memref<128x128xf32, #tpu.memory_space<hbm>>) dst(%arg6 : memref<128x128xf32, #tpu.memory_space<vmem>>)
      %dma_wait3A_41 = arith.constant 0 : i32
      %dma_wait3A_42 = arith.constant 0 : i32
      %dma_wait3A_43 = tpu.memref_slice %arg2[%dma_wait3A_41, %dma_wait3A_42] : memref<10000x128xf32, #tpu.memory_space<hbm>> -> memref<128x128xf32, #tpu.memory_space<hbm>>
      %dma_wait3A_44 = arith.constant 0 : i32
      %dma_wait3A_45 = arith.constant 0 : i32
      %dma_wait3A_46 = tpu.memref_slice %arg2[%dma_wait3A_44, %dma_wait3A_45] : memref<10000x128xf32, #tpu.memory_space<hbm>> -> memref<128x128xf32, #tpu.memory_space<hbm>>
      tpu.wait_dma2 semaphore(%arg15 : memref<!tpu.dma_semaphore, #tpu.memory_space<semaphore_mem>>) src(%dma_wait3A_46 : memref<128x128xf32, #tpu.memory_space<hbm>>) dst(%arg7 : memref<128x128xf32, #tpu.memory_space<vmem>>)
      %dma_wait3A_47 = arith.constant 0 : i32
      %dma_wait3A_48 = arith.constant 0 : i32
      %dma_wait3A_49 = tpu.memref_slice %arg2[%dma_wait3A_47, %dma_wait3A_48] : memref<10000x128xf32, #tpu.memory_space<hbm>> -> memref<128x128xf32, #tpu.memory_space<hbm>>
      %dma_wait3A_50 = arith.constant 0 : i32
      %dma_wait3A_51 = arith.constant 0 : i32
      %dma_wait3A_52 = tpu.memref_slice %arg2[%dma_wait3A_50, %dma_wait3A_51] : memref<10000x128xf32, #tpu.memory_space<hbm>> -> memref<128x128xf32, #tpu.memory_space<hbm>>
      tpu.wait_dma2 semaphore(%arg16 : memref<!tpu.dma_semaphore, #tpu.memory_space<semaphore_mem>>) src(%dma_wait3A_52 : memref<128x128xf32, #tpu.memory_space<hbm>>) dst(%arg8 : memref<128x128xf32, #tpu.memory_space<vmem>>)
      %dma_wait3A_53 = arith.constant 0 : i32
      %dma_wait3A_54 = arith.constant 0 : i32
      %dma_wait3A_55 = tpu.memref_slice %arg2[%dma_wait3A_53, %dma_wait3A_54] : memref<10000x128xf32, #tpu.memory_space<hbm>> -> memref<128x128xf32, #tpu.memory_space<hbm>>
      %dma_wait3A_56 = arith.constant 0 : i32
      %dma_wait3A_57 = arith.constant 0 : i32
      %dma_wait3A_58 = tpu.memref_slice %arg2[%dma_wait3A_56, %dma_wait3A_57] : memref<10000x128xf32, #tpu.memory_space<hbm>> -> memref<128x128xf32, #tpu.memory_space<hbm>>
      tpu.wait_dma2 semaphore(%arg17 : memref<!tpu.dma_semaphore, #tpu.memory_space<semaphore_mem>>) src(%dma_wait3A_58 : memref<128x128xf32, #tpu.memory_space<hbm>>) dst(%arg9 : memref<128x128xf32, #tpu.memory_space<vmem>>)
    } else {
    }
    %eq3A_2 = arith.constant 1 : i32
    %eq3A_3 = arith.cmpi eq, %arg0, %eq3A_2 : i32
    %convert_element_type3A_4 = arith.extui %eq3A_3 : i1 to i32
    %cond3A_5 = arith.constant 0 : i32
    %cond3A_6 = arith.cmpi ne, %convert_element_type3A_4, %cond3A_5 : i32
    scf.if %cond3A_6 {
      %mul3A = arith.constant 80 : i32
      %mul3A_7 = arith.muli %arg1, %mul3A : i32
      %add3A = arith.constant 1280 : i32
      %add3A_8 = arith.addi %add3A, %mul3A_7 : i32
      %mul3A_9 = arith.constant 128 : i32
      %mul3A_10 = arith.muli %add3A_8, %mul3A_9 : i32
      "tpu.region"() ({
        %run_scoped3A = tpu.sem_alloc : memref<!tpu.dma_semaphore, #tpu.memory_space<semaphore_mem>>
        %dma_start3A_60 = arith.constant 0 : i32
        %dma_start3A_61 = arith.constant 0 : i32
        %dma_start3A_62 = tpu.memref_slice %arg5[%dma_start3A_60, %dma_start3A_61] : memref<80x128xi32, #tpu.memory_space<vmem>> -> memref<80x128xi32, #tpu.memory_space<vmem>>
        %dma_start3A_63 = arith.constant 0 : i32
        %dma_start3A_64 = tpu.memref_slice %arg3[%add3A_8, %dma_start3A_63] : memref<2560x128xi32, #tpu.memory_space<hbm>> -> memref<80x128xi32, #tpu.memory_space<hbm>>
        %dma_start3A_65 = arith.constant 0 : i32
        %dma_start3A_66 = arith.constant 0 : i32
        %dma_start3A_67 = tpu.memref_slice %arg5[%dma_start3A_65, %dma_start3A_66] : memref<80x128xi32, #tpu.memory_space<vmem>> -> memref<80x128xi32, #tpu.memory_space<vmem>>
        %dma_start3A_68 = arith.constant 0 : i32
        %dma_start3A_69 = tpu.memref_slice %arg3[%add3A_8, %dma_start3A_68] : memref<2560x128xi32, #tpu.memory_space<hbm>> -> memref<80x128xi32, #tpu.memory_space<hbm>>
        tpu.enqueue_dma source(%dma_start3A_69 : memref<80x128xi32, #tpu.memory_space<hbm>>) target(%dma_start3A_67 : memref<80x128xi32, #tpu.memory_space<vmem>>) target_semaphore(%run_scoped3A : memref<!tpu.dma_semaphore, #tpu.memory_space<semaphore_mem>>)
        %dma_wait3A_70 = arith.constant 0 : i32
        %dma_wait3A_71 = arith.constant 0 : i32
        %dma_wait3A_72 = tpu.memref_slice %arg5[%dma_wait3A_70, %dma_wait3A_71] : memref<80x128xi32, #tpu.memory_space<vmem>> -> memref<80x128xi32, #tpu.memory_space<vmem>>
        %dma_wait3A_73 = arith.constant 0 : i32
        %dma_wait3A_74 = tpu.memref_slice %arg3[%add3A_8, %dma_wait3A_73] : memref<2560x128xi32, #tpu.memory_space<hbm>> -> memref<80x128xi32, #tpu.memory_space<hbm>>
        %dma_wait3A_75 = arith.constant 0 : i32
        %dma_wait3A_76 = arith.constant 0 : i32
        %dma_wait3A_77 = tpu.memref_slice %arg5[%dma_wait3A_75, %dma_wait3A_76] : memref<80x128xi32, #tpu.memory_space<vmem>> -> memref<80x128xi32, #tpu.memory_space<vmem>>
        %dma_wait3A_78 = arith.constant 0 : i32
        %dma_wait3A_79 = tpu.memref_slice %arg3[%add3A_8, %dma_wait3A_78] : memref<2560x128xi32, #tpu.memory_space<hbm>> -> memref<80x128xi32, #tpu.memory_space<hbm>>
        tpu.wait_dma2 semaphore(%run_scoped3A : memref<!tpu.dma_semaphore, #tpu.memory_space<semaphore_mem>>) src(%dma_wait3A_79 : memref<80x128xi32, #tpu.memory_space<hbm>>) dst(%dma_wait3A_77 : memref<80x128xi32, #tpu.memory_space<vmem>>)
        tpu.yield
      }) : () -> ()
      %dma_start3A = arith.constant 0 : i32
      %dma_start3A_11 = arith.constant 0 : i32
      %dma_start3A_12 = tpu.memref_slice %arg5[%dma_start3A, %dma_start3A_11] : memref<80x128xi32, #tpu.memory_space<vmem>> -> memref<1x128xi32, #tpu.memory_space<vmem>>
      %dma_start3A_13 = tpu.memref_squeeze %dma_start3A_12 : memref<1x128xi32, #tpu.memory_space<vmem>> -> memref<128xi32, #tpu.memory_space<vmem>>
      %dma_start3A_14 = arith.constant 0 : i32
      %dma_start3A_15 = arith.constant 0 : i32
      %dma_start3A_16 = tpu.memref_slice %arg2[%dma_start3A_14, %dma_start3A_15] : memref<10000x128xf32, #tpu.memory_space<hbm>> -> memref<10000x128xf32, #tpu.memory_space<hbm>>
      tpu.enqueue_indirect_dma source(%dma_start3A_16 : memref<10000x128xf32, #tpu.memory_space<hbm>>) target(%arg6 : memref<128x128xf32, #tpu.memory_space<vmem>>) offsets(%dma_start3A_13 : memref<128xi32, #tpu.memory_space<vmem>>) semaphore(%arg10 : memref<!tpu.dma_semaphore, #tpu.memory_space<semaphore_mem>>)
      %dma_start3A_17 = arith.constant 1 : i32
      %dma_start3A_18 = arith.constant 0 : i32
      %dma_start3A_19 = tpu.memref_slice %arg5[%dma_start3A_17, %dma_start3A_18] : memref<80x128xi32, #tpu.memory_space<vmem>> -> memref<1x128xi32, #tpu.memory_space<vmem>>
      %dma_start3A_20 = tpu.memref_squeeze %dma_start3A_19 : memref<1x128xi32, #tpu.memory_space<vmem>> -> memref<128xi32, #tpu.memory_space<vmem>>
      %dma_start3A_21 = arith.constant 0 : i32
      %dma_start3A_22 = arith.constant 0 : i32
      %dma_start3A_23 = tpu.memref_slice %arg2[%dma_start3A_21, %dma_start3A_22] : memref<10000x128xf32, #tpu.memory_space<hbm>> -> memref<10000x128xf32, #tpu.memory_space<hbm>>
      tpu.enqueue_indirect_dma source(%dma_start3A_23 : memref<10000x128xf32, #tpu.memory_space<hbm>>) target(%arg7 : memref<128x128xf32, #tpu.memory_space<vmem>>) offsets(%dma_start3A_20 : memref<128xi32, #tpu.memory_space<vmem>>) semaphore(%arg11 : memref<!tpu.dma_semaphore, #tpu.memory_space<semaphore_mem>>)
      %dma_start3A_24 = arith.constant 2 : i32
      %dma_start3A_25 = arith.constant 0 : i32
      %dma_start3A_26 = tpu.memref_slice %arg5[%dma_start3A_24, %dma_start3A_25] : memref<80x128xi32, #tpu.memory_space<vmem>> -> memref<1x128xi32, #tpu.memory_space<vmem>>
      %dma_start3A_27 = tpu.memref_squeeze %dma_start3A_26 : memref<1x128xi32, #tpu.memory_space<vmem>> -> memref<128xi32, #tpu.memory_space<vmem>>
      %dma_start3A_28 = arith.constant 0 : i32
      %dma_start3A_29 = arith.constant 0 : i32
      %dma_start3A_30 = tpu.memref_slice %arg2[%dma_start3A_28, %dma_start3A_29] : memref<10000x128xf32, #tpu.memory_space<hbm>> -> memref<10000x128xf32, #tpu.memory_space<hbm>>
      tpu.enqueue_indirect_dma source(%dma_start3A_30 : memref<10000x128xf32, #tpu.memory_space<hbm>>) target(%arg8 : memref<128x128xf32, #tpu.memory_space<vmem>>) offsets(%dma_start3A_27 : memref<128xi32, #tpu.memory_space<vmem>>) semaphore(%arg12 : memref<!tpu.dma_semaphore, #tpu.memory_space<semaphore_mem>>)
      %scan3A = arith.constant 0 : i32
      %scan3A_31 = arith.constant 0 : i32
      %scan3A_32 = arith.constant 20 : i32
      %scan3A_33 = arith.addi %scan3A_31, %scan3A_32 : i32
      %scan3A_34 = arith.constant 1 : i32
      %scan3A_35 = scf.for %scan3A_60 = %scan3A_31 to %scan3A_33 step %scan3A_34 iter_args(%scan3A_61 = %scan3A) -> (i32)  : i32 {
        %mul3A_62 = arith.constant 4 : i32
        %mul3A_63 = arith.muli %scan3A_60, %mul3A_62 : i32
        %add3A_64 = arith.constant 0 : i32
        %add3A_65 = arith.addi %mul3A_63, %add3A_64 : i32
        %add3A_66 = arith.constant 3 : i32
        %add3A_67 = arith.addi %add3A_65, %add3A_66 : i32
        %lt3A = arith.constant 80 : i32
        %lt3A_68 = arith.cmpi slt, %add3A_67, %lt3A : i32
        %convert_element_type3A_69 = arith.extui %lt3A_68 : i1 to i32
        %cond3A_70 = arith.constant 0 : i32
        %cond3A_71 = arith.cmpi ne, %convert_element_type3A_69, %cond3A_70 : i32
        scf.if %cond3A_71 {
          %ge3A = arith.constant 1 : i32
          %ge3A_158 = arith.cmpi sge, %add3A_65, %ge3A : i32
          %convert_element_type3A_159 = arith.extui %ge3A_158 : i1 to i32
          %cond3A_160 = arith.constant 0 : i32
          %cond3A_161 = arith.cmpi ne, %convert_element_type3A_159, %cond3A_160 : i32
          scf.if %cond3A_161 {
            %dma_wait3A_168 = arith.constant 0 : i32
            %dma_wait3A_169 = arith.constant 0 : i32
            %dma_wait3A_170 = tpu.memref_slice %arg2[%dma_wait3A_168, %dma_wait3A_169] : memref<10000x128xf32, #tpu.memory_space<hbm>> -> memref<128x128xf32, #tpu.memory_space<hbm>>
            %dma_wait3A_171 = arith.constant 0 : i32
            %dma_wait3A_172 = arith.constant 0 : i32
            %dma_wait3A_173 = tpu.memref_slice %arg2[%dma_wait3A_171, %dma_wait3A_172] : memref<10000x128xf32, #tpu.memory_space<hbm>> -> memref<128x128xf32, #tpu.memory_space<hbm>>
            tpu.wait_dma2 semaphore(%arg17 : memref<!tpu.dma_semaphore, #tpu.memory_space<semaphore_mem>>) src(%dma_wait3A_173 : memref<128x128xf32, #tpu.memory_space<hbm>>) dst(%arg9 : memref<128x128xf32, #tpu.memory_space<vmem>>)
          } else {
          }
          %dma_start3A_162 = arith.constant 0 : i32
          %dma_start3A_163 = tpu.memref_slice %arg5[%add3A_67, %dma_start3A_162] : memref<80x128xi32, #tpu.memory_space<vmem>> -> memref<1x128xi32, #tpu.memory_space<vmem>>
          %dma_start3A_164 = tpu.memref_squeeze %dma_start3A_163 : memref<1x128xi32, #tpu.memory_space<vmem>> -> memref<128xi32, #tpu.memory_space<vmem>>
          %dma_start3A_165 = arith.constant 0 : i32
          %dma_start3A_166 = arith.constant 0 : i32
          %dma_start3A_167 = tpu.memref_slice %arg2[%dma_start3A_165, %dma_start3A_166] : memref<10000x128xf32, #tpu.memory_space<hbm>> -> memref<10000x128xf32, #tpu.memory_space<hbm>>
          tpu.enqueue_indirect_dma source(%dma_start3A_167 : memref<10000x128xf32, #tpu.memory_space<hbm>>) target(%arg9 : memref<128x128xf32, #tpu.memory_space<vmem>>) offsets(%dma_start3A_164 : memref<128xi32, #tpu.memory_space<vmem>>) semaphore(%arg13 : memref<!tpu.dma_semaphore, #tpu.memory_space<semaphore_mem>>)
        } else {
        }
        %dma_wait3A_72 = arith.constant 0 : i32
        %dma_wait3A_73 = arith.constant 0 : i32
        %dma_wait3A_74 = tpu.memref_slice %arg2[%dma_wait3A_72, %dma_wait3A_73] : memref<10000x128xf32, #tpu.memory_space<hbm>> -> memref<128x128xf32, #tpu.memory_space<hbm>>
        %dma_wait3A_75 = arith.constant 0 : i32
        %dma_wait3A_76 = arith.constant 0 : i32
        %dma_wait3A_77 = tpu.memref_slice %arg2[%dma_wait3A_75, %dma_wait3A_76] : memref<10000x128xf32, #tpu.memory_space<hbm>> -> memref<128x128xf32, #tpu.memory_space<hbm>>
        tpu.wait_dma2 semaphore(%arg10 : memref<!tpu.dma_semaphore, #tpu.memory_space<semaphore_mem>>) src(%dma_wait3A_77 : memref<128x128xf32, #tpu.memory_space<hbm>>) dst(%arg6 : memref<128x128xf32, #tpu.memory_space<vmem>>)
        %mul3A_78 = arith.constant 128 : i32
        %mul3A_79 = arith.muli %add3A_65, %mul3A_78 : i32
        %add3A_80 = arith.addi %mul3A_10, %mul3A_79 : i32
        %dma_start3A_81 = arith.constant 0 : i32
        %dma_start3A_82 = tpu.memref_slice %arg4[%add3A_80, %dma_start3A_81] : memref<327680x128xf32, #tpu.memory_space<hbm>> -> memref<128x128xf32, #tpu.memory_space<hbm>>
        %dma_start3A_83 = arith.constant 0 : i32
        %dma_start3A_84 = tpu.memref_slice %arg4[%add3A_80, %dma_start3A_83] : memref<327680x128xf32, #tpu.memory_space<hbm>> -> memref<128x128xf32, #tpu.memory_space<hbm>>
        tpu.enqueue_dma source(%arg6 : memref<128x128xf32, #tpu.memory_space<vmem>>) target(%dma_start3A_84 : memref<128x128xf32, #tpu.memory_space<hbm>>) target_semaphore(%arg14 : memref<!tpu.dma_semaphore, #tpu.memory_space<semaphore_mem>>)
        %mul3A_85 = arith.constant 4 : i32
        %mul3A_86 = arith.muli %scan3A_60, %mul3A_85 : i32
        %add3A_87 = arith.constant 1 : i32
        %add3A_88 = arith.addi %mul3A_86, %add3A_87 : i32
        %add3A_89 = arith.constant 3 : i32
        %add3A_90 = arith.addi %add3A_88, %add3A_89 : i32
        %lt3A_91 = arith.constant 80 : i32
        %lt3A_92 = arith.cmpi slt, %add3A_90, %lt3A_91 : i32
        %convert_element_type3A_93 = arith.extui %lt3A_92 : i1 to i32
        %cond3A_94 = arith.constant 0 : i32
        %cond3A_95 = arith.cmpi ne, %convert_element_type3A_93, %cond3A_94 : i32
        scf.if %cond3A_95 {
          %ge3A = arith.constant 1 : i32
          %ge3A_158 = arith.cmpi sge, %add3A_88, %ge3A : i32
          %convert_element_type3A_159 = arith.extui %ge3A_158 : i1 to i32
          %cond3A_160 = arith.constant 0 : i32
          %cond3A_161 = arith.cmpi ne, %convert_element_type3A_159, %cond3A_160 : i32
          scf.if %cond3A_161 {
            %dma_wait3A_168 = arith.constant 0 : i32
            %dma_wait3A_169 = arith.constant 0 : i32
            %dma_wait3A_170 = tpu.memref_slice %arg2[%dma_wait3A_168, %dma_wait3A_169] : memref<10000x128xf32, #tpu.memory_space<hbm>> -> memref<128x128xf32, #tpu.memory_space<hbm>>
            %dma_wait3A_171 = arith.constant 0 : i32
            %dma_wait3A_172 = arith.constant 0 : i32
            %dma_wait3A_173 = tpu.memref_slice %arg2[%dma_wait3A_171, %dma_wait3A_172] : memref<10000x128xf32, #tpu.memory_space<hbm>> -> memref<128x128xf32, #tpu.memory_space<hbm>>
            tpu.wait_dma2 semaphore(%arg14 : memref<!tpu.dma_semaphore, #tpu.memory_space<semaphore_mem>>) src(%dma_wait3A_173 : memref<128x128xf32, #tpu.memory_space<hbm>>) dst(%arg6 : memref<128x128xf32, #tpu.memory_space<vmem>>)
          } else {
          }
          %dma_start3A_162 = arith.constant 0 : i32
          %dma_start3A_163 = tpu.memref_slice %arg5[%add3A_90, %dma_start3A_162] : memref<80x128xi32, #tpu.memory_space<vmem>> -> memref<1x128xi32, #tpu.memory_space<vmem>>
          %dma_start3A_164 = tpu.memref_squeeze %dma_start3A_163 : memref<1x128xi32, #tpu.memory_space<vmem>> -> memref<128xi32, #tpu.memory_space<vmem>>
          %dma_start3A_165 = arith.constant 0 : i32
          %dma_start3A_166 = arith.constant 0 : i32
          %dma_start3A_167 = tpu.memref_slice %arg2[%dma_start3A_165, %dma_start3A_166] : memref<10000x128xf32, #tpu.memory_space<hbm>> -> memref<10000x128xf32, #tpu.memory_space<hbm>>
          tpu.enqueue_indirect_dma source(%dma_start3A_167 : memref<10000x128xf32, #tpu.memory_space<hbm>>) target(%arg6 : memref<128x128xf32, #tpu.memory_space<vmem>>) offsets(%dma_start3A_164 : memref<128xi32, #tpu.memory_space<vmem>>) semaphore(%arg10 : memref<!tpu.dma_semaphore, #tpu.memory_space<semaphore_mem>>)
        } else {
        }
        %dma_wait3A_96 = arith.constant 0 : i32
        %dma_wait3A_97 = arith.constant 0 : i32
        %dma_wait3A_98 = tpu.memref_slice %arg2[%dma_wait3A_96, %dma_wait3A_97] : memref<10000x128xf32, #tpu.memory_space<hbm>> -> memref<128x128xf32, #tpu.memory_space<hbm>>
        %dma_wait3A_99 = arith.constant 0 : i32
        %dma_wait3A_100 = arith.constant 0 : i32
        %dma_wait3A_101 = tpu.memref_slice %arg2[%dma_wait3A_99, %dma_wait3A_100] : memref<10000x128xf32, #tpu.memory_space<hbm>> -> memref<128x128xf32, #tpu.memory_space<hbm>>
        tpu.wait_dma2 semaphore(%arg11 : memref<!tpu.dma_semaphore, #tpu.memory_space<semaphore_mem>>) src(%dma_wait3A_101 : memref<128x128xf32, #tpu.memory_space<hbm>>) dst(%arg7 : memref<128x128xf32, #tpu.memory_space<vmem>>)
        %mul3A_102 = arith.constant 128 : i32
        %mul3A_103 = arith.muli %add3A_88, %mul3A_102 : i32
        %add3A_104 = arith.addi %mul3A_10, %mul3A_103 : i32
        %dma_start3A_105 = arith.constant 0 : i32
        %dma_start3A_106 = tpu.memref_slice %arg4[%add3A_104, %dma_start3A_105] : memref<327680x128xf32, #tpu.memory_space<hbm>> -> memref<128x128xf32, #tpu.memory_space<hbm>>
        %dma_start3A_107 = arith.constant 0 : i32
        %dma_start3A_108 = tpu.memref_slice %arg4[%add3A_104, %dma_start3A_107] : memref<327680x128xf32, #tpu.memory_space<hbm>> -> memref<128x128xf32, #tpu.memory_space<hbm>>
        tpu.enqueue_dma source(%arg7 : memref<128x128xf32, #tpu.memory_space<vmem>>) target(%dma_start3A_108 : memref<128x128xf32, #tpu.memory_space<hbm>>) target_semaphore(%arg15 : memref<!tpu.dma_semaphore, #tpu.memory_space<semaphore_mem>>)
        %mul3A_109 = arith.constant 4 : i32
        %mul3A_110 = arith.muli %scan3A_60, %mul3A_109 : i32
        %add3A_111 = arith.constant 2 : i32
        %add3A_112 = arith.addi %mul3A_110, %add3A_111 : i32
        %add3A_113 = arith.constant 3 : i32
        %add3A_114 = arith.addi %add3A_112, %add3A_113 : i32
        %lt3A_115 = arith.constant 80 : i32
        %lt3A_116 = arith.cmpi slt, %add3A_114, %lt3A_115 : i32
        %convert_element_type3A_117 = arith.extui %lt3A_116 : i1 to i32
        %cond3A_118 = arith.constant 0 : i32
        %cond3A_119 = arith.cmpi ne, %convert_element_type3A_117, %cond3A_118 : i32
        scf.if %cond3A_119 {
          %ge3A = arith.constant 1 : i32
          %ge3A_158 = arith.cmpi sge, %add3A_112, %ge3A : i32
          %convert_element_type3A_159 = arith.extui %ge3A_158 : i1 to i32
          %cond3A_160 = arith.constant 0 : i32
          %cond3A_161 = arith.cmpi ne, %convert_element_type3A_159, %cond3A_160 : i32
          scf.if %cond3A_161 {
            %dma_wait3A_168 = arith.constant 0 : i32
            %dma_wait3A_169 = arith.constant 0 : i32
            %dma_wait3A_170 = tpu.memref_slice %arg2[%dma_wait3A_168, %dma_wait3A_169] : memref<10000x128xf32, #tpu.memory_space<hbm>> -> memref<128x128xf32, #tpu.memory_space<hbm>>
            %dma_wait3A_171 = arith.constant 0 : i32
            %dma_wait3A_172 = arith.constant 0 : i32
            %dma_wait3A_173 = tpu.memref_slice %arg2[%dma_wait3A_171, %dma_wait3A_172] : memref<10000x128xf32, #tpu.memory_space<hbm>> -> memref<128x128xf32, #tpu.memory_space<hbm>>
            tpu.wait_dma2 semaphore(%arg15 : memref<!tpu.dma_semaphore, #tpu.memory_space<semaphore_mem>>) src(%dma_wait3A_173 : memref<128x128xf32, #tpu.memory_space<hbm>>) dst(%arg7 : memref<128x128xf32, #tpu.memory_space<vmem>>)
          } else {
          }
          %dma_start3A_162 = arith.constant 0 : i32
          %dma_start3A_163 = tpu.memref_slice %arg5[%add3A_114, %dma_start3A_162] : memref<80x128xi32, #tpu.memory_space<vmem>> -> memref<1x128xi32, #tpu.memory_space<vmem>>
          %dma_start3A_164 = tpu.memref_squeeze %dma_start3A_163 : memref<1x128xi32, #tpu.memory_space<vmem>> -> memref<128xi32, #tpu.memory_space<vmem>>
          %dma_start3A_165 = arith.constant 0 : i32
          %dma_start3A_166 = arith.constant 0 : i32
          %dma_start3A_167 = tpu.memref_slice %arg2[%dma_start3A_165, %dma_start3A_166] : memref<10000x128xf32, #tpu.memory_space<hbm>> -> memref<10000x128xf32, #tpu.memory_space<hbm>>
          tpu.enqueue_indirect_dma source(%dma_start3A_167 : memref<10000x128xf32, #tpu.memory_space<hbm>>) target(%arg7 : memref<128x128xf32, #tpu.memory_space<vmem>>) offsets(%dma_start3A_164 : memref<128xi32, #tpu.memory_space<vmem>>) semaphore(%arg11 : memref<!tpu.dma_semaphore, #tpu.memory_space<semaphore_mem>>)
        } else {
        }
        %dma_wait3A_120 = arith.constant 0 : i32
        %dma_wait3A_121 = arith.constant 0 : i32
        %dma_wait3A_122 = tpu.memref_slice %arg2[%dma_wait3A_120, %dma_wait3A_121] : memref<10000x128xf32, #tpu.memory_space<hbm>> -> memref<128x128xf32, #tpu.memory_space<hbm>>
        %dma_wait3A_123 = arith.constant 0 : i32
        %dma_wait3A_124 = arith.constant 0 : i32
        %dma_wait3A_125 = tpu.memref_slice %arg2[%dma_wait3A_123, %dma_wait3A_124] : memref<10000x128xf32, #tpu.memory_space<hbm>> -> memref<128x128xf32, #tpu.memory_space<hbm>>
        tpu.wait_dma2 semaphore(%arg12 : memref<!tpu.dma_semaphore, #tpu.memory_space<semaphore_mem>>) src(%dma_wait3A_125 : memref<128x128xf32, #tpu.memory_space<hbm>>) dst(%arg8 : memref<128x128xf32, #tpu.memory_space<vmem>>)
        %mul3A_126 = arith.constant 128 : i32
        %mul3A_127 = arith.muli %add3A_112, %mul3A_126 : i32
        %add3A_128 = arith.addi %mul3A_10, %mul3A_127 : i32
        %dma_start3A_129 = arith.constant 0 : i32
        %dma_start3A_130 = tpu.memref_slice %arg4[%add3A_128, %dma_start3A_129] : memref<327680x128xf32, #tpu.memory_space<hbm>> -> memref<128x128xf32, #tpu.memory_space<hbm>>
        %dma_start3A_131 = arith.constant 0 : i32
        %dma_start3A_132 = tpu.memref_slice %arg4[%add3A_128, %dma_start3A_131] : memref<327680x128xf32, #tpu.memory_space<hbm>> -> memref<128x128xf32, #tpu.memory_space<hbm>>
        tpu.enqueue_dma source(%arg8 : memref<128x128xf32, #tpu.memory_space<vmem>>) target(%dma_start3A_132 : memref<128x128xf32, #tpu.memory_space<hbm>>) target_semaphore(%arg16 : memref<!tpu.dma_semaphore, #tpu.memory_space<semaphore_mem>>)
        %mul3A_133 = arith.constant 4 : i32
        %mul3A_134 = arith.muli %scan3A_60, %mul3A_133 : i32
        %add3A_135 = arith.constant 3 : i32
        %add3A_136 = arith.addi %mul3A_134, %add3A_135 : i32
        %add3A_137 = arith.constant 3 : i32
        %add3A_138 = arith.addi %add3A_136, %add3A_137 : i32
        %lt3A_139 = arith.constant 80 : i32
        %lt3A_140 = arith.cmpi slt, %add3A_138, %lt3A_139 : i32
        %convert_element_type3A_141 = arith.extui %lt3A_140 : i1 to i32
        %cond3A_142 = arith.constant 0 : i32
        %cond3A_143 = arith.cmpi ne, %convert_element_type3A_141, %cond3A_142 : i32
        scf.if %cond3A_143 {
          %ge3A = arith.constant 1 : i32
          %ge3A_158 = arith.cmpi sge, %add3A_136, %ge3A : i32
          %convert_element_type3A_159 = arith.extui %ge3A_158 : i1 to i32
          %cond3A_160 = arith.constant 0 : i32
          %cond3A_161 = arith.cmpi ne, %convert_element_type3A_159, %cond3A_160 : i32
          scf.if %cond3A_161 {
            %dma_wait3A_168 = arith.constant 0 : i32
            %dma_wait3A_169 = arith.constant 0 : i32
            %dma_wait3A_170 = tpu.memref_slice %arg2[%dma_wait3A_168, %dma_wait3A_169] : memref<10000x128xf32, #tpu.memory_space<hbm>> -> memref<128x128xf32, #tpu.memory_space<hbm>>
            %dma_wait3A_171 = arith.constant 0 : i32
            %dma_wait3A_172 = arith.constant 0 : i32
            %dma_wait3A_173 = tpu.memref_slice %arg2[%dma_wait3A_171, %dma_wait3A_172] : memref<10000x128xf32, #tpu.memory_space<hbm>> -> memref<128x128xf32, #tpu.memory_space<hbm>>
            tpu.wait_dma2 semaphore(%arg16 : memref<!tpu.dma_semaphore, #tpu.memory_space<semaphore_mem>>) src(%dma_wait3A_173 : memref<128x128xf32, #tpu.memory_space<hbm>>) dst(%arg8 : memref<128x128xf32, #tpu.memory_space<vmem>>)
          } else {
          }
          %dma_start3A_162 = arith.constant 0 : i32
          %dma_start3A_163 = tpu.memref_slice %arg5[%add3A_138, %dma_start3A_162] : memref<80x128xi32, #tpu.memory_space<vmem>> -> memref<1x128xi32, #tpu.memory_space<vmem>>
          %dma_start3A_164 = tpu.memref_squeeze %dma_start3A_163 : memref<1x128xi32, #tpu.memory_space<vmem>> -> memref<128xi32, #tpu.memory_space<vmem>>
          %dma_start3A_165 = arith.constant 0 : i32
          %dma_start3A_166 = arith.constant 0 : i32
          %dma_start3A_167 = tpu.memref_slice %arg2[%dma_start3A_165, %dma_start3A_166] : memref<10000x128xf32, #tpu.memory_space<hbm>> -> memref<10000x128xf32, #tpu.memory_space<hbm>>
          tpu.enqueue_indirect_dma source(%dma_start3A_167 : memref<10000x128xf32, #tpu.memory_space<hbm>>) target(%arg8 : memref<128x128xf32, #tpu.memory_space<vmem>>) offsets(%dma_start3A_164 : memref<128xi32, #tpu.memory_space<vmem>>) semaphore(%arg12 : memref<!tpu.dma_semaphore, #tpu.memory_space<semaphore_mem>>)
        } else {
        }
        %dma_wait3A_144 = arith.constant 0 : i32
        %dma_wait3A_145 = arith.constant 0 : i32
        %dma_wait3A_146 = tpu.memref_slice %arg2[%dma_wait3A_144, %dma_wait3A_145] : memref<10000x128xf32, #tpu.memory_space<hbm>> -> memref<128x128xf32, #tpu.memory_space<hbm>>
        %dma_wait3A_147 = arith.constant 0 : i32
        %dma_wait3A_148 = arith.constant 0 : i32
        %dma_wait3A_149 = tpu.memref_slice %arg2[%dma_wait3A_147, %dma_wait3A_148] : memref<10000x128xf32, #tpu.memory_space<hbm>> -> memref<128x128xf32, #tpu.memory_space<hbm>>
        tpu.wait_dma2 semaphore(%arg13 : memref<!tpu.dma_semaphore, #tpu.memory_space<semaphore_mem>>) src(%dma_wait3A_149 : memref<128x128xf32, #tpu.memory_space<hbm>>) dst(%arg9 : memref<128x128xf32, #tpu.memory_space<vmem>>)
        %mul3A_150 = arith.constant 128 : i32
        %mul3A_151 = arith.muli %add3A_136, %mul3A_150 : i32
        %add3A_152 = arith.addi %mul3A_10, %mul3A_151 : i32
        %dma_start3A_153 = arith.constant 0 : i32
        %dma_start3A_154 = tpu.memref_slice %arg4[%add3A_152, %dma_start3A_153] : memref<327680x128xf32, #tpu.memory_space<hbm>> -> memref<128x128xf32, #tpu.memory_space<hbm>>
        %dma_start3A_155 = arith.constant 0 : i32
        %dma_start3A_156 = tpu.memref_slice %arg4[%add3A_152, %dma_start3A_155] : memref<327680x128xf32, #tpu.memory_space<hbm>> -> memref<128x128xf32, #tpu.memory_space<hbm>>
        tpu.enqueue_dma source(%arg9 : memref<128x128xf32, #tpu.memory_space<vmem>>) target(%dma_start3A_156 : memref<128x128xf32, #tpu.memory_space<hbm>>) target_semaphore(%arg17 : memref<!tpu.dma_semaphore, #tpu.memory_space<semaphore_mem>>)
        %scan3A_157 = arith.constant 0 : i32
        scf.yield %scan3A_157 : i32
      }
      %scan3A_36 = arith.constant 20 : i32
      %dma_wait3A = arith.constant 0 : i32
      %dma_wait3A_37 = arith.constant 0 : i32
      %dma_wait3A_38 = tpu.memref_slice %arg2[%dma_wait3A, %dma_wait3A_37] : memref<10000x128xf32, #tpu.memory_space<hbm>> -> memref<128x128xf32, #tpu.memory_space<hbm>>
      %dma_wait3A_39 = arith.constant 0 : i32
      %dma_wait3A_40 = arith.constant 0 : i32
      %dma_wait3A_41 = tpu.memref_slice %arg2[%dma_wait3A_39, %dma_wait3A_40] : memref<10000x128xf32, #tpu.memory_space<hbm>> -> memref<128x128xf32, #tpu.memory_space<hbm>>
      tpu.wait_dma2 semaphore(%arg14 : memref<!tpu.dma_semaphore, #tpu.memory_space<semaphore_mem>>) src(%dma_wait3A_41 : memref<128x128xf32, #tpu.memory_space<hbm>>) dst(%arg6 : memref<128x128xf32, #tpu.memory_space<vmem>>)
      %dma_wait3A_42 = arith.constant 0 : i32
      %dma_wait3A_43 = arith.constant 0 : i32
      %dma_wait3A_44 = tpu.memref_slice %arg2[%dma_wait3A_42, %dma_wait3A_43] : memref<10000x128xf32, #tpu.memory_space<hbm>> -> memref<128x128xf32, #tpu.memory_space<hbm>>
      %dma_wait3A_45 = arith.constant 0 : i32
      %dma_wait3A_46 = arith.constant 0 : i32
      %dma_wait3A_47 = tpu.memref_slice %arg2[%dma_wait3A_45, %dma_wait3A_46] : memref<10000x128xf32, #tpu.memory_space<hbm>> -> memref<128x128xf32, #tpu.memory_space<hbm>>
      tpu.wait_dma2 semaphore(%arg15 : memref<!tpu.dma_semaphore, #tpu.memory_space<semaphore_mem>>) src(%dma_wait3A_47 : memref<128x128xf32, #tpu.memory_space<hbm>>) dst(%arg7 : memref<128x128xf32, #tpu.memory_space<vmem>>)
      %dma_wait3A_48 = arith.constant 0 : i32
      %dma_wait3A_49 = arith.constant 0 : i32
      %dma_wait3A_50 = tpu.memref_slice %arg2[%dma_wait3A_48, %dma_wait3A_49] : memref<10000x128xf32, #tpu.memory_space<hbm>> -> memref<128x128xf32, #tpu.memory_space<hbm>>
      %dma_wait3A_51 = arith.constant 0 : i32
      %dma_wait3A_52 = arith.constant 0 : i32
      %dma_wait3A_53 = tpu.memref_slice %arg2[%dma_wait3A_51, %dma_wait3A_52] : memref<10000x128xf32, #tpu.memory_space<hbm>> -> memref<128x128xf32, #tpu.memory_space<hbm>>
      tpu.wait_dma2 semaphore(%arg16 : memref<!tpu.dma_semaphore, #tpu.memory_space<semaphore_mem>>) src(%dma_wait3A_53 : memref<128x128xf32, #tpu.memory_space<hbm>>) dst(%arg8 : memref<128x128xf32, #tpu.memory_space<vmem>>)
      %dma_wait3A_54 = arith.constant 0 : i32
      %dma_wait3A_55 = arith.constant 0 : i32
      %dma_wait3A_56 = tpu.memref_slice %arg2[%dma_wait3A_54, %dma_wait3A_55] : memref<10000x128xf32, #tpu.memory_space<hbm>> -> memref<128x128xf32, #tpu.memory_space<hbm>>
      %dma_wait3A_57 = arith.constant 0 : i32
      %dma_wait3A_58 = arith.constant 0 : i32
      %dma_wait3A_59 = tpu.memref_slice %arg2[%dma_wait3A_57, %dma_wait3A_58] : memref<10000x128xf32, #tpu.memory_space<hbm>> -> memref<128x128xf32, #tpu.memory_space<hbm>>
      tpu.wait_dma2 semaphore(%arg17 : memref<!tpu.dma_semaphore, #tpu.memory_space<semaphore_mem>>) src(%dma_wait3A_59 : memref<128x128xf32, #tpu.memory_space<hbm>>) dst(%arg9 : memref<128x128xf32, #tpu.memory_space<vmem>>)
    } else {
    }
    return
  }
}

module attributes {stable_mosaic.version = 14 : i64} {
  func.func @_edge_body(%arg0: i32, %arg1: memref<2048x128xf32, #tpu.memory_space<vmem>>, %arg2: memref<2048x128xf32, #tpu.memory_space<vmem>>, %arg3: memref<128x256xbf16, #tpu.memory_space<vmem>>, %arg4: memref<128x256xbf16, #tpu.memory_space<vmem>>, %arg5: memref<128x256xbf16, #tpu.memory_space<vmem>>, %arg6: memref<128x256xbf16, #tpu.memory_space<vmem>>, %arg7: memref<8x256xf32, #tpu.memory_space<vmem>>, %arg8: memref<8x128xf32, #tpu.memory_space<vmem>>, %arg9: memref<8x128xf32, #tpu.memory_space<vmem>>, %arg10: memref<128x256xbf16, #tpu.memory_space<vmem>>, %arg11: memref<128x256xbf16, #tpu.memory_space<vmem>>, %arg12: memref<8x256xf32, #tpu.memory_space<vmem>>, %arg13: memref<8x128xf32, #tpu.memory_space<vmem>>, %arg14: memref<2048x128xf32, #tpu.memory_space<vmem>>, %arg15: memref<2048x128xf32, #tpu.memory_space<vmem>>) attributes {dimension_semantics = [#tpu.dimension_semantics<arbitrary>], iteration_bounds = array<i64: 80>, scalar_prefetch = 0 : i64, scratch_operands = 0 : i64, tpu.core_type = #tpu.core_type<tc>, window_params = [{transform_indices = @transform_0, window_bounds = array<i64: 2048, 128>}, {transform_indices = @transform_1, window_bounds = array<i64: 2048, 128>}, {pipeline_mode = #tpu.pipeline_mode<synchronous>, transform_indices = @transform_2, window_bounds = array<i64: 128, 256>}, {pipeline_mode = #tpu.pipeline_mode<synchronous>, transform_indices = @transform_3, window_bounds = array<i64: 128, 256>}, {pipeline_mode = #tpu.pipeline_mode<synchronous>, transform_indices = @transform_4, window_bounds = array<i64: 128, 256>}, {pipeline_mode = #tpu.pipeline_mode<synchronous>, transform_indices = @transform_5, window_bounds = array<i64: 128, 256>}, {pipeline_mode = #tpu.pipeline_mode<synchronous>, transform_indices = @transform_6, window_bounds = array<i64: 8, 256>}, {pipeline_mode = #tpu.pipeline_mode<synchronous>, transform_indices = @transform_7, window_bounds = array<i64: 8, 128>}, {pipeline_mode = #tpu.pipeline_mode<synchronous>, transform_indices = @transform_8, window_bounds = array<i64: 8, 128>}, {pipeline_mode = #tpu.pipeline_mode<synchronous>, transform_indices = @transform_9, window_bounds = array<i64: 128, 256>}, {pipeline_mode = #tpu.pipeline_mode<synchronous>, transform_indices = @transform_10, window_bounds = array<i64: 128, 256>}, {pipeline_mode = #tpu.pipeline_mode<synchronous>, transform_indices = @transform_11, window_bounds = array<i64: 8, 256>}, {pipeline_mode = #tpu.pipeline_mode<synchronous>, transform_indices = @transform_12, window_bounds = array<i64: 8, 128>}, {transform_indices = @transform_13, window_bounds = array<i64: 2048, 128>}, {transform_indices = @transform_14, window_bounds = array<i64: 2048, 128>}]} {
    %get3A = arith.constant 0 : index
    %get3A_0 = arith.constant 0 : index
    %get3A_1 = vector.load %arg1[%get3A, %get3A_0] : memref<2048x128xf32, #tpu.memory_space<vmem>>, vector<2048x128xf32>
    %get3A_2 = arith.constant 0 : index
    %get3A_3 = arith.constant 0 : index
    %get3A_4 = vector.load %arg2[%get3A_2, %get3A_3] : memref<2048x128xf32, #tpu.memory_space<vmem>>, vector<2048x128xf32>
    %slice3A = vector.extract_strided_slice %get3A_1 {offsets = [0, 0], sizes = [2048, 3], strides = [1, 1]} : vector<2048x128xf32> to vector<2048x3xf32>
    %slice3A_5 = vector.extract_strided_slice %get3A_4 {offsets = [0, 0], sizes = [2048, 3], strides = [1, 1]} : vector<2048x128xf32> to vector<2048x3xf32>
    %sub3A = arith.subf %slice3A, %slice3A_5 : vector<2048x3xf32>
    %mul3A = arith.mulf %sub3A, %sub3A : vector<2048x3xf32>
    %reduce_sum3A = arith.constant dense<0.000000e+00> : vector<2048xf32>
    %reduce_sum3A_6 = vector.multi_reduction <add>, %mul3A, %reduce_sum3A [1] : vector<2048x3xf32> to vector<2048xf32>
    %broadcast_in_dim3A = vector.shape_cast %reduce_sum3A_6 : vector<2048xf32> to vector<2048x1xf32>
    %sqrt3A = math.sqrt %broadcast_in_dim3A : vector<2048x1xf32>
    %add3A = arith.constant 9.99999993E-9 : f32
    %add3A_7 = vector.broadcast %add3A : f32 to vector<2048x1xf32>
    %add3A_8 = arith.addf %sqrt3A, %add3A_7 : vector<2048x1xf32>
    %div3A = vector.broadcast %add3A_8 : vector<2048x1xf32> to vector<2048x3xf32>
    %div3A_9 = arith.divf %sub3A, %div3A : vector<2048x3xf32>
    %mul3A_10 = arith.constant 1.73205078 : f32
    %mul3A_11 = vector.broadcast %mul3A_10 : f32 to vector<2048x3xf32>
    %mul3A_12 = arith.mulf %div3A_9, %mul3A_11 : vector<2048x3xf32>
    %slice3A_13 = vector.extract_strided_slice %mul3A_12 {offsets = [0, 0], sizes = [2048, 1], strides = [1, 1]} : vector<2048x3xf32> to vector<2048x1xf32>
    %slice3A_14 = vector.extract_strided_slice %mul3A_12 {offsets = [0, 1], sizes = [2048, 1], strides = [1, 1]} : vector<2048x3xf32> to vector<2048x1xf32>
    %slice3A_15 = vector.extract_strided_slice %mul3A_12 {offsets = [0, 2], sizes = [2048, 1], strides = [1, 1]} : vector<2048x3xf32> to vector<2048x1xf32>
    %get3A_16 = arith.constant 0 : index
    %get3A_17 = arith.constant 0 : index
    %get3A_18 = vector.load %arg8[%get3A_16, %get3A_17] : memref<8x128xf32, #tpu.memory_space<vmem>>, vector<1x128xf32>
    %get3A_19 = arith.constant 1 : index
    %get3A_20 = arith.constant 0 : index
    %get3A_21 = vector.load %arg8[%get3A_19, %get3A_20] : memref<8x128xf32, #tpu.memory_space<vmem>>, vector<1x128xf32>
    %mul3A_22 = vector.broadcast %slice3A_13 : vector<2048x1xf32> to vector<2048x128xf32>
    %mul3A_23 = vector.broadcast %get3A_21 : vector<1x128xf32> to vector<2048x128xf32>
    %mul3A_24 = arith.mulf %mul3A_22, %mul3A_23 : vector<2048x128xf32>
    %add3A_25 = vector.broadcast %get3A_18 : vector<1x128xf32> to vector<2048x128xf32>
    %add3A_26 = arith.addf %add3A_25, %mul3A_24 : vector<2048x128xf32>
    %get3A_27 = arith.constant 2 : index
    %get3A_28 = arith.constant 0 : index
    %get3A_29 = vector.load %arg8[%get3A_27, %get3A_28] : memref<8x128xf32, #tpu.memory_space<vmem>>, vector<1x128xf32>
    %mul3A_30 = vector.broadcast %slice3A_14 : vector<2048x1xf32> to vector<2048x128xf32>
    %mul3A_31 = vector.broadcast %get3A_29 : vector<1x128xf32> to vector<2048x128xf32>
    %mul3A_32 = arith.mulf %mul3A_30, %mul3A_31 : vector<2048x128xf32>
    %add3A_33 = arith.addf %add3A_26, %mul3A_32 : vector<2048x128xf32>
    %get3A_34 = arith.constant 3 : index
    %get3A_35 = arith.constant 0 : index
    %get3A_36 = vector.load %arg8[%get3A_34, %get3A_35] : memref<8x128xf32, #tpu.memory_space<vmem>>, vector<1x128xf32>
    %mul3A_37 = vector.broadcast %slice3A_15 : vector<2048x1xf32> to vector<2048x128xf32>
    %mul3A_38 = vector.broadcast %get3A_36 : vector<1x128xf32> to vector<2048x128xf32>
    %mul3A_39 = arith.mulf %mul3A_37, %mul3A_38 : vector<2048x128xf32>
    %add3A_40 = arith.addf %add3A_33, %mul3A_39 : vector<2048x128xf32>
    %get3A_41 = arith.constant 0 : index
    %get3A_42 = arith.constant 0 : index
    %get3A_43 = vector.load %arg9[%get3A_41, %get3A_42] : memref<8x128xf32, #tpu.memory_space<vmem>>, vector<1x128xf32>
    %get3A_44 = arith.constant 1 : index
    %get3A_45 = arith.constant 0 : index
    %get3A_46 = vector.load %arg9[%get3A_44, %get3A_45] : memref<8x128xf32, #tpu.memory_space<vmem>>, vector<1x128xf32>
    %mul3A_47 = vector.broadcast %slice3A_13 : vector<2048x1xf32> to vector<2048x128xf32>
    %mul3A_48 = vector.broadcast %get3A_46 : vector<1x128xf32> to vector<2048x128xf32>
    %mul3A_49 = arith.mulf %mul3A_47, %mul3A_48 : vector<2048x128xf32>
    %add3A_50 = vector.broadcast %get3A_43 : vector<1x128xf32> to vector<2048x128xf32>
    %add3A_51 = arith.addf %add3A_50, %mul3A_49 : vector<2048x128xf32>
    %get3A_52 = arith.constant 2 : index
    %get3A_53 = arith.constant 0 : index
    %get3A_54 = vector.load %arg9[%get3A_52, %get3A_53] : memref<8x128xf32, #tpu.memory_space<vmem>>, vector<1x128xf32>
    %mul3A_55 = vector.broadcast %slice3A_14 : vector<2048x1xf32> to vector<2048x128xf32>
    %mul3A_56 = vector.broadcast %get3A_54 : vector<1x128xf32> to vector<2048x128xf32>
    %mul3A_57 = arith.mulf %mul3A_55, %mul3A_56 : vector<2048x128xf32>
    %add3A_58 = arith.addf %add3A_51, %mul3A_57 : vector<2048x128xf32>
    %get3A_59 = arith.constant 3 : index
    %get3A_60 = arith.constant 0 : index
    %get3A_61 = vector.load %arg9[%get3A_59, %get3A_60] : memref<8x128xf32, #tpu.memory_space<vmem>>, vector<1x128xf32>
    %mul3A_62 = vector.broadcast %slice3A_15 : vector<2048x1xf32> to vector<2048x128xf32>
    %mul3A_63 = vector.broadcast %get3A_61 : vector<1x128xf32> to vector<2048x128xf32>
    %mul3A_64 = arith.mulf %mul3A_62, %mul3A_63 : vector<2048x128xf32>
    %add3A_65 = arith.addf %add3A_58, %mul3A_64 : vector<2048x128xf32>
    %convert_element_type3A = arith.truncf %get3A_1 : vector<2048x128xf32> to vector<2048x128xbf16>
    %get3A_66 = arith.constant 0 : index
    %get3A_67 = arith.constant 0 : index
    %get3A_68 = vector.load %arg3[%get3A_66, %get3A_67] : memref<128x256xbf16, #tpu.memory_space<vmem>>, vector<128x256xbf16>
    %dot_general3A = arith.constant dense<0.000000e+00> : vector<2048x256xf32>
    %dot_general3A_69 = tpu.matmul %convert_element_type3A, %get3A_68, %dot_general3A {dimension_numbers = #tpu.dot_dimension_numbers<[1], [0], [0], [1], [0, 0, 1, 1], [], []>, transpose_lhs_hint = false} : vector<2048x128xbf16>, vector<128x256xbf16>, vector<2048x256xf32> -> vector<2048x256xf32>
    %convert_element_type3A_70 = arith.truncf %get3A_4 : vector<2048x128xf32> to vector<2048x128xbf16>
    %get3A_71 = arith.constant 0 : index
    %get3A_72 = arith.constant 0 : index
    %get3A_73 = vector.load %arg4[%get3A_71, %get3A_72] : memref<128x256xbf16, #tpu.memory_space<vmem>>, vector<128x256xbf16>
    %dot_general3A_74 = arith.constant dense<0.000000e+00> : vector<2048x256xf32>
    %dot_general3A_75 = tpu.matmul %convert_element_type3A_70, %get3A_73, %dot_general3A_74 {dimension_numbers = #tpu.dot_dimension_numbers<[1], [0], [0], [1], [0, 0, 1, 1], [], []>, transpose_lhs_hint = false} : vector<2048x128xbf16>, vector<128x256xbf16>, vector<2048x256xf32> -> vector<2048x256xf32>
    %add3A_76 = arith.addf %dot_general3A_69, %dot_general3A_75 : vector<2048x256xf32>
    %mul3A_77 = arith.mulf %get3A_1, %add3A_40 : vector<2048x128xf32>
    %convert_element_type3A_78 = arith.truncf %mul3A_77 : vector<2048x128xf32> to vector<2048x128xbf16>
    %get3A_79 = arith.constant 0 : index
    %get3A_80 = arith.constant 0 : index
    %get3A_81 = vector.load %arg5[%get3A_79, %get3A_80] : memref<128x256xbf16, #tpu.memory_space<vmem>>, vector<128x256xbf16>
    %dot_general3A_82 = arith.constant dense<0.000000e+00> : vector<2048x256xf32>
    %dot_general3A_83 = tpu.matmul %convert_element_type3A_78, %get3A_81, %dot_general3A_82 {dimension_numbers = #tpu.dot_dimension_numbers<[1], [0], [0], [1], [0, 0, 1, 1], [], []>, transpose_lhs_hint = false} : vector<2048x128xbf16>, vector<128x256xbf16>, vector<2048x256xf32> -> vector<2048x256xf32>
    %add3A_84 = arith.addf %add3A_76, %dot_general3A_83 : vector<2048x256xf32>
    %mul3A_85 = arith.mulf %get3A_4, %add3A_65 : vector<2048x128xf32>
    %convert_element_type3A_86 = arith.truncf %mul3A_85 : vector<2048x128xf32> to vector<2048x128xbf16>
    %get3A_87 = arith.constant 0 : index
    %get3A_88 = arith.constant 0 : index
    %get3A_89 = vector.load %arg6[%get3A_87, %get3A_88] : memref<128x256xbf16, #tpu.memory_space<vmem>>, vector<128x256xbf16>
    %dot_general3A_90 = arith.constant dense<0.000000e+00> : vector<2048x256xf32>
    %dot_general3A_91 = tpu.matmul %convert_element_type3A_86, %get3A_89, %dot_general3A_90 {dimension_numbers = #tpu.dot_dimension_numbers<[1], [0], [0], [1], [0, 0, 1, 1], [], []>, transpose_lhs_hint = false} : vector<2048x128xbf16>, vector<128x256xbf16>, vector<2048x256xf32> -> vector<2048x256xf32>
    %add3A_92 = arith.addf %add3A_84, %dot_general3A_91 : vector<2048x256xf32>
    %get3A_93 = arith.constant 0 : index
    %get3A_94 = arith.constant 0 : index
    %get3A_95 = vector.load %arg7[%get3A_93, %get3A_94] : memref<8x256xf32, #tpu.memory_space<vmem>>, vector<1x256xf32>
    %add3A_96 = vector.broadcast %get3A_95 : vector<1x256xf32> to vector<2048x256xf32>
    %add3A_97 = arith.addf %add3A_92, %add3A_96 : vector<2048x256xf32>
    %get3A_98 = arith.constant 1 : index
    %get3A_99 = arith.constant 0 : index
    %get3A_100 = vector.load %arg7[%get3A_98, %get3A_99] : memref<8x256xf32, #tpu.memory_space<vmem>>, vector<1x256xf32>
    %mul3A_101 = vector.broadcast %slice3A_13 : vector<2048x1xf32> to vector<2048x256xf32>
    %mul3A_102 = vector.broadcast %get3A_100 : vector<1x256xf32> to vector<2048x256xf32>
    %mul3A_103 = arith.mulf %mul3A_101, %mul3A_102 : vector<2048x256xf32>
    %add3A_104 = arith.addf %add3A_97, %mul3A_103 : vector<2048x256xf32>
    %get3A_105 = arith.constant 2 : index
    %get3A_106 = arith.constant 0 : index
    %get3A_107 = vector.load %arg7[%get3A_105, %get3A_106] : memref<8x256xf32, #tpu.memory_space<vmem>>, vector<1x256xf32>
    %mul3A_108 = vector.broadcast %slice3A_14 : vector<2048x1xf32> to vector<2048x256xf32>
    %mul3A_109 = vector.broadcast %get3A_107 : vector<1x256xf32> to vector<2048x256xf32>
    %mul3A_110 = arith.mulf %mul3A_108, %mul3A_109 : vector<2048x256xf32>
    %add3A_111 = arith.addf %add3A_104, %mul3A_110 : vector<2048x256xf32>
    %get3A_112 = arith.constant 3 : index
    %get3A_113 = arith.constant 0 : index
    %get3A_114 = vector.load %arg7[%get3A_112, %get3A_113] : memref<8x256xf32, #tpu.memory_space<vmem>>, vector<1x256xf32>
    %mul3A_115 = vector.broadcast %slice3A_15 : vector<2048x1xf32> to vector<2048x256xf32>
    %mul3A_116 = vector.broadcast %get3A_114 : vector<1x256xf32> to vector<2048x256xf32>
    %mul3A_117 = arith.mulf %mul3A_115, %mul3A_116 : vector<2048x256xf32>
    %add3A_118 = arith.addf %add3A_111, %mul3A_117 : vector<2048x256xf32>
    %slice3A_119 = vector.extract_strided_slice %add3A_118 {offsets = [0, 128], sizes = [2048, 128], strides = [1, 1]} : vector<2048x256xf32> to vector<2048x128xf32>
    %slice3A_120 = vector.extract_strided_slice %add3A_118 {offsets = [0, 0], sizes = [2048, 128], strides = [1, 1]} : vector<2048x256xf32> to vector<2048x128xf32>
    %logistic3A = arith.negf %slice3A_120 : vector<2048x128xf32>
    %logistic3A_121 = math.exp %logistic3A : vector<2048x128xf32>
    %logistic3A_122 = arith.constant 1.000000e+00 : f32
    %logistic3A_123 = vector.broadcast %logistic3A_122 : f32 to vector<2048x128xf32>
    %logistic3A_124 = arith.addf %logistic3A_123, %logistic3A_121 : vector<2048x128xf32>
    %logistic3A_125 = arith.divf %logistic3A_123, %logistic3A_124 : vector<2048x128xf32>
    %mul3A_126 = arith.mulf %slice3A_119, %logistic3A_125 : vector<2048x128xf32>
    %get3A_127 = arith.constant 0 : index
    %get3A_128 = arith.constant 0 : index
    %get3A_129 = vector.load %arg13[%get3A_127, %get3A_128] : memref<8x128xf32, #tpu.memory_space<vmem>>, vector<1x128xf32>
    %get3A_130 = arith.constant 1 : index
    %get3A_131 = arith.constant 0 : index
    %get3A_132 = vector.load %arg13[%get3A_130, %get3A_131] : memref<8x128xf32, #tpu.memory_space<vmem>>, vector<1x128xf32>
    %mul3A_133 = vector.broadcast %slice3A_13 : vector<2048x1xf32> to vector<2048x128xf32>
    %mul3A_134 = vector.broadcast %get3A_132 : vector<1x128xf32> to vector<2048x128xf32>
    %mul3A_135 = arith.mulf %mul3A_133, %mul3A_134 : vector<2048x128xf32>
    %add3A_136 = vector.broadcast %get3A_129 : vector<1x128xf32> to vector<2048x128xf32>
    %add3A_137 = arith.addf %add3A_136, %mul3A_135 : vector<2048x128xf32>
    %get3A_138 = arith.constant 2 : index
    %get3A_139 = arith.constant 0 : index
    %get3A_140 = vector.load %arg13[%get3A_138, %get3A_139] : memref<8x128xf32, #tpu.memory_space<vmem>>, vector<1x128xf32>
    %mul3A_141 = vector.broadcast %slice3A_14 : vector<2048x1xf32> to vector<2048x128xf32>
    %mul3A_142 = vector.broadcast %get3A_140 : vector<1x128xf32> to vector<2048x128xf32>
    %mul3A_143 = arith.mulf %mul3A_141, %mul3A_142 : vector<2048x128xf32>
    %add3A_144 = arith.addf %add3A_137, %mul3A_143 : vector<2048x128xf32>
    %get3A_145 = arith.constant 3 : index
    %get3A_146 = arith.constant 0 : index
    %get3A_147 = vector.load %arg13[%get3A_145, %get3A_146] : memref<8x128xf32, #tpu.memory_space<vmem>>, vector<1x128xf32>
    %mul3A_148 = vector.broadcast %slice3A_15 : vector<2048x1xf32> to vector<2048x128xf32>
    %mul3A_149 = vector.broadcast %get3A_147 : vector<1x128xf32> to vector<2048x128xf32>
    %mul3A_150 = arith.mulf %mul3A_148, %mul3A_149 : vector<2048x128xf32>
    %add3A_151 = arith.addf %add3A_144, %mul3A_150 : vector<2048x128xf32>
    %convert_element_type3A_152 = arith.truncf %mul3A_126 : vector<2048x128xf32> to vector<2048x128xbf16>
    %get3A_153 = arith.constant 0 : index
    %get3A_154 = arith.constant 0 : index
    %get3A_155 = vector.load %arg10[%get3A_153, %get3A_154] : memref<128x256xbf16, #tpu.memory_space<vmem>>, vector<128x256xbf16>
    %dot_general3A_156 = arith.constant dense<0.000000e+00> : vector<2048x256xf32>
    %dot_general3A_157 = tpu.matmul %convert_element_type3A_152, %get3A_155, %dot_general3A_156 {dimension_numbers = #tpu.dot_dimension_numbers<[1], [0], [0], [1], [0, 0, 1, 1], [], []>, transpose_lhs_hint = false} : vector<2048x128xbf16>, vector<128x256xbf16>, vector<2048x256xf32> -> vector<2048x256xf32>
    %mul3A_158 = arith.mulf %mul3A_126, %add3A_151 : vector<2048x128xf32>
    %convert_element_type3A_159 = arith.truncf %mul3A_158 : vector<2048x128xf32> to vector<2048x128xbf16>
    %get3A_160 = arith.constant 0 : index
    %get3A_161 = arith.constant 0 : index
    %get3A_162 = vector.load %arg11[%get3A_160, %get3A_161] : memref<128x256xbf16, #tpu.memory_space<vmem>>, vector<128x256xbf16>
    %dot_general3A_163 = arith.constant dense<0.000000e+00> : vector<2048x256xf32>
    %dot_general3A_164 = tpu.matmul %convert_element_type3A_159, %get3A_162, %dot_general3A_163 {dimension_numbers = #tpu.dot_dimension_numbers<[1], [0], [0], [1], [0, 0, 1, 1], [], []>, transpose_lhs_hint = false} : vector<2048x128xbf16>, vector<128x256xbf16>, vector<2048x256xf32> -> vector<2048x256xf32>
    %add3A_165 = arith.addf %dot_general3A_157, %dot_general3A_164 : vector<2048x256xf32>
    %get3A_166 = arith.constant 0 : index
    %get3A_167 = arith.constant 0 : index
    %get3A_168 = vector.load %arg12[%get3A_166, %get3A_167] : memref<8x256xf32, #tpu.memory_space<vmem>>, vector<1x256xf32>
    %add3A_169 = vector.broadcast %get3A_168 : vector<1x256xf32> to vector<2048x256xf32>
    %add3A_170 = arith.addf %add3A_165, %add3A_169 : vector<2048x256xf32>
    %get3A_171 = arith.constant 1 : index
    %get3A_172 = arith.constant 0 : index
    %get3A_173 = vector.load %arg12[%get3A_171, %get3A_172] : memref<8x256xf32, #tpu.memory_space<vmem>>, vector<1x256xf32>
    %mul3A_174 = vector.broadcast %slice3A_13 : vector<2048x1xf32> to vector<2048x256xf32>
    %mul3A_175 = vector.broadcast %get3A_173 : vector<1x256xf32> to vector<2048x256xf32>
    %mul3A_176 = arith.mulf %mul3A_174, %mul3A_175 : vector<2048x256xf32>
    %add3A_177 = arith.addf %add3A_170, %mul3A_176 : vector<2048x256xf32>
    %get3A_178 = arith.constant 2 : index
    %get3A_179 = arith.constant 0 : index
    %get3A_180 = vector.load %arg12[%get3A_178, %get3A_179] : memref<8x256xf32, #tpu.memory_space<vmem>>, vector<1x256xf32>
    %mul3A_181 = vector.broadcast %slice3A_14 : vector<2048x1xf32> to vector<2048x256xf32>
    %mul3A_182 = vector.broadcast %get3A_180 : vector<1x256xf32> to vector<2048x256xf32>
    %mul3A_183 = arith.mulf %mul3A_181, %mul3A_182 : vector<2048x256xf32>
    %add3A_184 = arith.addf %add3A_177, %mul3A_183 : vector<2048x256xf32>
    %get3A_185 = arith.constant 3 : index
    %get3A_186 = arith.constant 0 : index
    %get3A_187 = vector.load %arg12[%get3A_185, %get3A_186] : memref<8x256xf32, #tpu.memory_space<vmem>>, vector<1x256xf32>
    %mul3A_188 = vector.broadcast %slice3A_15 : vector<2048x1xf32> to vector<2048x256xf32>
    %mul3A_189 = vector.broadcast %get3A_187 : vector<1x256xf32> to vector<2048x256xf32>
    %mul3A_190 = arith.mulf %mul3A_188, %mul3A_189 : vector<2048x256xf32>
    %add3A_191 = arith.addf %add3A_184, %mul3A_190 : vector<2048x256xf32>
    %slice3A_192 = vector.extract_strided_slice %add3A_191 {offsets = [0, 128], sizes = [2048, 128], strides = [1, 1]} : vector<2048x256xf32> to vector<2048x128xf32>
    %slice3A_193 = vector.extract_strided_slice %add3A_191 {offsets = [0, 0], sizes = [2048, 128], strides = [1, 1]} : vector<2048x256xf32> to vector<2048x128xf32>
    %logistic3A_194 = arith.negf %slice3A_193 : vector<2048x128xf32>
    %logistic3A_195 = math.exp %logistic3A_194 : vector<2048x128xf32>
    %logistic3A_196 = arith.constant 1.000000e+00 : f32
    %logistic3A_197 = vector.broadcast %logistic3A_196 : f32 to vector<2048x128xf32>
    %logistic3A_198 = arith.addf %logistic3A_197, %logistic3A_195 : vector<2048x128xf32>
    %logistic3A_199 = arith.divf %logistic3A_197, %logistic3A_198 : vector<2048x128xf32>
    %mul3A_200 = arith.mulf %slice3A_192, %logistic3A_199 : vector<2048x128xf32>
    %broadcast_in_dim3A_201 = arith.constant 1.000000e+00 : f32
    %broadcast_in_dim3A_202 = vector.broadcast %broadcast_in_dim3A_201 : f32 to vector<2048x1xf32>
    %broadcast_in_dim3A_203 = arith.constant 0.000000e+00 : f32
    %broadcast_in_dim3A_204 = vector.broadcast %broadcast_in_dim3A_203 : f32 to vector<2048x124xf32>
    %swap3A = arith.constant 0 : index
    %swap3A_205 = arith.constant 0 : index
    %swap3A_206 = vector.load %arg14[%swap3A, %swap3A_205] : memref<2048x128xf32, #tpu.memory_space<vmem>>, vector<2048x128xf32>
    tpu.vector_store %arg14[%swap3A, %swap3A_205], %mul3A_200 {strides = array<i32>} : memref<2048x128xf32, #tpu.memory_space<vmem>>, vector<2048x128xf32>,
    %concatenate3A = tpu.concatenate %slice3A_13, %slice3A_14, %slice3A_15, %broadcast_in_dim3A_202, %broadcast_in_dim3A_204 in 1 : vector<2048x1xf32>, vector<2048x1xf32>, vector<2048x1xf32>, vector<2048x1xf32>, vector<2048x124xf32> -> vector<2048x128xf32>
    %swap3A_207 = arith.constant 0 : index
    %swap3A_208 = arith.constant 0 : index
    %swap3A_209 = vector.load %arg15[%swap3A_207, %swap3A_208] : memref<2048x128xf32, #tpu.memory_space<vmem>>, vector<2048x128xf32>
    tpu.vector_store %arg15[%swap3A_207, %swap3A_208], %concatenate3A {strides = array<i32>} : memref<2048x128xf32, #tpu.memory_space<vmem>>, vector<2048x128xf32>,
    return
  }
  func.func @transform_0(%arg0: i32) -> (i32, i32) {
    %c0_i32 = arith.constant 0 : i32
    %c0_i32_0 = arith.constant 0 : i32
    return %arg0, %c0_i32 : i32, i32
  }
  func.func @transform_1(%arg0: i32) -> (i32, i32) {
    %add3A = arith.constant 80 : i32
    %add3A_0 = arith.addi %arg0, %add3A : i32
    %c0_i32 = arith.constant 0 : i32
    %c0_i32_1 = arith.constant 0 : i32
    return %add3A_0, %c0_i32 : i32, i32
  }
  func.func @transform_2(%arg0: i32) -> (i32, i32) {
    %c0_i32 = arith.constant 0 : i32
    %c0_i32_0 = arith.constant 0 : i32
    %c0_i32_1 = arith.constant 0 : i32
    return %c0_i32, %c0_i32_0 : i32, i32
  }
  func.func @transform_3(%arg0: i32) -> (i32, i32) {
    %c0_i32 = arith.constant 0 : i32
    %c0_i32_0 = arith.constant 0 : i32
    %c0_i32_1 = arith.constant 0 : i32
    return %c0_i32, %c0_i32_0 : i32, i32
  }
  func.func @transform_4(%arg0: i32) -> (i32, i32) {
    %c0_i32 = arith.constant 0 : i32
    %c0_i32_0 = arith.constant 0 : i32
    %c0_i32_1 = arith.constant 0 : i32
    return %c0_i32, %c0_i32_0 : i32, i32
  }
  func.func @transform_5(%arg0: i32) -> (i32, i32) {
    %c0_i32 = arith.constant 0 : i32
    %c0_i32_0 = arith.constant 0 : i32
    %c0_i32_1 = arith.constant 0 : i32
    return %c0_i32, %c0_i32_0 : i32, i32
  }
  func.func @transform_6(%arg0: i32) -> (i32, i32) {
    %c0_i32 = arith.constant 0 : i32
    %c0_i32_0 = arith.constant 0 : i32
    %c0_i32_1 = arith.constant 0 : i32
    return %c0_i32, %c0_i32_0 : i32, i32
  }
  func.func @transform_7(%arg0: i32) -> (i32, i32) {
    %c0_i32 = arith.constant 0 : i32
    %c0_i32_0 = arith.constant 0 : i32
    %c0_i32_1 = arith.constant 0 : i32
    return %c0_i32, %c0_i32_0 : i32, i32
  }
  func.func @transform_8(%arg0: i32) -> (i32, i32) {
    %c0_i32 = arith.constant 0 : i32
    %c0_i32_0 = arith.constant 0 : i32
    %c0_i32_1 = arith.constant 0 : i32
    return %c0_i32, %c0_i32_0 : i32, i32
  }
  func.func @transform_9(%arg0: i32) -> (i32, i32) {
    %c0_i32 = arith.constant 0 : i32
    %c0_i32_0 = arith.constant 0 : i32
    %c0_i32_1 = arith.constant 0 : i32
    return %c0_i32, %c0_i32_0 : i32, i32
  }
  func.func @transform_10(%arg0: i32) -> (i32, i32) {
    %c0_i32 = arith.constant 0 : i32
    %c0_i32_0 = arith.constant 0 : i32
    %c0_i32_1 = arith.constant 0 : i32
    return %c0_i32, %c0_i32_0 : i32, i32
  }
  func.func @transform_11(%arg0: i32) -> (i32, i32) {
    %c0_i32 = arith.constant 0 : i32
    %c0_i32_0 = arith.constant 0 : i32
    %c0_i32_1 = arith.constant 0 : i32
    return %c0_i32, %c0_i32_0 : i32, i32
  }
  func.func @transform_12(%arg0: i32) -> (i32, i32) {
    %c0_i32 = arith.constant 0 : i32
    %c0_i32_0 = arith.constant 0 : i32
    %c0_i32_1 = arith.constant 0 : i32
    return %c0_i32, %c0_i32_0 : i32, i32
  }
  func.func @transform_13(%arg0: i32) -> (i32, i32) {
    %c0_i32 = arith.constant 0 : i32
    %c0_i32_0 = arith.constant 0 : i32
    return %arg0, %c0_i32 : i32, i32
  }
  func.func @transform_14(%arg0: i32) -> (i32, i32) {
    %c0_i32 = arith.constant 0 : i32
    %c0_i32_0 = arith.constant 0 : i32
    return %arg0, %c0_i32 : i32, i32
  }
}

module attributes {stable_mosaic.version = 14 : i64} {
  func.func @_node_body(%arg0: i32, %arg1: memref<1000x128xf32, #tpu.memory_space<vmem>>, %arg2: memref<1000x128xf32, #tpu.memory_space<vmem>>, %arg3: memref<1000x128xf32, #tpu.memory_space<vmem>>, %arg4: memref<128x128xbf16, #tpu.memory_space<vmem>>, %arg5: memref<8x128xf32, #tpu.memory_space<vmem>>, %arg6: memref<128x256xbf16, #tpu.memory_space<vmem>>, %arg7: memref<128x256xbf16, #tpu.memory_space<vmem>>, %arg8: memref<128x256xbf16, #tpu.memory_space<vmem>>, %arg9: memref<8x256xf32, #tpu.memory_space<vmem>>, %arg10: memref<1x256xf32, #tpu.memory_space<vmem>>, %arg11: memref<128x128xbf16, #tpu.memory_space<vmem>>, %arg12: memref<8x128xf32, #tpu.memory_space<vmem>>, %arg13: memref<128x256xbf16, #tpu.memory_space<vmem>>, %arg14: memref<128x256xbf16, #tpu.memory_space<vmem>>, %arg15: memref<128x256xbf16, #tpu.memory_space<vmem>>, %arg16: memref<8x256xf32, #tpu.memory_space<vmem>>, %arg17: memref<1x256xf32, #tpu.memory_space<vmem>>, %arg18: memref<128x128xbf16, #tpu.memory_space<vmem>>, %arg19: memref<1x128xf32, #tpu.memory_space<vmem>>, %arg20: memref<1000x128xf32, #tpu.memory_space<vmem>>) attributes {dimension_semantics = [#tpu.dimension_semantics<arbitrary>], iteration_bounds = array<i64: 10>, scalar_prefetch = 0 : i64, scratch_operands = 0 : i64, tpu.core_type = #tpu.core_type<tc>, window_params = [{transform_indices = @transform_0, window_bounds = array<i64: 1000, 128>}, {transform_indices = @transform_1, window_bounds = array<i64: 1000, 128>}, {transform_indices = @transform_2, window_bounds = array<i64: 1000, 128>}, {pipeline_mode = #tpu.pipeline_mode<synchronous>, transform_indices = @transform_3, window_bounds = array<i64: 128, 128>}, {pipeline_mode = #tpu.pipeline_mode<synchronous>, transform_indices = @transform_4, window_bounds = array<i64: 8, 128>}, {pipeline_mode = #tpu.pipeline_mode<synchronous>, transform_indices = @transform_5, window_bounds = array<i64: 128, 256>}, {pipeline_mode = #tpu.pipeline_mode<synchronous>, transform_indices = @transform_6, window_bounds = array<i64: 128, 256>}, {pipeline_mode = #tpu.pipeline_mode<synchronous>, transform_indices = @transform_7, window_bounds = array<i64: 128, 256>}, {pipeline_mode = #tpu.pipeline_mode<synchronous>, transform_indices = @transform_8, window_bounds = array<i64: 8, 256>}, {pipeline_mode = #tpu.pipeline_mode<synchronous>, transform_indices = @transform_9, window_bounds = array<i64: 1, 256>}, {pipeline_mode = #tpu.pipeline_mode<synchronous>, transform_indices = @transform_10, window_bounds = array<i64: 128, 128>}, {pipeline_mode = #tpu.pipeline_mode<synchronous>, transform_indices = @transform_11, window_bounds = array<i64: 8, 128>}, {pipeline_mode = #tpu.pipeline_mode<synchronous>, transform_indices = @transform_12, window_bounds = array<i64: 128, 256>}, {pipeline_mode = #tpu.pipeline_mode<synchronous>, transform_indices = @transform_13, window_bounds = array<i64: 128, 256>}, {pipeline_mode = #tpu.pipeline_mode<synchronous>, transform_indices = @transform_14, window_bounds = array<i64: 128, 256>}, {pipeline_mode = #tpu.pipeline_mode<synchronous>, transform_indices = @transform_15, window_bounds = array<i64: 8, 256>}, {pipeline_mode = #tpu.pipeline_mode<synchronous>, transform_indices = @transform_16, window_bounds = array<i64: 1, 256>}, {pipeline_mode = #tpu.pipeline_mode<synchronous>, transform_indices = @transform_17, window_bounds = array<i64: 128, 128>}, {pipeline_mode = #tpu.pipeline_mode<synchronous>, transform_indices = @transform_18, window_bounds = array<i64: 1, 128>}, {transform_indices = @transform_19, window_bounds = array<i64: 1000, 128>}]} {
    %get3A = arith.constant 0 : index
    %get3A_0 = arith.constant 0 : index
    %get3A_1 = vector.load %arg1[%get3A, %get3A_0] : memref<1000x128xf32, #tpu.memory_space<vmem>>, vector<1000x128xf32>
    %get3A_2 = arith.constant 0 : index
    %get3A_3 = arith.constant 0 : index
    %get3A_4 = vector.load %arg2[%get3A_2, %get3A_3] : memref<1000x128xf32, #tpu.memory_space<vmem>>, vector<1000x128xf32>
    %get3A_5 = arith.constant 0 : index
    %get3A_6 = arith.constant 0 : index
    %get3A_7 = vector.load %arg3[%get3A_5, %get3A_6] : memref<1000x128xf32, #tpu.memory_space<vmem>>, vector<1000x128xf32>
    %slice3A = vector.extract_strided_slice %get3A_7 {offsets = [0, 3], sizes = [1000, 1], strides = [1, 1]} : vector<1000x128xf32> to vector<1000x1xf32>
    %max3A = arith.constant 1.000000e+00 : f32
    %max3A_8 = vector.broadcast %max3A : f32 to vector<1000x1xf32>
    %max3A_9 = arith.maximumf %slice3A, %max3A_8 : vector<1000x1xf32>
    %div3A = arith.constant 1.000000e+00 : f32
    %div3A_10 = vector.broadcast %div3A : f32 to vector<1000x1xf32>
    %div3A_11 = arith.divf %div3A_10, %max3A_9 : vector<1000x1xf32>
    %mul3A = vector.broadcast %div3A_11 : vector<1000x1xf32> to vector<1000x128xf32>
    %mul3A_12 = arith.mulf %get3A_4, %mul3A : vector<1000x128xf32>
    %mul3A_13 = arith.mulf %slice3A, %div3A_11 : vector<1000x1xf32>
    %slice3A_14 = vector.extract_strided_slice %get3A_7 {offsets = [0, 0], sizes = [1000, 1], strides = [1, 1]} : vector<1000x128xf32> to vector<1000x1xf32>
    %mul3A_15 = arith.mulf %slice3A_14, %div3A_11 : vector<1000x1xf32>
    %slice3A_16 = vector.extract_strided_slice %get3A_7 {offsets = [0, 1], sizes = [1000, 1], strides = [1, 1]} : vector<1000x128xf32> to vector<1000x1xf32>
    %mul3A_17 = arith.mulf %slice3A_16, %div3A_11 : vector<1000x1xf32>
    %slice3A_18 = vector.extract_strided_slice %get3A_7 {offsets = [0, 2], sizes = [1000, 1], strides = [1, 1]} : vector<1000x128xf32> to vector<1000x1xf32>
    %mul3A_19 = arith.mulf %slice3A_18, %div3A_11 : vector<1000x1xf32>
    %convert_element_type3A = arith.truncf %mul3A_12 : vector<1000x128xf32> to vector<1000x128xbf16>
    %get3A_20 = arith.constant 0 : index
    %get3A_21 = arith.constant 0 : index
    %get3A_22 = vector.load %arg4[%get3A_20, %get3A_21] : memref<128x128xbf16, #tpu.memory_space<vmem>>, vector<128x128xbf16>
    %dot_general3A = arith.constant dense<0.000000e+00> : vector<1000x128xf32>
    %dot_general3A_23 = tpu.matmul %convert_element_type3A, %get3A_22, %dot_general3A {dimension_numbers = #tpu.dot_dimension_numbers<[1], [0], [0], [1], [0, 0, 1, 1], [], []>, transpose_lhs_hint = false} : vector<1000x128xbf16>, vector<128x128xbf16>, vector<1000x128xf32> -> vector<1000x128xf32>
    %get3A_24 = arith.constant 0 : index
    %get3A_25 = arith.constant 0 : index
    %get3A_26 = vector.load %arg5[%get3A_24, %get3A_25] : memref<8x128xf32, #tpu.memory_space<vmem>>, vector<1x128xf32>
    %mul3A_27 = vector.broadcast %mul3A_13 : vector<1000x1xf32> to vector<1000x128xf32>
    %mul3A_28 = vector.broadcast %get3A_26 : vector<1x128xf32> to vector<1000x128xf32>
    %mul3A_29 = arith.mulf %mul3A_27, %mul3A_28 : vector<1000x128xf32>
    %get3A_30 = arith.constant 1 : index
    %get3A_31 = arith.constant 0 : index
    %get3A_32 = vector.load %arg5[%get3A_30, %get3A_31] : memref<8x128xf32, #tpu.memory_space<vmem>>, vector<1x128xf32>
    %mul3A_33 = vector.broadcast %mul3A_15 : vector<1000x1xf32> to vector<1000x128xf32>
    %mul3A_34 = vector.broadcast %get3A_32 : vector<1x128xf32> to vector<1000x128xf32>
    %mul3A_35 = arith.mulf %mul3A_33, %mul3A_34 : vector<1000x128xf32>
    %add3A = arith.addf %mul3A_29, %mul3A_35 : vector<1000x128xf32>
    %get3A_36 = arith.constant 2 : index
    %get3A_37 = arith.constant 0 : index
    %get3A_38 = vector.load %arg5[%get3A_36, %get3A_37] : memref<8x128xf32, #tpu.memory_space<vmem>>, vector<1x128xf32>
    %mul3A_39 = vector.broadcast %mul3A_17 : vector<1000x1xf32> to vector<1000x128xf32>
    %mul3A_40 = vector.broadcast %get3A_38 : vector<1x128xf32> to vector<1000x128xf32>
    %mul3A_41 = arith.mulf %mul3A_39, %mul3A_40 : vector<1000x128xf32>
    %add3A_42 = arith.addf %add3A, %mul3A_41 : vector<1000x128xf32>
    %get3A_43 = arith.constant 3 : index
    %get3A_44 = arith.constant 0 : index
    %get3A_45 = vector.load %arg5[%get3A_43, %get3A_44] : memref<8x128xf32, #tpu.memory_space<vmem>>, vector<1x128xf32>
    %mul3A_46 = vector.broadcast %mul3A_19 : vector<1000x1xf32> to vector<1000x128xf32>
    %mul3A_47 = vector.broadcast %get3A_45 : vector<1x128xf32> to vector<1000x128xf32>
    %mul3A_48 = arith.mulf %mul3A_46, %mul3A_47 : vector<1000x128xf32>
    %add3A_49 = arith.addf %add3A_42, %mul3A_48 : vector<1000x128xf32>
    %add3A_50 = arith.addf %dot_general3A_23, %add3A_49 : vector<1000x128xf32>
    %convert_element_type3A_51 = arith.truncf %get3A_1 : vector<1000x128xf32> to vector<1000x128xbf16>
    %get3A_52 = arith.constant 0 : index
    %get3A_53 = arith.constant 0 : index
    %get3A_54 = vector.load %arg6[%get3A_52, %get3A_53] : memref<128x256xbf16, #tpu.memory_space<vmem>>, vector<128x256xbf16>
    %dot_general3A_55 = arith.constant dense<0.000000e+00> : vector<1000x256xf32>
    %dot_general3A_56 = tpu.matmul %convert_element_type3A_51, %get3A_54, %dot_general3A_55 {dimension_numbers = #tpu.dot_dimension_numbers<[1], [0], [0], [1], [0, 0, 1, 1], [], []>, transpose_lhs_hint = false} : vector<1000x128xbf16>, vector<128x256xbf16>, vector<1000x256xf32> -> vector<1000x256xf32>
    %convert_element_type3A_57 = arith.truncf %mul3A_12 : vector<1000x128xf32> to vector<1000x128xbf16>
    %get3A_58 = arith.constant 0 : index
    %get3A_59 = arith.constant 0 : index
    %get3A_60 = vector.load %arg7[%get3A_58, %get3A_59] : memref<128x256xbf16, #tpu.memory_space<vmem>>, vector<128x256xbf16>
    %dot_general3A_61 = arith.constant dense<0.000000e+00> : vector<1000x256xf32>
    %dot_general3A_62 = tpu.matmul %convert_element_type3A_57, %get3A_60, %dot_general3A_61 {dimension_numbers = #tpu.dot_dimension_numbers<[1], [0], [0], [1], [0, 0, 1, 1], [], []>, transpose_lhs_hint = false} : vector<1000x128xbf16>, vector<128x256xbf16>, vector<1000x256xf32> -> vector<1000x256xf32>
    %add3A_63 = arith.addf %dot_general3A_56, %dot_general3A_62 : vector<1000x256xf32>
    %mul3A_64 = arith.mulf %get3A_1, %add3A_50 : vector<1000x128xf32>
    %convert_element_type3A_65 = arith.truncf %mul3A_64 : vector<1000x128xf32> to vector<1000x128xbf16>
    %get3A_66 = arith.constant 0 : index
    %get3A_67 = arith.constant 0 : index
    %get3A_68 = vector.load %arg8[%get3A_66, %get3A_67] : memref<128x256xbf16, #tpu.memory_space<vmem>>, vector<128x256xbf16>
    %dot_general3A_69 = arith.constant dense<0.000000e+00> : vector<1000x256xf32>
    %dot_general3A_70 = tpu.matmul %convert_element_type3A_65, %get3A_68, %dot_general3A_69 {dimension_numbers = #tpu.dot_dimension_numbers<[1], [0], [0], [1], [0, 0, 1, 1], [], []>, transpose_lhs_hint = false} : vector<1000x128xbf16>, vector<128x256xbf16>, vector<1000x256xf32> -> vector<1000x256xf32>
    %add3A_71 = arith.addf %add3A_63, %dot_general3A_70 : vector<1000x256xf32>
    %get3A_72 = arith.constant 0 : index
    %get3A_73 = arith.constant 0 : index
    %get3A_74 = vector.load %arg9[%get3A_72, %get3A_73] : memref<8x256xf32, #tpu.memory_space<vmem>>, vector<1x256xf32>
    %mul3A_75 = vector.broadcast %mul3A_13 : vector<1000x1xf32> to vector<1000x256xf32>
    %mul3A_76 = vector.broadcast %get3A_74 : vector<1x256xf32> to vector<1000x256xf32>
    %mul3A_77 = arith.mulf %mul3A_75, %mul3A_76 : vector<1000x256xf32>
    %get3A_78 = arith.constant 1 : index
    %get3A_79 = arith.constant 0 : index
    %get3A_80 = vector.load %arg9[%get3A_78, %get3A_79] : memref<8x256xf32, #tpu.memory_space<vmem>>, vector<1x256xf32>
    %mul3A_81 = vector.broadcast %mul3A_15 : vector<1000x1xf32> to vector<1000x256xf32>
    %mul3A_82 = vector.broadcast %get3A_80 : vector<1x256xf32> to vector<1000x256xf32>
    %mul3A_83 = arith.mulf %mul3A_81, %mul3A_82 : vector<1000x256xf32>
    %add3A_84 = arith.addf %mul3A_77, %mul3A_83 : vector<1000x256xf32>
    %get3A_85 = arith.constant 2 : index
    %get3A_86 = arith.constant 0 : index
    %get3A_87 = vector.load %arg9[%get3A_85, %get3A_86] : memref<8x256xf32, #tpu.memory_space<vmem>>, vector<1x256xf32>
    %mul3A_88 = vector.broadcast %mul3A_17 : vector<1000x1xf32> to vector<1000x256xf32>
    %mul3A_89 = vector.broadcast %get3A_87 : vector<1x256xf32> to vector<1000x256xf32>
    %mul3A_90 = arith.mulf %mul3A_88, %mul3A_89 : vector<1000x256xf32>
    %add3A_91 = arith.addf %add3A_84, %mul3A_90 : vector<1000x256xf32>
    %get3A_92 = arith.constant 3 : index
    %get3A_93 = arith.constant 0 : index
    %get3A_94 = vector.load %arg9[%get3A_92, %get3A_93] : memref<8x256xf32, #tpu.memory_space<vmem>>, vector<1x256xf32>
    %mul3A_95 = vector.broadcast %mul3A_19 : vector<1000x1xf32> to vector<1000x256xf32>
    %mul3A_96 = vector.broadcast %get3A_94 : vector<1x256xf32> to vector<1000x256xf32>
    %mul3A_97 = arith.mulf %mul3A_95, %mul3A_96 : vector<1000x256xf32>
    %add3A_98 = arith.addf %add3A_91, %mul3A_97 : vector<1000x256xf32>
    %add3A_99 = arith.addf %add3A_71, %add3A_98 : vector<1000x256xf32>
    %get3A_100 = arith.constant 0 : index
    %get3A_101 = arith.constant 0 : index
    %get3A_102 = vector.load %arg10[%get3A_100, %get3A_101] : memref<1x256xf32, #tpu.memory_space<vmem>>, vector<1x256xf32>
    %add3A_103 = vector.broadcast %get3A_102 : vector<1x256xf32> to vector<1000x256xf32>
    %add3A_104 = arith.addf %add3A_99, %add3A_103 : vector<1000x256xf32>
    %slice3A_105 = vector.extract_strided_slice %add3A_104 {offsets = [0, 128], sizes = [1000, 128], strides = [1, 1]} : vector<1000x256xf32> to vector<1000x128xf32>
    %slice3A_106 = vector.extract_strided_slice %add3A_104 {offsets = [0, 0], sizes = [1000, 128], strides = [1, 1]} : vector<1000x256xf32> to vector<1000x128xf32>
    %logistic3A = arith.negf %slice3A_106 : vector<1000x128xf32>
    %logistic3A_107 = math.exp %logistic3A : vector<1000x128xf32>
    %logistic3A_108 = arith.constant 1.000000e+00 : f32
    %logistic3A_109 = vector.broadcast %logistic3A_108 : f32 to vector<1000x128xf32>
    %logistic3A_110 = arith.addf %logistic3A_109, %logistic3A_107 : vector<1000x128xf32>
    %logistic3A_111 = arith.divf %logistic3A_109, %logistic3A_110 : vector<1000x128xf32>
    %mul3A_112 = arith.mulf %slice3A_105, %logistic3A_111 : vector<1000x128xf32>
    %convert_element_type3A_113 = arith.truncf %mul3A_12 : vector<1000x128xf32> to vector<1000x128xbf16>
    %get3A_114 = arith.constant 0 : index
    %get3A_115 = arith.constant 0 : index
    %get3A_116 = vector.load %arg11[%get3A_114, %get3A_115] : memref<128x128xbf16, #tpu.memory_space<vmem>>, vector<128x128xbf16>
    %dot_general3A_117 = arith.constant dense<0.000000e+00> : vector<1000x128xf32>
    %dot_general3A_118 = tpu.matmul %convert_element_type3A_113, %get3A_116, %dot_general3A_117 {dimension_numbers = #tpu.dot_dimension_numbers<[1], [0], [0], [1], [0, 0, 1, 1], [], []>, transpose_lhs_hint = false} : vector<1000x128xbf16>, vector<128x128xbf16>, vector<1000x128xf32> -> vector<1000x128xf32>
    %get3A_119 = arith.constant 0 : index
    %get3A_120 = arith.constant 0 : index
    %get3A_121 = vector.load %arg12[%get3A_119, %get3A_120] : memref<8x128xf32, #tpu.memory_space<vmem>>, vector<1x128xf32>
    %mul3A_122 = vector.broadcast %mul3A_13 : vector<1000x1xf32> to vector<1000x128xf32>
    %mul3A_123 = vector.broadcast %get3A_121 : vector<1x128xf32> to vector<1000x128xf32>
    %mul3A_124 = arith.mulf %mul3A_122, %mul3A_123 : vector<1000x128xf32>
    %get3A_125 = arith.constant 1 : index
    %get3A_126 = arith.constant 0 : index
    %get3A_127 = vector.load %arg12[%get3A_125, %get3A_126] : memref<8x128xf32, #tpu.memory_space<vmem>>, vector<1x128xf32>
    %mul3A_128 = vector.broadcast %mul3A_15 : vector<1000x1xf32> to vector<1000x128xf32>
    %mul3A_129 = vector.broadcast %get3A_127 : vector<1x128xf32> to vector<1000x128xf32>
    %mul3A_130 = arith.mulf %mul3A_128, %mul3A_129 : vector<1000x128xf32>
    %add3A_131 = arith.addf %mul3A_124, %mul3A_130 : vector<1000x128xf32>
    %get3A_132 = arith.constant 2 : index
    %get3A_133 = arith.constant 0 : index
    %get3A_134 = vector.load %arg12[%get3A_132, %get3A_133] : memref<8x128xf32, #tpu.memory_space<vmem>>, vector<1x128xf32>
    %mul3A_135 = vector.broadcast %mul3A_17 : vector<1000x1xf32> to vector<1000x128xf32>
    %mul3A_136 = vector.broadcast %get3A_134 : vector<1x128xf32> to vector<1000x128xf32>
    %mul3A_137 = arith.mulf %mul3A_135, %mul3A_136 : vector<1000x128xf32>
    %add3A_138 = arith.addf %add3A_131, %mul3A_137 : vector<1000x128xf32>
    %get3A_139 = arith.constant 3 : index
    %get3A_140 = arith.constant 0 : index
    %get3A_141 = vector.load %arg12[%get3A_139, %get3A_140] : memref<8x128xf32, #tpu.memory_space<vmem>>, vector<1x128xf32>
    %mul3A_142 = vector.broadcast %mul3A_19 : vector<1000x1xf32> to vector<1000x128xf32>
    %mul3A_143 = vector.broadcast %get3A_141 : vector<1x128xf32> to vector<1000x128xf32>
    %mul3A_144 = arith.mulf %mul3A_142, %mul3A_143 : vector<1000x128xf32>
    %add3A_145 = arith.addf %add3A_138, %mul3A_144 : vector<1000x128xf32>
    %add3A_146 = arith.addf %dot_general3A_118, %add3A_145 : vector<1000x128xf32>
    %convert_element_type3A_147 = arith.truncf %mul3A_112 : vector<1000x128xf32> to vector<1000x128xbf16>
    %get3A_148 = arith.constant 0 : index
    %get3A_149 = arith.constant 0 : index
    %get3A_150 = vector.load %arg13[%get3A_148, %get3A_149] : memref<128x256xbf16, #tpu.memory_space<vmem>>, vector<128x256xbf16>
    %dot_general3A_151 = arith.constant dense<0.000000e+00> : vector<1000x256xf32>
    %dot_general3A_152 = tpu.matmul %convert_element_type3A_147, %get3A_150, %dot_general3A_151 {dimension_numbers = #tpu.dot_dimension_numbers<[1], [0], [0], [1], [0, 0, 1, 1], [], []>, transpose_lhs_hint = false} : vector<1000x128xbf16>, vector<128x256xbf16>, vector<1000x256xf32> -> vector<1000x256xf32>
    %convert_element_type3A_153 = arith.truncf %mul3A_12 : vector<1000x128xf32> to vector<1000x128xbf16>
    %get3A_154 = arith.constant 0 : index
    %get3A_155 = arith.constant 0 : index
    %get3A_156 = vector.load %arg14[%get3A_154, %get3A_155] : memref<128x256xbf16, #tpu.memory_space<vmem>>, vector<128x256xbf16>
    %dot_general3A_157 = arith.constant dense<0.000000e+00> : vector<1000x256xf32>
    %dot_general3A_158 = tpu.matmul %convert_element_type3A_153, %get3A_156, %dot_general3A_157 {dimension_numbers = #tpu.dot_dimension_numbers<[1], [0], [0], [1], [0, 0, 1, 1], [], []>, transpose_lhs_hint = false} : vector<1000x128xbf16>, vector<128x256xbf16>, vector<1000x256xf32> -> vector<1000x256xf32>
    %add3A_159 = arith.addf %dot_general3A_152, %dot_general3A_158 : vector<1000x256xf32>
    %mul3A_160 = arith.mulf %mul3A_112, %add3A_146 : vector<1000x128xf32>
    %convert_element_type3A_161 = arith.truncf %mul3A_160 : vector<1000x128xf32> to vector<1000x128xbf16>
    %get3A_162 = arith.constant 0 : index
    %get3A_163 = arith.constant 0 : index
    %get3A_164 = vector.load %arg15[%get3A_162, %get3A_163] : memref<128x256xbf16, #tpu.memory_space<vmem>>, vector<128x256xbf16>
    %dot_general3A_165 = arith.constant dense<0.000000e+00> : vector<1000x256xf32>
    %dot_general3A_166 = tpu.matmul %convert_element_type3A_161, %get3A_164, %dot_general3A_165 {dimension_numbers = #tpu.dot_dimension_numbers<[1], [0], [0], [1], [0, 0, 1, 1], [], []>, transpose_lhs_hint = false} : vector<1000x128xbf16>, vector<128x256xbf16>, vector<1000x256xf32> -> vector<1000x256xf32>
    %add3A_167 = arith.addf %add3A_159, %dot_general3A_166 : vector<1000x256xf32>
    %get3A_168 = arith.constant 0 : index
    %get3A_169 = arith.constant 0 : index
    %get3A_170 = vector.load %arg16[%get3A_168, %get3A_169] : memref<8x256xf32, #tpu.memory_space<vmem>>, vector<1x256xf32>
    %mul3A_171 = vector.broadcast %mul3A_13 : vector<1000x1xf32> to vector<1000x256xf32>
    %mul3A_172 = vector.broadcast %get3A_170 : vector<1x256xf32> to vector<1000x256xf32>
    %mul3A_173 = arith.mulf %mul3A_171, %mul3A_172 : vector<1000x256xf32>
    %get3A_174 = arith.constant 1 : index
    %get3A_175 = arith.constant 0 : index
    %get3A_176 = vector.load %arg16[%get3A_174, %get3A_175] : memref<8x256xf32, #tpu.memory_space<vmem>>, vector<1x256xf32>
    %mul3A_177 = vector.broadcast %mul3A_15 : vector<1000x1xf32> to vector<1000x256xf32>
    %mul3A_178 = vector.broadcast %get3A_176 : vector<1x256xf32> to vector<1000x256xf32>
    %mul3A_179 = arith.mulf %mul3A_177, %mul3A_178 : vector<1000x256xf32>
    %add3A_180 = arith.addf %mul3A_173, %mul3A_179 : vector<1000x256xf32>
    %get3A_181 = arith.constant 2 : index
    %get3A_182 = arith.constant 0 : index
    %get3A_183 = vector.load %arg16[%get3A_181, %get3A_182] : memref<8x256xf32, #tpu.memory_space<vmem>>, vector<1x256xf32>
    %mul3A_184 = vector.broadcast %mul3A_17 : vector<1000x1xf32> to vector<1000x256xf32>
    %mul3A_185 = vector.broadcast %get3A_183 : vector<1x256xf32> to vector<1000x256xf32>
    %mul3A_186 = arith.mulf %mul3A_184, %mul3A_185 : vector<1000x256xf32>
    %add3A_187 = arith.addf %add3A_180, %mul3A_186 : vector<1000x256xf32>
    %get3A_188 = arith.constant 3 : index
    %get3A_189 = arith.constant 0 : index
    %get3A_190 = vector.load %arg16[%get3A_188, %get3A_189] : memref<8x256xf32, #tpu.memory_space<vmem>>, vector<1x256xf32>
    %mul3A_191 = vector.broadcast %mul3A_19 : vector<1000x1xf32> to vector<1000x256xf32>
    %mul3A_192 = vector.broadcast %get3A_190 : vector<1x256xf32> to vector<1000x256xf32>
    %mul3A_193 = arith.mulf %mul3A_191, %mul3A_192 : vector<1000x256xf32>
    %add3A_194 = arith.addf %add3A_187, %mul3A_193 : vector<1000x256xf32>
    %add3A_195 = arith.addf %add3A_167, %add3A_194 : vector<1000x256xf32>
    %get3A_196 = arith.constant 0 : index
    %get3A_197 = arith.constant 0 : index
    %get3A_198 = vector.load %arg17[%get3A_196, %get3A_197] : memref<1x256xf32, #tpu.memory_space<vmem>>, vector<1x256xf32>
    %add3A_199 = vector.broadcast %get3A_198 : vector<1x256xf32> to vector<1000x256xf32>
    %add3A_200 = arith.addf %add3A_195, %add3A_199 : vector<1000x256xf32>
    %slice3A_201 = vector.extract_strided_slice %add3A_200 {offsets = [0, 128], sizes = [1000, 128], strides = [1, 1]} : vector<1000x256xf32> to vector<1000x128xf32>
    %slice3A_202 = vector.extract_strided_slice %add3A_200 {offsets = [0, 0], sizes = [1000, 128], strides = [1, 1]} : vector<1000x256xf32> to vector<1000x128xf32>
    %logistic3A_203 = arith.negf %slice3A_202 : vector<1000x128xf32>
    %logistic3A_204 = math.exp %logistic3A_203 : vector<1000x128xf32>
    %logistic3A_205 = arith.constant 1.000000e+00 : f32
    %logistic3A_206 = vector.broadcast %logistic3A_205 : f32 to vector<1000x128xf32>
    %logistic3A_207 = arith.addf %logistic3A_206, %logistic3A_204 : vector<1000x128xf32>
    %logistic3A_208 = arith.divf %logistic3A_206, %logistic3A_207 : vector<1000x128xf32>
    %mul3A_209 = arith.mulf %slice3A_201, %logistic3A_208 : vector<1000x128xf32>
    %convert_element_type3A_210 = arith.truncf %mul3A_209 : vector<1000x128xf32> to vector<1000x128xbf16>
    %get3A_211 = arith.constant 0 : index
    %get3A_212 = arith.constant 0 : index
    %get3A_213 = vector.load %arg18[%get3A_211, %get3A_212] : memref<128x128xbf16, #tpu.memory_space<vmem>>, vector<128x128xbf16>
    %dot_general3A_214 = arith.constant dense<0.000000e+00> : vector<1000x128xf32>
    %dot_general3A_215 = tpu.matmul %convert_element_type3A_210, %get3A_213, %dot_general3A_214 {dimension_numbers = #tpu.dot_dimension_numbers<[1], [0], [0], [1], [0, 0, 1, 1], [], []>, transpose_lhs_hint = false} : vector<1000x128xbf16>, vector<128x128xbf16>, vector<1000x128xf32> -> vector<1000x128xf32>
    %get3A_216 = arith.constant 0 : index
    %get3A_217 = arith.constant 0 : index
    %get3A_218 = vector.load %arg19[%get3A_216, %get3A_217] : memref<1x128xf32, #tpu.memory_space<vmem>>, vector<1x128xf32>
    %add3A_219 = vector.broadcast %get3A_218 : vector<1x128xf32> to vector<1000x128xf32>
    %add3A_220 = arith.addf %dot_general3A_215, %add3A_219 : vector<1000x128xf32>
    %swap3A = arith.constant 0 : index
    %swap3A_221 = arith.constant 0 : index
    %swap3A_222 = vector.load %arg20[%swap3A, %swap3A_221] : memref<1000x128xf32, #tpu.memory_space<vmem>>, vector<1000x128xf32>
    tpu.vector_store %arg20[%swap3A, %swap3A_221], %add3A_220 {strides = array<i32>} : memref<1000x128xf32, #tpu.memory_space<vmem>>, vector<1000x128xf32>,
    return
  }
  func.func @transform_0(%arg0: i32) -> (i32, i32) {
    %c0_i32 = arith.constant 0 : i32
    %c0_i32_0 = arith.constant 0 : i32
    return %arg0, %c0_i32 : i32, i32
  }
  func.func @transform_1(%arg0: i32) -> (i32, i32) {
    %c0_i32 = arith.constant 0 : i32
    %c0_i32_0 = arith.constant 0 : i32
    return %arg0, %c0_i32 : i32, i32
  }
  func.func @transform_2(%arg0: i32) -> (i32, i32) {
    %c0_i32 = arith.constant 0 : i32
    %c0_i32_0 = arith.constant 0 : i32
    return %arg0, %c0_i32 : i32, i32
  }
  func.func @transform_3(%arg0: i32) -> (i32, i32) {
    %c0_i32 = arith.constant 0 : i32
    %c0_i32_0 = arith.constant 0 : i32
    %c0_i32_1 = arith.constant 0 : i32
    return %c0_i32, %c0_i32_0 : i32, i32
  }
  func.func @transform_4(%arg0: i32) -> (i32, i32) {
    %c0_i32 = arith.constant 0 : i32
    %c0_i32_0 = arith.constant 0 : i32
    %c0_i32_1 = arith.constant 0 : i32
    return %c0_i32, %c0_i32_0 : i32, i32
  }
  func.func @transform_5(%arg0: i32) -> (i32, i32) {
    %c0_i32 = arith.constant 0 : i32
    %c0_i32_0 = arith.constant 0 : i32
    %c0_i32_1 = arith.constant 0 : i32
    return %c0_i32, %c0_i32_0 : i32, i32
  }
  func.func @transform_6(%arg0: i32) -> (i32, i32) {
    %c0_i32 = arith.constant 0 : i32
    %c0_i32_0 = arith.constant 0 : i32
    %c0_i32_1 = arith.constant 0 : i32
    return %c0_i32, %c0_i32_0 : i32, i32
  }
  func.func @transform_7(%arg0: i32) -> (i32, i32) {
    %c0_i32 = arith.constant 0 : i32
    %c0_i32_0 = arith.constant 0 : i32
    %c0_i32_1 = arith.constant 0 : i32
    return %c0_i32, %c0_i32_0 : i32, i32
  }
  func.func @transform_8(%arg0: i32) -> (i32, i32) {
    %c0_i32 = arith.constant 0 : i32
    %c0_i32_0 = arith.constant 0 : i32
    %c0_i32_1 = arith.constant 0 : i32
    return %c0_i32, %c0_i32_0 : i32, i32
  }
  func.func @transform_9(%arg0: i32) -> (i32, i32) {
    %c0_i32 = arith.constant 0 : i32
    %c0_i32_0 = arith.constant 0 : i32
    %c0_i32_1 = arith.constant 0 : i32
    return %c0_i32, %c0_i32_0 : i32, i32
  }
  func.func @transform_10(%arg0: i32) -> (i32, i32) {
    %c0_i32 = arith.constant 0 : i32
    %c0_i32_0 = arith.constant 0 : i32
    %c0_i32_1 = arith.constant 0 : i32
    return %c0_i32, %c0_i32_0 : i32, i32
  }
  func.func @transform_11(%arg0: i32) -> (i32, i32) {
    %c0_i32 = arith.constant 0 : i32
    %c0_i32_0 = arith.constant 0 : i32
    %c0_i32_1 = arith.constant 0 : i32
    return %c0_i32, %c0_i32_0 : i32, i32
  }
  func.func @transform_12(%arg0: i32) -> (i32, i32) {
    %c0_i32 = arith.constant 0 : i32
    %c0_i32_0 = arith.constant 0 : i32
    %c0_i32_1 = arith.constant 0 : i32
    return %c0_i32, %c0_i32_0 : i32, i32
  }
  func.func @transform_13(%arg0: i32) -> (i32, i32) {
    %c0_i32 = arith.constant 0 : i32
    %c0_i32_0 = arith.constant 0 : i32
    %c0_i32_1 = arith.constant 0 : i32
    return %c0_i32, %c0_i32_0 : i32, i32
  }
  func.func @transform_14(%arg0: i32) -> (i32, i32) {
    %c0_i32 = arith.constant 0 : i32
    %c0_i32_0 = arith.constant 0 : i32
    %c0_i32_1 = arith.constant 0 : i32
    return %c0_i32, %c0_i32_0 : i32, i32
  }
  func.func @transform_15(%arg0: i32) -> (i32, i32) {
    %c0_i32 = arith.constant 0 : i32
    %c0_i32_0 = arith.constant 0 : i32
    %c0_i32_1 = arith.constant 0 : i32
    return %c0_i32, %c0_i32_0 : i32, i32
  }
  func.func @transform_16(%arg0: i32) -> (i32, i32) {
    %c0_i32 = arith.constant 0 : i32
    %c0_i32_0 = arith.constant 0 : i32
    %c0_i32_1 = arith.constant 0 : i32
    return %c0_i32, %c0_i32_0 : i32, i32
  }
  func.func @transform_17(%arg0: i32) -> (i32, i32) {
    %c0_i32 = arith.constant 0 : i32
    %c0_i32_0 = arith.constant 0 : i32
    %c0_i32_1 = arith.constant 0 : i32
    return %c0_i32, %c0_i32_0 : i32, i32
  }
  func.func @transform_18(%arg0: i32) -> (i32, i32) {
    %c0_i32 = arith.constant 0 : i32
    %c0_i32_0 = arith.constant 0 : i32
    %c0_i32_1 = arith.constant 0 : i32
    return %c0_i32, %c0_i32_0 : i32, i32
  }
  func.func @transform_19(%arg0: i32) -> (i32, i32) {
    %c0_i32 = arith.constant 0 : i32
    %c0_i32_0 = arith.constant 0 : i32
    return %arg0, %c0_i32 : i32, i32
  }
}

module attributes {stable_mosaic.version = 14 : i64} {
  func.func @_node_body(%arg0: i32, %arg1: memref<1000x128xf32, #tpu.memory_space<vmem>>, %arg2: memref<1000x128xf32, #tpu.memory_space<vmem>>, %arg3: memref<1000x128xf32, #tpu.memory_space<vmem>>, %arg4: memref<128x128xbf16, #tpu.memory_space<vmem>>, %arg5: memref<8x128xf32, #tpu.memory_space<vmem>>, %arg6: memref<128x256xbf16, #tpu.memory_space<vmem>>, %arg7: memref<128x256xbf16, #tpu.memory_space<vmem>>, %arg8: memref<128x256xbf16, #tpu.memory_space<vmem>>, %arg9: memref<8x256xf32, #tpu.memory_space<vmem>>, %arg10: memref<1x256xf32, #tpu.memory_space<vmem>>, %arg11: memref<128x128xbf16, #tpu.memory_space<vmem>>, %arg12: memref<8x128xf32, #tpu.memory_space<vmem>>, %arg13: memref<128x256xbf16, #tpu.memory_space<vmem>>, %arg14: memref<128x256xbf16, #tpu.memory_space<vmem>>, %arg15: memref<128x256xbf16, #tpu.memory_space<vmem>>, %arg16: memref<8x256xf32, #tpu.memory_space<vmem>>, %arg17: memref<1x256xf32, #tpu.memory_space<vmem>>, %arg18: memref<128x128xbf16, #tpu.memory_space<vmem>>, %arg19: memref<1x128xf32, #tpu.memory_space<vmem>>, %arg20: memref<1000x128xf32, #tpu.memory_space<vmem>>) attributes {dimension_semantics = [#tpu.dimension_semantics<arbitrary>], iteration_bounds = array<i64: 10>, scalar_prefetch = 0 : i64, scratch_operands = 0 : i64, tpu.core_type = #tpu.core_type<tc>, window_params = [{transform_indices = @transform_0, window_bounds = array<i64: 1000, 128>}, {transform_indices = @transform_1, window_bounds = array<i64: 1000, 128>}, {transform_indices = @transform_2, window_bounds = array<i64: 1000, 128>}, {pipeline_mode = #tpu.pipeline_mode<synchronous>, transform_indices = @transform_3, window_bounds = array<i64: 128, 128>}, {pipeline_mode = #tpu.pipeline_mode<synchronous>, transform_indices = @transform_4, window_bounds = array<i64: 8, 128>}, {pipeline_mode = #tpu.pipeline_mode<synchronous>, transform_indices = @transform_5, window_bounds = array<i64: 128, 256>}, {pipeline_mode = #tpu.pipeline_mode<synchronous>, transform_indices = @transform_6, window_bounds = array<i64: 128, 256>}, {pipeline_mode = #tpu.pipeline_mode<synchronous>, transform_indices = @transform_7, window_bounds = array<i64: 128, 256>}, {pipeline_mode = #tpu.pipeline_mode<synchronous>, transform_indices = @transform_8, window_bounds = array<i64: 8, 256>}, {pipeline_mode = #tpu.pipeline_mode<synchronous>, transform_indices = @transform_9, window_bounds = array<i64: 1, 256>}, {pipeline_mode = #tpu.pipeline_mode<synchronous>, transform_indices = @transform_10, window_bounds = array<i64: 128, 128>}, {pipeline_mode = #tpu.pipeline_mode<synchronous>, transform_indices = @transform_11, window_bounds = array<i64: 8, 128>}, {pipeline_mode = #tpu.pipeline_mode<synchronous>, transform_indices = @transform_12, window_bounds = array<i64: 128, 256>}, {pipeline_mode = #tpu.pipeline_mode<synchronous>, transform_indices = @transform_13, window_bounds = array<i64: 128, 256>}, {pipeline_mode = #tpu.pipeline_mode<synchronous>, transform_indices = @transform_14, window_bounds = array<i64: 128, 256>}, {pipeline_mode = #tpu.pipeline_mode<synchronous>, transform_indices = @transform_15, window_bounds = array<i64: 8, 256>}, {pipeline_mode = #tpu.pipeline_mode<synchronous>, transform_indices = @transform_16, window_bounds = array<i64: 1, 256>}, {pipeline_mode = #tpu.pipeline_mode<synchronous>, transform_indices = @transform_17, window_bounds = array<i64: 128, 128>}, {pipeline_mode = #tpu.pipeline_mode<synchronous>, transform_indices = @transform_18, window_bounds = array<i64: 1, 128>}, {transform_indices = @transform_19, window_bounds = array<i64: 1000, 128>}]} {
    %get3A = arith.constant 0 : index
    %get3A_0 = arith.constant 0 : index
    %get3A_1 = vector.load %arg1[%get3A, %get3A_0] : memref<1000x128xf32, #tpu.memory_space<vmem>>, vector<1000x128xf32>
    %get3A_2 = arith.constant 0 : index
    %get3A_3 = arith.constant 0 : index
    %get3A_4 = vector.load %arg2[%get3A_2, %get3A_3] : memref<1000x128xf32, #tpu.memory_space<vmem>>, vector<1000x128xf32>
    %get3A_5 = arith.constant 0 : index
    %get3A_6 = arith.constant 0 : index
    %get3A_7 = vector.load %arg3[%get3A_5, %get3A_6] : memref<1000x128xf32, #tpu.memory_space<vmem>>, vector<1000x128xf32>
    %slice3A = vector.extract_strided_slice %get3A_7 {offsets = [0, 3], sizes = [1000, 1], strides = [1, 1]} : vector<1000x128xf32> to vector<1000x1xf32>
    %max3A = arith.constant 1.000000e+00 : f32
    %max3A_8 = vector.broadcast %max3A : f32 to vector<1000x1xf32>
    %max3A_9 = arith.maximumf %slice3A, %max3A_8 : vector<1000x1xf32>
    %div3A = arith.constant 1.000000e+00 : f32
    %div3A_10 = vector.broadcast %div3A : f32 to vector<1000x1xf32>
    %div3A_11 = arith.divf %div3A_10, %max3A_9 : vector<1000x1xf32>
    %mul3A = vector.broadcast %div3A_11 : vector<1000x1xf32> to vector<1000x128xf32>
    %mul3A_12 = arith.mulf %get3A_4, %mul3A : vector<1000x128xf32>
    %mul3A_13 = arith.mulf %slice3A, %div3A_11 : vector<1000x1xf32>
    %slice3A_14 = vector.extract_strided_slice %get3A_7 {offsets = [0, 0], sizes = [1000, 1], strides = [1, 1]} : vector<1000x128xf32> to vector<1000x1xf32>
    %mul3A_15 = arith.mulf %slice3A_14, %div3A_11 : vector<1000x1xf32>
    %slice3A_16 = vector.extract_strided_slice %get3A_7 {offsets = [0, 1], sizes = [1000, 1], strides = [1, 1]} : vector<1000x128xf32> to vector<1000x1xf32>
    %mul3A_17 = arith.mulf %slice3A_16, %div3A_11 : vector<1000x1xf32>
    %slice3A_18 = vector.extract_strided_slice %get3A_7 {offsets = [0, 2], sizes = [1000, 1], strides = [1, 1]} : vector<1000x128xf32> to vector<1000x1xf32>
    %mul3A_19 = arith.mulf %slice3A_18, %div3A_11 : vector<1000x1xf32>
    %convert_element_type3A = arith.truncf %mul3A_12 : vector<1000x128xf32> to vector<1000x128xbf16>
    %get3A_20 = arith.constant 0 : index
    %get3A_21 = arith.constant 0 : index
    %get3A_22 = vector.load %arg4[%get3A_20, %get3A_21] : memref<128x128xbf16, #tpu.memory_space<vmem>>, vector<128x128xbf16>
    %dot_general3A = arith.constant dense<0.000000e+00> : vector<1000x128xf32>
    %dot_general3A_23 = tpu.matmul %convert_element_type3A, %get3A_22, %dot_general3A {dimension_numbers = #tpu.dot_dimension_numbers<[1], [0], [0], [1], [0, 0, 1, 1], [], []>, transpose_lhs_hint = false} : vector<1000x128xbf16>, vector<128x128xbf16>, vector<1000x128xf32> -> vector<1000x128xf32>
    %get3A_24 = arith.constant 0 : index
    %get3A_25 = arith.constant 0 : index
    %get3A_26 = vector.load %arg5[%get3A_24, %get3A_25] : memref<8x128xf32, #tpu.memory_space<vmem>>, vector<1x128xf32>
    %mul3A_27 = vector.broadcast %mul3A_13 : vector<1000x1xf32> to vector<1000x128xf32>
    %mul3A_28 = vector.broadcast %get3A_26 : vector<1x128xf32> to vector<1000x128xf32>
    %mul3A_29 = arith.mulf %mul3A_27, %mul3A_28 : vector<1000x128xf32>
    %get3A_30 = arith.constant 1 : index
    %get3A_31 = arith.constant 0 : index
    %get3A_32 = vector.load %arg5[%get3A_30, %get3A_31] : memref<8x128xf32, #tpu.memory_space<vmem>>, vector<1x128xf32>
    %mul3A_33 = vector.broadcast %mul3A_15 : vector<1000x1xf32> to vector<1000x128xf32>
    %mul3A_34 = vector.broadcast %get3A_32 : vector<1x128xf32> to vector<1000x128xf32>
    %mul3A_35 = arith.mulf %mul3A_33, %mul3A_34 : vector<1000x128xf32>
    %add3A = arith.addf %mul3A_29, %mul3A_35 : vector<1000x128xf32>
    %get3A_36 = arith.constant 2 : index
    %get3A_37 = arith.constant 0 : index
    %get3A_38 = vector.load %arg5[%get3A_36, %get3A_37] : memref<8x128xf32, #tpu.memory_space<vmem>>, vector<1x128xf32>
    %mul3A_39 = vector.broadcast %mul3A_17 : vector<1000x1xf32> to vector<1000x128xf32>
    %mul3A_40 = vector.broadcast %get3A_38 : vector<1x128xf32> to vector<1000x128xf32>
    %mul3A_41 = arith.mulf %mul3A_39, %mul3A_40 : vector<1000x128xf32>
    %add3A_42 = arith.addf %add3A, %mul3A_41 : vector<1000x128xf32>
    %get3A_43 = arith.constant 3 : index
    %get3A_44 = arith.constant 0 : index
    %get3A_45 = vector.load %arg5[%get3A_43, %get3A_44] : memref<8x128xf32, #tpu.memory_space<vmem>>, vector<1x128xf32>
    %mul3A_46 = vector.broadcast %mul3A_19 : vector<1000x1xf32> to vector<1000x128xf32>
    %mul3A_47 = vector.broadcast %get3A_45 : vector<1x128xf32> to vector<1000x128xf32>
    %mul3A_48 = arith.mulf %mul3A_46, %mul3A_47 : vector<1000x128xf32>
    %add3A_49 = arith.addf %add3A_42, %mul3A_48 : vector<1000x128xf32>
    %add3A_50 = arith.addf %dot_general3A_23, %add3A_49 : vector<1000x128xf32>
    %convert_element_type3A_51 = arith.truncf %get3A_1 : vector<1000x128xf32> to vector<1000x128xbf16>
    %get3A_52 = arith.constant 0 : index
    %get3A_53 = arith.constant 0 : index
    %get3A_54 = vector.load %arg6[%get3A_52, %get3A_53] : memref<128x256xbf16, #tpu.memory_space<vmem>>, vector<128x256xbf16>
    %dot_general3A_55 = arith.constant dense<0.000000e+00> : vector<1000x256xf32>
    %dot_general3A_56 = tpu.matmul %convert_element_type3A_51, %get3A_54, %dot_general3A_55 {dimension_numbers = #tpu.dot_dimension_numbers<[1], [0], [0], [1], [0, 0, 1, 1], [], []>, transpose_lhs_hint = false} : vector<1000x128xbf16>, vector<128x256xbf16>, vector<1000x256xf32> -> vector<1000x256xf32>
    %convert_element_type3A_57 = arith.truncf %mul3A_12 : vector<1000x128xf32> to vector<1000x128xbf16>
    %get3A_58 = arith.constant 0 : index
    %get3A_59 = arith.constant 0 : index
    %get3A_60 = vector.load %arg7[%get3A_58, %get3A_59] : memref<128x256xbf16, #tpu.memory_space<vmem>>, vector<128x256xbf16>
    %dot_general3A_61 = arith.constant dense<0.000000e+00> : vector<1000x256xf32>
    %dot_general3A_62 = tpu.matmul %convert_element_type3A_57, %get3A_60, %dot_general3A_61 {dimension_numbers = #tpu.dot_dimension_numbers<[1], [0], [0], [1], [0, 0, 1, 1], [], []>, transpose_lhs_hint = false} : vector<1000x128xbf16>, vector<128x256xbf16>, vector<1000x256xf32> -> vector<1000x256xf32>
    %add3A_63 = arith.addf %dot_general3A_56, %dot_general3A_62 : vector<1000x256xf32>
    %mul3A_64 = arith.mulf %get3A_1, %add3A_50 : vector<1000x128xf32>
    %convert_element_type3A_65 = arith.truncf %mul3A_64 : vector<1000x128xf32> to vector<1000x128xbf16>
    %get3A_66 = arith.constant 0 : index
    %get3A_67 = arith.constant 0 : index
    %get3A_68 = vector.load %arg8[%get3A_66, %get3A_67] : memref<128x256xbf16, #tpu.memory_space<vmem>>, vector<128x256xbf16>
    %dot_general3A_69 = arith.constant dense<0.000000e+00> : vector<1000x256xf32>
    %dot_general3A_70 = tpu.matmul %convert_element_type3A_65, %get3A_68, %dot_general3A_69 {dimension_numbers = #tpu.dot_dimension_numbers<[1], [0], [0], [1], [0, 0, 1, 1], [], []>, transpose_lhs_hint = false} : vector<1000x128xbf16>, vector<128x256xbf16>, vector<1000x256xf32> -> vector<1000x256xf32>
    %add3A_71 = arith.addf %add3A_63, %dot_general3A_70 : vector<1000x256xf32>
    %get3A_72 = arith.constant 0 : index
    %get3A_73 = arith.constant 0 : index
    %get3A_74 = vector.load %arg9[%get3A_72, %get3A_73] : memref<8x256xf32, #tpu.memory_space<vmem>>, vector<1x256xf32>
    %mul3A_75 = vector.broadcast %mul3A_13 : vector<1000x1xf32> to vector<1000x256xf32>
    %mul3A_76 = vector.broadcast %get3A_74 : vector<1x256xf32> to vector<1000x256xf32>
    %mul3A_77 = arith.mulf %mul3A_75, %mul3A_76 : vector<1000x256xf32>
    %get3A_78 = arith.constant 1 : index
    %get3A_79 = arith.constant 0 : index
    %get3A_80 = vector.load %arg9[%get3A_78, %get3A_79] : memref<8x256xf32, #tpu.memory_space<vmem>>, vector<1x256xf32>
    %mul3A_81 = vector.broadcast %mul3A_15 : vector<1000x1xf32> to vector<1000x256xf32>
    %mul3A_82 = vector.broadcast %get3A_80 : vector<1x256xf32> to vector<1000x256xf32>
    %mul3A_83 = arith.mulf %mul3A_81, %mul3A_82 : vector<1000x256xf32>
    %add3A_84 = arith.addf %mul3A_77, %mul3A_83 : vector<1000x256xf32>
    %get3A_85 = arith.constant 2 : index
    %get3A_86 = arith.constant 0 : index
    %get3A_87 = vector.load %arg9[%get3A_85, %get3A_86] : memref<8x256xf32, #tpu.memory_space<vmem>>, vector<1x256xf32>
    %mul3A_88 = vector.broadcast %mul3A_17 : vector<1000x1xf32> to vector<1000x256xf32>
    %mul3A_89 = vector.broadcast %get3A_87 : vector<1x256xf32> to vector<1000x256xf32>
    %mul3A_90 = arith.mulf %mul3A_88, %mul3A_89 : vector<1000x256xf32>
    %add3A_91 = arith.addf %add3A_84, %mul3A_90 : vector<1000x256xf32>
    %get3A_92 = arith.constant 3 : index
    %get3A_93 = arith.constant 0 : index
    %get3A_94 = vector.load %arg9[%get3A_92, %get3A_93] : memref<8x256xf32, #tpu.memory_space<vmem>>, vector<1x256xf32>
    %mul3A_95 = vector.broadcast %mul3A_19 : vector<1000x1xf32> to vector<1000x256xf32>
    %mul3A_96 = vector.broadcast %get3A_94 : vector<1x256xf32> to vector<1000x256xf32>
    %mul3A_97 = arith.mulf %mul3A_95, %mul3A_96 : vector<1000x256xf32>
    %add3A_98 = arith.addf %add3A_91, %mul3A_97 : vector<1000x256xf32>
    %add3A_99 = arith.addf %add3A_71, %add3A_98 : vector<1000x256xf32>
    %get3A_100 = arith.constant 0 : index
    %get3A_101 = arith.constant 0 : index
    %get3A_102 = vector.load %arg10[%get3A_100, %get3A_101] : memref<1x256xf32, #tpu.memory_space<vmem>>, vector<1x256xf32>
    %add3A_103 = vector.broadcast %get3A_102 : vector<1x256xf32> to vector<1000x256xf32>
    %add3A_104 = arith.addf %add3A_99, %add3A_103 : vector<1000x256xf32>
    %slice3A_105 = vector.extract_strided_slice %add3A_104 {offsets = [0, 128], sizes = [1000, 128], strides = [1, 1]} : vector<1000x256xf32> to vector<1000x128xf32>
    %slice3A_106 = vector.extract_strided_slice %add3A_104 {offsets = [0, 0], sizes = [1000, 128], strides = [1, 1]} : vector<1000x256xf32> to vector<1000x128xf32>
    %logistic3A = arith.negf %slice3A_106 : vector<1000x128xf32>
    %logistic3A_107 = math.exp %logistic3A : vector<1000x128xf32>
    %logistic3A_108 = arith.constant 1.000000e+00 : f32
    %logistic3A_109 = vector.broadcast %logistic3A_108 : f32 to vector<1000x128xf32>
    %logistic3A_110 = arith.addf %logistic3A_109, %logistic3A_107 : vector<1000x128xf32>
    %logistic3A_111 = arith.divf %logistic3A_109, %logistic3A_110 : vector<1000x128xf32>
    %mul3A_112 = arith.mulf %slice3A_105, %logistic3A_111 : vector<1000x128xf32>
    %convert_element_type3A_113 = arith.truncf %mul3A_12 : vector<1000x128xf32> to vector<1000x128xbf16>
    %get3A_114 = arith.constant 0 : index
    %get3A_115 = arith.constant 0 : index
    %get3A_116 = vector.load %arg11[%get3A_114, %get3A_115] : memref<128x128xbf16, #tpu.memory_space<vmem>>, vector<128x128xbf16>
    %dot_general3A_117 = arith.constant dense<0.000000e+00> : vector<1000x128xf32>
    %dot_general3A_118 = tpu.matmul %convert_element_type3A_113, %get3A_116, %dot_general3A_117 {dimension_numbers = #tpu.dot_dimension_numbers<[1], [0], [0], [1], [0, 0, 1, 1], [], []>, transpose_lhs_hint = false} : vector<1000x128xbf16>, vector<128x128xbf16>, vector<1000x128xf32> -> vector<1000x128xf32>
    %get3A_119 = arith.constant 0 : index
    %get3A_120 = arith.constant 0 : index
    %get3A_121 = vector.load %arg12[%get3A_119, %get3A_120] : memref<8x128xf32, #tpu.memory_space<vmem>>, vector<1x128xf32>
    %mul3A_122 = vector.broadcast %mul3A_13 : vector<1000x1xf32> to vector<1000x128xf32>
    %mul3A_123 = vector.broadcast %get3A_121 : vector<1x128xf32> to vector<1000x128xf32>
    %mul3A_124 = arith.mulf %mul3A_122, %mul3A_123 : vector<1000x128xf32>
    %get3A_125 = arith.constant 1 : index
    %get3A_126 = arith.constant 0 : index
    %get3A_127 = vector.load %arg12[%get3A_125, %get3A_126] : memref<8x128xf32, #tpu.memory_space<vmem>>, vector<1x128xf32>
    %mul3A_128 = vector.broadcast %mul3A_15 : vector<1000x1xf32> to vector<1000x128xf32>
    %mul3A_129 = vector.broadcast %get3A_127 : vector<1x128xf32> to vector<1000x128xf32>
    %mul3A_130 = arith.mulf %mul3A_128, %mul3A_129 : vector<1000x128xf32>
    %add3A_131 = arith.addf %mul3A_124, %mul3A_130 : vector<1000x128xf32>
    %get3A_132 = arith.constant 2 : index
    %get3A_133 = arith.constant 0 : index
    %get3A_134 = vector.load %arg12[%get3A_132, %get3A_133] : memref<8x128xf32, #tpu.memory_space<vmem>>, vector<1x128xf32>
    %mul3A_135 = vector.broadcast %mul3A_17 : vector<1000x1xf32> to vector<1000x128xf32>
    %mul3A_136 = vector.broadcast %get3A_134 : vector<1x128xf32> to vector<1000x128xf32>
    %mul3A_137 = arith.mulf %mul3A_135, %mul3A_136 : vector<1000x128xf32>
    %add3A_138 = arith.addf %add3A_131, %mul3A_137 : vector<1000x128xf32>
    %get3A_139 = arith.constant 3 : index
    %get3A_140 = arith.constant 0 : index
    %get3A_141 = vector.load %arg12[%get3A_139, %get3A_140] : memref<8x128xf32, #tpu.memory_space<vmem>>, vector<1x128xf32>
    %mul3A_142 = vector.broadcast %mul3A_19 : vector<1000x1xf32> to vector<1000x128xf32>
    %mul3A_143 = vector.broadcast %get3A_141 : vector<1x128xf32> to vector<1000x128xf32>
    %mul3A_144 = arith.mulf %mul3A_142, %mul3A_143 : vector<1000x128xf32>
    %add3A_145 = arith.addf %add3A_138, %mul3A_144 : vector<1000x128xf32>
    %add3A_146 = arith.addf %dot_general3A_118, %add3A_145 : vector<1000x128xf32>
    %convert_element_type3A_147 = arith.truncf %mul3A_112 : vector<1000x128xf32> to vector<1000x128xbf16>
    %get3A_148 = arith.constant 0 : index
    %get3A_149 = arith.constant 0 : index
    %get3A_150 = vector.load %arg13[%get3A_148, %get3A_149] : memref<128x256xbf16, #tpu.memory_space<vmem>>, vector<128x256xbf16>
    %dot_general3A_151 = arith.constant dense<0.000000e+00> : vector<1000x256xf32>
    %dot_general3A_152 = tpu.matmul %convert_element_type3A_147, %get3A_150, %dot_general3A_151 {dimension_numbers = #tpu.dot_dimension_numbers<[1], [0], [0], [1], [0, 0, 1, 1], [], []>, transpose_lhs_hint = false} : vector<1000x128xbf16>, vector<128x256xbf16>, vector<1000x256xf32> -> vector<1000x256xf32>
    %convert_element_type3A_153 = arith.truncf %mul3A_12 : vector<1000x128xf32> to vector<1000x128xbf16>
    %get3A_154 = arith.constant 0 : index
    %get3A_155 = arith.constant 0 : index
    %get3A_156 = vector.load %arg14[%get3A_154, %get3A_155] : memref<128x256xbf16, #tpu.memory_space<vmem>>, vector<128x256xbf16>
    %dot_general3A_157 = arith.constant dense<0.000000e+00> : vector<1000x256xf32>
    %dot_general3A_158 = tpu.matmul %convert_element_type3A_153, %get3A_156, %dot_general3A_157 {dimension_numbers = #tpu.dot_dimension_numbers<[1], [0], [0], [1], [0, 0, 1, 1], [], []>, transpose_lhs_hint = false} : vector<1000x128xbf16>, vector<128x256xbf16>, vector<1000x256xf32> -> vector<1000x256xf32>
    %add3A_159 = arith.addf %dot_general3A_152, %dot_general3A_158 : vector<1000x256xf32>
    %mul3A_160 = arith.mulf %mul3A_112, %add3A_146 : vector<1000x128xf32>
    %convert_element_type3A_161 = arith.truncf %mul3A_160 : vector<1000x128xf32> to vector<1000x128xbf16>
    %get3A_162 = arith.constant 0 : index
    %get3A_163 = arith.constant 0 : index
    %get3A_164 = vector.load %arg15[%get3A_162, %get3A_163] : memref<128x256xbf16, #tpu.memory_space<vmem>>, vector<128x256xbf16>
    %dot_general3A_165 = arith.constant dense<0.000000e+00> : vector<1000x256xf32>
    %dot_general3A_166 = tpu.matmul %convert_element_type3A_161, %get3A_164, %dot_general3A_165 {dimension_numbers = #tpu.dot_dimension_numbers<[1], [0], [0], [1], [0, 0, 1, 1], [], []>, transpose_lhs_hint = false} : vector<1000x128xbf16>, vector<128x256xbf16>, vector<1000x256xf32> -> vector<1000x256xf32>
    %add3A_167 = arith.addf %add3A_159, %dot_general3A_166 : vector<1000x256xf32>
    %get3A_168 = arith.constant 0 : index
    %get3A_169 = arith.constant 0 : index
    %get3A_170 = vector.load %arg16[%get3A_168, %get3A_169] : memref<8x256xf32, #tpu.memory_space<vmem>>, vector<1x256xf32>
    %mul3A_171 = vector.broadcast %mul3A_13 : vector<1000x1xf32> to vector<1000x256xf32>
    %mul3A_172 = vector.broadcast %get3A_170 : vector<1x256xf32> to vector<1000x256xf32>
    %mul3A_173 = arith.mulf %mul3A_171, %mul3A_172 : vector<1000x256xf32>
    %get3A_174 = arith.constant 1 : index
    %get3A_175 = arith.constant 0 : index
    %get3A_176 = vector.load %arg16[%get3A_174, %get3A_175] : memref<8x256xf32, #tpu.memory_space<vmem>>, vector<1x256xf32>
    %mul3A_177 = vector.broadcast %mul3A_15 : vector<1000x1xf32> to vector<1000x256xf32>
    %mul3A_178 = vector.broadcast %get3A_176 : vector<1x256xf32> to vector<1000x256xf32>
    %mul3A_179 = arith.mulf %mul3A_177, %mul3A_178 : vector<1000x256xf32>
    %add3A_180 = arith.addf %mul3A_173, %mul3A_179 : vector<1000x256xf32>
    %get3A_181 = arith.constant 2 : index
    %get3A_182 = arith.constant 0 : index
    %get3A_183 = vector.load %arg16[%get3A_181, %get3A_182] : memref<8x256xf32, #tpu.memory_space<vmem>>, vector<1x256xf32>
    %mul3A_184 = vector.broadcast %mul3A_17 : vector<1000x1xf32> to vector<1000x256xf32>
    %mul3A_185 = vector.broadcast %get3A_183 : vector<1x256xf32> to vector<1000x256xf32>
    %mul3A_186 = arith.mulf %mul3A_184, %mul3A_185 : vector<1000x256xf32>
    %add3A_187 = arith.addf %add3A_180, %mul3A_186 : vector<1000x256xf32>
    %get3A_188 = arith.constant 3 : index
    %get3A_189 = arith.constant 0 : index
    %get3A_190 = vector.load %arg16[%get3A_188, %get3A_189] : memref<8x256xf32, #tpu.memory_space<vmem>>, vector<1x256xf32>
    %mul3A_191 = vector.broadcast %mul3A_19 : vector<1000x1xf32> to vector<1000x256xf32>
    %mul3A_192 = vector.broadcast %get3A_190 : vector<1x256xf32> to vector<1000x256xf32>
    %mul3A_193 = arith.mulf %mul3A_191, %mul3A_192 : vector<1000x256xf32>
    %add3A_194 = arith.addf %add3A_187, %mul3A_193 : vector<1000x256xf32>
    %add3A_195 = arith.addf %add3A_167, %add3A_194 : vector<1000x256xf32>
    %get3A_196 = arith.constant 0 : index
    %get3A_197 = arith.constant 0 : index
    %get3A_198 = vector.load %arg17[%get3A_196, %get3A_197] : memref<1x256xf32, #tpu.memory_space<vmem>>, vector<1x256xf32>
    %add3A_199 = vector.broadcast %get3A_198 : vector<1x256xf32> to vector<1000x256xf32>
    %add3A_200 = arith.addf %add3A_195, %add3A_199 : vector<1000x256xf32>
    %slice3A_201 = vector.extract_strided_slice %add3A_200 {offsets = [0, 128], sizes = [1000, 128], strides = [1, 1]} : vector<1000x256xf32> to vector<1000x128xf32>
    %slice3A_202 = vector.extract_strided_slice %add3A_200 {offsets = [0, 0], sizes = [1000, 128], strides = [1, 1]} : vector<1000x256xf32> to vector<1000x128xf32>
    %logistic3A_203 = arith.negf %slice3A_202 : vector<1000x128xf32>
    %logistic3A_204 = math.exp %logistic3A_203 : vector<1000x128xf32>
    %logistic3A_205 = arith.constant 1.000000e+00 : f32
    %logistic3A_206 = vector.broadcast %logistic3A_205 : f32 to vector<1000x128xf32>
    %logistic3A_207 = arith.addf %logistic3A_206, %logistic3A_204 : vector<1000x128xf32>
    %logistic3A_208 = arith.divf %logistic3A_206, %logistic3A_207 : vector<1000x128xf32>
    %mul3A_209 = arith.mulf %slice3A_201, %logistic3A_208 : vector<1000x128xf32>
    %convert_element_type3A_210 = arith.truncf %mul3A_209 : vector<1000x128xf32> to vector<1000x128xbf16>
    %get3A_211 = arith.constant 0 : index
    %get3A_212 = arith.constant 0 : index
    %get3A_213 = vector.load %arg18[%get3A_211, %get3A_212] : memref<128x128xbf16, #tpu.memory_space<vmem>>, vector<128x128xbf16>
    %dot_general3A_214 = arith.constant dense<0.000000e+00> : vector<1000x128xf32>
    %dot_general3A_215 = tpu.matmul %convert_element_type3A_210, %get3A_213, %dot_general3A_214 {dimension_numbers = #tpu.dot_dimension_numbers<[1], [0], [0], [1], [0, 0, 1, 1], [], []>, transpose_lhs_hint = false} : vector<1000x128xbf16>, vector<128x128xbf16>, vector<1000x128xf32> -> vector<1000x128xf32>
    %get3A_216 = arith.constant 0 : index
    %get3A_217 = arith.constant 0 : index
    %get3A_218 = vector.load %arg19[%get3A_216, %get3A_217] : memref<1x128xf32, #tpu.memory_space<vmem>>, vector<1x128xf32>
    %add3A_219 = vector.broadcast %get3A_218 : vector<1x128xf32> to vector<1000x128xf32>
    %add3A_220 = arith.addf %dot_general3A_215, %add3A_219 : vector<1000x128xf32>
    %swap3A = arith.constant 0 : index
    %swap3A_221 = arith.constant 0 : index
    %swap3A_222 = vector.load %arg20[%swap3A, %swap3A_221] : memref<1000x128xf32, #tpu.memory_space<vmem>>, vector<1000x128xf32>
    tpu.vector_store %arg20[%swap3A, %swap3A_221], %add3A_220 {strides = array<i32>} : memref<1000x128xf32, #tpu.memory_space<vmem>>, vector<1000x128xf32>,
    return
  }
  func.func @transform_0(%arg0: i32) -> (i32, i32) {
    %c0_i32 = arith.constant 0 : i32
    %c0_i32_0 = arith.constant 0 : i32
    return %arg0, %c0_i32 : i32, i32
  }
  func.func @transform_1(%arg0: i32) -> (i32, i32) {
    %c0_i32 = arith.constant 0 : i32
    %c0_i32_0 = arith.constant 0 : i32
    return %arg0, %c0_i32 : i32, i32
  }
  func.func @transform_2(%arg0: i32) -> (i32, i32) {
    %c0_i32 = arith.constant 0 : i32
    %c0_i32_0 = arith.constant 0 : i32
    return %arg0, %c0_i32 : i32, i32
  }
  func.func @transform_3(%arg0: i32) -> (i32, i32) {
    %c0_i32 = arith.constant 0 : i32
    %c0_i32_0 = arith.constant 0 : i32
    %c0_i32_1 = arith.constant 0 : i32
    return %c0_i32, %c0_i32_0 : i32, i32
  }
  func.func @transform_4(%arg0: i32) -> (i32, i32) {
    %c0_i32 = arith.constant 0 : i32
    %c0_i32_0 = arith.constant 0 : i32
    %c0_i32_1 = arith.constant 0 : i32
    return %c0_i32, %c0_i32_0 : i32, i32
  }
  func.func @transform_5(%arg0: i32) -> (i32, i32) {
    %c0_i32 = arith.constant 0 : i32
    %c0_i32_0 = arith.constant 0 : i32
    %c0_i32_1 = arith.constant 0 : i32
    return %c0_i32, %c0_i32_0 : i32, i32
  }
  func.func @transform_6(%arg0: i32) -> (i32, i32) {
    %c0_i32 = arith.constant 0 : i32
    %c0_i32_0 = arith.constant 0 : i32
    %c0_i32_1 = arith.constant 0 : i32
    return %c0_i32, %c0_i32_0 : i32, i32
  }
  func.func @transform_7(%arg0: i32) -> (i32, i32) {
    %c0_i32 = arith.constant 0 : i32
    %c0_i32_0 = arith.constant 0 : i32
    %c0_i32_1 = arith.constant 0 : i32
    return %c0_i32, %c0_i32_0 : i32, i32
  }
  func.func @transform_8(%arg0: i32) -> (i32, i32) {
    %c0_i32 = arith.constant 0 : i32
    %c0_i32_0 = arith.constant 0 : i32
    %c0_i32_1 = arith.constant 0 : i32
    return %c0_i32, %c0_i32_0 : i32, i32
  }
  func.func @transform_9(%arg0: i32) -> (i32, i32) {
    %c0_i32 = arith.constant 0 : i32
    %c0_i32_0 = arith.constant 0 : i32
    %c0_i32_1 = arith.constant 0 : i32
    return %c0_i32, %c0_i32_0 : i32, i32
  }
  func.func @transform_10(%arg0: i32) -> (i32, i32) {
    %c0_i32 = arith.constant 0 : i32
    %c0_i32_0 = arith.constant 0 : i32
    %c0_i32_1 = arith.constant 0 : i32
    return %c0_i32, %c0_i32_0 : i32, i32
  }
  func.func @transform_11(%arg0: i32) -> (i32, i32) {
    %c0_i32 = arith.constant 0 : i32
    %c0_i32_0 = arith.constant 0 : i32
    %c0_i32_1 = arith.constant 0 : i32
    return %c0_i32, %c0_i32_0 : i32, i32
  }
  func.func @transform_12(%arg0: i32) -> (i32, i32) {
    %c0_i32 = arith.constant 0 : i32
    %c0_i32_0 = arith.constant 0 : i32
    %c0_i32_1 = arith.constant 0 : i32
    return %c0_i32, %c0_i32_0 : i32, i32
  }
  func.func @transform_13(%arg0: i32) -> (i32, i32) {
    %c0_i32 = arith.constant 0 : i32
    %c0_i32_0 = arith.constant 0 : i32
    %c0_i32_1 = arith.constant 0 : i32
    return %c0_i32, %c0_i32_0 : i32, i32
  }
  func.func @transform_14(%arg0: i32) -> (i32, i32) {
    %c0_i32 = arith.constant 0 : i32
    %c0_i32_0 = arith.constant 0 : i32
    %c0_i32_1 = arith.constant 0 : i32
    return %c0_i32, %c0_i32_0 : i32, i32
  }
  func.func @transform_15(%arg0: i32) -> (i32, i32) {
    %c0_i32 = arith.constant 0 : i32
    %c0_i32_0 = arith.constant 0 : i32
    %c0_i32_1 = arith.constant 0 : i32
    return %c0_i32, %c0_i32_0 : i32, i32
  }
  func.func @transform_16(%arg0: i32) -> (i32, i32) {
    %c0_i32 = arith.constant 0 : i32
    %c0_i32_0 = arith.constant 0 : i32
    %c0_i32_1 = arith.constant 0 : i32
    return %c0_i32, %c0_i32_0 : i32, i32
  }
  func.func @transform_17(%arg0: i32) -> (i32, i32) {
    %c0_i32 = arith.constant 0 : i32
    %c0_i32_0 = arith.constant 0 : i32
    %c0_i32_1 = arith.constant 0 : i32
    return %c0_i32, %c0_i32_0 : i32, i32
  }
  func.func @transform_18(%arg0: i32) -> (i32, i32) {
    %c0_i32 = arith.constant 0 : i32
    %c0_i32_0 = arith.constant 0 : i32
    %c0_i32_1 = arith.constant 0 : i32
    return %c0_i32, %c0_i32_0 : i32, i32
  }
  func.func @transform_19(%arg0: i32) -> (i32, i32) {
    %c0_i32 = arith.constant 0 : i32
    %c0_i32_0 = arith.constant 0 : i32
    return %arg0, %c0_i32 : i32, i32
  }
}

</mosaic_0001>

<sc_bundles>
// kernel: kernel.10.cloned.1.call-start
scs
__scs_entry_jumppad:
0x0: {  	(pc) =	sbr.rel $0x88, $3  }
0x1: {  	(tag) =	ssettag $0x0;
	lr =	simm.s32 $0x1  }
0x2: {  	[smem:$0x3F91] =	sst lr;
	_ =	strace $0xD0000000  }
0x3: {  	_ = 	snop  }
0x4: {  	_ = 	snop  }
0x5: {  	_ = 	snop  }
0x6: {  	_ = 	snop  }
0x7: {  	_ = 	snop  }
__scs_overlays_trampoline_lowered:
0x8: {  	[smem:$0x3FA0] =	sst s0  }
0x9: {  	[smem:$0x3FA1] =	sst s1  }
0xa: {  	[smem:$0x3FA2] =	sst s2  }
0xb: {  	[smem:$0x3FA3] =	sst s3  }
0xc: {  	[smem:$0x3FA4] =	sst s4  }
0xd: {  	[smem:$0x3FA5] =	sst s5  }
0xe: {  	[smem:$0x3FA6] =	sst s6  }
0xf: {  	[smem:$0x3FA7] =	sst s7  }
0x10: {  	[smem:$0x3FA8] =	sst s8  }
0x11: {  	[smem:$0x3FA9] =	sst s9;
	s0 =	simm.s32 @!p0 $0x0  }
0x12: {  	s1 =	sld [smem:$0x3F8F];
	s0 =	simm.s32 @p0 $0x1  }
0x13: {  	[smem:$0x3FAA] =	sst s0;
	s0 =	simm.s32 @!p1 $0x0  }
0x14: {  	s2 =	sld [smem:$0x3F8E];
	s0 =	simm.s32 @p1 $0x1  }
0x15: {  	[smem:$0x3FAB] =	sst s0;
	s0 =	simm.s32 @!p2 $0x0  }
0x16: {  	s3 =	sld [smem:$0x3FDB];
	s0 =	simm.s32 @p2 $0x1  }
0x17: {  	s4 =	simm.s32 $0x1BF5;
	[smem:$0x3FAD] =	sst s0  }
0x18: {  	s0 =	sld [smem:$0x3F90];
	_ =	swait.ge [sflag:s4], $0x0  }
0x19: {  	s7 =	sld [smem:$0x3F91]  }
0x1a: {  	s8 =	sadd.s32 $0xFFFFE003, lr  }
0x1b: {  	s9 =	sadd.s32 $0xFFFFFEF7, lr;
	s5 =	simm.s32 $0xFFFFFFFF;
	p2 =	slt.u32 s8, $0xFFFFF086  }
0x1c: {  	p1 =	slt.u32 s9, $0xF7A;
	s5 =	simm.s32 @!p2 $0x0  }
0x1d: {  	s5 =	simm.s32 @p1 $0x1;
	p0 =	seq.s32 s7, s2  }
0x1e: {  	s7 =	smul.u32 @!p0 $0xF7A, s2;
	p2 =	seq.s32 @!p0 s5, $0x0  }
0x1f: {  	s9 =	smul.u32 $0xF7A, s1;
	s8 =	simm.s32 @!p0 $0x1BF5;
	p2 =	por !p2, p0  }
0x20: {  	[sflag:s8] =	ssyncset.s32 @!p0 $0xFFFFF086;
	s6 =	sadd.s32 @!p0 s3, s7;
	s7 =	simm.s32 @!p0 $0x108  }
0x21: {  	s3 =	sadd.s32 s3, s9;
	s6 =	sadd.s32 @!p0 $0x88, s6;
	s7 =	simm.s32 @p2 $0x1082  }
0x22: {  	[simem:s7], [sflag:s8] =	dma.local @!p0 [hbm:s6], $0xF7A  }
0x23: {  	s9 =	sor.u32 $0xD0000000, s2;
	s6 =	simm.s32 $0x108;
	_ =	swait.ge @!p0 [sflag:s8], $0x0  }
0x24: {  	s3 =	sadd.s32 $0x88, s3;
	s6 =	simm.s32 @!p1 $0x1082;
	[sflag:s4] =	ssyncset.s32 $0xFFFFF086  }
0x25: {  	[simem:s6], [sflag:s4] =	dma.local [hbm:s3], $0xF7A  }
0x26: {  	[smem:$0x3F91] =	sst s1;
	(tag) =	ssettag s2;
	_ =	strace s9  }
0x27: {  	s1 =	sld [smem:$0x3FA1]  }
0x28: {  	s2 =	sld [smem:$0x3FA2]  }
0x29: {  	s4 =	sld [smem:$0x3FA4]  }
0x2a: {  	p0 =	seq.s32 s5, $0x0;
	s5 =	sld [smem:$0x3FA5]  }
0x2b: {  	s6 =	sld [smem:$0x3FA6]  }
0x2c: {  	s7 =	sld [smem:$0x3FA7]  }
0x2d: {  	s3 =	simm.s32 $0x108;
	s8 =	sld [smem:$0x3FA8]  }
0x2e: {  	s3 =	simm.s32 @!p0 $0x1082;
	s9 =	sld [smem:$0x3FA9]  }
0x2f: {  	lr =	sadd.s32 s0, s3;
	s0 =	sld [smem:$0x3FA0]  }
0x30: {  	s3 =	sld [smem:$0x3FA3]  }
0x31: {  	[smem:$0x3FAC] =	sst s10  }
0x32: {  	s10 =	sld [smem:$0x3FAA];
	_ =	sdelay $0x3  }
0x33: {  	p0 =	seq.s32 s10, $0x1;
	s10 =	sld [smem:$0x3FAC];
	_ =	sdelay $0x3  }
0x34: {  	[smem:$0x3FAC] =	sst s10  }
0x35: {  	s10 =	sld [smem:$0x3FAB];
	_ =	sdelay $0x3  }
0x36: {  	p1 =	seq.s32 s10, $0x1;
	s10 =	sld [smem:$0x3FAC];
	_ =	sdelay $0x3  }
0x37: {  	[smem:$0x3FAC] =	sst s10  }
0x38: {  	s10 =	sld [smem:$0x3FAD]  }
0x39: {  	_ = 	snop;
	(pc) =	sbr.ind lr, $3  }
0x3a: {  	_ = 	snop  }
0x3b: {  	_ = 	snop  }
0x3c: {  	p2 =	seq.s32 s10, $0x1;
	s10 =	sld [smem:$0x3FAC]  }
0x3d: {  	_ =	shalt  }
0x3e: {  	_ =	shalt  }
0x3f: {  	_ =	shalt  }
0x40: {  	_ =	shalt  }
0x41: {  	_ =	shalt  }
0x42: {  	_ =	shalt  }
0x43: {  	_ =	shalt  }
0x44: {  	_ =	shalt  }
0x45: {  	_ =	shalt  }
0x46: {  	_ =	shalt  }
0x47: {  	_ =	shalt  }
0x48: {  	_ =	shalt  }
0x49: {  	_ =	shalt  }
0x4a: {  	_ =	shalt  }
0x4b: {  	_ =	shalt  }
0x4c: {  	_ =	shalt  }
0x4d: {  	_ =	shalt  }
0x4e: {  	_ =	shalt  }
0x4f: {  	_ =	shalt  }
0x50: {  	_ =	shalt  }
0x51: {  	_ =	shalt  }
0x52: {  	_ =	shalt  }
0x53: {  	_ =	shalt  }
0x54: {  	_ =	shalt  }
0x55: {  	_ =	shalt  }
0x56: {  	_ =	shalt  }
0x57: {  	_ =	shalt  }
0x58: {  	_ =	shalt  }
0x59: {  	_ =	shalt  }
0x5a: {  	_ =	shalt  }
0x5b: {  	_ =	shalt  }
0x5c: {  	_ =	shalt  }
0x5d: {  	_ =	shalt  }
0x5e: {  	_ =	shalt  }
0x5f: {  	_ =	shalt  }
0x60: {  	_ =	shalt  }
0x61: {  	_ =	shalt  }
0x62: {  	_ =	shalt  }
0x63: {  	_ =	shalt  }
0x64: {  	_ =	shalt  }
0x65: {  	_ =	shalt  }
0x66: {  	_ =	shalt  }
0x67: {  	_ =	shalt  }
0x68: {  	_ =	shalt  }
0x69: {  	_ =	shalt  }
0x6a: {  	_ =	shalt  }
0x6b: {  	_ =	shalt  }
0x6c: {  	_ =	shalt  }
0x6d: {  	_ =	shalt  }
0x6e: {  	_ =	shalt  }
0x6f: {  	_ =	shalt  }
0x70: {  	_ =	shalt  }
0x71: {  	_ =	shalt  }
0x72: {  	_ =	shalt  }
0x73: {  	_ =	shalt  }
0x74: {  	_ =	shalt  }
0x75: {  	_ =	shalt  }
0x76: {  	_ =	shalt  }
0x77: {  	_ =	shalt  }
0x78: {  	_ =	shalt  }
0x79: {  	_ =	shalt  }
0x7a: {  	_ =	shalt  }
0x7b: {  	_ =	shalt  }
0x7c: {  	_ =	shalt  }
0x7d: {  	_ =	shalt  }
0x7e: {  	_ =	shalt  }
0x7f: {  	_ =	shalt  }
0x80: {  	_ =	shalt  }
0x81: {  	_ =	shalt  }
0x82: {  	_ =	shalt  }
0x83: {  	_ =	shalt  }
0x84: {  	_ =	shalt  }
0x85: {  	_ =	shalt  }
0x86: {  	_ =	shalt  }
0x87: {  	_ =	shalt  }
.Lfunc_end0:
.L_simem_size_0:
called_computation_lowered:
.L_overlay_start_0:
0x88: {  	s2 =	sld [smem:$0x3FD9]  }
0x89: {  	s3 =	sld [smem:$0x3FFE];
	_ =	sdelay $0x1  }
0x8a: {  	s1 =	srdreg.scid  }
0x8b: {  	s0 =	sand.u32 $0x1, s1  }
0x8c: {  	s17 =	sshll.u32 s0, $0xA;
	s2 =	sadd.s32 s3, s2  }
0x8d: {  	s2 =	sadd.s32 s2, s17  }
0x8e: {  	[smem:$0x3FB8] =	sst s2  }
0x8f: {  	_ = 	snop  }
0x90: {  	s2 =	sld [smem:$0x3FC9];
	(tm) =	ssettm $0x1  }
0x91: {  	s18 =	sld [smem:$0x3FFB];
	_ =	sdelay $0x3  }
0x92: {  	_ =	strace s18  }
0x93: {  	s3 =	sld [smem:$0x3FFC];
	_ =	sdelay $0x3  }
0x94: {  	_ =	strace s3  }
0x95: {  	s3 =	sld [smem:$0x3FFD];
	_ =	sdelay $0x3  }
0x96: {  	_ =	strace s3  }
0x97: {  	_ =	strace $0x8FFFFFFF  }
0x98: {  	s19 =	sld [smem:$0x3FDB];
	_ =	sdelay $0x1  }
0x99: {  	s4 =	simm.s32 $_scs_section_size  }
0x9a: {  	s5 =	simm.s32 $_size__tile_overlayer_lowered;
	s6 =	simm.s32 $_tile_overlayer_lowered  }
0x9b: {  	s22 =	simm.s32 $0x1BFF;
	s21 =	sshll.u32 s6, $0x1;
	s3 =	sadd.s32 s4, s19  }
0x9c: {  	s7 =	simm.s32 $0x0;
	s20 =	sshll.u32 s5, $0x1;
	s5 =	sadd.s32 s21, s3  }
0x9d: {  	[timem:s7], [sflag:s22] =	dma.local [hbm:s5], s20  }
0x9e: {  	_ =	swait.ge [sflag:s22], s20  }
0x9f: {  	s4 =	ssub.s32 $0x0, s20;
	[sflag:s22] =	ssyncset.done $0x0  }
0xa0: {  	[sflag:s22] =	ssyncadd.s32 s4;
	_ =	sdelay $0x1  }
0xa1: {  	s23 =	simm.s32 $0x1B8B  }
0xa2: {  	_ =	swait.ge [sflag:s23], $0x1  }
0xa3: {  	[sflag:s23] =	ssyncset.done $0x0  }
0xa4: {  	s25 =	simm.s32 $0x1B8E;
	s24 =	sld [smem:$0x3FFE];
	[sflag:s23] =	ssyncadd.s32 $0xFFFFFFFF  }
0xa5: {  	s26 =	simm.s32 $execute0_lowered;
	[smem:$0x3FD2] =	sst s25  }
0xa6: {  	s5 =	sshll.u32 s26, $0x1;
	_ =	strace $0x80000046;
	[dreg:$0x1] =	wrdreg $0xFFFFFFFF  }
0xa7: {  	s28 =	simm.s32 $_size_execute0_lowered;
	s3 =	sadd.s32 s3, s5;
	[dreg:$0x0] =	wrdreg $0x0  }
0xa8: {  	s5 =	sshll.u32 s28, $0x1;
	[dreg:$0x2] =	wrdreg s3  }
0xa9: {  	[dreg:$0x3] =	wrdreg s5  }
0xaa: {  	[dreg:$0x4] =	wrdreg $0xC0  }
0xab: {  	_ =	task [dreg:s7], $0x5FFFF  }
0xac: {  	[dreg:$0x1] =	wrdreg $0xFFFFFFFF  }
0xad: {  	[dreg:$0x0] =	wrdreg $0x60  }
0xae: {  	[dreg:$0x2] =	wrdreg s2  }
0xaf: {  	[dreg:$0x3] =	wrdreg s24  }
0xb0: {  	[dreg:$0x4] =	wrdreg $0x9  }
0xb1: {  	_ =	task.clear_ibuf [dreg:s7], $0x5FFFF;
	_ =	strace $0x90000046  }
0xb2: {  	s29 =	simm.s32 $0x9;
	_ =	strace $0x80000048  }
0xb3: {  	_ =	swait.ge [sflag:s29], $0x1  }
0xb4: {  	[sflag:s29] =	ssyncadd.s32 $0xFFFFFFFF  }
0xb5: {  	_ =	strace $0x90000048  }
0xb6: {  	_ =	sfence  }
0xb7: {  	s30 =	sld [smem:$0x0];
	_ =	sdelay $0x2  }
0xb8: {  	s31 =	sshll.u32 s1, $0xD;
	s1 =	sshrl.u32 s1, $0x2  }
0xb9: {  	s3 =	sand.u32 $0x4000, s31;
	s1 =	sadd.s32 s1, s30  }
0xba: {  	s0 =	sor.u32 s3, s0;
	s1 =	sshll.u32 s1, $0x11  }
0xbb: {  	s0 =	sor.u32 s1, s0  }
0xbc: {  	s0 =	sadd.s32 $0x8F2B, s0  }
0xbd: {  	[sflag:s0] =	ssyncadd.remote.s32 $0x1  }
0xbe: {  	_ =	sfence.sel $0xFFFF  }
0xbf: {  	[dreg:$0x0] =	wrdreg $0xFFFFFFFF;
	(pc) =	sbr.abs _section_cstart, $3  }
0xc0: {  	[dreg:$0x1] =	wrdreg $0xFFFFFFFF  }
0xc1: {  	_ =	task.clear_ibuf [dreg:s7], $0x2FFFF;
	_ =	strace $0x9FFFFFFF  }
0xc2: {  	(tm) =	ssettm $0x7FFFFFFF  }
0xc3: {  	_ =	shalt  }
tec
execute0_lowered:
.L_overlay_start_1:
0x0: {  	(tag) =	ssettag $0x1  }
0x1: {  	s1 =	rddreg [dreg:$0x0]  }
0x2: {  	s4 =	rddreg [dreg:$0x1];
	s3 =	simm.s32 $0x0;
	s5 =	srdreg.scid  }
0x3: {  	s0 =	stileid.u32;
	s12 =	simm.s32 $0x6800;
	s15 =	simm.s32 $0xE800  }
0x4: {  	s16 =	simm.s32 $0x1;
	s17 =	simm.s32 $0x2;
	s18 =	simm.s32 $0x4  }
0x5: {  	s19 =	simm.s32 $0x5;
	s20 =	simm.s32 $0x6;
	s21 =	simm.s32 $0x7  }
0x6: {  	s22 =	simm.s32 $0x8;
	s23 =	simm.s32 $0x0;
	s6 =	smul.u32 $0x500, s0  }
0x7: {  	[smem:$0x7FF] =	sst s3;
	s5 =	sand.u32 $0x1, s5;
	s9 =	smul.u32 $0x50, s0  }
0x8: {  	s7 =	sadd.s32 $0xA600, s4;
	s10 =	sadd.s32 $0x14600, s4;
	s11 =	smul.u32 $0x28000, s0  }
0x9: {  	_ =	strace $0x80000047;
	s8 =	ssub.s32 $0x2, s5;
	p0 =	seq.s32 s5, $0x1  }
0xa: {  	s26 =	sshrl.u32 s8, $0x1;
	s9 =	sadd.s32 $0x500, s9;
	s28 =	sadd.s32 s7, s6  }
0xb: {  	s5 =	sadd.s32 s11, s10;
	s8 =	ssub.s32 s8, s26;
	[dreg:$0x5] =	wrdreg s28  }
.Ltmp0:
0xc: {  	s29 =	sshll.u32 s9, $0xB;
	s9 =	sshll.u32 s9, $0x4;
	(pc) =	sbr.rel .LBB2_1-.Ltmp0, $4  }
0xd: {  	s11 =	sadd.s32 $0x27000, s5;
	s10 =	sadd.s32 s10, s29;
	s30 =	sadd.s32 s7, s9  }
0xe: {  	[dreg:$0x3] =	wrdreg s11;
	s7 =	smax.u32 s8, $0x1;
	s8 =	sadd.s32 $0x280000, s5  }
0xf: {  	s9 =	simm.s32 $0x9;
	[dreg:$0x6] =	wrdreg s30;
	s31 =	sadd.s32 $0x27000, s10  }
0x10: {  	s11 =	simm.s32 $0x2800;
	s10 =	simm.s32 $0x80;
	[dreg:$0x4] =	wrdreg s31  }
.LBB2_7:
0x11: {  	[sflag:s18] =	ssyncset.done $0x0  }
0x12: {  	s0 =	simm.s32 @!p2 $0x8;
	[sflag:s18] =	ssyncadd.s32 $0xFFFFC000  }
0x13: {  	[hbm4b:s28+s3] =	stream.linear.scatter [tilespmem:s15], [sflag:$0x8], $0x4000, $0x38;
	[tilespmem:$0x12800] =	vst v63  }
0x14: {  	_ =	swait.ge @!p2 [sflag:s0], $0x4000  }
0x15: {  	s2 =	sshra.s32 s26, $0x2;
	[sflag:s0] =	ssyncset.done @!p2 $0x0  }
0x16: {  	s2 =	sadd.s32 $0x180, s2;
	[sflag:s0] =	ssyncadd.s32 @!p2 $0xFFFFC000  }
0x17: {  	[tilespmem:s15], [sflag:$0x4] =	stream.indirect.gather [hbm4b:s1+s10], $0x80, s2, s10, $0xb8;
	[tilespmem:$0x12800] =	vst v63  }
0x18: {  	_ =	swait.ge [sflag:s16], $0x4000  }
0x19: {  	p1 =	seq.s32 s26, $0x9800;
	[sflag:s16] =	ssyncset.done $0x0  }
0x1a: {  	s0 =	simm.s32 @!p1 $0x5;
	[sflag:s16] =	ssyncadd.s32 $0xFFFFC000  }
0x1b: {  	[hbm4b:s25+s3] =	stream.linear.scatter [tilespmem:s11], [sflag:$0x5], $0x4000, $0x38;
	[tilespmem:$0x12800] =	vst v63  }
0x1c: {  	_ =	swait.ge @!p1 [sflag:s0], $0x4000  }
0x1d: {  	s6 =	simm.s32 @!p1 $0x80;
	s2 =	sshra.s32 @!p1 s26, $0x2;
	[sflag:s0] =	ssyncset.done @!p1 $0x0  }
0x1e: {  	s13 =	simm.s32 @!p1 $0x2800;
	s4 =	sadd.s32 @!p1 $0x200, s2;
	[sflag:s0] =	ssyncadd.s32 @!p1 $0xFFFFC000  }
0x1f: {  	[tilespmem:s13], [sflag:$0x1] =	stream.indirect.gather @!p1 [hbm4b:s1+s6], $0x80, s4, s6, $0xb8;
	[tilespmem:$0x12800] =	vst v63  }
0x20: {  	_ =	swait.ge [sflag:s17], $0x4000  }
0x21: {  	[sflag:s17] =	ssyncset.done $0x0  }
0x22: {  	s31 =	sadd.s32 $0x800, s25;
	s4 =	simm.s32 @p1 $0x3;
	[sflag:s17] =	ssyncadd.s32 $0xFFFFC000  }
0x23: {  	[hbm4b:s31+s3] =	stream.linear.scatter [tilespmem:s12], [sflag:$0x6], $0x4000, $0x38;
	[tilespmem:$0x12800] =	vst v63  }
0x24: {  	_ =	swait.ge @p1 [sflag:s4], $0x4000  }
0x25: {  	s14 =	simm.s32 @!p1 $0x6;
	s13 =	simm.s32 @p1 $0xA800;
	[sflag:s4] =	ssyncset.done @p1 $0x0  }
0x26: {  	s0 =	rddreg [dreg:$0x4];
	[sflag:s4] =	ssyncadd.s32 @p1 $0xFFFFC000;
	s4 =	simm.s32 @p1 $0x0  }
0x27: {  	[hbm4b:s0+s4] =	stream.linear.scatter @p1 [tilespmem:s13], [sflag:$0x7], $0x4000, $0x38;
	[tilespmem:$0x12800] =	vst v63  }
0x28: {  	_ =	swait.ge @!p1 [sflag:s14], $0x4000  }
0x29: {  	s0 =	sadd.s32 @!p1 $0x280, s2;
	[sflag:s14] =	ssyncset.done @!p1 $0x0  }
0x2a: {  	s4 =	simm.s32 @!p1 $0x6800;
	s13 =	simm.s32 @!p1 $0x3;
	[sflag:s14] =	ssyncadd.s32 @!p1 $0xFFFFC000  }
0x2b: {  	[tilespmem:s4], [sflag:$0x2] =	stream.indirect.gather @!p1 [hbm4b:s1+s6], $0x80, s0, s6, $0xb8;
	[tilespmem:$0x12800] =	vst v63  }
0x2c: {  	_ =	swait.ge @!p1 [sflag:s13], $0x4000  }
0x2d: {  	s14 =	simm.s32 @!p1 $0x0;
	s0 =	simm.s32 @!p1 $0xA800;
	[sflag:s13] =	ssyncset.done @!p1 $0x0  }
0x2e: {  	s4 =	sadd.s32 @!p1 $0x1000, s25;
	[sflag:s13] =	ssyncadd.s32 @!p1 $0xFFFFC000;
	s13 =	simm.s32 @!p1 $0x7  }
0x2f: {  	[hbm4b:s4+s14] =	stream.linear.scatter @!p1 [tilespmem:s0], [sflag:$0x7], $0x4000, $0x38;
	[tilespmem:$0x12800] =	vst v63  }
0x30: {  	_ =	swait.ge @!p1 [sflag:s13], $0x4000  }
0x31: {  	[sflag:s13] =	ssyncset.done @!p1 $0x0  }
0x32: {  	s2 =	sadd.s32 @!p1 $0x300, s2;
	[sflag:s13] =	ssyncadd.s32 @!p1 $0xFFFFC000  }
0x33: {  	[tilespmem:s0], [sflag:$0x3] =	stream.indirect.gather @!p1 [hbm4b:s1+s6], $0x80, s2, s6, $0xb8;
	[tilespmem:$0x12800] =	vst v63  }
0x34: {  	_ =	swait.ge [sflag:s18], $0x4000  }
0x35: {  	[sflag:s18] =	ssyncset.done $0x0  }
0x36: {  	[sflag:s18] =	ssyncadd.s32 $0xFFFFC000  }
0x37: {  	[hbm4b:s24+s3] =	stream.linear.scatter [tilespmem:s15], [sflag:$0x8], $0x4000, $0x38;
	[tilespmem:$0x12800] =	vst v63  }
.LBB2_8:
0x38: {  	_ =	swait.ge [sflag:s19], $0x4000  }
0x39: {  	[sflag:s19] =	ssyncset.done $0x0  }
0x3a: {  	[sflag:s19] =	ssyncadd.s32 $0xFFFFC000  }
0x3b: {  	_ =	swait.ge [sflag:s20], $0x4000  }
0x3c: {  	[sflag:s20] =	ssyncset.done $0x0  }
0x3d: {  	s23 =	sadd.s32 $0x1, s23;
	[sflag:s20] =	ssyncadd.s32 $0xFFFFC000  }
0x3e: {  	p1 =	sne.s32 s23, s7;
	_ =	swait.ge [sflag:s21], $0x4000  }
.Ltmp1:
0x3f: {  	[sflag:s21] =	ssyncset.done $0x0;
	(pc) =	sbr.rel @!p1 .LBB2_9-.Ltmp1, $4  }
0x40: {  	[sflag:s21] =	ssyncadd.s32 $0xFFFFC000  }
0x41: {  	_ =	swait.ge [sflag:s22], $0x4000  }
0x42: {  	[sflag:s22] =	ssyncset.done $0x0  }
0x43: {  	[sflag:s22] =	ssyncadd.s32 $0xFFFFC000  }
.LBB2_1:
.Ltmp2:
0x44: {  	(pc) =	sbr.rel @!p0 .LBB2_2-.Ltmp2, $1  }
0x45: {  	_ =	sdelay $0x3  }
0x46: {  	s0 =	simm.s32 $0x0;
	s2 =	rddreg [dreg:$0x6]  }
0x47: {  	[tilespmem:s0], [sflag:$0x9] =	stream.linear.gather [hbm4b:s2+s0], $0x2800, $0x38;
	[tilespmem:$0x12800] =	vst v63  }
0x48: {  	_ =	swait.ge [sflag:s9], $0x2800  }
0x49: {  	[sflag:s9] =	ssyncset.done $0x0  }
0x4a: {  	[sflag:s9] =	ssyncadd.s32 $0xFFFFD800  }
0x4b: {  	[tilespmem:s11], [sflag:$0x1] =	stream.indirect.gather [hbm4b:s1+s10], $0x80, s0, s10, $0xb8;
	[tilespmem:$0x12800] =	vst v63  }
0x4c: {  	p1 =	por $0x1, $0x1  }
0x4d: {  	[tilespmem:s12], [sflag:$0x2] =	stream.indirect.gather [hbm4b:s1+s10], $0x80, s10, s10, $0xb8;
	[tilespmem:$0x12800] =	vst v63  }
0x4e: {  	s24 =	simm.s32 $0x100;
	s25 =	simm.s32 $0xA800;
	s0 =	simm.s32 @!p1 $0x8  }
0x4f: {  	[tilespmem:s25], [sflag:$0x3] =	stream.indirect.gather [hbm4b:s1+s10], $0x80, s24, s10, $0xb8;
	[tilespmem:$0x12800] =	vst v63  }
0x50: {  	_ =	swait.ge @!p1 [sflag:s0], $0x4000  }
0x51: {  	[sflag:s0] =	ssyncset.done @!p1 $0x0  }
0x52: {  	s26 =	simm.s32 $0x180;
	[sflag:s0] =	ssyncadd.s32 @!p1 $0xFFFFC000  }
0x53: {  	[tilespmem:s15], [sflag:$0x4] =	stream.indirect.gather [hbm4b:s1+s10], $0x80, s26, s10, $0xb8;
	[tilespmem:$0x12800] =	vst v63  }
0x54: {  	_ =	swait.ge [sflag:s16], $0x4000  }
0x55: {  	p1 =	por $0x0, $0x0;
	[sflag:s16] =	ssyncset.done $0x0  }
0x56: {  	s0 =	simm.s32 @!p1 $0x5;
	[sflag:s16] =	ssyncadd.s32 $0xFFFFC000  }
0x57: {  	[hbm4b:s8+s3] =	stream.linear.scatter [tilespmem:s11], [sflag:$0x5], $0x4000, $0x38;
	[tilespmem:$0x12800] =	vst v63  }
0x58: {  	_ =	swait.ge @!p1 [sflag:s0], $0x4000  }
0x59: {  	s2 =	simm.s32 @!p1 $0x200;
	[sflag:s0] =	ssyncset.done @!p1 $0x0  }
0x5a: {  	s4 =	simm.s32 @!p1 $0x80;
	s6 =	simm.s32 @!p1 $0x2800;
	[sflag:s0] =	ssyncadd.s32 @!p1 $0xFFFFC000  }
0x5b: {  	[tilespmem:s6], [sflag:$0x1] =	stream.indirect.gather @!p1 [hbm4b:s1+s4], $0x80, s2, s4, $0xb8;
	[tilespmem:$0x12800] =	vst v63  }
0x5c: {  	_ =	swait.ge [sflag:s17], $0x4000  }
0x5d: {  	[sflag:s17] =	ssyncset.done $0x0  }
0x5e: {  	s31 =	sadd.s32 $0x800, s8;
	s2 =	simm.s32 @p1 $0x3;
	[sflag:s17] =	ssyncadd.s32 $0xFFFFC000  }
0x5f: {  	[hbm4b:s31+s3] =	stream.linear.scatter [tilespmem:s12], [sflag:$0x6], $0x4000, $0x38;
	[tilespmem:$0x12800] =	vst v63  }
0x60: {  	_ =	swait.ge @p1 [sflag:s2], $0x4000  }
0x61: {  	s13 =	simm.s32 @!p1 $0x6;
	s6 =	simm.s32 @p1 $0xA800;
	[sflag:s2] =	ssyncset.done @p1 $0x0  }
0x62: {  	s0 =	rddreg [dreg:$0x4];
	[sflag:s2] =	ssyncadd.s32 @p1 $0xFFFFC000;
	s2 =	simm.s32 @p1 $0x0  }
0x63: {  	[hbm4b:s0+s2] =	stream.linear.scatter @p1 [tilespmem:s6], [sflag:$0x7], $0x4000, $0x38;
	[tilespmem:$0x12800] =	vst v63  }
0x64: {  	_ =	swait.ge @!p1 [sflag:s13], $0x4000  }
0x65: {  	s0 =	simm.s32 @!p1 $0x280;
	[sflag:s13] =	ssyncset.done @!p1 $0x0  }
0x66: {  	s2 =	simm.s32 @!p1 $0x6800;
	s6 =	simm.s32 @!p1 $0x3;
	[sflag:s13] =	ssyncadd.s32 @!p1 $0xFFFFC000  }
0x67: {  	[tilespmem:s2], [sflag:$0x2] =	stream.indirect.gather @!p1 [hbm4b:s1+s4], $0x80, s0, s4, $0xb8;
	[tilespmem:$0x12800] =	vst v63  }
0x68: {  	_ =	swait.ge @!p1 [sflag:s6], $0x4000  }
0x69: {  	s13 =	simm.s32 @!p1 $0x0;
	s0 =	simm.s32 @!p1 $0xA800;
	[sflag:s6] =	ssyncset.done @!p1 $0x0  }
0x6a: {  	s2 =	sadd.s32 @!p1 $0x1000, s8;
	[sflag:s6] =	ssyncadd.s32 @!p1 $0xFFFFC000;
	s6 =	simm.s32 @!p1 $0x7  }
0x6b: {  	[hbm4b:s2+s13] =	stream.linear.scatter @!p1 [tilespmem:s0], [sflag:$0x7], $0x4000, $0x38;
	[tilespmem:$0x12800] =	vst v63  }
0x6c: {  	s28 =	sadd.s32 $0x1800, s8;
	s29 =	simm.s32 $0x1000;
	_ =	swait.ge @!p1 [sflag:s6], $0x4000  }
0x6d: {  	p2 =	por $0x0, $0x0;
	s25 =	sadd.s32 $0x2000, s8;
	[sflag:s6] =	ssyncset.done @!p1 $0x0  }
0x6e: {  	s24 =	sadd.s32 $0x1800, s25;
	s2 =	simm.s32 @!p1 $0x300;
	[sflag:s6] =	ssyncadd.s32 @!p1 $0xFFFFC000  }
0x6f: {  	[tilespmem:s0], [sflag:$0x3] =	stream.indirect.gather @!p1 [hbm4b:s1+s4], $0x80, s2, s4, $0xb8;
	[tilespmem:$0x12800] =	vst v63  }
0x70: {  	s30 =	sadd.s32 $0x2000, s25;
	s26 =	simm.s32 $0x800;
	_ =	swait.ge [sflag:s18], $0x4000  }
.LBB2_6:
0x71: {  	[sflag:s18] =	ssyncset.done $0x0  }
0x72: {  	s0 =	simm.s32 @!p2 $0x8;
	[sflag:s18] =	ssyncadd.s32 $0xFFFFC000  }
0x73: {  	[hbm4b:s28+s3] =	stream.linear.scatter [tilespmem:s15], [sflag:$0x8], $0x4000, $0x38;
	[tilespmem:$0x12800] =	vst v63  }
0x74: {  	_ =	swait.ge @!p2 [sflag:s0], $0x4000  }
0x75: {  	s6 =	sshra.s32 s26, $0x2;
	[sflag:s0] =	ssyncset.done @!p2 $0x0  }
0x76: {  	s6 =	sadd.s32 $0x180, s6;
	[sflag:s0] =	ssyncadd.s32 @!p2 $0xFFFFC000  }
0x77: {  	[tilespmem:s15], [sflag:$0x4] =	stream.indirect.gather [hbm4b:s1+s10], $0x80, s6, s10, $0xb8;
	[tilespmem:$0x12800] =	vst v63  }
0x78: {  	_ =	swait.ge [sflag:s16], $0x4000  }
0x79: {  	p2 =	seq.s32 s26, $0x9800;
	[sflag:s16] =	ssyncset.done $0x0  }
0x7a: {  	s4 =	sadd.s32 $0x1800, s30;
	s0 =	simm.s32 @!p2 $0x5;
	[sflag:s16] =	ssyncadd.s32 $0xFFFFC000  }
0x7b: {  	[hbm4b:s25+s3] =	stream.linear.scatter [tilespmem:s11], [sflag:$0x5], $0x4000, $0x38;
	[tilespmem:$0x12800] =	vst v63  }
0x7c: {  	s28 =	smov.u32 s24;
	s24 =	smov.u32 s4;
	_ =	swait.ge @!p2 [sflag:s0], $0x4000  }
0x7d: {  	s4 =	sshra.s32 @!p2 s26, $0x2;
	s14 =	simm.s32 @!p2 $0x80;
	[sflag:s0] =	ssyncset.done @!p2 $0x0  }
0x7e: {  	s31 =	simm.s32 @!p2 $0x2800;
	s6 =	sadd.s32 @!p2 $0x200, s4;
	[sflag:s0] =	ssyncadd.s32 @!p2 $0xFFFFC000  }
0x7f: {  	[tilespmem:s31], [sflag:$0x1] =	stream.indirect.gather @!p2 [hbm4b:s1+s14], $0x80, s6, s14, $0xb8;
	[tilespmem:$0x12800] =	vst v63  }
0x80: {  	s2 =	smov.u32 s29;
	_ =	swait.ge [sflag:s17], $0x4000  }
0x81: {  	s13 =	sadd.s32 @!p2 $0x280, s4;
	s0 =	sadd.s32 @!p2 $0x300, s4;
	[sflag:s17] =	ssyncset.done $0x0  }
0x82: {  	s4 =	simm.s32 @p2 $0x3;
	s31 =	sadd.s32 $0x800, s25;
	[sflag:s17] =	ssyncadd.s32 $0xFFFFC000  }
0x83: {  	[hbm4b:s31+s3] =	stream.linear.scatter [tilespmem:s12], [sflag:$0x6], $0x4000, $0x38;
	[tilespmem:$0x12800] =	vst v63  }
0x84: {  	s26 =	smov.u32 s2;
	_ =	swait.ge @p2 [sflag:s4], $0x4000  }
0x85: {  	s6 =	simm.s32 @p2 $0xA800;
	s31 =	simm.s32 @!p2 $0x6;
	[sflag:s4] =	ssyncset.done @p2 $0x0  }
0x86: {  	s2 =	rddreg [dreg:$0x4];
	[sflag:s4] =	ssyncadd.s32 @p2 $0xFFFFC000;
	s4 =	simm.s32 @p2 $0x0  }
0x87: {  	[hbm4b:s2+s4] =	stream.linear.scatter @p2 [tilespmem:s6], [sflag:$0x7], $0x4000, $0x38;
	[tilespmem:$0x12800] =	vst v63  }
0x88: {  	_ =	swait.ge @!p2 [sflag:s31], $0x4000  }
0x89: {  	s29 =	sadd.s32 $0x800, s29;
	[sflag:s31] =	ssyncset.done @!p2 $0x0  }
0x8a: {  	s2 =	simm.s32 @!p2 $0x6800;
	s4 =	simm.s32 @!p2 $0x3;
	[sflag:s31] =	ssyncadd.s32 @!p2 $0xFFFFC000  }
0x8b: {  	[tilespmem:s2], [sflag:$0x2] =	stream.indirect.gather @!p2 [hbm4b:s1+s14], $0x80, s13, s14, $0xb8;
	[tilespmem:$0x12800] =	vst v63  }
0x8c: {  	p1 =	sne.s32 s29, $0xA000;
	_ =	swait.ge @!p2 [sflag:s4], $0x4000  }
0x8d: {  	s6 =	sadd.s32 @!p2 $0x1000, s25;
	s2 =	simm.s32 @!p2 $0xA800;
	[sflag:s4] =	ssyncset.done @!p2 $0x0  }
0x8e: {  	s13 =	simm.s32 @!p2 $0x0;
	[sflag:s4] =	ssyncadd.s32 @!p2 $0xFFFFC000;
	s4 =	simm.s32 @!p2 $0x7  }
0x8f: {  	[hbm4b:s6+s13] =	stream.linear.scatter @!p2 [tilespmem:s2], [sflag:$0x7], $0x4000, $0x38;
	[tilespmem:$0x12800] =	vst v63  }
.Ltmp3:
0x90: {  	_ =	swait.ge @!p2 [sflag:s4], $0x4000;
	(pc) =	sbr.rel @p1 .LBB2_6-.Ltmp3, $4  }
0x91: {  	[sflag:s4] =	ssyncset.done @!p2 $0x0  }
0x92: {  	s25 =	smov.u32 s30;
	[sflag:s4] =	ssyncadd.s32 @!p2 $0xFFFFC000  }
0x93: {  	[tilespmem:s2], [sflag:$0x3] =	stream.indirect.gather @!p2 [hbm4b:s1+s14], $0x80, s0, s14, $0xb8;
	[tilespmem:$0x12800] =	vst v63  }
0x94: {  	s30 =	sadd.s32 $0x2000, s30;
	p2 =	seq.s32 s26, $0x0;
	_ =	swait.ge [sflag:s18], $0x4000  }
.Ltmp4:
0x95: {  	_ = 	snop;
	(pc) =	sbr.rel .LBB2_7-.Ltmp4, $1  }
0x96: {  	_ =	sdelay $0x3  }
.LBB2_2:
0x97: {  	s24 =	simm.s32 $0x0;
	s0 =	rddreg [dreg:$0x5]  }
0x98: {  	[tilespmem:s24], [sflag:$0x9] =	stream.linear.gather [hbm4b:s0+s24], $0x2800, $0x38;
	[tilespmem:$0x12800] =	vst v63  }
0x99: {  	_ =	swait.ge [sflag:s9], $0x2800  }
0x9a: {  	[sflag:s9] =	ssyncset.done $0x0  }
0x9b: {  	[sflag:s9] =	ssyncadd.s32 $0xFFFFD800  }
0x9c: {  	[tilespmem:s11], [sflag:$0x1] =	stream.indirect.gather [hbm4b:s1+s10], $0x80, s24, s10, $0xb8;
	[tilespmem:$0x12800] =	vst v63  }
0x9d: {  	p1 =	por $0x1, $0x1  }
0x9e: {  	[tilespmem:s12], [sflag:$0x2] =	stream.indirect.gather [hbm4b:s1+s10], $0x80, s10, s10, $0xb8;
	[tilespmem:$0x12800] =	vst v63  }
0x9f: {  	s26 =	simm.s32 $0x100;
	s2 =	simm.s32 $0xA800;
	s24 =	simm.s32 @!p1 $0x8  }
0xa0: {  	[tilespmem:s2], [sflag:$0x3] =	stream.indirect.gather [hbm4b:s1+s10], $0x80, s26, s10, $0xb8;
	[tilespmem:$0x12800] =	vst v63  }
0xa1: {  	_ =	swait.ge @!p1 [sflag:s24], $0x4000  }
0xa2: {  	[sflag:s24] =	ssyncset.done @!p1 $0x0  }
0xa3: {  	s25 =	simm.s32 $0x180;
	[sflag:s24] =	ssyncadd.s32 @!p1 $0xFFFFC000  }
0xa4: {  	[tilespmem:s15], [sflag:$0x4] =	stream.indirect.gather [hbm4b:s1+s10], $0x80, s25, s10, $0xb8;
	[tilespmem:$0x12800] =	vst v63  }
0xa5: {  	_ =	swait.ge [sflag:s16], $0x4000  }
0xa6: {  	p1 =	por $0x0, $0x0;
	[sflag:s16] =	ssyncset.done $0x0  }
0xa7: {  	s24 =	simm.s32 @!p1 $0x5;
	[sflag:s16] =	ssyncadd.s32 $0xFFFFC000  }
0xa8: {  	[hbm4b:s5+s3] =	stream.linear.scatter [tilespmem:s11], [sflag:$0x5], $0x4000, $0x38;
	[tilespmem:$0x12800] =	vst v63  }
0xa9: {  	_ =	swait.ge @!p1 [sflag:s24], $0x4000  }
0xaa: {  	s25 =	simm.s32 @!p1 $0x200;
	[sflag:s24] =	ssyncset.done @!p1 $0x0  }
0xab: {  	s28 =	simm.s32 @!p1 $0x80;
	s26 =	simm.s32 @!p1 $0x2800;
	[sflag:s24] =	ssyncadd.s32 @!p1 $0xFFFFC000  }
0xac: {  	[tilespmem:s26], [sflag:$0x1] =	stream.indirect.gather @!p1 [hbm4b:s1+s28], $0x80, s25, s28, $0xb8;
	[tilespmem:$0x12800] =	vst v63  }
0xad: {  	_ =	swait.ge [sflag:s17], $0x4000  }
0xae: {  	[sflag:s17] =	ssyncset.done $0x0  }
0xaf: {  	s31 =	sadd.s32 $0x800, s5;
	s25 =	simm.s32 @p1 $0x3;
	[sflag:s17] =	ssyncadd.s32 $0xFFFFC000  }
0xb0: {  	[hbm4b:s31+s3] =	stream.linear.scatter [tilespmem:s12], [sflag:$0x6], $0x4000, $0x38;
	[tilespmem:$0x12800] =	vst v63  }
0xb1: {  	_ =	swait.ge @p1 [sflag:s25], $0x4000  }
0xb2: {  	s29 =	simm.s32 @!p1 $0x6;
	s26 =	simm.s32 @p1 $0xA800;
	[sflag:s25] =	ssyncset.done @p1 $0x0  }
0xb3: {  	s24 =	rddreg [dreg:$0x3];
	[sflag:s25] =	ssyncadd.s32 @p1 $0xFFFFC000;
	s25 =	simm.s32 @p1 $0x0  }
0xb4: {  	[hbm4b:s24+s25] =	stream.linear.scatter @p1 [tilespmem:s26], [sflag:$0x7], $0x4000, $0x38;
	[tilespmem:$0x12800] =	vst v63  }
0xb5: {  	_ =	swait.ge @!p1 [sflag:s29], $0x4000  }
0xb6: {  	s24 =	simm.s32 @!p1 $0x280;
	[sflag:s29] =	ssyncset.done @!p1 $0x0  }
0xb7: {  	s25 =	simm.s32 @!p1 $0x6800;
	s26 =	simm.s32 @!p1 $0x3;
	[sflag:s29] =	ssyncadd.s32 @!p1 $0xFFFFC000  }
0xb8: {  	[tilespmem:s25], [sflag:$0x2] =	stream.indirect.gather @!p1 [hbm4b:s1+s28], $0x80, s24, s28, $0xb8;
	[tilespmem:$0x12800] =	vst v63  }
0xb9: {  	_ =	swait.ge @!p1 [sflag:s26], $0x4000  }
0xba: {  	s30 =	simm.s32 @!p1 $0x7;
	s29 =	simm.s32 @!p1 $0x0;
	[sflag:s26] =	ssyncset.done @!p1 $0x0  }
0xbb: {  	s24 =	simm.s32 @!p1 $0xA800;
	s25 =	sadd.s32 @!p1 $0x1000, s5;
	[sflag:s26] =	ssyncadd.s32 @!p1 $0xFFFFC000  }
0xbc: {  	[hbm4b:s25+s29] =	stream.linear.scatter @!p1 [tilespmem:s24], [sflag:$0x7], $0x4000, $0x38;
	[tilespmem:$0x12800] =	vst v63  }
0xbd: {  	_ =	swait.ge @!p1 [sflag:s30], $0x4000  }
0xbe: {  	p2 =	por $0x0, $0x0;
	[sflag:s30] =	ssyncset.done @!p1 $0x0  }
0xbf: {  	s25 =	sadd.s32 $0x2000, s5;
	s29 =	simm.s32 @!p1 $0x300;
	[sflag:s30] =	ssyncadd.s32 @!p1 $0xFFFFC000  }
0xc0: {  	[tilespmem:s24], [sflag:$0x3] =	stream.indirect.gather @!p1 [hbm4b:s1+s28], $0x80, s29, s28, $0xb8;
	[tilespmem:$0x12800] =	vst v63  }
0xc1: {  	s26 =	simm.s32 $0x800;
	s30 =	sadd.s32 $0x2000, s25;
	s28 =	sadd.s32 $0x1800, s5  }
0xc2: {  	s29 =	simm.s32 $0x1000;
	s24 =	sadd.s32 $0x1800, s25;
	_ =	swait.ge [sflag:s18], $0x4000  }
.LBB2_3:
0xc3: {  	[sflag:s18] =	ssyncset.done $0x0  }
0xc4: {  	s31 =	simm.s32 @!p2 $0x8;
	[sflag:s18] =	ssyncadd.s32 $0xFFFFC000  }
0xc5: {  	[hbm4b:s28+s3] =	stream.linear.scatter [tilespmem:s15], [sflag:$0x8], $0x4000, $0x38;
	[tilespmem:$0x12800] =	vst v63  }
0xc6: {  	_ =	swait.ge @!p2 [sflag:s31], $0x4000  }
0xc7: {  	s13 =	sshra.s32 s26, $0x2;
	[sflag:s31] =	ssyncset.done @!p2 $0x0  }
0xc8: {  	s13 =	sadd.s32 $0x180, s13;
	[sflag:s31] =	ssyncadd.s32 @!p2 $0xFFFFC000  }
0xc9: {  	[tilespmem:s15], [sflag:$0x4] =	stream.indirect.gather [hbm4b:s1+s10], $0x80, s13, s10, $0xb8;
	[tilespmem:$0x12800] =	vst v63  }
0xca: {  	s2 =	sadd.s32 $0x1800, s30;
	_ =	swait.ge [sflag:s16], $0x4000  }
0xcb: {  	s28 =	smov.u32 s24;
	p2 =	seq.s32 s26, $0x9800;
	[sflag:s16] =	ssyncset.done $0x0  }
0xcc: {  	s24 =	smov.u32 s2;
	s2 =	simm.s32 @!p2 $0x5;
	[sflag:s16] =	ssyncadd.s32 $0xFFFFC000  }
0xcd: {  	[hbm4b:s25+s3] =	stream.linear.scatter [tilespmem:s11], [sflag:$0x5], $0x4000, $0x38;
	[tilespmem:$0x12800] =	vst v63  }
0xce: {  	_ =	swait.ge @!p2 [sflag:s2], $0x4000  }
0xcf: {  	s13 =	sshra.s32 @!p2 s26, $0x2;
	s14 =	simm.s32 @!p2 $0x80;
	[sflag:s2] =	ssyncset.done @!p2 $0x0  }
0xd0: {  	s6 =	simm.s32 @!p2 $0x2800;
	s31 =	sadd.s32 @!p2 $0x200, s13;
	[sflag:s2] =	ssyncadd.s32 @!p2 $0xFFFFC000  }
0xd1: {  	[tilespmem:s6], [sflag:$0x1] =	stream.indirect.gather @!p2 [hbm4b:s1+s14], $0x80, s31, s14, $0xb8;
	[tilespmem:$0x12800] =	vst v63  }
0xd2: {  	s0 =	smov.u32 s29;
	_ =	swait.ge [sflag:s17], $0x4000  }
0xd3: {  	s26 =	smov.u32 s0;
	[sflag:s17] =	ssyncset.done $0x0  }
0xd4: {  	s31 =	sadd.s32 $0x800, s25;
	s6 =	simm.s32 @p2 $0x3;
	[sflag:s17] =	ssyncadd.s32 $0xFFFFC000  }
0xd5: {  	[hbm4b:s31+s3] =	stream.linear.scatter [tilespmem:s12], [sflag:$0x6], $0x4000, $0x38;
	[tilespmem:$0x12800] =	vst v63  }
0xd6: {  	s4 =	sadd.s32 @!p2 $0x280, s13;
	s2 =	sadd.s32 @!p2 $0x300, s13;
	_ =	swait.ge @p2 [sflag:s6], $0x4000  }
0xd7: {  	s13 =	simm.s32 @p2 $0xA800;
	s31 =	simm.s32 @!p2 $0x6;
	[sflag:s6] =	ssyncset.done @p2 $0x0  }
0xd8: {  	s0 =	rddreg [dreg:$0x3];
	[sflag:s6] =	ssyncadd.s32 @p2 $0xFFFFC000;
	s6 =	simm.s32 @p2 $0x0  }
0xd9: {  	[hbm4b:s0+s6] =	stream.linear.scatter @p2 [tilespmem:s13], [sflag:$0x7], $0x4000, $0x38;
	[tilespmem:$0x12800] =	vst v63  }
0xda: {  	_ =	swait.ge @!p2 [sflag:s31], $0x4000  }
0xdb: {  	s29 =	sadd.s32 $0x800, s29;
	[sflag:s31] =	ssyncset.done @!p2 $0x0  }
0xdc: {  	s0 =	simm.s32 @!p2 $0x6800;
	s6 =	simm.s32 @!p2 $0x3;
	[sflag:s31] =	ssyncadd.s32 @!p2 $0xFFFFC000  }
0xdd: {  	[tilespmem:s0], [sflag:$0x2] =	stream.indirect.gather @!p2 [hbm4b:s1+s14], $0x80, s4, s14, $0xb8;
	[tilespmem:$0x12800] =	vst v63  }
0xde: {  	p1 =	seq.s32 s29, $0xA000;
	_ =	swait.ge @!p2 [sflag:s6], $0x4000  }
0xdf: {  	s13 =	simm.s32 @!p2 $0x0;
	s0 =	simm.s32 @!p2 $0xA800;
	[sflag:s6] =	ssyncset.done @!p2 $0x0  }
0xe0: {  	s4 =	sadd.s32 @!p2 $0x1000, s25;
	[sflag:s6] =	ssyncadd.s32 @!p2 $0xFFFFC000;
	s6 =	simm.s32 @!p2 $0x7  }
0xe1: {  	[hbm4b:s4+s13] =	stream.linear.scatter @!p2 [tilespmem:s0], [sflag:$0x7], $0x4000, $0x38;
	[tilespmem:$0x12800] =	vst v63  }
.Ltmp5:
0xe2: {  	_ =	swait.ge @!p2 [sflag:s6], $0x4000;
	(pc) =	sbr.rel @!p1 .LBB2_3-.Ltmp5, $4  }
0xe3: {  	[sflag:s6] =	ssyncset.done @!p2 $0x0  }
0xe4: {  	s25 =	smov.u32 s30;
	[sflag:s6] =	ssyncadd.s32 @!p2 $0xFFFFC000  }
0xe5: {  	[tilespmem:s0], [sflag:$0x3] =	stream.indirect.gather @!p2 [hbm4b:s1+s14], $0x80, s2, s14, $0xb8;
	[tilespmem:$0x12800] =	vst v63  }
0xe6: {  	s30 =	sadd.s32 $0x2000, s30;
	p2 =	seq.s32 s26, $0x0;
	_ =	swait.ge [sflag:s18], $0x4000  }
0xe7: {  	[sflag:s18] =	ssyncset.done $0x0  }
0xe8: {  	s0 =	simm.s32 @!p2 $0x8;
	[sflag:s18] =	ssyncadd.s32 $0xFFFFC000  }
0xe9: {  	[hbm4b:s28+s3] =	stream.linear.scatter [tilespmem:s15], [sflag:$0x8], $0x4000, $0x38;
	[tilespmem:$0x12800] =	vst v63  }
0xea: {  	_ =	swait.ge @!p2 [sflag:s0], $0x4000  }
0xeb: {  	s2 =	sshra.s32 s26, $0x2;
	[sflag:s0] =	ssyncset.done @!p2 $0x0  }
0xec: {  	s2 =	sadd.s32 $0x180, s2;
	[sflag:s0] =	ssyncadd.s32 @!p2 $0xFFFFC000  }
0xed: {  	[tilespmem:s15], [sflag:$0x4] =	stream.indirect.gather [hbm4b:s1+s10], $0x80, s2, s10, $0xb8;
	[tilespmem:$0x12800] =	vst v63  }
0xee: {  	_ =	swait.ge [sflag:s16], $0x4000  }
0xef: {  	p1 =	seq.s32 s26, $0x9800;
	[sflag:s16] =	ssyncset.done $0x0  }
0xf0: {  	s0 =	simm.s32 @!p1 $0x5;
	[sflag:s16] =	ssyncadd.s32 $0xFFFFC000  }
0xf1: {  	[hbm4b:s25+s3] =	stream.linear.scatter [tilespmem:s11], [sflag:$0x5], $0x4000, $0x38;
	[tilespmem:$0x12800] =	vst v63  }
0xf2: {  	_ =	swait.ge @!p1 [sflag:s0], $0x4000  }
0xf3: {  	s6 =	simm.s32 @!p1 $0x80;
	s2 =	sshra.s32 @!p1 s26, $0x2;
	[sflag:s0] =	ssyncset.done @!p1 $0x0  }
0xf4: {  	s13 =	simm.s32 @!p1 $0x2800;
	s4 =	sadd.s32 @!p1 $0x200, s2;
	[sflag:s0] =	ssyncadd.s32 @!p1 $0xFFFFC000  }
0xf5: {  	[tilespmem:s13], [sflag:$0x1] =	stream.indirect.gather @!p1 [hbm4b:s1+s6], $0x80, s4, s6, $0xb8;
	[tilespmem:$0x12800] =	vst v63  }
0xf6: {  	_ =	swait.ge [sflag:s17], $0x4000  }
0xf7: {  	[sflag:s17] =	ssyncset.done $0x0  }
0xf8: {  	s31 =	sadd.s32 $0x800, s25;
	s4 =	simm.s32 @p1 $0x3;
	[sflag:s17] =	ssyncadd.s32 $0xFFFFC000  }
0xf9: {  	[hbm4b:s31+s3] =	stream.linear.scatter [tilespmem:s12], [sflag:$0x6], $0x4000, $0x38;
	[tilespmem:$0x12800] =	vst v63  }
0xfa: {  	_ =	swait.ge @p1 [sflag:s4], $0x4000  }
0xfb: {  	s14 =	simm.s32 @!p1 $0x6;
	s13 =	simm.s32 @p1 $0xA800;
	[sflag:s4] =	ssyncset.done @p1 $0x0  }
0xfc: {  	s0 =	rddreg [dreg:$0x3];
	[sflag:s4] =	ssyncadd.s32 @p1 $0xFFFFC000;
	s4 =	simm.s32 @p1 $0x0  }
0xfd: {  	[hbm4b:s0+s4] =	stream.linear.scatter @p1 [tilespmem:s13], [sflag:$0x7], $0x4000, $0x38;
	[tilespmem:$0x12800] =	vst v63  }
0xfe: {  	_ =	swait.ge @!p1 [sflag:s14], $0x4000  }
0xff: {  	s0 =	sadd.s32 @!p1 $0x280, s2;
	[sflag:s14] =	ssyncset.done @!p1 $0x0  }
0x100: {  	s4 =	simm.s32 @!p1 $0x6800;
	s13 =	simm.s32 @!p1 $0x3;
	[sflag:s14] =	ssyncadd.s32 @!p1 $0xFFFFC000  }
0x101: {  	[tilespmem:s4], [sflag:$0x2] =	stream.indirect.gather @!p1 [hbm4b:s1+s6], $0x80, s0, s6, $0xb8;
	[tilespmem:$0x12800] =	vst v63  }
0x102: {  	_ =	swait.ge @!p1 [sflag:s13], $0x4000  }
0x103: {  	s14 =	simm.s32 @!p1 $0x0;
	s0 =	simm.s32 @!p1 $0xA800;
	[sflag:s13] =	ssyncset.done @!p1 $0x0  }
0x104: {  	s4 =	sadd.s32 @!p1 $0x1000, s25;
	[sflag:s13] =	ssyncadd.s32 @!p1 $0xFFFFC000;
	s13 =	simm.s32 @!p1 $0x7  }
0x105: {  	[hbm4b:s4+s14] =	stream.linear.scatter @!p1 [tilespmem:s0], [sflag:$0x7], $0x4000, $0x38;
	[tilespmem:$0x12800] =	vst v63  }
0x106: {  	_ =	swait.ge @!p1 [sflag:s13], $0x4000  }
0x107: {  	[sflag:s13] =	ssyncset.done @!p1 $0x0  }
0x108: {  	s2 =	sadd.s32 @!p1 $0x300, s2;
	[sflag:s13] =	ssyncadd.s32 @!p1 $0xFFFFC000  }
0x109: {  	[tilespmem:s0], [sflag:$0x3] =	stream.indirect.gather @!p1 [hbm4b:s1+s6], $0x80, s2, s6, $0xb8;
	[tilespmem:$0x12800] =	vst v63  }
.Ltmp6:
0x10a: {  	_ = 	snop;
	(pc) =	sbr.rel .LBB2_8-.Ltmp6, $4  }
0x10b: {  	_ =	swait.ge [sflag:s18], $0x4000  }
0x10c: {  	[sflag:s18] =	ssyncset.done $0x0  }
0x10d: {  	[sflag:s18] =	ssyncadd.s32 $0xFFFFC000  }
0x10e: {  	[hbm4b:s24+s3] =	stream.linear.scatter [tilespmem:s15], [sflag:$0x8], $0x4000, $0x38;
	[tilespmem:$0x12800] =	vst v63  }
.LBB2_9:
0x10f: {  	_ =	sfence.sel $0x180000  }
0x110: {  	[bflag:$0x0] =	sbarrier.arrive $0xFFFF  }
0x111: {  	_ =	strace $0x90000047  }
0x112: {  	s0 =	stileid.u32;
	[bflag:$0x2] =	sbarrier.arrive $0xFFFF  }
0x113: {  	p0 =	sne.s32 s0, $0x0;
	s0 =	rddreg [dreg:$0x2]  }
0x114: {  	s0 =	sadd.s32 @!p0 $0x100000, s0  }
0x115: {  	[sflag:s0] =	ssyncadd.tile.s32 @!p0 $0x1;
	_ =	shalt  }
.Lfunc_end2:
_tile_overlayer_lowered:
.L_overlay_start_2:
0x116: {  	(tag) =	ssettag $0x2  }
0x117: {  	s0 =	rddreg [dreg:$0x0];
	s2 =	stileid.u32  }
0x118: {  	s1 =	rddreg [dreg:$0x1];
	p0 =	sne.s32 s2, $0x0  }
0x119: {  	s3 =	rddreg [dreg:$0x2];
	[bflag:$0x3] =	sbarrier.arrive $0xFFFF;
	s2 =	simm.s32 @!p0 $0x1C09  }
0x11a: {  	[timem:s3], [sflag:s2] =	dma.local @!p0 [hbm:s0], s1  }
0x11b: {  	s0 =	simm.s32 @!p0 $0x9  }
0x11c: {  	_ =	swait.ge @!p0 [sflag:s0], s1  }
0x11d: {  	s1 =	ssub.s32 @!p0 $0x0, s1;
	[sflag:s0] =	ssyncset.done @!p0 $0x0  }
0x11e: {  	[sflag:s0] =	ssyncadd.s32 @!p0 s1  }
0x11f: {  	[bflag:$0x3] =	sbarrier.arrive $0xFFFF  }
0x120: {  	_ =	shalt  }

// kernel: kernel.13.cloned.1.call-start
scs
__scs_entry_jumppad:
0x0: {  	(pc) =	sbr.rel $0x88, $3  }
0x1: {  	(tag) =	ssettag $0x0;
	lr =	simm.s32 $0x1  }
0x2: {  	[smem:$0x3F91] =	sst lr;
	_ =	strace $0xD0000000  }
0x3: {  	_ = 	snop  }
0x4: {  	_ = 	snop  }
0x5: {  	_ = 	snop  }
0x6: {  	_ = 	snop  }
0x7: {  	_ = 	snop  }
__scs_overlays_trampoline_lowered:
0x8: {  	[smem:$0x3FA0] =	sst s0  }
0x9: {  	[smem:$0x3FA1] =	sst s1  }
0xa: {  	[smem:$0x3FA2] =	sst s2  }
0xb: {  	[smem:$0x3FA3] =	sst s3  }
0xc: {  	[smem:$0x3FA4] =	sst s4  }
0xd: {  	[smem:$0x3FA5] =	sst s5  }
0xe: {  	[smem:$0x3FA6] =	sst s6  }
0xf: {  	[smem:$0x3FA7] =	sst s7  }
0x10: {  	[smem:$0x3FA8] =	sst s8  }
0x11: {  	[smem:$0x3FA9] =	sst s9;
	s0 =	simm.s32 @!p0 $0x0  }
0x12: {  	s1 =	sld [smem:$0x3F8F];
	s0 =	simm.s32 @p0 $0x1  }
0x13: {  	[smem:$0x3FAA] =	sst s0;
	s0 =	simm.s32 @!p1 $0x0  }
0x14: {  	s2 =	sld [smem:$0x3F8E];
	s0 =	simm.s32 @p1 $0x1  }
0x15: {  	[smem:$0x3FAB] =	sst s0;
	s0 =	simm.s32 @!p2 $0x0  }
0x16: {  	s3 =	sld [smem:$0x3FDB];
	s0 =	simm.s32 @p2 $0x1  }
0x17: {  	s4 =	simm.s32 $0x1BF5;
	[smem:$0x3FAD] =	sst s0  }
0x18: {  	s0 =	sld [smem:$0x3F90];
	_ =	swait.ge [sflag:s4], $0x0  }
0x19: {  	s7 =	sld [smem:$0x3F91]  }
0x1a: {  	s8 =	sadd.s32 $0xFFFFE003, lr  }
0x1b: {  	s9 =	sadd.s32 $0xFFFFFEF7, lr;
	s5 =	simm.s32 $0xFFFFFFFF;
	p2 =	slt.u32 s8, $0xFFFFF086  }
0x1c: {  	p1 =	slt.u32 s9, $0xF7A;
	s5 =	simm.s32 @!p2 $0x0  }
0x1d: {  	s5 =	simm.s32 @p1 $0x1;
	p0 =	seq.s32 s7, s2  }
0x1e: {  	s7 =	smul.u32 @!p0 $0xF7A, s2;
	p2 =	seq.s32 @!p0 s5, $0x0  }
0x1f: {  	s9 =	smul.u32 $0xF7A, s1;
	s8 =	simm.s32 @!p0 $0x1BF5;
	p2 =	por !p2, p0  }
0x20: {  	[sflag:s8] =	ssyncset.s32 @!p0 $0xFFFFF086;
	s6 =	sadd.s32 @!p0 s3, s7;
	s7 =	simm.s32 @!p0 $0x108  }
0x21: {  	s3 =	sadd.s32 s3, s9;
	s6 =	sadd.s32 @!p0 $0x88, s6;
	s7 =	simm.s32 @p2 $0x1082  }
0x22: {  	[simem:s7], [sflag:s8] =	dma.local @!p0 [hbm:s6], $0xF7A  }
0x23: {  	s9 =	sor.u32 $0xD0000000, s2;
	s6 =	simm.s32 $0x108;
	_ =	swait.ge @!p0 [sflag:s8], $0x0  }
0x24: {  	s3 =	sadd.s32 $0x88, s3;
	s6 =	simm.s32 @!p1 $0x1082;
	[sflag:s4] =	ssyncset.s32 $0xFFFFF086  }
0x25: {  	[simem:s6], [sflag:s4] =	dma.local [hbm:s3], $0xF7A  }
0x26: {  	[smem:$0x3F91] =	sst s1;
	(tag) =	ssettag s2;
	_ =	strace s9  }
0x27: {  	s1 =	sld [smem:$0x3FA1]  }
0x28: {  	s2 =	sld [smem:$0x3FA2]  }
0x29: {  	s4 =	sld [smem:$0x3FA4]  }
0x2a: {  	p0 =	seq.s32 s5, $0x0;
	s5 =	sld [smem:$0x3FA5]  }
0x2b: {  	s6 =	sld [smem:$0x3FA6]  }
0x2c: {  	s7 =	sld [smem:$0x3FA7]  }
0x2d: {  	s3 =	simm.s32 $0x108;
	s8 =	sld [smem:$0x3FA8]  }
0x2e: {  	s3 =	simm.s32 @!p0 $0x1082;
	s9 =	sld [smem:$0x3FA9]  }
0x2f: {  	lr =	sadd.s32 s0, s3;
	s0 =	sld [smem:$0x3FA0]  }
0x30: {  	s3 =	sld [smem:$0x3FA3]  }
0x31: {  	[smem:$0x3FAC] =	sst s10  }
0x32: {  	s10 =	sld [smem:$0x3FAA];
	_ =	sdelay $0x3  }
0x33: {  	p0 =	seq.s32 s10, $0x1;
	s10 =	sld [smem:$0x3FAC];
	_ =	sdelay $0x3  }
0x34: {  	[smem:$0x3FAC] =	sst s10  }
0x35: {  	s10 =	sld [smem:$0x3FAB];
	_ =	sdelay $0x3  }
0x36: {  	p1 =	seq.s32 s10, $0x1;
	s10 =	sld [smem:$0x3FAC];
	_ =	sdelay $0x3  }
0x37: {  	[smem:$0x3FAC] =	sst s10  }
0x38: {  	s10 =	sld [smem:$0x3FAD]  }
0x39: {  	_ = 	snop;
	(pc) =	sbr.ind lr, $3  }
0x3a: {  	_ = 	snop  }
0x3b: {  	_ = 	snop  }
0x3c: {  	p2 =	seq.s32 s10, $0x1;
	s10 =	sld [smem:$0x3FAC]  }
0x3d: {  	_ =	shalt  }
0x3e: {  	_ =	shalt  }
0x3f: {  	_ =	shalt  }
0x40: {  	_ =	shalt  }
0x41: {  	_ =	shalt  }
0x42: {  	_ =	shalt  }
0x43: {  	_ =	shalt  }
0x44: {  	_ =	shalt  }
0x45: {  	_ =	shalt  }
0x46: {  	_ =	shalt  }
0x47: {  	_ =	shalt  }
0x48: {  	_ =	shalt  }
0x49: {  	_ =	shalt  }
0x4a: {  	_ =	shalt  }
0x4b: {  	_ =	shalt  }
0x4c: {  	_ =	shalt  }
0x4d: {  	_ =	shalt  }
0x4e: {  	_ =	shalt  }
0x4f: {  	_ =	shalt  }
0x50: {  	_ =	shalt  }
0x51: {  	_ =	shalt  }
0x52: {  	_ =	shalt  }
0x53: {  	_ =	shalt  }
0x54: {  	_ =	shalt  }
0x55: {  	_ =	shalt  }
0x56: {  	_ =	shalt  }
0x57: {  	_ =	shalt  }
0x58: {  	_ =	shalt  }
0x59: {  	_ =	shalt  }
0x5a: {  	_ =	shalt  }
0x5b: {  	_ =	shalt  }
0x5c: {  	_ =	shalt  }
0x5d: {  	_ =	shalt  }
0x5e: {  	_ =	shalt  }
0x5f: {  	_ =	shalt  }
0x60: {  	_ =	shalt  }
0x61: {  	_ =	shalt  }
0x62: {  	_ =	shalt  }
0x63: {  	_ =	shalt  }
0x64: {  	_ =	shalt  }
0x65: {  	_ =	shalt  }
0x66: {  	_ =	shalt  }
0x67: {  	_ =	shalt  }
0x68: {  	_ =	shalt  }
0x69: {  	_ =	shalt  }
0x6a: {  	_ =	shalt  }
0x6b: {  	_ =	shalt  }
0x6c: {  	_ =	shalt  }
0x6d: {  	_ =	shalt  }
0x6e: {  	_ =	shalt  }
0x6f: {  	_ =	shalt  }
0x70: {  	_ =	shalt  }
0x71: {  	_ =	shalt  }
0x72: {  	_ =	shalt  }
0x73: {  	_ =	shalt  }
0x74: {  	_ =	shalt  }
0x75: {  	_ =	shalt  }
0x76: {  	_ =	shalt  }
0x77: {  	_ =	shalt  }
0x78: {  	_ =	shalt  }
0x79: {  	_ =	shalt  }
0x7a: {  	_ =	shalt  }
0x7b: {  	_ =	shalt  }
0x7c: {  	_ =	shalt  }
0x7d: {  	_ =	shalt  }
0x7e: {  	_ =	shalt  }
0x7f: {  	_ =	shalt  }
0x80: {  	_ =	shalt  }
0x81: {  	_ =	shalt  }
0x82: {  	_ =	shalt  }
0x83: {  	_ =	shalt  }
0x84: {  	_ =	shalt  }
0x85: {  	_ =	shalt  }
0x86: {  	_ =	shalt  }
0x87: {  	_ =	shalt  }
.Lfunc_end0:
.L_simem_size_0:
called_computation.1_lowered:
.L_overlay_start_0:
0x88: {  	s2 =	sld [smem:$0x3FD9]  }
0x89: {  	s3 =	sld [smem:$0x3FFE];
	_ =	sdelay $0x1  }
0x8a: {  	s1 =	srdreg.scid  }
0x8b: {  	s0 =	sand.u32 $0x1, s1  }
0x8c: {  	s16 =	sshll.u32 s0, $0xA;
	s2 =	sadd.s32 s3, s2  }
0x8d: {  	s2 =	sadd.s32 s2, s16  }
0x8e: {  	[smem:$0x3FB8] =	sst s2  }
0x8f: {  	_ = 	snop  }
0x90: {  	(tm) =	ssettm $0x1  }
0x91: {  	s17 =	sld [smem:$0x3FFB];
	_ =	sdelay $0x3  }
0x92: {  	_ =	strace s17  }
0x93: {  	s2 =	sld [smem:$0x3FFC];
	_ =	sdelay $0x3  }
0x94: {  	_ =	strace s2  }
0x95: {  	s2 =	sld [smem:$0x3FFD];
	_ =	sdelay $0x3  }
0x96: {  	_ =	strace s2  }
0x97: {  	_ =	strace $0x8FFFFFFF  }
0x98: {  	s18 =	sld [smem:$0x3FDB];
	_ =	sdelay $0x1  }
0x99: {  	s19 =	simm.s32 $_scs_section_size  }
0x9a: {  	s4 =	simm.s32 $_size__tile_overlayer_lowered;
	s5 =	simm.s32 $_tile_overlayer_lowered  }
0x9b: {  	s22 =	simm.s32 $0x1BFF;
	s21 =	sshll.u32 s5, $0x1;
	s2 =	sadd.s32 s19, s18  }
0x9c: {  	s6 =	simm.s32 $0x0;
	s20 =	sshll.u32 s4, $0x1;
	s4 =	sadd.s32 s21, s2  }
0x9d: {  	[timem:s6], [sflag:s22] =	dma.local [hbm:s4], s20  }
0x9e: {  	_ =	swait.ge [sflag:s22], s20  }
0x9f: {  	s3 =	ssub.s32 $0x0, s20;
	[sflag:s22] =	ssyncset.done $0x0  }
0xa0: {  	[sflag:s22] =	ssyncadd.s32 s3;
	_ =	sdelay $0x1  }
0xa1: {  	s23 =	simm.s32 $0x1B8B  }
0xa2: {  	_ =	swait.ge [sflag:s23], $0x1  }
0xa3: {  	[sflag:s23] =	ssyncset.done $0x0  }
0xa4: {  	s25 =	simm.s32 $0x1B8E;
	s24 =	sld [smem:$0x3FFE];
	[sflag:s23] =	ssyncadd.s32 $0xFFFFFFFF  }
0xa5: {  	s26 =	simm.s32 $execute0_lowered;
	[smem:$0x3FD2] =	sst s25  }
0xa6: {  	s4 =	sshll.u32 s26, $0x1;
	_ =	strace $0x80000049;
	[dreg:$0x1] =	wrdreg $0xFFFFFFFF  }
0xa7: {  	s28 =	simm.s32 $_size_execute0_lowered;
	s2 =	sadd.s32 s2, s4;
	[dreg:$0x0] =	wrdreg $0x0  }
0xa8: {  	s4 =	sshll.u32 s28, $0x1;
	[dreg:$0x2] =	wrdreg s2  }
0xa9: {  	[dreg:$0x3] =	wrdreg s4  }
0xaa: {  	[dreg:$0x4] =	wrdreg $0xC0  }
0xab: {  	_ =	task [dreg:s6], $0x5FFFF  }
0xac: {  	[dreg:$0x1] =	wrdreg $0xFFFFFFFF  }
0xad: {  	[dreg:$0x0] =	wrdreg $0x60  }
0xae: {  	[dreg:$0x2] =	wrdreg s24  }
0xaf: {  	[dreg:$0x3] =	wrdreg $0xA8000  }
0xb0: {  	[dreg:$0x4] =	wrdreg $0x9  }
0xb1: {  	_ =	task.clear_ibuf [dreg:s6], $0x5FFFF;
	_ =	strace $0x90000049  }
0xb2: {  	s29 =	simm.s32 $0x9;
	_ =	strace $0x8000004B  }
0xb3: {  	_ =	swait.ge [sflag:s29], $0x1  }
0xb4: {  	[sflag:s29] =	ssyncadd.s32 $0xFFFFFFFF  }
0xb5: {  	_ =	strace $0x9000004B  }
0xb6: {  	_ =	sfence  }
0xb7: {  	s30 =	sld [smem:$0x0];
	_ =	sdelay $0x2  }
0xb8: {  	s31 =	sshll.u32 s1, $0xD;
	s1 =	sshrl.u32 s1, $0x2  }
0xb9: {  	s3 =	sand.u32 $0x4000, s31;
	s1 =	sadd.s32 s1, s30  }
0xba: {  	s0 =	sor.u32 s3, s0;
	s1 =	sshll.u32 s1, $0x11  }
0xbb: {  	s0 =	sor.u32 s1, s0  }
0xbc: {  	s0 =	sadd.s32 $0x8F2B, s0  }
0xbd: {  	[sflag:s0] =	ssyncadd.remote.s32 $0x1  }
0xbe: {  	_ =	sfence.sel $0xFFFF  }
0xbf: {  	[dreg:$0x0] =	wrdreg $0xFFFFFFFF;
	(pc) =	sbr.abs _section_cstart, $3  }
0xc0: {  	[dreg:$0x1] =	wrdreg $0xFFFFFFFF  }
0xc1: {  	_ =	task.clear_ibuf [dreg:s6], $0x2FFFF;
	_ =	strace $0x9FFFFFFF  }
0xc2: {  	(tm) =	ssettm $0x7FFFFFFF  }
0xc3: {  	_ =	shalt  }
tec
execute0_lowered:
.L_overlay_start_1:
0x0: {  	(tag) =	ssettag $0x1  }
0x1: {  	s0 =	rddreg [dreg:$0x0]  }
0x2: {  	s2 =	rddreg [dreg:$0x1]  }
0x3: {  	s3 =	simm.s32 $0x0;
	s6 =	stileid.u32;
	s4 =	srdreg.scid  }
0x4: {  	s31 =	simm.s32 $0x2800;
	s1 =	smul.u32 $0x500, s6;
	s10 =	sadd.s32 $0x522C00, s0  }
0x5: {  	[smem:$0x7FF] =	sst s3;
	s11 =	sadd.s32 $0x7A2C00, s0;
	s7 =	smul.u32 $0x50000, s6  }
0x6: {  	s5 =	sadd.s32 $0x14600, s0;
	s22 =	sadd.s32 $0x14E00, s0;
	s8 =	smul.u32 $0x28000, s6  }
0x7: {  	s25 =	smul.u32 $0x280, s6;
	_ =	strace $0x8000004A;
	[dreg:$0x5] =	wrdreg s5  }
0x8: {  	s4 =	sand.u32 $0x1, s4;
	s26 =	smul.u32 $0x140000, s6;
	[dreg:$0x6] =	wrdreg s22  }
0x9: {  	s28 =	smul.u32 $0x2800, s6;
	s23 =	ssub.s32 $0x2, s4;
	[dreg:$0x4] =	wrdreg s11  }
0xa: {  	[dreg:$0x3] =	wrdreg s10;
	p0 =	sne.s32 s4, $0x0;
	s4 =	simm.s32 $0x2  }
0xb: {  	s1 =	sadd.s32 s1, s0;
	s0 =	sadd.s32 $0x3CE00, s0;
	s24 =	sshrl.u32 s23, $0x1  }
0xc: {  	s7 =	sshrl.u32 s7, $0x2;
	s12 =	sadd.s32 s11, s8;
	s8 =	sadd.s32 s10, s8  }
0xd: {  	s30 =	sshrl.u32 s26, $0x3;
	s18 =	sadd.s32 $0x200, s25;
	s21 =	sadd.s32 $0x180, s25  }
0xe: {  	[dreg:$0x7] =	wrdreg s0;
	s0 =	ssub.s32 s23, s24;
	s9 =	sadd.s32 s7, s2  }
0xf: {  	s1 =	sadd.s32 $0x51B400, s1;
	s19 =	sadd.s32 $0x27800, s30;
	s20 =	sshll.u32 s18, $0x4  }
0x10: {  	s22 =	sshll.u32 s21, $0x4;
	s23 =	sadd.s32 $0x100, s25;
	[dreg:$0x9] =	wrdreg s12  }
0x11: {  	s24 =	sadd.s32 $0x80, s25;
	s29 =	sadd.s32 $0x1000, s12;
	[dreg:$0xa] =	wrdreg s8  }
.Ltmp0:
0x12: {  	s11 =	sadd.s32 $0x1000, s8;
	s7 =	simm.s32 $0x6800;
	(pc) =	sbr.rel .LBB2_1-.Ltmp0, $4  }
0x13: {  	s8 =	simm.s32 $0x80;
	s12 =	simm.s32 $0x0;
	[dreg:$0x8] =	wrdreg s1  }
0x14: {  	s13 =	smax.u32 s0, $0x1;
	s14 =	sadd.s32 $0x4000, s9;
	s15 =	sadd.s32 $0x8000, s9  }
0x15: {  	s16 =	sadd.s32 $0xC000, s9;
	s17 =	sadd.s32 $0x10000, s9;
	s25 =	sshll.u32 s23, $0x4  }
0x16: {  	s26 =	sshll.u32 s24, $0x4;
	s0 =	simm.s32 $0x3;
	s1 =	simm.s32 $0x1  }
.LBB2_7:
0x17: {  	s30 =	rddreg [dreg:$0x4]  }
0x18: {  	[sflag:s0] =	ssyncadd.s32 $0xFFFFC000;
	s5 =	rddreg [dreg:$0x7]  }
.LBB2_8:
0x19: {  	_ =	swait.ge [sflag:s1], $0x4000  }
0x1a: {  	[sflag:s1] =	ssyncset.done $0x0  }
0x1b: {  	s6 =	sadd.s32 s30, s19;
	[sflag:s1] =	ssyncadd.s32 $0xFFFFC000  }
0x1c: {  	[tilespmem:s7], [sflag:$0x2] =	stream.linear.gather [hbm4b:s6+s3], $0x4000, $0x38;
	[tilespmem:$0x1E800] =	vst v63  }
0x1d: {  	s30 =	simm.s32 $0x2700  }
0x1e: {  	[spmem:s2] =	stream.indirect.scatter.add.f32 [tilespmem:s31], [sflag:$0x3], $0x80, s30, s8, $0xb8;
	[tilespmem:$0x1E800] =	vst v63  }
0x1f: {  	_ =	swait.ge [sflag:s0], $0x4000  }
0x20: {  	[sflag:s0] =	ssyncset.done $0x0  }
0x21: {  	[sflag:s0] =	ssyncadd.s32 $0xFFFFC000  }
0x22: {  	_ =	swait.ge [sflag:s4], $0x4000  }
0x23: {  	[sflag:s4] =	ssyncset.done $0x0  }
0x24: {  	s10 =	simm.s32 $0x2780;
	[sflag:s4] =	ssyncadd.s32 $0xFFFFC000  }
0x25: {  	[spmem:s2] =	stream.indirect.scatter.add.f32 [tilespmem:s7], [sflag:$0x3], $0x80, s10, s8, $0xb8;
	[tilespmem:$0x1E800] =	vst v63  }
0x26: {  	_ =	swait.ge [sflag:s0], $0x4000  }
0x27: {  	[sflag:s0] =	ssyncset.done $0x0  }
0x28: {  	[sflag:s0] =	ssyncadd.s32 $0xFFFFC000  }
0x29: {  	[bflag:$0x0] =	sbarrier.arrive $0xFFFF  }
0x2a: {  	[tilespmem:s31], [sflag:$0x3] =	stream.linear.gather [spmem:s9], $0x4000, $0x38;
	[tilespmem:$0x1E800] =	vst v63  }
0x2b: {  	_ =	swait.ge [sflag:s0], $0x4000  }
0x2c: {  	[sflag:s0] =	ssyncset.done $0x0  }
0x2d: {  	s30 =	sadd.s32 s5, s28;
	[sflag:s0] =	ssyncadd.s32 $0xFFFFC000  }
0x2e: {  	[hbm4b:s30+s3] =	stream.linear.scatter [tilespmem:s31], [sflag:$0x3], $0x4000, $0x38;
	[tilespmem:$0x1E800] =	vst v63  }
0x2f: {  	_ =	swait.ge [sflag:s0], $0x4000  }
0x30: {  	s10 =	sshll.u32 s24, $0x7;
	[sflag:s0] =	ssyncset.done $0x0  }
0x31: {  	s6 =	sadd.s32 s10, s2;
	[sflag:s0] =	ssyncadd.s32 $0xFFFFC000  }
0x32: {  	[tilespmem:s31], [sflag:$0x3] =	stream.linear.gather [spmem:s6], $0x4000, $0x38;
	[tilespmem:$0x1E800] =	vst v63  }
0x33: {  	_ =	swait.ge [sflag:s0], $0x4000  }
0x34: {  	[sflag:s0] =	ssyncset.done $0x0  }
0x35: {  	s30 =	sadd.s32 s5, s26;
	[sflag:s0] =	ssyncadd.s32 $0xFFFFC000  }
0x36: {  	[hbm4b:s30+s3] =	stream.linear.scatter [tilespmem:s31], [sflag:$0x3], $0x4000, $0x38;
	[tilespmem:$0x1E800] =	vst v63  }
0x37: {  	_ =	swait.ge [sflag:s0], $0x4000  }
0x38: {  	s10 =	sshll.u32 s23, $0x7;
	[sflag:s0] =	ssyncset.done $0x0  }
0x39: {  	s6 =	sadd.s32 s10, s2;
	[sflag:s0] =	ssyncadd.s32 $0xFFFFC000  }
0x3a: {  	[tilespmem:s31], [sflag:$0x3] =	stream.linear.gather [spmem:s6], $0x4000, $0x38;
	[tilespmem:$0x1E800] =	vst v63  }
0x3b: {  	_ =	swait.ge [sflag:s0], $0x4000  }
0x3c: {  	[sflag:s0] =	ssyncset.done $0x0  }
0x3d: {  	s30 =	sadd.s32 s5, s25;
	[sflag:s0] =	ssyncadd.s32 $0xFFFFC000  }
0x3e: {  	[hbm4b:s30+s3] =	stream.linear.scatter [tilespmem:s31], [sflag:$0x3], $0x4000, $0x38;
	[tilespmem:$0x1E800] =	vst v63  }
0x3f: {  	_ =	swait.ge [sflag:s0], $0x4000  }
0x40: {  	s10 =	sshll.u32 s21, $0x7;
	[sflag:s0] =	ssyncset.done $0x0  }
0x41: {  	s6 =	sadd.s32 s10, s2;
	[sflag:s0] =	ssyncadd.s32 $0xFFFFC000  }
0x42: {  	[tilespmem:s31], [sflag:$0x3] =	stream.linear.gather [spmem:s6], $0x4000, $0x38;
	[tilespmem:$0x1E800] =	vst v63  }
0x43: {  	_ =	swait.ge [sflag:s0], $0x4000  }
0x44: {  	[sflag:s0] =	ssyncset.done $0x0  }
0x45: {  	s30 =	sadd.s32 s5, s22;
	[sflag:s0] =	ssyncadd.s32 $0xFFFFC000  }
0x46: {  	[hbm4b:s30+s3] =	stream.linear.scatter [tilespmem:s31], [sflag:$0x3], $0x4000, $0x38;
	[tilespmem:$0x1E800] =	vst v63  }
0x47: {  	_ =	swait.ge [sflag:s0], $0x4000  }
0x48: {  	s10 =	sshll.u32 s18, $0x7;
	[sflag:s0] =	ssyncset.done $0x0  }
0x49: {  	s6 =	sadd.s32 s10, s2;
	[sflag:s0] =	ssyncadd.s32 $0xFFFFC000  }
0x4a: {  	[tilespmem:s31], [sflag:$0x3] =	stream.linear.gather [spmem:s6], $0x4000, $0x38;
	[tilespmem:$0x1E800] =	vst v63  }
0x4b: {  	s12 =	sadd.s32 $0x1, s12;
	_ =	swait.ge [sflag:s0], $0x4000  }
0x4c: {  	p1 =	sne.s32 s12, s13;
	[sflag:s0] =	ssyncset.done $0x0  }
.Ltmp1:
0x4d: {  	s30 =	sadd.s32 s5, s20;
	[sflag:s0] =	ssyncadd.s32 $0xFFFFC000;
	(pc) =	sbr.rel @!p1 .LBB2_9-.Ltmp1, $4  }
0x4e: {  	[hbm4b:s30+s3] =	stream.linear.scatter [tilespmem:s31], [sflag:$0x3], $0x4000, $0x38;
	[tilespmem:$0x1E800] =	vst v63  }
0x4f: {  	_ =	swait.ge [sflag:s0], $0x4000  }
0x50: {  	[sflag:s0] =	ssyncset.done $0x0  }
0x51: {  	[sflag:s0] =	ssyncadd.s32 $0xFFFFC000  }
.LBB2_1:
0x52: {  	s5 =	rddreg [dreg:$0x5]  }
0x53: {  	[tilespmem:s31], [sflag:$0x3] =	stream.linear.gather [hbm4b:s5+s3], $0x4000, $0x38;
	[tilespmem:$0x1E800] =	vst v63  }
0x54: {  	_ =	swait.ge [sflag:s0], $0x4000  }
0x55: {  	[sflag:s0] =	ssyncset.done $0x0  }
0x56: {  	[sflag:s0] =	ssyncadd.s32 $0xFFFFC000  }
0x57: {  	[spmem:s9] =	stream.linear.scatter [tilespmem:s31], [sflag:$0x3], $0x4000, $0x38;
	[tilespmem:$0x1E800] =	vst v63  }
0x58: {  	_ =	swait.ge [sflag:s0], $0x4000  }
0x59: {  	[sflag:s0] =	ssyncset.done $0x0  }
0x5a: {  	[sflag:s0] =	ssyncadd.s32 $0xFFFFC000  }
0x5b: {  	[spmem:s14] =	stream.linear.scatter [tilespmem:s31], [sflag:$0x3], $0x4000, $0x38;
	[tilespmem:$0x1E800] =	vst v63  }
0x5c: {  	_ =	swait.ge [sflag:s0], $0x4000  }
0x5d: {  	[sflag:s0] =	ssyncset.done $0x0  }
0x5e: {  	[sflag:s0] =	ssyncadd.s32 $0xFFFFC000  }
0x5f: {  	[spmem:s15] =	stream.linear.scatter [tilespmem:s31], [sflag:$0x3], $0x4000, $0x38;
	[tilespmem:$0x1E800] =	vst v63  }
0x60: {  	_ =	swait.ge [sflag:s0], $0x4000  }
0x61: {  	[sflag:s0] =	ssyncset.done $0x0  }
0x62: {  	[sflag:s0] =	ssyncadd.s32 $0xFFFFC000  }
0x63: {  	[spmem:s16] =	stream.linear.scatter [tilespmem:s31], [sflag:$0x3], $0x4000, $0x38;
	[tilespmem:$0x1E800] =	vst v63  }
0x64: {  	_ =	swait.ge [sflag:s0], $0x4000  }
0x65: {  	[sflag:s0] =	ssyncset.done $0x0  }
0x66: {  	[sflag:s0] =	ssyncadd.s32 $0xFFFFC000  }
0x67: {  	[spmem:s17] =	stream.linear.scatter [tilespmem:s31], [sflag:$0x3], $0x4000, $0x38;
	[tilespmem:$0x1E800] =	vst v63  }
0x68: {  	_ =	swait.ge [sflag:s0], $0x4000  }
0x69: {  	[sflag:s0] =	ssyncset.done $0x0  }
0x6a: {  	s30 =	rddreg [dreg:$0x8];
	[sflag:s0] =	ssyncadd.s32 $0xFFFFC000  }
0x6b: {  	[tilespmem:s3], [sflag:$0x3] =	stream.linear.gather [hbm4b:s30+s3], $0x2800, $0x38;
	[tilespmem:$0x1E800] =	vst v63  }
.Ltmp2:
0x6c: {  	_ =	swait.ge [sflag:s0], $0x2800;
	(pc) =	sbr.rel @p0 .LBB2_5-.Ltmp2, $4  }
0x6d: {  	[sflag:s0] =	ssyncset.done $0x0  }
0x6e: {  	[sflag:s0] =	ssyncadd.s32 $0xFFFFD800  }
0x6f: {  	[bflag:$0x0] =	sbarrier.arrive $0xFFFF  }
0x70: {  	s5 =	simm.s32 $0x0  }
0x71: {  	s6 =	rddreg [dreg:$0xa]  }
0x72: {  	[tilespmem:s31], [sflag:$0x1] =	stream.linear.gather [hbm4b:s6+s5], $0x4000, $0x38;
	[tilespmem:$0x1E800] =	vst v63  }
0x73: {  	_ =	swait.ge [sflag:s1], $0x4000  }
0x74: {  	[sflag:s1] =	ssyncset.done $0x0  }
0x75: {  	s10 =	sadd.s32 $0xFFFFF800, s11;
	[sflag:s1] =	ssyncadd.s32 $0xFFFFC000  }
0x76: {  	[tilespmem:s7], [sflag:$0x2] =	stream.linear.gather [hbm4b:s10+s3], $0x4000, $0x38;
	[tilespmem:$0x1E800] =	vst v63  }
0x77: {  	s6 =	simm.s32 $0x0  }
0x78: {  	[spmem:s2] =	stream.indirect.scatter.add.f32 [tilespmem:s31], [sflag:$0x3], $0x80, s6, s8, $0xb8;
	[tilespmem:$0x1E800] =	vst v63  }
0x79: {  	_ =	swait.ge [sflag:s0], $0x4000  }
0x7a: {  	[sflag:s0] =	ssyncset.done $0x0  }
0x7b: {  	[sflag:s0] =	ssyncadd.s32 $0xFFFFC000  }
0x7c: {  	_ =	swait.ge [sflag:s4], $0x4000  }
0x7d: {  	[sflag:s4] =	ssyncset.done $0x0  }
0x7e: {  	[sflag:s4] =	ssyncadd.s32 $0xFFFFC000  }
0x7f: {  	[tilespmem:s31], [sflag:$0x1] =	stream.linear.gather [hbm4b:s11+s3], $0x4000, $0x38;
	[tilespmem:$0x1E800] =	vst v63  }
0x80: {  	s10 =	simm.s32 $0x80  }
0x81: {  	[spmem:s2] =	stream.indirect.scatter.add.f32 [tilespmem:s7], [sflag:$0x3], $0x80, s10, s8, $0xb8;
	[tilespmem:$0x1E800] =	vst v63  }
0x82: {  	_ =	swait.ge [sflag:s0], $0x4000  }
0x83: {  	s30 =	smov.u32 s11;
	s5 =	simm.s32 $0x400;
	[sflag:s0] =	ssyncset.done $0x0  }
.LBB2_3:
0x84: {  	p1 =	seq.s32 s5, $0x9800;
	[sflag:s0] =	ssyncadd.s32 $0xFFFFC000;
	s30 =	sadd.s32 $0x1000, s30  }
0x85: {  	s6 =	smov.u32 s5;
	s5 =	sadd.s32 $0x400, s5  }
0x86: {  	_ =	swait.ge [sflag:s1], $0x4000  }
0x87: {  	[sflag:s1] =	ssyncset.done $0x0  }
0x88: {  	s10 =	sadd.s32 $0xFFFFF800, s30;
	[sflag:s1] =	ssyncadd.s32 $0xFFFFC000  }
0x89: {  	[tilespmem:s7], [sflag:$0x2] =	stream.linear.gather [hbm4b:s10+s3], $0x4000, $0x38;
	[tilespmem:$0x1E800] =	vst v63  }
0x8a: {  	s6 =	sshra.s32 s6, $0x2  }
0x8b: {  	[spmem:s2] =	stream.indirect.scatter.add.f32 [tilespmem:s31], [sflag:$0x3], $0x80, s6, s8, $0xb8;
	[tilespmem:$0x1E800] =	vst v63  }
0x8c: {  	_ =	swait.ge [sflag:s0], $0x4000  }
0x8d: {  	[sflag:s0] =	ssyncset.done $0x0  }
0x8e: {  	[sflag:s0] =	ssyncadd.s32 $0xFFFFC000  }
0x8f: {  	_ =	swait.ge [sflag:s4], $0x4000  }
0x90: {  	[sflag:s4] =	ssyncset.done $0x0  }
0x91: {  	[sflag:s4] =	ssyncadd.s32 $0xFFFFC000  }
0x92: {  	[tilespmem:s31], [sflag:$0x1] =	stream.linear.gather [hbm4b:s30+s3], $0x4000, $0x38;
	[tilespmem:$0x1E800] =	vst v63  }
.Ltmp3:
0x93: {  	_ = 	snop;
	(pc) =	sbr.rel @!p1 .LBB2_3-.Ltmp3, $4  }
0x94: {  	s6 =	sadd.s32 $0x80, s6  }
0x95: {  	[spmem:s2] =	stream.indirect.scatter.add.f32 [tilespmem:s7], [sflag:$0x3], $0x80, s6, s8, $0xb8;
	[tilespmem:$0x1E800] =	vst v63  }
0x96: {  	_ =	swait.ge [sflag:s0], $0x4000  }
0x97: {  	[sflag:s0] =	ssyncset.done $0x0  }
.Ltmp4:
0x98: {  	(pc) =	sbr.rel .LBB2_8-.Ltmp4, $3  }
0x99: {  	_ =	sdelay $0x1  }
0x9a: {  	s30 =	rddreg [dreg:$0x3]  }
0x9b: {  	[sflag:s0] =	ssyncadd.s32 $0xFFFFC000;
	s5 =	rddreg [dreg:$0x6]  }
.LBB2_5:
0x9c: {  	s6 =	rddreg [dreg:$0x9]  }
0x9d: {  	[tilespmem:s31], [sflag:$0x1] =	stream.linear.gather [hbm4b:s6+s5], $0x4000, $0x38;
	[tilespmem:$0x1E800] =	vst v63  }
0x9e: {  	_ =	swait.ge [sflag:s1], $0x4000  }
0x9f: {  	[sflag:s1] =	ssyncset.done $0x0  }
0xa0: {  	s10 =	sadd.s32 $0xFFFFF800, s29;
	[sflag:s1] =	ssyncadd.s32 $0xFFFFC000  }
0xa1: {  	[tilespmem:s7], [sflag:$0x2] =	stream.linear.gather [hbm4b:s10+s3], $0x4000, $0x38;
	[tilespmem:$0x1E800] =	vst v63  }
0xa2: {  	s6 =	simm.s32 $0x0  }
0xa3: {  	[spmem:s2] =	stream.indirect.scatter.add.f32 [tilespmem:s31], [sflag:$0x3], $0x80, s6, s8, $0xb8;
	[tilespmem:$0x1E800] =	vst v63  }
0xa4: {  	_ =	swait.ge [sflag:s0], $0x4000  }
0xa5: {  	[sflag:s0] =	ssyncset.done $0x0  }
0xa6: {  	[sflag:s0] =	ssyncadd.s32 $0xFFFFC000  }
0xa7: {  	_ =	swait.ge [sflag:s4], $0x4000  }
0xa8: {  	[sflag:s4] =	ssyncset.done $0x0  }
0xa9: {  	[sflag:s4] =	ssyncadd.s32 $0xFFFFC000  }
0xaa: {  	[tilespmem:s31], [sflag:$0x1] =	stream.linear.gather [hbm4b:s29+s3], $0x4000, $0x38;
	[tilespmem:$0x1E800] =	vst v63  }
0xab: {  	s10 =	simm.s32 $0x80  }
0xac: {  	[spmem:s2] =	stream.indirect.scatter.add.f32 [tilespmem:s7], [sflag:$0x3], $0x80, s10, s8, $0xb8;
	[tilespmem:$0x1E800] =	vst v63  }
0xad: {  	_ =	swait.ge [sflag:s0], $0x4000  }
0xae: {  	s30 =	smov.u32 s29;
	s5 =	simm.s32 $0x400;
	[sflag:s0] =	ssyncset.done $0x0  }
.LBB2_6:
0xaf: {  	p1 =	sne.s32 s5, $0x9800;
	[sflag:s0] =	ssyncadd.s32 $0xFFFFC000;
	s30 =	sadd.s32 $0x1000, s30  }
0xb0: {  	s6 =	smov.u32 s5;
	s5 =	sadd.s32 $0x400, s5  }
0xb1: {  	_ =	swait.ge [sflag:s1], $0x4000  }
0xb2: {  	[sflag:s1] =	ssyncset.done $0x0  }
0xb3: {  	s10 =	sadd.s32 $0xFFFFF800, s30;
	[sflag:s1] =	ssyncadd.s32 $0xFFFFC000  }
0xb4: {  	[tilespmem:s7], [sflag:$0x2] =	stream.linear.gather [hbm4b:s10+s3], $0x4000, $0x38;
	[tilespmem:$0x1E800] =	vst v63  }
0xb5: {  	s6 =	sshra.s32 s6, $0x2  }
0xb6: {  	[spmem:s2] =	stream.indirect.scatter.add.f32 [tilespmem:s31], [sflag:$0x3], $0x80, s6, s8, $0xb8;
	[tilespmem:$0x1E800] =	vst v63  }
0xb7: {  	_ =	swait.ge [sflag:s0], $0x4000  }
0xb8: {  	[sflag:s0] =	ssyncset.done $0x0  }
0xb9: {  	[sflag:s0] =	ssyncadd.s32 $0xFFFFC000  }
0xba: {  	_ =	swait.ge [sflag:s4], $0x4000  }
0xbb: {  	[sflag:s4] =	ssyncset.done $0x0  }
0xbc: {  	[sflag:s4] =	ssyncadd.s32 $0xFFFFC000  }
0xbd: {  	[tilespmem:s31], [sflag:$0x1] =	stream.linear.gather [hbm4b:s30+s3], $0x4000, $0x38;
	[tilespmem:$0x1E800] =	vst v63  }
.Ltmp5:
0xbe: {  	_ = 	snop;
	(pc) =	sbr.rel @p1 .LBB2_6-.Ltmp5, $4  }
0xbf: {  	s6 =	sadd.s32 $0x80, s6  }
0xc0: {  	[spmem:s2] =	stream.indirect.scatter.add.f32 [tilespmem:s7], [sflag:$0x3], $0x80, s6, s8, $0xb8;
	[tilespmem:$0x1E800] =	vst v63  }
0xc1: {  	_ =	swait.ge [sflag:s0], $0x4000  }
0xc2: {  	[sflag:s0] =	ssyncset.done $0x0  }
.Ltmp6:
0xc3: {  	_ = 	snop;
	(pc) =	sbr.rel .LBB2_7-.Ltmp6, $1  }
0xc4: {  	_ =	sdelay $0x3  }
.LBB2_9:
0xc5: {  	_ =	sfence.sel $0x180000  }
0xc6: {  	[bflag:$0x0] =	sbarrier.arrive $0xFFFF  }
0xc7: {  	_ =	strace $0x9000004A  }
0xc8: {  	s0 =	stileid.u32;
	[bflag:$0x2] =	sbarrier.arrive $0xFFFF  }
0xc9: {  	p0 =	sne.s32 s0, $0x0;
	s0 =	rddreg [dreg:$0x2]  }
0xca: {  	s0 =	sadd.s32 @!p0 $0x100000, s0  }
0xcb: {  	[sflag:s0] =	ssyncadd.tile.s32 @!p0 $0x1;
	_ =	shalt  }
.Lfunc_end2:
_tile_overlayer_lowered:
.L_overlay_start_2:
0xcc: {  	(tag) =	ssettag $0x2  }
0xcd: {  	s0 =	rddreg [dreg:$0x0];
	s2 =	stileid.u32  }
0xce: {  	s1 =	rddreg [dreg:$0x1];
	p0 =	sne.s32 s2, $0x0  }
0xcf: {  	s3 =	rddreg [dreg:$0x2];
	[bflag:$0x3] =	sbarrier.arrive $0xFFFF;
	s2 =	simm.s32 @!p0 $0x1C03  }
0xd0: {  	[timem:s3], [sflag:s2] =	dma.local @!p0 [hbm:s0], s1  }
0xd1: {  	s0 =	simm.s32 @!p0 $0x3  }
0xd2: {  	_ =	swait.ge @!p0 [sflag:s0], s1  }
0xd3: {  	s1 =	ssub.s32 @!p0 $0x0, s1;
	[sflag:s0] =	ssyncset.done @!p0 $0x0  }
0xd4: {  	[sflag:s0] =	ssyncadd.s32 @!p0 s1  }
0xd5: {  	[bflag:$0x3] =	sbarrier.arrive $0xFFFF  }
0xd6: {  	_ =	shalt  }

// kernel: kernel.16.cloned.1.call-start
scs
__scs_entry_jumppad:
0x0: {  	(pc) =	sbr.rel $0x88, $3  }
0x1: {  	(tag) =	ssettag $0x0;
	lr =	simm.s32 $0x1  }
0x2: {  	[smem:$0x3F91] =	sst lr;
	_ =	strace $0xD0000000  }
0x3: {  	_ = 	snop  }
0x4: {  	_ = 	snop  }
0x5: {  	_ = 	snop  }
0x6: {  	_ = 	snop  }
0x7: {  	_ = 	snop  }
__scs_overlays_trampoline_lowered:
0x8: {  	[smem:$0x3FA0] =	sst s0  }
0x9: {  	[smem:$0x3FA1] =	sst s1  }
0xa: {  	[smem:$0x3FA2] =	sst s2  }
0xb: {  	[smem:$0x3FA3] =	sst s3  }
0xc: {  	[smem:$0x3FA4] =	sst s4  }
0xd: {  	[smem:$0x3FA5] =	sst s5  }
0xe: {  	[smem:$0x3FA6] =	sst s6  }
0xf: {  	[smem:$0x3FA7] =	sst s7  }
0x10: {  	[smem:$0x3FA8] =	sst s8  }
0x11: {  	[smem:$0x3FA9] =	sst s9;
	s0 =	simm.s32 @!p0 $0x0  }
0x12: {  	s1 =	sld [smem:$0x3F8F];
	s0 =	simm.s32 @p0 $0x1  }
0x13: {  	[smem:$0x3FAA] =	sst s0;
	s0 =	simm.s32 @!p1 $0x0  }
0x14: {  	s2 =	sld [smem:$0x3F8E];
	s0 =	simm.s32 @p1 $0x1  }
0x15: {  	[smem:$0x3FAB] =	sst s0;
	s0 =	simm.s32 @!p2 $0x0  }
0x16: {  	s3 =	sld [smem:$0x3FDB];
	s0 =	simm.s32 @p2 $0x1  }
0x17: {  	s4 =	simm.s32 $0x1BF5;
	[smem:$0x3FAD] =	sst s0  }
0x18: {  	s0 =	sld [smem:$0x3F90];
	_ =	swait.ge [sflag:s4], $0x0  }
0x19: {  	s7 =	sld [smem:$0x3F91]  }
0x1a: {  	s8 =	sadd.s32 $0xFFFFE003, lr  }
0x1b: {  	s9 =	sadd.s32 $0xFFFFFEF7, lr;
	s5 =	simm.s32 $0xFFFFFFFF;
	p2 =	slt.u32 s8, $0xFFFFF086  }
0x1c: {  	p1 =	slt.u32 s9, $0xF7A;
	s5 =	simm.s32 @!p2 $0x0  }
0x1d: {  	s5 =	simm.s32 @p1 $0x1;
	p0 =	seq.s32 s7, s2  }
0x1e: {  	s7 =	smul.u32 @!p0 $0xF7A, s2;
	p2 =	seq.s32 @!p0 s5, $0x0  }
0x1f: {  	s9 =	smul.u32 $0xF7A, s1;
	s8 =	simm.s32 @!p0 $0x1BF5;
	p2 =	por !p2, p0  }
0x20: {  	[sflag:s8] =	ssyncset.s32 @!p0 $0xFFFFF086;
	s6 =	sadd.s32 @!p0 s3, s7;
	s7 =	simm.s32 @!p0 $0x108  }
0x21: {  	s3 =	sadd.s32 s3, s9;
	s6 =	sadd.s32 @!p0 $0x88, s6;
	s7 =	simm.s32 @p2 $0x1082  }
0x22: {  	[simem:s7], [sflag:s8] =	dma.local @!p0 [hbm:s6], $0xF7A  }
0x23: {  	s9 =	sor.u32 $0xD0000000, s2;
	s6 =	simm.s32 $0x108;
	_ =	swait.ge @!p0 [sflag:s8], $0x0  }
0x24: {  	s3 =	sadd.s32 $0x88, s3;
	s6 =	simm.s32 @!p1 $0x1082;
	[sflag:s4] =	ssyncset.s32 $0xFFFFF086  }
0x25: {  	[simem:s6], [sflag:s4] =	dma.local [hbm:s3], $0xF7A  }
0x26: {  	[smem:$0x3F91] =	sst s1;
	(tag) =	ssettag s2;
	_ =	strace s9  }
0x27: {  	s1 =	sld [smem:$0x3FA1]  }
0x28: {  	s2 =	sld [smem:$0x3FA2]  }
0x29: {  	s4 =	sld [smem:$0x3FA4]  }
0x2a: {  	p0 =	seq.s32 s5, $0x0;
	s5 =	sld [smem:$0x3FA5]  }
0x2b: {  	s6 =	sld [smem:$0x3FA6]  }
0x2c: {  	s7 =	sld [smem:$0x3FA7]  }
0x2d: {  	s3 =	simm.s32 $0x108;
	s8 =	sld [smem:$0x3FA8]  }
0x2e: {  	s3 =	simm.s32 @!p0 $0x1082;
	s9 =	sld [smem:$0x3FA9]  }
0x2f: {  	lr =	sadd.s32 s0, s3;
	s0 =	sld [smem:$0x3FA0]  }
0x30: {  	s3 =	sld [smem:$0x3FA3]  }
0x31: {  	[smem:$0x3FAC] =	sst s10  }
0x32: {  	s10 =	sld [smem:$0x3FAA];
	_ =	sdelay $0x3  }
0x33: {  	p0 =	seq.s32 s10, $0x1;
	s10 =	sld [smem:$0x3FAC];
	_ =	sdelay $0x3  }
0x34: {  	[smem:$0x3FAC] =	sst s10  }
0x35: {  	s10 =	sld [smem:$0x3FAB];
	_ =	sdelay $0x3  }
0x36: {  	p1 =	seq.s32 s10, $0x1;
	s10 =	sld [smem:$0x3FAC];
	_ =	sdelay $0x3  }
0x37: {  	[smem:$0x3FAC] =	sst s10  }
0x38: {  	s10 =	sld [smem:$0x3FAD]  }
0x39: {  	_ = 	snop;
	(pc) =	sbr.ind lr, $3  }
0x3a: {  	_ = 	snop  }
0x3b: {  	_ = 	snop  }
0x3c: {  	p2 =	seq.s32 s10, $0x1;
	s10 =	sld [smem:$0x3FAC]  }
0x3d: {  	_ =	shalt  }
0x3e: {  	_ =	shalt  }
0x3f: {  	_ =	shalt  }
0x40: {  	_ =	shalt  }
0x41: {  	_ =	shalt  }
0x42: {  	_ =	shalt  }
0x43: {  	_ =	shalt  }
0x44: {  	_ =	shalt  }
0x45: {  	_ =	shalt  }
0x46: {  	_ =	shalt  }
0x47: {  	_ =	shalt  }
0x48: {  	_ =	shalt  }
0x49: {  	_ =	shalt  }
0x4a: {  	_ =	shalt  }
0x4b: {  	_ =	shalt  }
0x4c: {  	_ =	shalt  }
0x4d: {  	_ =	shalt  }
0x4e: {  	_ =	shalt  }
0x4f: {  	_ =	shalt  }
0x50: {  	_ =	shalt  }
0x51: {  	_ =	shalt  }
0x52: {  	_ =	shalt  }
0x53: {  	_ =	shalt  }
0x54: {  	_ =	shalt  }
0x55: {  	_ =	shalt  }
0x56: {  	_ =	shalt  }
0x57: {  	_ =	shalt  }
0x58: {  	_ =	shalt  }
0x59: {  	_ =	shalt  }
0x5a: {  	_ =	shalt  }
0x5b: {  	_ =	shalt  }
0x5c: {  	_ =	shalt  }
0x5d: {  	_ =	shalt  }
0x5e: {  	_ =	shalt  }
0x5f: {  	_ =	shalt  }
0x60: {  	_ =	shalt  }
0x61: {  	_ =	shalt  }
0x62: {  	_ =	shalt  }
0x63: {  	_ =	shalt  }
0x64: {  	_ =	shalt  }
0x65: {  	_ =	shalt  }
0x66: {  	_ =	shalt  }
0x67: {  	_ =	shalt  }
0x68: {  	_ =	shalt  }
0x69: {  	_ =	shalt  }
0x6a: {  	_ =	shalt  }
0x6b: {  	_ =	shalt  }
0x6c: {  	_ =	shalt  }
0x6d: {  	_ =	shalt  }
0x6e: {  	_ =	shalt  }
0x6f: {  	_ =	shalt  }
0x70: {  	_ =	shalt  }
0x71: {  	_ =	shalt  }
0x72: {  	_ =	shalt  }
0x73: {  	_ =	shalt  }
0x74: {  	_ =	shalt  }
0x75: {  	_ =	shalt  }
0x76: {  	_ =	shalt  }
0x77: {  	_ =	shalt  }
0x78: {  	_ =	shalt  }
0x79: {  	_ =	shalt  }
0x7a: {  	_ =	shalt  }
0x7b: {  	_ =	shalt  }
0x7c: {  	_ =	shalt  }
0x7d: {  	_ =	shalt  }
0x7e: {  	_ =	shalt  }
0x7f: {  	_ =	shalt  }
0x80: {  	_ =	shalt  }
0x81: {  	_ =	shalt  }
0x82: {  	_ =	shalt  }
0x83: {  	_ =	shalt  }
0x84: {  	_ =	shalt  }
0x85: {  	_ =	shalt  }
0x86: {  	_ =	shalt  }
0x87: {  	_ =	shalt  }
.Lfunc_end0:
.L_simem_size_0:
called_computation.2_lowered:
.L_overlay_start_0:
0x88: {  	s2 =	sld [smem:$0x3FD9]  }
0x89: {  	s3 =	sld [smem:$0x3FFE];
	_ =	sdelay $0x1  }
0x8a: {  	s1 =	srdreg.scid  }
0x8b: {  	s0 =	sand.u32 $0x1, s1  }
0x8c: {  	s17 =	sshll.u32 s0, $0xA;
	s2 =	sadd.s32 s3, s2  }
0x8d: {  	s2 =	sadd.s32 s2, s17  }
0x8e: {  	[smem:$0x3FB8] =	sst s2  }
0x8f: {  	_ = 	snop  }
0x90: {  	s2 =	sld [smem:$0x3FD0];
	(tm) =	ssettm $0x1  }
0x91: {  	s18 =	sld [smem:$0x3FFB];
	_ =	sdelay $0x3  }
0x92: {  	_ =	strace s18  }
0x93: {  	s3 =	sld [smem:$0x3FFC];
	_ =	sdelay $0x3  }
0x94: {  	_ =	strace s3  }
0x95: {  	s3 =	sld [smem:$0x3FFD];
	_ =	sdelay $0x3  }
0x96: {  	_ =	strace s3  }
0x97: {  	_ =	strace $0x8FFFFFFF  }
0x98: {  	s19 =	sld [smem:$0x3FDB];
	_ =	sdelay $0x1  }
0x99: {  	s4 =	simm.s32 $_scs_section_size  }
0x9a: {  	s5 =	simm.s32 $_size__tile_overlayer_lowered;
	s6 =	simm.s32 $_tile_overlayer_lowered  }
0x9b: {  	s22 =	simm.s32 $0x1BFF;
	s21 =	sshll.u32 s6, $0x1;
	s3 =	sadd.s32 s4, s19  }
0x9c: {  	s7 =	simm.s32 $0x0;
	s20 =	sshll.u32 s5, $0x1;
	s5 =	sadd.s32 s21, s3  }
0x9d: {  	[timem:s7], [sflag:s22] =	dma.local [hbm:s5], s20  }
0x9e: {  	_ =	swait.ge [sflag:s22], s20  }
0x9f: {  	s4 =	ssub.s32 $0x0, s20;
	[sflag:s22] =	ssyncset.done $0x0  }
0xa0: {  	[sflag:s22] =	ssyncadd.s32 s4;
	_ =	sdelay $0x1  }
0xa1: {  	s23 =	simm.s32 $0x1B8B  }
0xa2: {  	_ =	swait.ge [sflag:s23], $0x1  }
0xa3: {  	[sflag:s23] =	ssyncset.done $0x0  }
0xa4: {  	s25 =	simm.s32 $0x1B8E;
	s24 =	sld [smem:$0x3FFE];
	[sflag:s23] =	ssyncadd.s32 $0xFFFFFFFF  }
0xa5: {  	s26 =	simm.s32 $execute0_lowered;
	[smem:$0x3FD2] =	sst s25  }
0xa6: {  	s5 =	sshll.u32 s26, $0x1;
	_ =	strace $0x8000004C;
	[dreg:$0x1] =	wrdreg $0xFFFFFFFF  }
0xa7: {  	s28 =	simm.s32 $_size_execute0_lowered;
	s3 =	sadd.s32 s3, s5;
	[dreg:$0x0] =	wrdreg $0x0  }
0xa8: {  	s5 =	sshll.u32 s28, $0x1;
	[dreg:$0x2] =	wrdreg s3  }
0xa9: {  	[dreg:$0x3] =	wrdreg s5  }
0xaa: {  	[dreg:$0x4] =	wrdreg $0xC0  }
0xab: {  	_ =	task [dreg:s7], $0x5FFFF  }
0xac: {  	[dreg:$0x1] =	wrdreg $0xFFFFFFFF  }
0xad: {  	[dreg:$0x0] =	wrdreg $0x60  }
0xae: {  	[dreg:$0x2] =	wrdreg s2  }
0xaf: {  	[dreg:$0x3] =	wrdreg s24  }
0xb0: {  	[dreg:$0x4] =	wrdreg $0x9  }
0xb1: {  	_ =	task.clear_ibuf [dreg:s7], $0x5FFFF;
	_ =	strace $0x9000004C  }
0xb2: {  	s29 =	simm.s32 $0x9;
	_ =	strace $0x8000004E  }
0xb3: {  	_ =	swait.ge [sflag:s29], $0x1  }
0xb4: {  	[sflag:s29] =	ssyncadd.s32 $0xFFFFFFFF  }
0xb5: {  	_ =	strace $0x9000004E  }
0xb6: {  	_ =	sfence  }
0xb7: {  	s30 =	sld [smem:$0x0];
	_ =	sdelay $0x2  }
0xb8: {  	s31 =	sshll.u32 s1, $0xD;
	s1 =	sshrl.u32 s1, $0x2  }
0xb9: {  	s3 =	sand.u32 $0x4000, s31;
	s1 =	sadd.s32 s1, s30  }
0xba: {  	s0 =	sor.u32 s3, s0;
	s1 =	sshll.u32 s1, $0x11  }
0xbb: {  	s0 =	sor.u32 s1, s0  }
0xbc: {  	s0 =	sadd.s32 $0x8F2B, s0  }
0xbd: {  	[sflag:s0] =	ssyncadd.remote.s32 $0x1  }
0xbe: {  	_ =	sfence.sel $0xFFFF  }
0xbf: {  	[dreg:$0x0] =	wrdreg $0xFFFFFFFF;
	(pc) =	sbr.abs _section_cstart, $3  }
0xc0: {  	[dreg:$0x1] =	wrdreg $0xFFFFFFFF  }
0xc1: {  	_ =	task.clear_ibuf [dreg:s7], $0x2FFFF;
	_ =	strace $0x9FFFFFFF  }
0xc2: {  	(tm) =	ssettm $0x7FFFFFFF  }
0xc3: {  	_ =	shalt  }
tec
execute0_lowered:
.L_overlay_start_1:
0x0: {  	(tag) =	ssettag $0x1  }
0x1: {  	s1 =	rddreg [dreg:$0x0]  }
0x2: {  	s4 =	rddreg [dreg:$0x1];
	s3 =	simm.s32 $0x0;
	s5 =	srdreg.scid  }
0x3: {  	s0 =	stileid.u32;
	s12 =	simm.s32 $0x6800;
	s15 =	simm.s32 $0xE800  }
0x4: {  	s16 =	simm.s32 $0x1;
	s17 =	simm.s32 $0x2;
	s18 =	simm.s32 $0x4  }
0x5: {  	s19 =	simm.s32 $0x5;
	s20 =	simm.s32 $0x6;
	s21 =	simm.s32 $0x7  }
0x6: {  	s22 =	simm.s32 $0x8;
	s23 =	simm.s32 $0x0;
	s6 =	smul.u32 $0x500, s0  }
0x7: {  	[smem:$0x7FF] =	sst s3;
	s5 =	sand.u32 $0x1, s5;
	s9 =	smul.u32 $0x50, s0  }
0x8: {  	s7 =	sadd.s32 $0xA600, s4;
	s10 =	sadd.s32 $0x522C00, s4;
	s11 =	smul.u32 $0x28000, s0  }
0x9: {  	_ =	strace $0x8000004D;
	s8 =	ssub.s32 $0x2, s5;
	p0 =	seq.s32 s5, $0x1  }
0xa: {  	s26 =	sshrl.u32 s8, $0x1;
	s9 =	sadd.s32 $0x500, s9;
	s28 =	sadd.s32 s7, s6  }
0xb: {  	s5 =	sadd.s32 s11, s10;
	s8 =	ssub.s32 s8, s26;
	[dreg:$0x5] =	wrdreg s28  }
.Ltmp0:
0xc: {  	s29 =	sshll.u32 s9, $0xB;
	s9 =	sshll.u32 s9, $0x4;
	(pc) =	sbr.rel .LBB2_1-.Ltmp0, $4  }
0xd: {  	s11 =	sadd.s32 $0x27000, s5;
	s10 =	sadd.s32 s10, s29;
	s30 =	sadd.s32 s7, s9  }
0xe: {  	[dreg:$0x3] =	wrdreg s11;
	s7 =	smax.u32 s8, $0x1;
	s8 =	sadd.s32 $0x280000, s5  }
0xf: {  	s9 =	simm.s32 $0x9;
	[dreg:$0x6] =	wrdreg s30;
	s31 =	sadd.s32 $0x27000, s10  }
0x10: {  	s11 =	simm.s32 $0x2800;
	s10 =	simm.s32 $0x80;
	[dreg:$0x4] =	wrdreg s31  }
.LBB2_7:
0x11: {  	[sflag:s18] =	ssyncset.done $0x0  }
0x12: {  	s0 =	simm.s32 @!p2 $0x8;
	[sflag:s18] =	ssyncadd.s32 $0xFFFFC000  }
0x13: {  	[hbm4b:s28+s3] =	stream.linear.scatter [tilespmem:s15], [sflag:$0x8], $0x4000, $0x38;
	[tilespmem:$0x12800] =	vst v63  }
0x14: {  	_ =	swait.ge @!p2 [sflag:s0], $0x4000  }
0x15: {  	s2 =	sshra.s32 s26, $0x2;
	[sflag:s0] =	ssyncset.done @!p2 $0x0  }
0x16: {  	s2 =	sadd.s32 $0x180, s2;
	[sflag:s0] =	ssyncadd.s32 @!p2 $0xFFFFC000  }
0x17: {  	[tilespmem:s15], [sflag:$0x4] =	stream.indirect.gather [hbm4b:s1+s10], $0x80, s2, s10, $0xb8;
	[tilespmem:$0x12800] =	vst v63  }
0x18: {  	_ =	swait.ge [sflag:s16], $0x4000  }
0x19: {  	p1 =	seq.s32 s26, $0x9800;
	[sflag:s16] =	ssyncset.done $0x0  }
0x1a: {  	s0 =	simm.s32 @!p1 $0x5;
	[sflag:s16] =	ssyncadd.s32 $0xFFFFC000  }
0x1b: {  	[hbm4b:s25+s3] =	stream.linear.scatter [tilespmem:s11], [sflag:$0x5], $0x4000, $0x38;
	[tilespmem:$0x12800] =	vst v63  }
0x1c: {  	_ =	swait.ge @!p1 [sflag:s0], $0x4000  }
0x1d: {  	s6 =	simm.s32 @!p1 $0x80;
	s2 =	sshra.s32 @!p1 s26, $0x2;
	[sflag:s0] =	ssyncset.done @!p1 $0x0  }
0x1e: {  	s13 =	simm.s32 @!p1 $0x2800;
	s4 =	sadd.s32 @!p1 $0x200, s2;
	[sflag:s0] =	ssyncadd.s32 @!p1 $0xFFFFC000  }
0x1f: {  	[tilespmem:s13], [sflag:$0x1] =	stream.indirect.gather @!p1 [hbm4b:s1+s6], $0x80, s4, s6, $0xb8;
	[tilespmem:$0x12800] =	vst v63  }
0x20: {  	_ =	swait.ge [sflag:s17], $0x4000  }
0x21: {  	[sflag:s17] =	ssyncset.done $0x0  }
0x22: {  	s31 =	sadd.s32 $0x800, s25;
	s4 =	simm.s32 @p1 $0x3;
	[sflag:s17] =	ssyncadd.s32 $0xFFFFC000  }
0x23: {  	[hbm4b:s31+s3] =	stream.linear.scatter [tilespmem:s12], [sflag:$0x6], $0x4000, $0x38;
	[tilespmem:$0x12800] =	vst v63  }
0x24: {  	_ =	swait.ge @p1 [sflag:s4], $0x4000  }
0x25: {  	s14 =	simm.s32 @!p1 $0x6;
	s13 =	simm.s32 @p1 $0xA800;
	[sflag:s4] =	ssyncset.done @p1 $0x0  }
0x26: {  	s0 =	rddreg [dreg:$0x4];
	[sflag:s4] =	ssyncadd.s32 @p1 $0xFFFFC000;
	s4 =	simm.s32 @p1 $0x0  }
0x27: {  	[hbm4b:s0+s4] =	stream.linear.scatter @p1 [tilespmem:s13], [sflag:$0x7], $0x4000, $0x38;
	[tilespmem:$0x12800] =	vst v63  }
0x28: {  	_ =	swait.ge @!p1 [sflag:s14], $0x4000  }
0x29: {  	s0 =	sadd.s32 @!p1 $0x280, s2;
	[sflag:s14] =	ssyncset.done @!p1 $0x0  }
0x2a: {  	s4 =	simm.s32 @!p1 $0x6800;
	s13 =	simm.s32 @!p1 $0x3;
	[sflag:s14] =	ssyncadd.s32 @!p1 $0xFFFFC000  }
0x2b: {  	[tilespmem:s4], [sflag:$0x2] =	stream.indirect.gather @!p1 [hbm4b:s1+s6], $0x80, s0, s6, $0xb8;
	[tilespmem:$0x12800] =	vst v63  }
0x2c: {  	_ =	swait.ge @!p1 [sflag:s13], $0x4000  }
0x2d: {  	s14 =	simm.s32 @!p1 $0x0;
	s0 =	simm.s32 @!p1 $0xA800;
	[sflag:s13] =	ssyncset.done @!p1 $0x0  }
0x2e: {  	s4 =	sadd.s32 @!p1 $0x1000, s25;
	[sflag:s13] =	ssyncadd.s32 @!p1 $0xFFFFC000;
	s13 =	simm.s32 @!p1 $0x7  }
0x2f: {  	[hbm4b:s4+s14] =	stream.linear.scatter @!p1 [tilespmem:s0], [sflag:$0x7], $0x4000, $0x38;
	[tilespmem:$0x12800] =	vst v63  }
0x30: {  	_ =	swait.ge @!p1 [sflag:s13], $0x4000  }
0x31: {  	[sflag:s13] =	ssyncset.done @!p1 $0x0  }
0x32: {  	s2 =	sadd.s32 @!p1 $0x300, s2;
	[sflag:s13] =	ssyncadd.s32 @!p1 $0xFFFFC000  }
0x33: {  	[tilespmem:s0], [sflag:$0x3] =	stream.indirect.gather @!p1 [hbm4b:s1+s6], $0x80, s2, s6, $0xb8;
	[tilespmem:$0x12800] =	vst v63  }
0x34: {  	_ =	swait.ge [sflag:s18], $0x4000  }
0x35: {  	[sflag:s18] =	ssyncset.done $0x0  }
0x36: {  	[sflag:s18] =	ssyncadd.s32 $0xFFFFC000  }
0x37: {  	[hbm4b:s24+s3] =	stream.linear.scatter [tilespmem:s15], [sflag:$0x8], $0x4000, $0x38;
	[tilespmem:$0x12800] =	vst v63  }
.LBB2_8:
0x38: {  	_ =	swait.ge [sflag:s19], $0x4000  }
0x39: {  	[sflag:s19] =	ssyncset.done $0x0  }
0x3a: {  	[sflag:s19] =	ssyncadd.s32 $0xFFFFC000  }
0x3b: {  	_ =	swait.ge [sflag:s20], $0x4000  }
0x3c: {  	[sflag:s20] =	ssyncset.done $0x0  }
0x3d: {  	s23 =	sadd.s32 $0x1, s23;
	[sflag:s20] =	ssyncadd.s32 $0xFFFFC000  }
0x3e: {  	p1 =	sne.s32 s23, s7;
	_ =	swait.ge [sflag:s21], $0x4000  }
.Ltmp1:
0x3f: {  	[sflag:s21] =	ssyncset.done $0x0;
	(pc) =	sbr.rel @!p1 .LBB2_9-.Ltmp1, $4  }
0x40: {  	[sflag:s21] =	ssyncadd.s32 $0xFFFFC000  }
0x41: {  	_ =	swait.ge [sflag:s22], $0x4000  }
0x42: {  	[sflag:s22] =	ssyncset.done $0x0  }
0x43: {  	[sflag:s22] =	ssyncadd.s32 $0xFFFFC000  }
.LBB2_1:
.Ltmp2:
0x44: {  	(pc) =	sbr.rel @!p0 .LBB2_2-.Ltmp2, $1  }
0x45: {  	_ =	sdelay $0x3  }
0x46: {  	s0 =	simm.s32 $0x0;
	s2 =	rddreg [dreg:$0x6]  }
0x47: {  	[tilespmem:s0], [sflag:$0x9] =	stream.linear.gather [hbm4b:s2+s0], $0x2800, $0x38;
	[tilespmem:$0x12800] =	vst v63  }
0x48: {  	_ =	swait.ge [sflag:s9], $0x2800  }
0x49: {  	[sflag:s9] =	ssyncset.done $0x0  }
0x4a: {  	[sflag:s9] =	ssyncadd.s32 $0xFFFFD800  }
0x4b: {  	[tilespmem:s11], [sflag:$0x1] =	stream.indirect.gather [hbm4b:s1+s10], $0x80, s0, s10, $0xb8;
	[tilespmem:$0x12800] =	vst v63  }
0x4c: {  	p1 =	por $0x1, $0x1  }
0x4d: {  	[tilespmem:s12], [sflag:$0x2] =	stream.indirect.gather [hbm4b:s1+s10], $0x80, s10, s10, $0xb8;
	[tilespmem:$0x12800] =	vst v63  }
0x4e: {  	s24 =	simm.s32 $0x100;
	s25 =	simm.s32 $0xA800;
	s0 =	simm.s32 @!p1 $0x8  }
0x4f: {  	[tilespmem:s25], [sflag:$0x3] =	stream.indirect.gather [hbm4b:s1+s10], $0x80, s24, s10, $0xb8;
	[tilespmem:$0x12800] =	vst v63  }
0x50: {  	_ =	swait.ge @!p1 [sflag:s0], $0x4000  }
0x51: {  	[sflag:s0] =	ssyncset.done @!p1 $0x0  }
0x52: {  	s26 =	simm.s32 $0x180;
	[sflag:s0] =	ssyncadd.s32 @!p1 $0xFFFFC000  }
0x53: {  	[tilespmem:s15], [sflag:$0x4] =	stream.indirect.gather [hbm4b:s1+s10], $0x80, s26, s10, $0xb8;
	[tilespmem:$0x12800] =	vst v63  }
0x54: {  	_ =	swait.ge [sflag:s16], $0x4000  }
0x55: {  	p1 =	por $0x0, $0x0;
	[sflag:s16] =	ssyncset.done $0x0  }
0x56: {  	s0 =	simm.s32 @!p1 $0x5;
	[sflag:s16] =	ssyncadd.s32 $0xFFFFC000  }
0x57: {  	[hbm4b:s8+s3] =	stream.linear.scatter [tilespmem:s11], [sflag:$0x5], $0x4000, $0x38;
	[tilespmem:$0x12800] =	vst v63  }
0x58: {  	_ =	swait.ge @!p1 [sflag:s0], $0x4000  }
0x59: {  	s2 =	simm.s32 @!p1 $0x200;
	[sflag:s0] =	ssyncset.done @!p1 $0x0  }
0x5a: {  	s4 =	simm.s32 @!p1 $0x80;
	s6 =	simm.s32 @!p1 $0x2800;
	[sflag:s0] =	ssyncadd.s32 @!p1 $0xFFFFC000  }
0x5b: {  	[tilespmem:s6], [sflag:$0x1] =	stream.indirect.gather @!p1 [hbm4b:s1+s4], $0x80, s2, s4, $0xb8;
	[tilespmem:$0x12800] =	vst v63  }
0x5c: {  	_ =	swait.ge [sflag:s17], $0x4000  }
0x5d: {  	[sflag:s17] =	ssyncset.done $0x0  }
0x5e: {  	s31 =	sadd.s32 $0x800, s8;
	s2 =	simm.s32 @p1 $0x3;
	[sflag:s17] =	ssyncadd.s32 $0xFFFFC000  }
0x5f: {  	[hbm4b:s31+s3] =	stream.linear.scatter [tilespmem:s12], [sflag:$0x6], $0x4000, $0x38;
	[tilespmem:$0x12800] =	vst v63  }
0x60: {  	_ =	swait.ge @p1 [sflag:s2], $0x4000  }
0x61: {  	s13 =	simm.s32 @!p1 $0x6;
	s6 =	simm.s32 @p1 $0xA800;
	[sflag:s2] =	ssyncset.done @p1 $0x0  }
0x62: {  	s0 =	rddreg [dreg:$0x4];
	[sflag:s2] =	ssyncadd.s32 @p1 $0xFFFFC000;
	s2 =	simm.s32 @p1 $0x0  }
0x63: {  	[hbm4b:s0+s2] =	stream.linear.scatter @p1 [tilespmem:s6], [sflag:$0x7], $0x4000, $0x38;
	[tilespmem:$0x12800] =	vst v63  }
0x64: {  	_ =	swait.ge @!p1 [sflag:s13], $0x4000  }
0x65: {  	s0 =	simm.s32 @!p1 $0x280;
	[sflag:s13] =	ssyncset.done @!p1 $0x0  }
0x66: {  	s2 =	simm.s32 @!p1 $0x6800;
	s6 =	simm.s32 @!p1 $0x3;
	[sflag:s13] =	ssyncadd.s32 @!p1 $0xFFFFC000  }
0x67: {  	[tilespmem:s2], [sflag:$0x2] =	stream.indirect.gather @!p1 [hbm4b:s1+s4], $0x80, s0, s4, $0xb8;
	[tilespmem:$0x12800] =	vst v63  }
0x68: {  	_ =	swait.ge @!p1 [sflag:s6], $0x4000  }
0x69: {  	s13 =	simm.s32 @!p1 $0x0;
	s0 =	simm.s32 @!p1 $0xA800;
	[sflag:s6] =	ssyncset.done @!p1 $0x0  }
0x6a: {  	s2 =	sadd.s32 @!p1 $0x1000, s8;
	[sflag:s6] =	ssyncadd.s32 @!p1 $0xFFFFC000;
	s6 =	simm.s32 @!p1 $0x7  }
0x6b: {  	[hbm4b:s2+s13] =	stream.linear.scatter @!p1 [tilespmem:s0], [sflag:$0x7], $0x4000, $0x38;
	[tilespmem:$0x12800] =	vst v63  }
0x6c: {  	s28 =	sadd.s32 $0x1800, s8;
	s29 =	simm.s32 $0x1000;
	_ =	swait.ge @!p1 [sflag:s6], $0x4000  }
0x6d: {  	p2 =	por $0x0, $0x0;
	s25 =	sadd.s32 $0x2000, s8;
	[sflag:s6] =	ssyncset.done @!p1 $0x0  }
0x6e: {  	s24 =	sadd.s32 $0x1800, s25;
	s2 =	simm.s32 @!p1 $0x300;
	[sflag:s6] =	ssyncadd.s32 @!p1 $0xFFFFC000  }
0x6f: {  	[tilespmem:s0], [sflag:$0x3] =	stream.indirect.gather @!p1 [hbm4b:s1+s4], $0x80, s2, s4, $0xb8;
	[tilespmem:$0x12800] =	vst v63  }
0x70: {  	s30 =	sadd.s32 $0x2000, s25;
	s26 =	simm.s32 $0x800;
	_ =	swait.ge [sflag:s18], $0x4000  }
.LBB2_6:
0x71: {  	[sflag:s18] =	ssyncset.done $0x0  }
0x72: {  	s0 =	simm.s32 @!p2 $0x8;
	[sflag:s18] =	ssyncadd.s32 $0xFFFFC000  }
0x73: {  	[hbm4b:s28+s3] =	stream.linear.scatter [tilespmem:s15], [sflag:$0x8], $0x4000, $0x38;
	[tilespmem:$0x12800] =	vst v63  }
0x74: {  	_ =	swait.ge @!p2 [sflag:s0], $0x4000  }
0x75: {  	s6 =	sshra.s32 s26, $0x2;
	[sflag:s0] =	ssyncset.done @!p2 $0x0  }
0x76: {  	s6 =	sadd.s32 $0x180, s6;
	[sflag:s0] =	ssyncadd.s32 @!p2 $0xFFFFC000  }
0x77: {  	[tilespmem:s15], [sflag:$0x4] =	stream.indirect.gather [hbm4b:s1+s10], $0x80, s6, s10, $0xb8;
	[tilespmem:$0x12800] =	vst v63  }
0x78: {  	_ =	swait.ge [sflag:s16], $0x4000  }
0x79: {  	p2 =	seq.s32 s26, $0x9800;
	[sflag:s16] =	ssyncset.done $0x0  }
0x7a: {  	s4 =	sadd.s32 $0x1800, s30;
	s0 =	simm.s32 @!p2 $0x5;
	[sflag:s16] =	ssyncadd.s32 $0xFFFFC000  }
0x7b: {  	[hbm4b:s25+s3] =	stream.linear.scatter [tilespmem:s11], [sflag:$0x5], $0x4000, $0x38;
	[tilespmem:$0x12800] =	vst v63  }
0x7c: {  	s28 =	smov.u32 s24;
	s24 =	smov.u32 s4;
	_ =	swait.ge @!p2 [sflag:s0], $0x4000  }
0x7d: {  	s4 =	sshra.s32 @!p2 s26, $0x2;
	s14 =	simm.s32 @!p2 $0x80;
	[sflag:s0] =	ssyncset.done @!p2 $0x0  }
0x7e: {  	s31 =	simm.s32 @!p2 $0x2800;
	s6 =	sadd.s32 @!p2 $0x200, s4;
	[sflag:s0] =	ssyncadd.s32 @!p2 $0xFFFFC000  }
0x7f: {  	[tilespmem:s31], [sflag:$0x1] =	stream.indirect.gather @!p2 [hbm4b:s1+s14], $0x80, s6, s14, $0xb8;
	[tilespmem:$0x12800] =	vst v63  }
0x80: {  	s2 =	smov.u32 s29;
	_ =	swait.ge [sflag:s17], $0x4000  }
0x81: {  	s13 =	sadd.s32 @!p2 $0x280, s4;
	s0 =	sadd.s32 @!p2 $0x300, s4;
	[sflag:s17] =	ssyncset.done $0x0  }
0x82: {  	s4 =	simm.s32 @p2 $0x3;
	s31 =	sadd.s32 $0x800, s25;
	[sflag:s17] =	ssyncadd.s32 $0xFFFFC000  }
0x83: {  	[hbm4b:s31+s3] =	stream.linear.scatter [tilespmem:s12], [sflag:$0x6], $0x4000, $0x38;
	[tilespmem:$0x12800] =	vst v63  }
0x84: {  	s26 =	smov.u32 s2;
	_ =	swait.ge @p2 [sflag:s4], $0x4000  }
0x85: {  	s6 =	simm.s32 @p2 $0xA800;
	s31 =	simm.s32 @!p2 $0x6;
	[sflag:s4] =	ssyncset.done @p2 $0x0  }
0x86: {  	s2 =	rddreg [dreg:$0x4];
	[sflag:s4] =	ssyncadd.s32 @p2 $0xFFFFC000;
	s4 =	simm.s32 @p2 $0x0  }
0x87: {  	[hbm4b:s2+s4] =	stream.linear.scatter @p2 [tilespmem:s6], [sflag:$0x7], $0x4000, $0x38;
	[tilespmem:$0x12800] =	vst v63  }
0x88: {  	_ =	swait.ge @!p2 [sflag:s31], $0x4000  }
0x89: {  	s29 =	sadd.s32 $0x800, s29;
	[sflag:s31] =	ssyncset.done @!p2 $0x0  }
0x8a: {  	s2 =	simm.s32 @!p2 $0x6800;
	s4 =	simm.s32 @!p2 $0x3;
	[sflag:s31] =	ssyncadd.s32 @!p2 $0xFFFFC000  }
0x8b: {  	[tilespmem:s2], [sflag:$0x2] =	stream.indirect.gather @!p2 [hbm4b:s1+s14], $0x80, s13, s14, $0xb8;
	[tilespmem:$0x12800] =	vst v63  }
0x8c: {  	p1 =	sne.s32 s29, $0xA000;
	_ =	swait.ge @!p2 [sflag:s4], $0x4000  }
0x8d: {  	s6 =	sadd.s32 @!p2 $0x1000, s25;
	s2 =	simm.s32 @!p2 $0xA800;
	[sflag:s4] =	ssyncset.done @!p2 $0x0  }
0x8e: {  	s13 =	simm.s32 @!p2 $0x0;
	[sflag:s4] =	ssyncadd.s32 @!p2 $0xFFFFC000;
	s4 =	simm.s32 @!p2 $0x7  }
0x8f: {  	[hbm4b:s6+s13] =	stream.linear.scatter @!p2 [tilespmem:s2], [sflag:$0x7], $0x4000, $0x38;
	[tilespmem:$0x12800] =	vst v63  }
.Ltmp3:
0x90: {  	_ =	swait.ge @!p2 [sflag:s4], $0x4000;
	(pc) =	sbr.rel @p1 .LBB2_6-.Ltmp3, $4  }
0x91: {  	[sflag:s4] =	ssyncset.done @!p2 $0x0  }
0x92: {  	s25 =	smov.u32 s30;
	[sflag:s4] =	ssyncadd.s32 @!p2 $0xFFFFC000  }
0x93: {  	[tilespmem:s2], [sflag:$0x3] =	stream.indirect.gather @!p2 [hbm4b:s1+s14], $0x80, s0, s14, $0xb8;
	[tilespmem:$0x12800] =	vst v63  }
0x94: {  	s30 =	sadd.s32 $0x2000, s30;
	p2 =	seq.s32 s26, $0x0;
	_ =	swait.ge [sflag:s18], $0x4000  }
.Ltmp4:
0x95: {  	_ = 	snop;
	(pc) =	sbr.rel .LBB2_7-.Ltmp4, $1  }
0x96: {  	_ =	sdelay $0x3  }
.LBB2_2:
0x97: {  	s24 =	simm.s32 $0x0;
	s0 =	rddreg [dreg:$0x5]  }
0x98: {  	[tilespmem:s24], [sflag:$0x9] =	stream.linear.gather [hbm4b:s0+s24], $0x2800, $0x38;
	[tilespmem:$0x12800] =	vst v63  }
0x99: {  	_ =	swait.ge [sflag:s9], $0x2800  }
0x9a: {  	[sflag:s9] =	ssyncset.done $0x0  }
0x9b: {  	[sflag:s9] =	ssyncadd.s32 $0xFFFFD800  }
0x9c: {  	[tilespmem:s11], [sflag:$0x1] =	stream.indirect.gather [hbm4b:s1+s10], $0x80, s24, s10, $0xb8;
	[tilespmem:$0x12800] =	vst v63  }
0x9d: {  	p1 =	por $0x1, $0x1  }
0x9e: {  	[tilespmem:s12], [sflag:$0x2] =	stream.indirect.gather [hbm4b:s1+s10], $0x80, s10, s10, $0xb8;
	[tilespmem:$0x12800] =	vst v63  }
0x9f: {  	s26 =	simm.s32 $0x100;
	s2 =	simm.s32 $0xA800;
	s24 =	simm.s32 @!p1 $0x8  }
0xa0: {  	[tilespmem:s2], [sflag:$0x3] =	stream.indirect.gather [hbm4b:s1+s10], $0x80, s26, s10, $0xb8;
	[tilespmem:$0x12800] =	vst v63  }
0xa1: {  	_ =	swait.ge @!p1 [sflag:s24], $0x4000  }
0xa2: {  	[sflag:s24] =	ssyncset.done @!p1 $0x0  }
0xa3: {  	s25 =	simm.s32 $0x180;
	[sflag:s24] =	ssyncadd.s32 @!p1 $0xFFFFC000  }
0xa4: {  	[tilespmem:s15], [sflag:$0x4] =	stream.indirect.gather [hbm4b:s1+s10], $0x80, s25, s10, $0xb8;
	[tilespmem:$0x12800] =	vst v63  }
0xa5: {  	_ =	swait.ge [sflag:s16], $0x4000  }
0xa6: {  	p1 =	por $0x0, $0x0;
	[sflag:s16] =	ssyncset.done $0x0  }
0xa7: {  	s24 =	simm.s32 @!p1 $0x5;
	[sflag:s16] =	ssyncadd.s32 $0xFFFFC000  }
0xa8: {  	[hbm4b:s5+s3] =	stream.linear.scatter [tilespmem:s11], [sflag:$0x5], $0x4000, $0x38;
	[tilespmem:$0x12800] =	vst v63  }
0xa9: {  	_ =	swait.ge @!p1 [sflag:s24], $0x4000  }
0xaa: {  	s25 =	simm.s32 @!p1 $0x200;
	[sflag:s24] =	ssyncset.done @!p1 $0x0  }
0xab: {  	s28 =	simm.s32 @!p1 $0x80;
	s26 =	simm.s32 @!p1 $0x2800;
	[sflag:s24] =	ssyncadd.s32 @!p1 $0xFFFFC000  }
0xac: {  	[tilespmem:s26], [sflag:$0x1] =	stream.indirect.gather @!p1 [hbm4b:s1+s28], $0x80, s25, s28, $0xb8;
	[tilespmem:$0x12800] =	vst v63  }
0xad: {  	_ =	swait.ge [sflag:s17], $0x4000  }
0xae: {  	[sflag:s17] =	ssyncset.done $0x0  }
0xaf: {  	s31 =	sadd.s32 $0x800, s5;
	s25 =	simm.s32 @p1 $0x3;
	[sflag:s17] =	ssyncadd.s32 $0xFFFFC000  }
0xb0: {  	[hbm4b:s31+s3] =	stream.linear.scatter [tilespmem:s12], [sflag:$0x6], $0x4000, $0x38;
	[tilespmem:$0x12800] =	vst v63  }
0xb1: {  	_ =	swait.ge @p1 [sflag:s25], $0x4000  }
0xb2: {  	s29 =	simm.s32 @!p1 $0x6;
	s26 =	simm.s32 @p1 $0xA800;
	[sflag:s25] =	ssyncset.done @p1 $0x0  }
0xb3: {  	s24 =	rddreg [dreg:$0x3];
	[sflag:s25] =	ssyncadd.s32 @p1 $0xFFFFC000;
	s25 =	simm.s32 @p1 $0x0  }
0xb4: {  	[hbm4b:s24+s25] =	stream.linear.scatter @p1 [tilespmem:s26], [sflag:$0x7], $0x4000, $0x38;
	[tilespmem:$0x12800] =	vst v63  }
0xb5: {  	_ =	swait.ge @!p1 [sflag:s29], $0x4000  }
0xb6: {  	s24 =	simm.s32 @!p1 $0x280;
	[sflag:s29] =	ssyncset.done @!p1 $0x0  }
0xb7: {  	s25 =	simm.s32 @!p1 $0x6800;
	s26 =	simm.s32 @!p1 $0x3;
	[sflag:s29] =	ssyncadd.s32 @!p1 $0xFFFFC000  }
0xb8: {  	[tilespmem:s25], [sflag:$0x2] =	stream.indirect.gather @!p1 [hbm4b:s1+s28], $0x80, s24, s28, $0xb8;
	[tilespmem:$0x12800] =	vst v63  }
0xb9: {  	_ =	swait.ge @!p1 [sflag:s26], $0x4000  }
0xba: {  	s30 =	simm.s32 @!p1 $0x7;
	s29 =	simm.s32 @!p1 $0x0;
	[sflag:s26] =	ssyncset.done @!p1 $0x0  }
0xbb: {  	s24 =	simm.s32 @!p1 $0xA800;
	s25 =	sadd.s32 @!p1 $0x1000, s5;
	[sflag:s26] =	ssyncadd.s32 @!p1 $0xFFFFC000  }
0xbc: {  	[hbm4b:s25+s29] =	stream.linear.scatter @!p1 [tilespmem:s24], [sflag:$0x7], $0x4000, $0x38;
	[tilespmem:$0x12800] =	vst v63  }
0xbd: {  	_ =	swait.ge @!p1 [sflag:s30], $0x4000  }
0xbe: {  	p2 =	por $0x0, $0x0;
	[sflag:s30] =	ssyncset.done @!p1 $0x0  }
0xbf: {  	s25 =	sadd.s32 $0x2000, s5;
	s29 =	simm.s32 @!p1 $0x300;
	[sflag:s30] =	ssyncadd.s32 @!p1 $0xFFFFC000  }
0xc0: {  	[tilespmem:s24], [sflag:$0x3] =	stream.indirect.gather @!p1 [hbm4b:s1+s28], $0x80, s29, s28, $0xb8;
	[tilespmem:$0x12800] =	vst v63  }
0xc1: {  	s26 =	simm.s32 $0x800;
	s30 =	sadd.s32 $0x2000, s25;
	s28 =	sadd.s32 $0x1800, s5  }
0xc2: {  	s29 =	simm.s32 $0x1000;
	s24 =	sadd.s32 $0x1800, s25;
	_ =	swait.ge [sflag:s18], $0x4000  }
.LBB2_3:
0xc3: {  	[sflag:s18] =	ssyncset.done $0x0  }
0xc4: {  	s31 =	simm.s32 @!p2 $0x8;
	[sflag:s18] =	ssyncadd.s32 $0xFFFFC000  }
0xc5: {  	[hbm4b:s28+s3] =	stream.linear.scatter [tilespmem:s15], [sflag:$0x8], $0x4000, $0x38;
	[tilespmem:$0x12800] =	vst v63  }
0xc6: {  	_ =	swait.ge @!p2 [sflag:s31], $0x4000  }
0xc7: {  	s13 =	sshra.s32 s26, $0x2;
	[sflag:s31] =	ssyncset.done @!p2 $0x0  }
0xc8: {  	s13 =	sadd.s32 $0x180, s13;
	[sflag:s31] =	ssyncadd.s32 @!p2 $0xFFFFC000  }
0xc9: {  	[tilespmem:s15], [sflag:$0x4] =	stream.indirect.gather [hbm4b:s1+s10], $0x80, s13, s10, $0xb8;
	[tilespmem:$0x12800] =	vst v63  }
0xca: {  	s2 =	sadd.s32 $0x1800, s30;
	_ =	swait.ge [sflag:s16], $0x4000  }
0xcb: {  	s28 =	smov.u32 s24;
	p2 =	seq.s32 s26, $0x9800;
	[sflag:s16] =	ssyncset.done $0x0  }
0xcc: {  	s24 =	smov.u32 s2;
	s2 =	simm.s32 @!p2 $0x5;
	[sflag:s16] =	ssyncadd.s32 $0xFFFFC000  }
0xcd: {  	[hbm4b:s25+s3] =	stream.linear.scatter [tilespmem:s11], [sflag:$0x5], $0x4000, $0x38;
	[tilespmem:$0x12800] =	vst v63  }
0xce: {  	_ =	swait.ge @!p2 [sflag:s2], $0x4000  }
0xcf: {  	s13 =	sshra.s32 @!p2 s26, $0x2;
	s14 =	simm.s32 @!p2 $0x80;
	[sflag:s2] =	ssyncset.done @!p2 $0x0  }
0xd0: {  	s6 =	simm.s32 @!p2 $0x2800;
	s31 =	sadd.s32 @!p2 $0x200, s13;
	[sflag:s2] =	ssyncadd.s32 @!p2 $0xFFFFC000  }
0xd1: {  	[tilespmem:s6], [sflag:$0x1] =	stream.indirect.gather @!p2 [hbm4b:s1+s14], $0x80, s31, s14, $0xb8;
	[tilespmem:$0x12800] =	vst v63  }
0xd2: {  	s0 =	smov.u32 s29;
	_ =	swait.ge [sflag:s17], $0x4000  }
0xd3: {  	s26 =	smov.u32 s0;
	[sflag:s17] =	ssyncset.done $0x0  }
0xd4: {  	s31 =	sadd.s32 $0x800, s25;
	s6 =	simm.s32 @p2 $0x3;
	[sflag:s17] =	ssyncadd.s32 $0xFFFFC000  }
0xd5: {  	[hbm4b:s31+s3] =	stream.linear.scatter [tilespmem:s12], [sflag:$0x6], $0x4000, $0x38;
	[tilespmem:$0x12800] =	vst v63  }
0xd6: {  	s4 =	sadd.s32 @!p2 $0x280, s13;
	s2 =	sadd.s32 @!p2 $0x300, s13;
	_ =	swait.ge @p2 [sflag:s6], $0x4000  }
0xd7: {  	s13 =	simm.s32 @p2 $0xA800;
	s31 =	simm.s32 @!p2 $0x6;
	[sflag:s6] =	ssyncset.done @p2 $0x0  }
0xd8: {  	s0 =	rddreg [dreg:$0x3];
	[sflag:s6] =	ssyncadd.s32 @p2 $0xFFFFC000;
	s6 =	simm.s32 @p2 $0x0  }
0xd9: {  	[hbm4b:s0+s6] =	stream.linear.scatter @p2 [tilespmem:s13], [sflag:$0x7], $0x4000, $0x38;
	[tilespmem:$0x12800] =	vst v63  }
0xda: {  	_ =	swait.ge @!p2 [sflag:s31], $0x4000  }
0xdb: {  	s29 =	sadd.s32 $0x800, s29;
	[sflag:s31] =	ssyncset.done @!p2 $0x0  }
0xdc: {  	s0 =	simm.s32 @!p2 $0x6800;
	s6 =	simm.s32 @!p2 $0x3;
	[sflag:s31] =	ssyncadd.s32 @!p2 $0xFFFFC000  }
0xdd: {  	[tilespmem:s0], [sflag:$0x2] =	stream.indirect.gather @!p2 [hbm4b:s1+s14], $0x80, s4, s14, $0xb8;
	[tilespmem:$0x12800] =	vst v63  }
0xde: {  	p1 =	seq.s32 s29, $0xA000;
	_ =	swait.ge @!p2 [sflag:s6], $0x4000  }
0xdf: {  	s13 =	simm.s32 @!p2 $0x0;
	s0 =	simm.s32 @!p2 $0xA800;
	[sflag:s6] =	ssyncset.done @!p2 $0x0  }
0xe0: {  	s4 =	sadd.s32 @!p2 $0x1000, s25;
	[sflag:s6] =	ssyncadd.s32 @!p2 $0xFFFFC000;
	s6 =	simm.s32 @!p2 $0x7  }
0xe1: {  	[hbm4b:s4+s13] =	stream.linear.scatter @!p2 [tilespmem:s0], [sflag:$0x7], $0x4000, $0x38;
	[tilespmem:$0x12800] =	vst v63  }
.Ltmp5:
0xe2: {  	_ =	swait.ge @!p2 [sflag:s6], $0x4000;
	(pc) =	sbr.rel @!p1 .LBB2_3-.Ltmp5, $4  }
0xe3: {  	[sflag:s6] =	ssyncset.done @!p2 $0x0  }
0xe4: {  	s25 =	smov.u32 s30;
	[sflag:s6] =	ssyncadd.s32 @!p2 $0xFFFFC000  }
0xe5: {  	[tilespmem:s0], [sflag:$0x3] =	stream.indirect.gather @!p2 [hbm4b:s1+s14], $0x80, s2, s14, $0xb8;
	[tilespmem:$0x12800] =	vst v63  }
0xe6: {  	s30 =	sadd.s32 $0x2000, s30;
	p2 =	seq.s32 s26, $0x0;
	_ =	swait.ge [sflag:s18], $0x4000  }
0xe7: {  	[sflag:s18] =	ssyncset.done $0x0  }
0xe8: {  	s0 =	simm.s32 @!p2 $0x8;
	[sflag:s18] =	ssyncadd.s32 $0xFFFFC000  }
0xe9: {  	[hbm4b:s28+s3] =	stream.linear.scatter [tilespmem:s15], [sflag:$0x8], $0x4000, $0x38;
	[tilespmem:$0x12800] =	vst v63  }
0xea: {  	_ =	swait.ge @!p2 [sflag:s0], $0x4000  }
0xeb: {  	s2 =	sshra.s32 s26, $0x2;
	[sflag:s0] =	ssyncset.done @!p2 $0x0  }
0xec: {  	s2 =	sadd.s32 $0x180, s2;
	[sflag:s0] =	ssyncadd.s32 @!p2 $0xFFFFC000  }
0xed: {  	[tilespmem:s15], [sflag:$0x4] =	stream.indirect.gather [hbm4b:s1+s10], $0x80, s2, s10, $0xb8;
	[tilespmem:$0x12800] =	vst v63  }
0xee: {  	_ =	swait.ge [sflag:s16], $0x4000  }
0xef: {  	p1 =	seq.s32 s26, $0x9800;
	[sflag:s16] =	ssyncset.done $0x0  }
0xf0: {  	s0 =	simm.s32 @!p1 $0x5;
	[sflag:s16] =	ssyncadd.s32 $0xFFFFC000  }
0xf1: {  	[hbm4b:s25+s3] =	stream.linear.scatter [tilespmem:s11], [sflag:$0x5], $0x4000, $0x38;
	[tilespmem:$0x12800] =	vst v63  }
0xf2: {  	_ =	swait.ge @!p1 [sflag:s0], $0x4000  }
0xf3: {  	s6 =	simm.s32 @!p1 $0x80;
	s2 =	sshra.s32 @!p1 s26, $0x2;
	[sflag:s0] =	ssyncset.done @!p1 $0x0  }
0xf4: {  	s13 =	simm.s32 @!p1 $0x2800;
	s4 =	sadd.s32 @!p1 $0x200, s2;
	[sflag:s0] =	ssyncadd.s32 @!p1 $0xFFFFC000  }
0xf5: {  	[tilespmem:s13], [sflag:$0x1] =	stream.indirect.gather @!p1 [hbm4b:s1+s6], $0x80, s4, s6, $0xb8;
	[tilespmem:$0x12800] =	vst v63  }
0xf6: {  	_ =	swait.ge [sflag:s17], $0x4000  }
0xf7: {  	[sflag:s17] =	ssyncset.done $0x0  }
0xf8: {  	s31 =	sadd.s32 $0x800, s25;
	s4 =	simm.s32 @p1 $0x3;
	[sflag:s17] =	ssyncadd.s32 $0xFFFFC000  }
0xf9: {  	[hbm4b:s31+s3] =	stream.linear.scatter [tilespmem:s12], [sflag:$0x6], $0x4000, $0x38;
	[tilespmem:$0x12800] =	vst v63  }
0xfa: {  	_ =	swait.ge @p1 [sflag:s4], $0x4000  }
0xfb: {  	s14 =	simm.s32 @!p1 $0x6;
	s13 =	simm.s32 @p1 $0xA800;
	[sflag:s4] =	ssyncset.done @p1 $0x0  }
0xfc: {  	s0 =	rddreg [dreg:$0x3];
	[sflag:s4] =	ssyncadd.s32 @p1 $0xFFFFC000;
	s4 =	simm.s32 @p1 $0x0  }
0xfd: {  	[hbm4b:s0+s4] =	stream.linear.scatter @p1 [tilespmem:s13], [sflag:$0x7], $0x4000, $0x38;
	[tilespmem:$0x12800] =	vst v63  }
0xfe: {  	_ =	swait.ge @!p1 [sflag:s14], $0x4000  }
0xff: {  	s0 =	sadd.s32 @!p1 $0x280, s2;
	[sflag:s14] =	ssyncset.done @!p1 $0x0  }
0x100: {  	s4 =	simm.s32 @!p1 $0x6800;
	s13 =	simm.s32 @!p1 $0x3;
	[sflag:s14] =	ssyncadd.s32 @!p1 $0xFFFFC000  }
0x101: {  	[tilespmem:s4], [sflag:$0x2] =	stream.indirect.gather @!p1 [hbm4b:s1+s6], $0x80, s0, s6, $0xb8;
	[tilespmem:$0x12800] =	vst v63  }
0x102: {  	_ =	swait.ge @!p1 [sflag:s13], $0x4000  }
0x103: {  	s14 =	simm.s32 @!p1 $0x0;
	s0 =	simm.s32 @!p1 $0xA800;
	[sflag:s13] =	ssyncset.done @!p1 $0x0  }
0x104: {  	s4 =	sadd.s32 @!p1 $0x1000, s25;
	[sflag:s13] =	ssyncadd.s32 @!p1 $0xFFFFC000;
	s13 =	simm.s32 @!p1 $0x7  }
0x105: {  	[hbm4b:s4+s14] =	stream.linear.scatter @!p1 [tilespmem:s0], [sflag:$0x7], $0x4000, $0x38;
	[tilespmem:$0x12800] =	vst v63  }
0x106: {  	_ =	swait.ge @!p1 [sflag:s13], $0x4000  }
0x107: {  	[sflag:s13] =	ssyncset.done @!p1 $0x0  }
0x108: {  	s2 =	sadd.s32 @!p1 $0x300, s2;
	[sflag:s13] =	ssyncadd.s32 @!p1 $0xFFFFC000  }
0x109: {  	[tilespmem:s0], [sflag:$0x3] =	stream.indirect.gather @!p1 [hbm4b:s1+s6], $0x80, s2, s6, $0xb8;
	[tilespmem:$0x12800] =	vst v63  }
.Ltmp6:
0x10a: {  	_ = 	snop;
	(pc) =	sbr.rel .LBB2_8-.Ltmp6, $4  }
0x10b: {  	_ =	swait.ge [sflag:s18], $0x4000  }
0x10c: {  	[sflag:s18] =	ssyncset.done $0x0  }
0x10d: {  	[sflag:s18] =	ssyncadd.s32 $0xFFFFC000  }
0x10e: {  	[hbm4b:s24+s3] =	stream.linear.scatter [tilespmem:s15], [sflag:$0x8], $0x4000, $0x38;
	[tilespmem:$0x12800] =	vst v63  }
.LBB2_9:
0x10f: {  	_ =	sfence.sel $0x180000  }
0x110: {  	[bflag:$0x0] =	sbarrier.arrive $0xFFFF  }
0x111: {  	_ =	strace $0x9000004D  }
0x112: {  	s0 =	stileid.u32;
	[bflag:$0x2] =	sbarrier.arrive $0xFFFF  }
0x113: {  	p0 =	sne.s32 s0, $0x0;
	s0 =	rddreg [dreg:$0x2]  }
0x114: {  	s0 =	sadd.s32 @!p0 $0x100000, s0  }
0x115: {  	[sflag:s0] =	ssyncadd.tile.s32 @!p0 $0x1;
	_ =	shalt  }
.Lfunc_end2:
_tile_overlayer_lowered:
.L_overlay_start_2:
0x116: {  	(tag) =	ssettag $0x2  }
0x117: {  	s0 =	rddreg [dreg:$0x0];
	s2 =	stileid.u32  }
0x118: {  	s1 =	rddreg [dreg:$0x1];
	p0 =	sne.s32 s2, $0x0  }
0x119: {  	s3 =	rddreg [dreg:$0x2];
	[bflag:$0x3] =	sbarrier.arrive $0xFFFF;
	s2 =	simm.s32 @!p0 $0x1C09  }
0x11a: {  	[timem:s3], [sflag:s2] =	dma.local @!p0 [hbm:s0], s1  }
0x11b: {  	s0 =	simm.s32 @!p0 $0x9  }
0x11c: {  	_ =	swait.ge @!p0 [sflag:s0], s1  }
0x11d: {  	s1 =	ssub.s32 @!p0 $0x0, s1;
	[sflag:s0] =	ssyncset.done @!p0 $0x0  }
0x11e: {  	[sflag:s0] =	ssyncadd.s32 @!p0 s1  }
0x11f: {  	[bflag:$0x3] =	sbarrier.arrive $0xFFFF  }
0x120: {  	_ =	shalt  }

// kernel: kernel.19.cloned.1.call-start
scs
__scs_entry_jumppad:
0x0: {  	(pc) =	sbr.rel $0x88, $3  }
0x1: {  	(tag) =	ssettag $0x0;
	lr =	simm.s32 $0x1  }
0x2: {  	[smem:$0x3F91] =	sst lr;
	_ =	strace $0xD0000000  }
0x3: {  	_ = 	snop  }
0x4: {  	_ = 	snop  }
0x5: {  	_ = 	snop  }
0x6: {  	_ = 	snop  }
0x7: {  	_ = 	snop  }
__scs_overlays_trampoline_lowered:
0x8: {  	[smem:$0x3FA0] =	sst s0  }
0x9: {  	[smem:$0x3FA1] =	sst s1  }
0xa: {  	[smem:$0x3FA2] =	sst s2  }
0xb: {  	[smem:$0x3FA3] =	sst s3  }
0xc: {  	[smem:$0x3FA4] =	sst s4  }
0xd: {  	[smem:$0x3FA5] =	sst s5  }
0xe: {  	[smem:$0x3FA6] =	sst s6  }
0xf: {  	[smem:$0x3FA7] =	sst s7  }
0x10: {  	[smem:$0x3FA8] =	sst s8  }
0x11: {  	[smem:$0x3FA9] =	sst s9;
	s0 =	simm.s32 @!p0 $0x0  }
0x12: {  	s1 =	sld [smem:$0x3F8F];
	s0 =	simm.s32 @p0 $0x1  }
0x13: {  	[smem:$0x3FAA] =	sst s0;
	s0 =	simm.s32 @!p1 $0x0  }
0x14: {  	s2 =	sld [smem:$0x3F8E];
	s0 =	simm.s32 @p1 $0x1  }
0x15: {  	[smem:$0x3FAB] =	sst s0;
	s0 =	simm.s32 @!p2 $0x0  }
0x16: {  	s3 =	sld [smem:$0x3FDB];
	s0 =	simm.s32 @p2 $0x1  }
0x17: {  	s4 =	simm.s32 $0x1BF5;
	[smem:$0x3FAD] =	sst s0  }
0x18: {  	s0 =	sld [smem:$0x3F90];
	_ =	swait.ge [sflag:s4], $0x0  }
0x19: {  	s7 =	sld [smem:$0x3F91]  }
0x1a: {  	s8 =	sadd.s32 $0xFFFFE003, lr  }
0x1b: {  	s9 =	sadd.s32 $0xFFFFFEF7, lr;
	s5 =	simm.s32 $0xFFFFFFFF;
	p2 =	slt.u32 s8, $0xFFFFF086  }
0x1c: {  	p1 =	slt.u32 s9, $0xF7A;
	s5 =	simm.s32 @!p2 $0x0  }
0x1d: {  	s5 =	simm.s32 @p1 $0x1;
	p0 =	seq.s32 s7, s2  }
0x1e: {  	s7 =	smul.u32 @!p0 $0xF7A, s2;
	p2 =	seq.s32 @!p0 s5, $0x0  }
0x1f: {  	s9 =	smul.u32 $0xF7A, s1;
	s8 =	simm.s32 @!p0 $0x1BF5;
	p2 =	por !p2, p0  }
0x20: {  	[sflag:s8] =	ssyncset.s32 @!p0 $0xFFFFF086;
	s6 =	sadd.s32 @!p0 s3, s7;
	s7 =	simm.s32 @!p0 $0x108  }
0x21: {  	s3 =	sadd.s32 s3, s9;
	s6 =	sadd.s32 @!p0 $0x88, s6;
	s7 =	simm.s32 @p2 $0x1082  }
0x22: {  	[simem:s7], [sflag:s8] =	dma.local @!p0 [hbm:s6], $0xF7A  }
0x23: {  	s9 =	sor.u32 $0xD0000000, s2;
	s6 =	simm.s32 $0x108;
	_ =	swait.ge @!p0 [sflag:s8], $0x0  }
0x24: {  	s3 =	sadd.s32 $0x88, s3;
	s6 =	simm.s32 @!p1 $0x1082;
	[sflag:s4] =	ssyncset.s32 $0xFFFFF086  }
0x25: {  	[simem:s6], [sflag:s4] =	dma.local [hbm:s3], $0xF7A  }
0x26: {  	[smem:$0x3F91] =	sst s1;
	(tag) =	ssettag s2;
	_ =	strace s9  }
0x27: {  	s1 =	sld [smem:$0x3FA1]  }
0x28: {  	s2 =	sld [smem:$0x3FA2]  }
0x29: {  	s4 =	sld [smem:$0x3FA4]  }
0x2a: {  	p0 =	seq.s32 s5, $0x0;
	s5 =	sld [smem:$0x3FA5]  }
0x2b: {  	s6 =	sld [smem:$0x3FA6]  }
0x2c: {  	s7 =	sld [smem:$0x3FA7]  }
0x2d: {  	s3 =	simm.s32 $0x108;
	s8 =	sld [smem:$0x3FA8]  }
0x2e: {  	s3 =	simm.s32 @!p0 $0x1082;
	s9 =	sld [smem:$0x3FA9]  }
0x2f: {  	lr =	sadd.s32 s0, s3;
	s0 =	sld [smem:$0x3FA0]  }
0x30: {  	s3 =	sld [smem:$0x3FA3]  }
0x31: {  	[smem:$0x3FAC] =	sst s10  }
0x32: {  	s10 =	sld [smem:$0x3FAA];
	_ =	sdelay $0x3  }
0x33: {  	p0 =	seq.s32 s10, $0x1;
	s10 =	sld [smem:$0x3FAC];
	_ =	sdelay $0x3  }
0x34: {  	[smem:$0x3FAC] =	sst s10  }
0x35: {  	s10 =	sld [smem:$0x3FAB];
	_ =	sdelay $0x3  }
0x36: {  	p1 =	seq.s32 s10, $0x1;
	s10 =	sld [smem:$0x3FAC];
	_ =	sdelay $0x3  }
0x37: {  	[smem:$0x3FAC] =	sst s10  }
0x38: {  	s10 =	sld [smem:$0x3FAD]  }
0x39: {  	_ = 	snop;
	(pc) =	sbr.ind lr, $3  }
0x3a: {  	_ = 	snop  }
0x3b: {  	_ = 	snop  }
0x3c: {  	p2 =	seq.s32 s10, $0x1;
	s10 =	sld [smem:$0x3FAC]  }
0x3d: {  	_ =	shalt  }
0x3e: {  	_ =	shalt  }
0x3f: {  	_ =	shalt  }
0x40: {  	_ =	shalt  }
0x41: {  	_ =	shalt  }
0x42: {  	_ =	shalt  }
0x43: {  	_ =	shalt  }
0x44: {  	_ =	shalt  }
0x45: {  	_ =	shalt  }
0x46: {  	_ =	shalt  }
0x47: {  	_ =	shalt  }
0x48: {  	_ =	shalt  }
0x49: {  	_ =	shalt  }
0x4a: {  	_ =	shalt  }
0x4b: {  	_ =	shalt  }
0x4c: {  	_ =	shalt  }
0x4d: {  	_ =	shalt  }
0x4e: {  	_ =	shalt  }
0x4f: {  	_ =	shalt  }
0x50: {  	_ =	shalt  }
0x51: {  	_ =	shalt  }
0x52: {  	_ =	shalt  }
0x53: {  	_ =	shalt  }
0x54: {  	_ =	shalt  }
0x55: {  	_ =	shalt  }
0x56: {  	_ =	shalt  }
0x57: {  	_ =	shalt  }
0x58: {  	_ =	shalt  }
0x59: {  	_ =	shalt  }
0x5a: {  	_ =	shalt  }
0x5b: {  	_ =	shalt  }
0x5c: {  	_ =	shalt  }
0x5d: {  	_ =	shalt  }
0x5e: {  	_ =	shalt  }
0x5f: {  	_ =	shalt  }
0x60: {  	_ =	shalt  }
0x61: {  	_ =	shalt  }
0x62: {  	_ =	shalt  }
0x63: {  	_ =	shalt  }
0x64: {  	_ =	shalt  }
0x65: {  	_ =	shalt  }
0x66: {  	_ =	shalt  }
0x67: {  	_ =	shalt  }
0x68: {  	_ =	shalt  }
0x69: {  	_ =	shalt  }
0x6a: {  	_ =	shalt  }
0x6b: {  	_ =	shalt  }
0x6c: {  	_ =	shalt  }
0x6d: {  	_ =	shalt  }
0x6e: {  	_ =	shalt  }
0x6f: {  	_ =	shalt  }
0x70: {  	_ =	shalt  }
0x71: {  	_ =	shalt  }
0x72: {  	_ =	shalt  }
0x73: {  	_ =	shalt  }
0x74: {  	_ =	shalt  }
0x75: {  	_ =	shalt  }
0x76: {  	_ =	shalt  }
0x77: {  	_ =	shalt  }
0x78: {  	_ =	shalt  }
0x79: {  	_ =	shalt  }
0x7a: {  	_ =	shalt  }
0x7b: {  	_ =	shalt  }
0x7c: {  	_ =	shalt  }
0x7d: {  	_ =	shalt  }
0x7e: {  	_ =	shalt  }
0x7f: {  	_ =	shalt  }
0x80: {  	_ =	shalt  }
0x81: {  	_ =	shalt  }
0x82: {  	_ =	shalt  }
0x83: {  	_ =	shalt  }
0x84: {  	_ =	shalt  }
0x85: {  	_ =	shalt  }
0x86: {  	_ =	shalt  }
0x87: {  	_ =	shalt  }
.Lfunc_end0:
.L_simem_size_0:
called_computation.3_lowered:
.L_overlay_start_0:
0x88: {  	s2 =	sld [smem:$0x3FD9]  }
0x89: {  	s3 =	sld [smem:$0x3FFE];
	_ =	sdelay $0x1  }
0x8a: {  	s1 =	srdreg.scid  }
0x8b: {  	s0 =	sand.u32 $0x1, s1  }
0x8c: {  	s16 =	sshll.u32 s0, $0xA;
	s2 =	sadd.s32 s3, s2  }
0x8d: {  	s2 =	sadd.s32 s2, s16  }
0x8e: {  	[smem:$0x3FB8] =	sst s2  }
0x8f: {  	_ = 	snop  }
0x90: {  	(tm) =	ssettm $0x1  }
0x91: {  	s17 =	sld [smem:$0x3FFB];
	_ =	sdelay $0x3  }
0x92: {  	_ =	strace s17  }
0x93: {  	s2 =	sld [smem:$0x3FFC];
	_ =	sdelay $0x3  }
0x94: {  	_ =	strace s2  }
0x95: {  	s2 =	sld [smem:$0x3FFD];
	_ =	sdelay $0x3  }
0x96: {  	_ =	strace s2  }
0x97: {  	_ =	strace $0x8FFFFFFF  }
0x98: {  	s18 =	sld [smem:$0x3FDB];
	_ =	sdelay $0x1  }
0x99: {  	s19 =	simm.s32 $_scs_section_size  }
0x9a: {  	s4 =	simm.s32 $_size__tile_overlayer_lowered;
	s5 =	simm.s32 $_tile_overlayer_lowered  }
0x9b: {  	s22 =	simm.s32 $0x1BFF;
	s21 =	sshll.u32 s5, $0x1;
	s2 =	sadd.s32 s19, s18  }
0x9c: {  	s6 =	simm.s32 $0x0;
	s20 =	sshll.u32 s4, $0x1;
	s4 =	sadd.s32 s21, s2  }
0x9d: {  	[timem:s6], [sflag:s22] =	dma.local [hbm:s4], s20  }
0x9e: {  	_ =	swait.ge [sflag:s22], s20  }
0x9f: {  	s3 =	ssub.s32 $0x0, s20;
	[sflag:s22] =	ssyncset.done $0x0  }
0xa0: {  	[sflag:s22] =	ssyncadd.s32 s3;
	_ =	sdelay $0x1  }
0xa1: {  	s23 =	simm.s32 $0x1B8B  }
0xa2: {  	_ =	swait.ge [sflag:s23], $0x1  }
0xa3: {  	[sflag:s23] =	ssyncset.done $0x0  }
0xa4: {  	s25 =	simm.s32 $0x1B8E;
	s24 =	sld [smem:$0x3FFE];
	[sflag:s23] =	ssyncadd.s32 $0xFFFFFFFF  }
0xa5: {  	s26 =	simm.s32 $execute0_lowered;
	[smem:$0x3FD2] =	sst s25  }
0xa6: {  	s4 =	sshll.u32 s26, $0x1;
	_ =	strace $0x8000004F;
	[dreg:$0x1] =	wrdreg $0xFFFFFFFF  }
0xa7: {  	s28 =	simm.s32 $_size_execute0_lowered;
	s2 =	sadd.s32 s2, s4;
	[dreg:$0x0] =	wrdreg $0x0  }
0xa8: {  	s4 =	sshll.u32 s28, $0x1;
	[dreg:$0x2] =	wrdreg s2  }
0xa9: {  	[dreg:$0x3] =	wrdreg s4  }
0xaa: {  	[dreg:$0x4] =	wrdreg $0xC0  }
0xab: {  	_ =	task [dreg:s6], $0x5FFFF  }
0xac: {  	[dreg:$0x1] =	wrdreg $0xFFFFFFFF  }
0xad: {  	[dreg:$0x0] =	wrdreg $0x60  }
0xae: {  	[dreg:$0x2] =	wrdreg s24  }
0xaf: {  	[dreg:$0x3] =	wrdreg $0xA8000  }
0xb0: {  	[dreg:$0x4] =	wrdreg $0x9  }
0xb1: {  	_ =	task.clear_ibuf [dreg:s6], $0x5FFFF;
	_ =	strace $0x9000004F  }
0xb2: {  	s29 =	simm.s32 $0x9;
	_ =	strace $0x80000051  }
0xb3: {  	_ =	swait.ge [sflag:s29], $0x1  }
0xb4: {  	[sflag:s29] =	ssyncadd.s32 $0xFFFFFFFF  }
0xb5: {  	_ =	strace $0x90000051  }
0xb6: {  	_ =	sfence  }
0xb7: {  	s30 =	sld [smem:$0x0];
	_ =	sdelay $0x2  }
0xb8: {  	s31 =	sshll.u32 s1, $0xD;
	s1 =	sshrl.u32 s1, $0x2  }
0xb9: {  	s3 =	sand.u32 $0x4000, s31;
	s1 =	sadd.s32 s1, s30  }
0xba: {  	s0 =	sor.u32 s3, s0;
	s1 =	sshll.u32 s1, $0x11  }
0xbb: {  	s0 =	sor.u32 s1, s0  }
0xbc: {  	s0 =	sadd.s32 $0x8F2B, s0  }
0xbd: {  	[sflag:s0] =	ssyncadd.remote.s32 $0x1  }
0xbe: {  	_ =	sfence.sel $0xFFFF  }
0xbf: {  	[dreg:$0x0] =	wrdreg $0xFFFFFFFF;
	(pc) =	sbr.abs _section_cstart, $3  }
0xc0: {  	[dreg:$0x1] =	wrdreg $0xFFFFFFFF  }
0xc1: {  	_ =	task.clear_ibuf [dreg:s6], $0x2FFFF;
	_ =	strace $0x9FFFFFFF  }
0xc2: {  	(tm) =	ssettm $0x7FFFFFFF  }
0xc3: {  	_ =	shalt  }
tec
execute0_lowered:
.L_overlay_start_1:
0x0: {  	(tag) =	ssettag $0x1  }
0x1: {  	s0 =	rddreg [dreg:$0x0]  }
0x2: {  	s2 =	rddreg [dreg:$0x1]  }
0x3: {  	s3 =	simm.s32 $0x0;
	s6 =	stileid.u32;
	s4 =	srdreg.scid  }
0x4: {  	s31 =	simm.s32 $0x2800;
	[smem:$0x7FF] =	sst s3;
	s1 =	smul.u32 $0x500, s6  }
0x5: {  	s10 =	sadd.s32 $0x70800, s0;
	s11 =	sadd.s32 $0xA22C00, s0;
	s7 =	smul.u32 $0x50000, s6  }
0x6: {  	s5 =	sadd.s32 $0x14600, s0;
	s22 =	sadd.s32 $0x14E00, s0;
	s8 =	smul.u32 $0x28000, s6  }
0x7: {  	s25 =	smul.u32 $0x280, s6;
	_ =	strace $0x80000050;
	[dreg:$0x5] =	wrdreg s5  }
0x8: {  	s4 =	sand.u32 $0x1, s4;
	s26 =	smul.u32 $0x140000, s6;
	[dreg:$0x6] =	wrdreg s22  }
0x9: {  	s28 =	smul.u32 $0x2800, s6;
	s23 =	ssub.s32 $0x2, s4;
	[dreg:$0x4] =	wrdreg s11  }
0xa: {  	[dreg:$0x3] =	wrdreg s10;
	p0 =	sne.s32 s4, $0x0;
	s4 =	simm.s32 $0x2  }
0xb: {  	s1 =	sadd.s32 s1, s0;
	s0 =	sadd.s32 $0x3CE00, s0;
	s24 =	sshrl.u32 s23, $0x1  }
0xc: {  	s7 =	sshrl.u32 s7, $0x2;
	s12 =	sadd.s32 s11, s8;
	s8 =	sadd.s32 s10, s8  }
0xd: {  	s30 =	sshrl.u32 s26, $0x3;
	s18 =	sadd.s32 $0x200, s25;
	s21 =	sadd.s32 $0x180, s25  }
0xe: {  	[dreg:$0x7] =	wrdreg s0;
	s0 =	ssub.s32 s23, s24;
	s9 =	sadd.s32 s7, s2  }
0xf: {  	s1 =	sadd.s32 $0x51B400, s1;
	s19 =	sadd.s32 $0x27800, s30;
	s20 =	sshll.u32 s18, $0x4  }
0x10: {  	s22 =	sshll.u32 s21, $0x4;
	s23 =	sadd.s32 $0x100, s25;
	[dreg:$0x9] =	wrdreg s12  }
0x11: {  	s24 =	sadd.s32 $0x80, s25;
	s29 =	sadd.s32 $0x1000, s12;
	[dreg:$0xa] =	wrdreg s8  }
.Ltmp0:
0x12: {  	s11 =	sadd.s32 $0x1000, s8;
	s7 =	simm.s32 $0x6800;
	(pc) =	sbr.rel .LBB2_1-.Ltmp0, $4  }
0x13: {  	s8 =	simm.s32 $0x80;
	s12 =	simm.s32 $0x0;
	[dreg:$0x8] =	wrdreg s1  }
0x14: {  	s13 =	smax.u32 s0, $0x1;
	s14 =	sadd.s32 $0x4000, s9;
	s15 =	sadd.s32 $0x8000, s9  }
0x15: {  	s16 =	sadd.s32 $0xC000, s9;
	s17 =	sadd.s32 $0x10000, s9;
	s25 =	sshll.u32 s23, $0x4  }
0x16: {  	s26 =	sshll.u32 s24, $0x4;
	s0 =	simm.s32 $0x3;
	s1 =	simm.s32 $0x1  }
.LBB2_7:
0x17: {  	s30 =	rddreg [dreg:$0x4]  }
0x18: {  	[sflag:s0] =	ssyncadd.s32 $0xFFFFC000;
	s5 =	rddreg [dreg:$0x7]  }
.LBB2_8:
0x19: {  	_ =	swait.ge [sflag:s1], $0x4000  }
0x1a: {  	[sflag:s1] =	ssyncset.done $0x0  }
0x1b: {  	s6 =	sadd.s32 s30, s19;
	[sflag:s1] =	ssyncadd.s32 $0xFFFFC000  }
0x1c: {  	[tilespmem:s7], [sflag:$0x2] =	stream.linear.gather [hbm4b:s6+s3], $0x4000, $0x38;
	[tilespmem:$0x1E800] =	vst v63  }
0x1d: {  	s30 =	simm.s32 $0x2700  }
0x1e: {  	[spmem:s2] =	stream.indirect.scatter.add.f32 [tilespmem:s31], [sflag:$0x3], $0x80, s30, s8, $0xb8;
	[tilespmem:$0x1E800] =	vst v63  }
0x1f: {  	_ =	swait.ge [sflag:s0], $0x4000  }
0x20: {  	[sflag:s0] =	ssyncset.done $0x0  }
0x21: {  	[sflag:s0] =	ssyncadd.s32 $0xFFFFC000  }
0x22: {  	_ =	swait.ge [sflag:s4], $0x4000  }
0x23: {  	[sflag:s4] =	ssyncset.done $0x0  }
0x24: {  	s10 =	simm.s32 $0x2780;
	[sflag:s4] =	ssyncadd.s32 $0xFFFFC000  }
0x25: {  	[spmem:s2] =	stream.indirect.scatter.add.f32 [tilespmem:s7], [sflag:$0x3], $0x80, s10, s8, $0xb8;
	[tilespmem:$0x1E800] =	vst v63  }
0x26: {  	_ =	swait.ge [sflag:s0], $0x4000  }
0x27: {  	[sflag:s0] =	ssyncset.done $0x0  }
0x28: {  	[sflag:s0] =	ssyncadd.s32 $0xFFFFC000  }
0x29: {  	[bflag:$0x0] =	sbarrier.arrive $0xFFFF  }
0x2a: {  	[tilespmem:s31], [sflag:$0x3] =	stream.linear.gather [spmem:s9], $0x4000, $0x38;
	[tilespmem:$0x1E800] =	vst v63  }
0x2b: {  	_ =	swait.ge [sflag:s0], $0x4000  }
0x2c: {  	[sflag:s0] =	ssyncset.done $0x0  }
0x2d: {  	s30 =	sadd.s32 s5, s28;
	[sflag:s0] =	ssyncadd.s32 $0xFFFFC000  }
0x2e: {  	[hbm4b:s30+s3] =	stream.linear.scatter [tilespmem:s31], [sflag:$0x3], $0x4000, $0x38;
	[tilespmem:$0x1E800] =	vst v63  }
0x2f: {  	_ =	swait.ge [sflag:s0], $0x4000  }
0x30: {  	s10 =	sshll.u32 s24, $0x7;
	[sflag:s0] =	ssyncset.done $0x0  }
0x31: {  	s6 =	sadd.s32 s10, s2;
	[sflag:s0] =	ssyncadd.s32 $0xFFFFC000  }
0x32: {  	[tilespmem:s31], [sflag:$0x3] =	stream.linear.gather [spmem:s6], $0x4000, $0x38;
	[tilespmem:$0x1E800] =	vst v63  }
0x33: {  	_ =	swait.ge [sflag:s0], $0x4000  }
0x34: {  	[sflag:s0] =	ssyncset.done $0x0  }
0x35: {  	s30 =	sadd.s32 s5, s26;
	[sflag:s0] =	ssyncadd.s32 $0xFFFFC000  }
0x36: {  	[hbm4b:s30+s3] =	stream.linear.scatter [tilespmem:s31], [sflag:$0x3], $0x4000, $0x38;
	[tilespmem:$0x1E800] =	vst v63  }
0x37: {  	_ =	swait.ge [sflag:s0], $0x4000  }
0x38: {  	s10 =	sshll.u32 s23, $0x7;
	[sflag:s0] =	ssyncset.done $0x0  }
0x39: {  	s6 =	sadd.s32 s10, s2;
	[sflag:s0] =	ssyncadd.s32 $0xFFFFC000  }
0x3a: {  	[tilespmem:s31], [sflag:$0x3] =	stream.linear.gather [spmem:s6], $0x4000, $0x38;
	[tilespmem:$0x1E800] =	vst v63  }
0x3b: {  	_ =	swait.ge [sflag:s0], $0x4000  }
0x3c: {  	[sflag:s0] =	ssyncset.done $0x0  }
0x3d: {  	s30 =	sadd.s32 s5, s25;
	[sflag:s0] =	ssyncadd.s32 $0xFFFFC000  }
0x3e: {  	[hbm4b:s30+s3] =	stream.linear.scatter [tilespmem:s31], [sflag:$0x3], $0x4000, $0x38;
	[tilespmem:$0x1E800] =	vst v63  }
0x3f: {  	_ =	swait.ge [sflag:s0], $0x4000  }
0x40: {  	s10 =	sshll.u32 s21, $0x7;
	[sflag:s0] =	ssyncset.done $0x0  }
0x41: {  	s6 =	sadd.s32 s10, s2;
	[sflag:s0] =	ssyncadd.s32 $0xFFFFC000  }
0x42: {  	[tilespmem:s31], [sflag:$0x3] =	stream.linear.gather [spmem:s6], $0x4000, $0x38;
	[tilespmem:$0x1E800] =	vst v63  }
0x43: {  	_ =	swait.ge [sflag:s0], $0x4000  }
0x44: {  	[sflag:s0] =	ssyncset.done $0x0  }
0x45: {  	s30 =	sadd.s32 s5, s22;
	[sflag:s0] =	ssyncadd.s32 $0xFFFFC000  }
0x46: {  	[hbm4b:s30+s3] =	stream.linear.scatter [tilespmem:s31], [sflag:$0x3], $0x4000, $0x38;
	[tilespmem:$0x1E800] =	vst v63  }
0x47: {  	_ =	swait.ge [sflag:s0], $0x4000  }
0x48: {  	s10 =	sshll.u32 s18, $0x7;
	[sflag:s0] =	ssyncset.done $0x0  }
0x49: {  	s6 =	sadd.s32 s10, s2;
	[sflag:s0] =	ssyncadd.s32 $0xFFFFC000  }
0x4a: {  	[tilespmem:s31], [sflag:$0x3] =	stream.linear.gather [spmem:s6], $0x4000, $0x38;
	[tilespmem:$0x1E800] =	vst v63  }
0x4b: {  	s12 =	sadd.s32 $0x1, s12;
	_ =	swait.ge [sflag:s0], $0x4000  }
0x4c: {  	p1 =	sne.s32 s12, s13;
	[sflag:s0] =	ssyncset.done $0x0  }
.Ltmp1:
0x4d: {  	s30 =	sadd.s32 s5, s20;
	[sflag:s0] =	ssyncadd.s32 $0xFFFFC000;
	(pc) =	sbr.rel @!p1 .LBB2_9-.Ltmp1, $4  }
0x4e: {  	[hbm4b:s30+s3] =	stream.linear.scatter [tilespmem:s31], [sflag:$0x3], $0x4000, $0x38;
	[tilespmem:$0x1E800] =	vst v63  }
0x4f: {  	_ =	swait.ge [sflag:s0], $0x4000  }
0x50: {  	[sflag:s0] =	ssyncset.done $0x0  }
0x51: {  	[sflag:s0] =	ssyncadd.s32 $0xFFFFC000  }
.LBB2_1:
0x52: {  	s5 =	rddreg [dreg:$0x5]  }
0x53: {  	[tilespmem:s31], [sflag:$0x3] =	stream.linear.gather [hbm4b:s5+s3], $0x4000, $0x38;
	[tilespmem:$0x1E800] =	vst v63  }
0x54: {  	_ =	swait.ge [sflag:s0], $0x4000  }
0x55: {  	[sflag:s0] =	ssyncset.done $0x0  }
0x56: {  	[sflag:s0] =	ssyncadd.s32 $0xFFFFC000  }
0x57: {  	[spmem:s9] =	stream.linear.scatter [tilespmem:s31], [sflag:$0x3], $0x4000, $0x38;
	[tilespmem:$0x1E800] =	vst v63  }
0x58: {  	_ =	swait.ge [sflag:s0], $0x4000  }
0x59: {  	[sflag:s0] =	ssyncset.done $0x0  }
0x5a: {  	[sflag:s0] =	ssyncadd.s32 $0xFFFFC000  }
0x5b: {  	[spmem:s14] =	stream.linear.scatter [tilespmem:s31], [sflag:$0x3], $0x4000, $0x38;
	[tilespmem:$0x1E800] =	vst v63  }
0x5c: {  	_ =	swait.ge [sflag:s0], $0x4000  }
0x5d: {  	[sflag:s0] =	ssyncset.done $0x0  }
0x5e: {  	[sflag:s0] =	ssyncadd.s32 $0xFFFFC000  }
0x5f: {  	[spmem:s15] =	stream.linear.scatter [tilespmem:s31], [sflag:$0x3], $0x4000, $0x38;
	[tilespmem:$0x1E800] =	vst v63  }
0x60: {  	_ =	swait.ge [sflag:s0], $0x4000  }
0x61: {  	[sflag:s0] =	ssyncset.done $0x0  }
0x62: {  	[sflag:s0] =	ssyncadd.s32 $0xFFFFC000  }
0x63: {  	[spmem:s16] =	stream.linear.scatter [tilespmem:s31], [sflag:$0x3], $0x4000, $0x38;
	[tilespmem:$0x1E800] =	vst v63  }
0x64: {  	_ =	swait.ge [sflag:s0], $0x4000  }
0x65: {  	[sflag:s0] =	ssyncset.done $0x0  }
0x66: {  	[sflag:s0] =	ssyncadd.s32 $0xFFFFC000  }
0x67: {  	[spmem:s17] =	stream.linear.scatter [tilespmem:s31], [sflag:$0x3], $0x4000, $0x38;
	[tilespmem:$0x1E800] =	vst v63  }
0x68: {  	_ =	swait.ge [sflag:s0], $0x4000  }
0x69: {  	[sflag:s0] =	ssyncset.done $0x0  }
0x6a: {  	s30 =	rddreg [dreg:$0x8];
	[sflag:s0] =	ssyncadd.s32 $0xFFFFC000  }
0x6b: {  	[tilespmem:s3], [sflag:$0x3] =	stream.linear.gather [hbm4b:s30+s3], $0x2800, $0x38;
	[tilespmem:$0x1E800] =	vst v63  }
.Ltmp2:
0x6c: {  	_ =	swait.ge [sflag:s0], $0x2800;
	(pc) =	sbr.rel @p0 .LBB2_5-.Ltmp2, $4  }
0x6d: {  	[sflag:s0] =	ssyncset.done $0x0  }
0x6e: {  	[sflag:s0] =	ssyncadd.s32 $0xFFFFD800  }
0x6f: {  	[bflag:$0x0] =	sbarrier.arrive $0xFFFF  }
0x70: {  	s5 =	simm.s32 $0x0  }
0x71: {  	s6 =	rddreg [dreg:$0xa]  }
0x72: {  	[tilespmem:s31], [sflag:$0x1] =	stream.linear.gather [hbm4b:s6+s5], $0x4000, $0x38;
	[tilespmem:$0x1E800] =	vst v63  }
0x73: {  	_ =	swait.ge [sflag:s1], $0x4000  }
0x74: {  	[sflag:s1] =	ssyncset.done $0x0  }
0x75: {  	s10 =	sadd.s32 $0xFFFFF800, s11;
	[sflag:s1] =	ssyncadd.s32 $0xFFFFC000  }
0x76: {  	[tilespmem:s7], [sflag:$0x2] =	stream.linear.gather [hbm4b:s10+s3], $0x4000, $0x38;
	[tilespmem:$0x1E800] =	vst v63  }
0x77: {  	s6 =	simm.s32 $0x0  }
0x78: {  	[spmem:s2] =	stream.indirect.scatter.add.f32 [tilespmem:s31], [sflag:$0x3], $0x80, s6, s8, $0xb8;
	[tilespmem:$0x1E800] =	vst v63  }
0x79: {  	_ =	swait.ge [sflag:s0], $0x4000  }
0x7a: {  	[sflag:s0] =	ssyncset.done $0x0  }
0x7b: {  	[sflag:s0] =	ssyncadd.s32 $0xFFFFC000  }
0x7c: {  	_ =	swait.ge [sflag:s4], $0x4000  }
0x7d: {  	[sflag:s4] =	ssyncset.done $0x0  }
0x7e: {  	[sflag:s4] =	ssyncadd.s32 $0xFFFFC000  }
0x7f: {  	[tilespmem:s31], [sflag:$0x1] =	stream.linear.gather [hbm4b:s11+s3], $0x4000, $0x38;
	[tilespmem:$0x1E800] =	vst v63  }
0x80: {  	s10 =	simm.s32 $0x80  }
0x81: {  	[spmem:s2] =	stream.indirect.scatter.add.f32 [tilespmem:s7], [sflag:$0x3], $0x80, s10, s8, $0xb8;
	[tilespmem:$0x1E800] =	vst v63  }
0x82: {  	_ =	swait.ge [sflag:s0], $0x4000  }
0x83: {  	s30 =	smov.u32 s11;
	s5 =	simm.s32 $0x400;
	[sflag:s0] =	ssyncset.done $0x0  }
.LBB2_3:
0x84: {  	p1 =	seq.s32 s5, $0x9800;
	[sflag:s0] =	ssyncadd.s32 $0xFFFFC000;
	s30 =	sadd.s32 $0x1000, s30  }
0x85: {  	s6 =	smov.u32 s5;
	s5 =	sadd.s32 $0x400, s5  }
0x86: {  	_ =	swait.ge [sflag:s1], $0x4000  }
0x87: {  	[sflag:s1] =	ssyncset.done $0x0  }
0x88: {  	s10 =	sadd.s32 $0xFFFFF800, s30;
	[sflag:s1] =	ssyncadd.s32 $0xFFFFC000  }
0x89: {  	[tilespmem:s7], [sflag:$0x2] =	stream.linear.gather [hbm4b:s10+s3], $0x4000, $0x38;
	[tilespmem:$0x1E800] =	vst v63  }
0x8a: {  	s6 =	sshra.s32 s6, $0x2  }
0x8b: {  	[spmem:s2] =	stream.indirect.scatter.add.f32 [tilespmem:s31], [sflag:$0x3], $0x80, s6, s8, $0xb8;
	[tilespmem:$0x1E800] =	vst v63  }
0x8c: {  	_ =	swait.ge [sflag:s0], $0x4000  }
0x8d: {  	[sflag:s0] =	ssyncset.done $0x0  }
0x8e: {  	[sflag:s0] =	ssyncadd.s32 $0xFFFFC000  }
0x8f: {  	_ =	swait.ge [sflag:s4], $0x4000  }
0x90: {  	[sflag:s4] =	ssyncset.done $0x0  }
0x91: {  	[sflag:s4] =	ssyncadd.s32 $0xFFFFC000  }
0x92: {  	[tilespmem:s31], [sflag:$0x1] =	stream.linear.gather [hbm4b:s30+s3], $0x4000, $0x38;
	[tilespmem:$0x1E800] =	vst v63  }
.Ltmp3:
0x93: {  	_ = 	snop;
	(pc) =	sbr.rel @!p1 .LBB2_3-.Ltmp3, $4  }
0x94: {  	s6 =	sadd.s32 $0x80, s6  }
0x95: {  	[spmem:s2] =	stream.indirect.scatter.add.f32 [tilespmem:s7], [sflag:$0x3], $0x80, s6, s8, $0xb8;
	[tilespmem:$0x1E800] =	vst v63  }
0x96: {  	_ =	swait.ge [sflag:s0], $0x4000  }
0x97: {  	[sflag:s0] =	ssyncset.done $0x0  }
.Ltmp4:
0x98: {  	(pc) =	sbr.rel .LBB2_8-.Ltmp4, $3  }
0x99: {  	_ =	sdelay $0x1  }
0x9a: {  	s30 =	rddreg [dreg:$0x3]  }
0x9b: {  	[sflag:s0] =	ssyncadd.s32 $0xFFFFC000;
	s5 =	rddreg [dreg:$0x6]  }
.LBB2_5:
0x9c: {  	s6 =	rddreg [dreg:$0x9]  }
0x9d: {  	[tilespmem:s31], [sflag:$0x1] =	stream.linear.gather [hbm4b:s6+s5], $0x4000, $0x38;
	[tilespmem:$0x1E800] =	vst v63  }
0x9e: {  	_ =	swait.ge [sflag:s1], $0x4000  }
0x9f: {  	[sflag:s1] =	ssyncset.done $0x0  }
0xa0: {  	s10 =	sadd.s32 $0xFFFFF800, s29;
	[sflag:s1] =	ssyncadd.s32 $0xFFFFC000  }
0xa1: {  	[tilespmem:s7], [sflag:$0x2] =	stream.linear.gather [hbm4b:s10+s3], $0x4000, $0x38;
	[tilespmem:$0x1E800] =	vst v63  }
0xa2: {  	s6 =	simm.s32 $0x0  }
0xa3: {  	[spmem:s2] =	stream.indirect.scatter.add.f32 [tilespmem:s31], [sflag:$0x3], $0x80, s6, s8, $0xb8;
	[tilespmem:$0x1E800] =	vst v63  }
0xa4: {  	_ =	swait.ge [sflag:s0], $0x4000  }
0xa5: {  	[sflag:s0] =	ssyncset.done $0x0  }
0xa6: {  	[sflag:s0] =	ssyncadd.s32 $0xFFFFC000  }
0xa7: {  	_ =	swait.ge [sflag:s4], $0x4000  }
0xa8: {  	[sflag:s4] =	ssyncset.done $0x0  }
0xa9: {  	[sflag:s4] =	ssyncadd.s32 $0xFFFFC000  }
0xaa: {  	[tilespmem:s31], [sflag:$0x1] =	stream.linear.gather [hbm4b:s29+s3], $0x4000, $0x38;
	[tilespmem:$0x1E800] =	vst v63  }
0xab: {  	s10 =	simm.s32 $0x80  }
0xac: {  	[spmem:s2] =	stream.indirect.scatter.add.f32 [tilespmem:s7], [sflag:$0x3], $0x80, s10, s8, $0xb8;
	[tilespmem:$0x1E800] =	vst v63  }
0xad: {  	_ =	swait.ge [sflag:s0], $0x4000  }
0xae: {  	s30 =	smov.u32 s29;
	s5 =	simm.s32 $0x400;
	[sflag:s0] =	ssyncset.done $0x0  }
.LBB2_6:
0xaf: {  	p1 =	sne.s32 s5, $0x9800;
	[sflag:s0] =	ssyncadd.s32 $0xFFFFC000;
	s30 =	sadd.s32 $0x1000, s30  }
0xb0: {  	s6 =	smov.u32 s5;
	s5 =	sadd.s32 $0x400, s5  }
0xb1: {  	_ =	swait.ge [sflag:s1], $0x4000  }
0xb2: {  	[sflag:s1] =	ssyncset.done $0x0  }
0xb3: {  	s10 =	sadd.s32 $0xFFFFF800, s30;
	[sflag:s1] =	ssyncadd.s32 $0xFFFFC000  }
0xb4: {  	[tilespmem:s7], [sflag:$0x2] =	stream.linear.gather [hbm4b:s10+s3], $0x4000, $0x38;
	[tilespmem:$0x1E800] =	vst v63  }
0xb5: {  	s6 =	sshra.s32 s6, $0x2  }
0xb6: {  	[spmem:s2] =	stream.indirect.scatter.add.f32 [tilespmem:s31], [sflag:$0x3], $0x80, s6, s8, $0xb8;
	[tilespmem:$0x1E800] =	vst v63  }
0xb7: {  	_ =	swait.ge [sflag:s0], $0x4000  }
0xb8: {  	[sflag:s0] =	ssyncset.done $0x0  }
0xb9: {  	[sflag:s0] =	ssyncadd.s32 $0xFFFFC000  }
0xba: {  	_ =	swait.ge [sflag:s4], $0x4000  }
0xbb: {  	[sflag:s4] =	ssyncset.done $0x0  }
0xbc: {  	[sflag:s4] =	ssyncadd.s32 $0xFFFFC000  }
0xbd: {  	[tilespmem:s31], [sflag:$0x1] =	stream.linear.gather [hbm4b:s30+s3], $0x4000, $0x38;
	[tilespmem:$0x1E800] =	vst v63  }
.Ltmp5:
0xbe: {  	_ = 	snop;
	(pc) =	sbr.rel @p1 .LBB2_6-.Ltmp5, $4  }
0xbf: {  	s6 =	sadd.s32 $0x80, s6  }
0xc0: {  	[spmem:s2] =	stream.indirect.scatter.add.f32 [tilespmem:s7], [sflag:$0x3], $0x80, s6, s8, $0xb8;
	[tilespmem:$0x1E800] =	vst v63  }
0xc1: {  	_ =	swait.ge [sflag:s0], $0x4000  }
0xc2: {  	[sflag:s0] =	ssyncset.done $0x0  }
.Ltmp6:
0xc3: {  	_ = 	snop;
	(pc) =	sbr.rel .LBB2_7-.Ltmp6, $1  }
0xc4: {  	_ =	sdelay $0x3  }
.LBB2_9:
0xc5: {  	_ =	sfence.sel $0x180000  }
0xc6: {  	[bflag:$0x0] =	sbarrier.arrive $0xFFFF  }
0xc7: {  	_ =	strace $0x90000050  }
0xc8: {  	s0 =	stileid.u32;
	[bflag:$0x2] =	sbarrier.arrive $0xFFFF  }
0xc9: {  	p0 =	sne.s32 s0, $0x0;
	s0 =	rddreg [dreg:$0x2]  }
0xca: {  	s0 =	sadd.s32 @!p0 $0x100000, s0  }
0xcb: {  	[sflag:s0] =	ssyncadd.tile.s32 @!p0 $0x1;
	_ =	shalt  }
.Lfunc_end2:
_tile_overlayer_lowered:
.L_overlay_start_2:
0xcc: {  	(tag) =	ssettag $0x2  }
0xcd: {  	s0 =	rddreg [dreg:$0x0];
	s2 =	stileid.u32  }
0xce: {  	s1 =	rddreg [dreg:$0x1];
	p0 =	sne.s32 s2, $0x0  }
0xcf: {  	s3 =	rddreg [dreg:$0x2];
	[bflag:$0x3] =	sbarrier.arrive $0xFFFF;
	s2 =	simm.s32 @!p0 $0x1C03  }
0xd0: {  	[timem:s3], [sflag:s2] =	dma.local @!p0 [hbm:s0], s1  }
0xd1: {  	s0 =	simm.s32 @!p0 $0x3  }
0xd2: {  	_ =	swait.ge @!p0 [sflag:s0], s1  }
0xd3: {  	s1 =	ssub.s32 @!p0 $0x0, s1;
	[sflag:s0] =	ssyncset.done @!p0 $0x0  }
0xd4: {  	[sflag:s0] =	ssyncadd.s32 @!p0 s1  }
0xd5: {  	[bflag:$0x3] =	sbarrier.arrive $0xFFFF  }
0xd6: {  	_ =	shalt  }

</sc_bundles>
